<compile_context>
chip_gen: v7x
topology: tpu7x:2x2x1
jax: 0.10.2.dev20260603
libtpu: 0.0.44.dev20260713+nightly
codegen_flags: <defaults>
</compile_context>

<pallas_src>
import functools

import jax
import jax.numpy as jnp
from jax import lax
from jax.experimental import pallas as pl
from jax.experimental.pallas import tpu as pltpu
from jax.experimental.pallas import tpu_sc as plsc

_K = 81
_N = 4096
_NV = _N // 16
_INT_MIN = -2147483648
_W = 4
_WSZ = _W * _N
_NW = 32
_R_BOT = _N - _K + 1
_SC_ROWS = 2560
_BR = 256


def _row_select(xw, ow, hist, candk, candi, roff, lane, lane32, ones16,
                zero16):
    for i in range(32):
        hist[pl.ds(i * 16, 16)] = zero16

    @plsc.parallel_loop(0, _NV, unroll=8)
    def _(j):
        b = lax.bitcast_convert_type(xw[pl.ds(roff + j * 16, 16)], jnp.int32)
        u = b ^ ((b >> 31) | jnp.int32(_INT_MIN))
        digit = lax.shift_right_logical(u, 27)
        plsc.addupdate_scatter(hist, [lane32 + digit], ones16)

    acc0 = zero16
    acc1 = zero16
    for l in range(16):
        acc0 = acc0 + hist[pl.ds(l * 32, 16)]
        acc1 = acc1 + hist[pl.ds(l * 32 + 16, 16)]
    p0 = plsc.cumsum(acc0)
    p1 = plsc.cumsum(acc1) + p0[15]
    m0 = p0 < _R_BOT
    m1 = p1 < _R_BOT
    bstar = (plsc.all_reduce_population_count(m0)[0]
             + plsc.all_reduce_population_count(m1)[0])
    pb_low = jnp.sum(jnp.where(m0, acc0, 0)) + jnp.sum(jnp.where(m1, acc1, 0))
    inb0 = jnp.logical_and(p0 >= _R_BOT, (p0 - acc0) < _R_BOT)
    inb1 = jnp.logical_and(p1 >= _R_BOT, (p1 - acc1) < _R_BOT)
    n_c = jnp.sum(jnp.where(inb0, acc0, 0)) + jnp.sum(jnp.where(inb1, acc1, 0))
    c_above = jnp.int32(_N) - pb_low - n_c
    m_rank = jnp.int32(_K) - c_above

    @plsc.parallel_loop(0, _NV, unroll=4, carry=zero16)
    def cnt(j, c):
        v = xw[pl.ds(roff + j * 16, 16)]
        b = lax.bitcast_convert_type(v, jnp.int32)
        u = b ^ ((b >> 31) | jnp.int32(_INT_MIN))
        digit = lax.shift_right_logical(u, 27)
        ow[pl.ds(roff + j * 16, 16)] = jnp.where(digit > bstar, v,
                                                 jnp.float32(0.0))
        inb = digit == bstar
        slot = lax.shift_left(c, 4) | lane
        plsc.store_scatter(candk, [slot], u ^ jnp.int32(_INT_MIN), mask=inb)
        plsc.store_scatter(candi, [slot], j * 16 + lane, mask=inb)
        return c + jnp.where(inb, 1, 0)

    mx = jnp.max(cnt)

    t = zero16 + ((bstar << 27) ^ jnp.int32(_INT_MIN))
    for shift in range(26, -1, -1):
        cand_t = t + jnp.int32(1 << shift)

        @plsc.parallel_loop(0, mx, carry=zero16)
        def acc_ge(s, acc):
            kv = candk[pl.ds(s * 16, 16)]
            ge = jnp.logical_and(kv >= cand_t, cnt > s)
            return acc + plsc.all_reduce_population_count(ge)

        t = jnp.where(acc_ge >= m_rank, cand_t, t)

    @plsc.parallel_loop(0, mx)
    def _(s):
        kv = candk[pl.ds(s * 16, 16)]
        iv = candi[pl.ds(s * 16, 16)]
        ge = jnp.logical_and(kv >= t, cnt > s)
        vf = lax.bitcast_convert_type(
            kv ^ ((kv >> 31) & jnp.int32(0x7FFFFFFF)), jnp.float32)
        plsc.store_scatter(ow, [roff + iv], vf, mask=ge)


def _sc_wta(rpw, row_off, x_hbm, out_hbm, xw0, xw1, ow0, ow1, hist, candk,
            candi, si0, si1, so0, so1):
    cid = lax.axis_index("c")
    sid = lax.axis_index("s")
    wid = sid * 2 + cid
    lane = lax.iota(jnp.int32, 16)
    lane32 = lane * 32
    ones16 = jnp.ones((16,), jnp.int32)
    zero16 = jnp.zeros((16,), jnp.int32)
    xwb = [xw0, xw1]
    owb = [ow0, ow1]
    sin = [si0, si1]
    sout = [so0, so1]
    nwin = rpw // _W
    base_out = wid * rpw * _N
    base_in = (row_off + wid * rpw) * _N

    for b in range(2):
        pltpu.make_async_copy(x_hbm.at[pl.ds(base_in + b * _WSZ, _WSZ)],
                              xwb[b], sin[b]).start()

    def pair(g, c):
        for b in range(2):
            w = g * 2 + b
            gin = base_in + w * _WSZ
            gout = base_out + w * _WSZ
            pltpu.make_async_copy(x_hbm.at[pl.ds(gin, _WSZ)], xwb[b],
                                  sin[b]).wait()

            @pl.when(g > 0)
            def _():
                pltpu.make_async_copy(owb[b],
                                      out_hbm.at[pl.ds(gout - 2 * _WSZ,
                                                       _WSZ)],
                                      sout[b]).wait()

            def row(r, c2):
                _row_select(xwb[b], owb[b], hist, candk, candi, r * _N,
                            lane, lane32, ones16, zero16)
                return c2

            lax.fori_loop(0, _W, row, jnp.int32(0))
            pltpu.make_async_copy(owb[b], out_hbm.at[pl.ds(gout, _WSZ)],
                                  sout[b]).start()

            @pl.when(w + 2 < nwin)
            def _():
                pltpu.make_async_copy(x_hbm.at[pl.ds(gin + 2 * _WSZ, _WSZ)],
                                      xwb[b], sin[b]).start()
        return c

    lax.fori_loop(0, nwin // 2, pair, jnp.int32(0))

    for b in range(2):
        pltpu.make_async_copy(owb[b], out_hbm.at[pl.ds(base_out, _WSZ)],
                              sout[b]).wait()


def _wta_tc_body(x_ref, o_ref):
    xb = x_ref[...]
    b = lax.bitcast_convert_type(xb, jnp.int32)
    skey = b ^ ((b >> 31) & jnp.int32(0x7FFFFFFF))
    rows = xb.shape[0]
    t = jnp.full((rows, 1), jnp.int32(_INT_MIN))
    steps = [jnp.int32(_INT_MIN)] + [jnp.int32(1 << s)
                                     for s in range(30, -1, -1)]
    for step in steps:
        cand = t + step
        cnt = jnp.sum((skey >= cand).astype(jnp.int32), axis=1, keepdims=True)
        t = jnp.where(cnt >= _K, cand, t)
    o_ref[...] = jnp.where(skey >= t, xb, jnp.float32(0.0))


def kernel(x):
    B, S, N = x.shape
    rows = B * S
    xf2 = x.reshape(rows, N)
    rows_sc = _SC_ROWS if rows % 256 == 0 and rows > _SC_ROWS else rows
    rows_tc = rows - rows_sc

    out_tc = None
    if rows_tc:
        out_tc = pl.pallas_call(
            _wta_tc_body,
            grid=(rows_tc // _BR,),
            in_specs=[pl.BlockSpec((_BR, N), lambda i: (i, 0))],
            out_specs=pl.BlockSpec((_BR, N), lambda i: (i, 0)),
            out_shape=jax.ShapeDtypeStruct((rows, N), jnp.float32),
            compiler_params=pltpu.CompilerParams(
                dimension_semantics=("parallel",),
            ),
        )(xf2)

    rpw = rows_sc // _NW
    mesh = plsc.VectorSubcoreMesh(core_axis_name="c", subcore_axis_name="s")
    run = functools.partial(
        pl.kernel,
        mesh=mesh,
        out_type=jax.ShapeDtypeStruct((rows_sc * N,), jnp.float32),
        scratch_types=[
            pltpu.VMEM((_WSZ,), jnp.float32),
            pltpu.VMEM((_WSZ,), jnp.float32),
            pltpu.VMEM((_WSZ,), jnp.float32),
            pltpu.VMEM((_WSZ,), jnp.float32),
            pltpu.VMEM((512,), jnp.int32),
            pltpu.VMEM((_N + 16,), jnp.int32),
            pltpu.VMEM((_N + 16,), jnp.int32),
            pltpu.SemaphoreType.DMA,
            pltpu.SemaphoreType.DMA,
            pltpu.SemaphoreType.DMA,
            pltpu.SemaphoreType.DMA,
        ],
        compiler_params=pltpu.CompilerParams(needs_layout_passes=False),
    )(functools.partial(_sc_wta, rpw, 0))
    out_sc = run(xf2[rows_tc:].reshape(-1)).reshape(rows_sc, N)

    if out_tc is None:
        return out_sc.reshape(B, S, N)

    def _patch_body(full_ref, sc_ref, o_ref):
        o_ref[...] = sc_ref[...]

    blk_off = rows_tc // _BR
    out = pl.pallas_call(
        _patch_body,
        grid=(rows_sc // _BR,),
        in_specs=[
            pl.BlockSpec((_BR, N), lambda i: (i + blk_off, 0)),
            pl.BlockSpec((_BR, N), lambda i: (i, 0)),
        ],
        out_specs=pl.BlockSpec((_BR, N), lambda i: (i + blk_off, 0)),
        out_shape=jax.ShapeDtypeStruct((rows, N), jnp.float32),
        input_output_aliases={0: 0},
        compiler_params=pltpu.CompilerParams(
            dimension_semantics=("parallel",),
        ),
    )(out_tc, out_sc)
    return out.reshape(B, S, N)

# --- scband reference (transcript-rebuilt; emitter-appended) ---
"""Pipeline reference for scband-sparse-winner-take-all-89335319757223 (READ-ONLY COPY).

The authoritative reference and input builder live on the scoring server;
editing this copy changes nothing except your own understanding.
"""

import jax, jax.numpy as jnp
import numpy as np

N_COLUMNS = 4096
ACTIVATION_RATE = 0.02
K = max(1, int(N_COLUMNS * ACTIVATION_RATE))  # 81


def setup_inputs(seed: int = 0) -> dict:
    key = jax.random.key(seed)
    x = jax.random.normal(key, (4, 4096, N_COLUMNS), dtype=jnp.float32)
    return {"x": x}


def reference(x):
    # Faithful translation of SparseWinnerTakeAll.forward for 3D input
    # [batch, seq_len, n_columns]: keep top-k values per row, zero elsewhere.
    B, S, N = x.shape
    xf = x.reshape(-1, N)
    vals, idx = jax.lax.top_k(xf, K)
    rows = jnp.arange(xf.shape[0])[:, None]
    out = jnp.zeros_like(xf).at[rows, idx].set(vals)
    return out.reshape(B, S, N)

if __name__ == "__main__":
    import jax
    _d = setup_inputs()
    print(jax.jit(kernel)(*tuple(_d.values())))

</pallas_src>

<mosaic_0001>
#map = affine_map<(d0, d1) -> (0)>
module attributes {stable_mosaic.version = 14 : i64} {
  func.func @_sc_wta(%arg0: i32, %arg1: i32, %arg2: memref<10485760xf32, #tpu.memory_space<hbm>>, %arg3: memref<10485760xf32, #tpu.memory_space<hbm>>, %arg4: memref<16384xf32, #tpu.memory_space<vmem>>, %arg5: memref<16384xf32, #tpu.memory_space<vmem>>, %arg6: memref<16384xf32, #tpu.memory_space<vmem>>, %arg7: memref<16384xf32, #tpu.memory_space<vmem>>, %arg8: memref<512xi32, #tpu.memory_space<vmem>>, %arg9: memref<4112xi32, #tpu.memory_space<vmem>>, %arg10: memref<4112xi32, #tpu.memory_space<vmem>>, %arg11: memref<!tpu.dma_semaphore, #tpu.memory_space<semaphore_mem>>, %arg12: memref<!tpu.dma_semaphore, #tpu.memory_space<semaphore_mem>>, %arg13: memref<!tpu.dma_semaphore, #tpu.memory_space<semaphore_mem>>, %arg14: memref<!tpu.dma_semaphore, #tpu.memory_space<semaphore_mem>>) attributes {dimension_semantics = [#tpu.dimension_semantics<core_parallel>, #tpu.dimension_semantics<subcore_parallel>], iteration_bounds = array<i64: 2, 16>, scalar_prefetch = 0 : i64, scratch_operands = 11 : i64, tpu.core_type = #tpu.core_type<sc_vector_subcore>, window_params = [{transform_indices = #map}, {transform_indices = #map}]} {
    %mul3A = arith.constant 2 : i32
    %mul3A_0 = arith.muli %arg1, %mul3A : i32
    %add3A = arith.addi %mul3A_0, %arg0 : i32
    %iota3A = tpu.iota {dimensions = array<i32: 0>} : vector<16xi32>
    %mul3A_1 = arith.constant 32 : i32
    %mul3A_2 = vector.broadcast %mul3A_1 : i32 to vector<16xi32>
    %mul3A_3 = arith.muli %iota3A, %mul3A_2 : vector<16xi32>
    %broadcast_in_dim3A = arith.constant 1 : i32
    %broadcast_in_dim3A_4 = vector.broadcast %broadcast_in_dim3A : i32 to vector<16xi32>
    %broadcast_in_dim3A_5 = arith.constant 0 : i32
    %broadcast_in_dim3A_6 = vector.broadcast %broadcast_in_dim3A_5 : i32 to vector<16xi32>
    %mul3A_7 = arith.constant 80 : i32
    %mul3A_8 = arith.muli %add3A, %mul3A_7 : i32
    %mul3A_9 = arith.constant 4096 : i32
    %mul3A_10 = arith.muli %mul3A_8, %mul3A_9 : i32
    %mul3A_11 = arith.constant 80 : i32
    %mul3A_12 = arith.muli %add3A, %mul3A_11 : i32
    %add3A_13 = arith.constant 0 : i32
    %add3A_14 = arith.addi %add3A_13, %mul3A_12 : i32
    %mul3A_15 = arith.constant 4096 : i32
    %mul3A_16 = arith.muli %add3A_14, %mul3A_15 : i32
    %add3A_17 = arith.constant 0 : i32
    %add3A_18 = arith.addi %mul3A_16, %add3A_17 : i32
    %dma_start3A = tpu.memref_slice %arg2[%add3A_18] : memref<10485760xf32, #tpu.memory_space<hbm>> -> memref<16384xf32, #tpu.memory_space<hbm>>
    %dma_start3A_19 = tpu.memref_slice %arg2[%add3A_18] : memref<10485760xf32, #tpu.memory_space<hbm>> -> memref<16384xf32, #tpu.memory_space<hbm>>
    tpu.enqueue_dma source(%dma_start3A_19 : memref<16384xf32, #tpu.memory_space<hbm>>) target(%arg4 : memref<16384xf32, #tpu.memory_space<vmem>>) target_semaphore(%arg11 : memref<!tpu.dma_semaphore, #tpu.memory_space<semaphore_mem>>)
    %add3A_20 = arith.constant 16384 : i32
    %add3A_21 = arith.addi %mul3A_16, %add3A_20 : i32
    %dma_start3A_22 = tpu.memref_slice %arg2[%add3A_21] : memref<10485760xf32, #tpu.memory_space<hbm>> -> memref<16384xf32, #tpu.memory_space<hbm>>
    %dma_start3A_23 = tpu.memref_slice %arg2[%add3A_21] : memref<10485760xf32, #tpu.memory_space<hbm>> -> memref<16384xf32, #tpu.memory_space<hbm>>
    tpu.enqueue_dma source(%dma_start3A_23 : memref<16384xf32, #tpu.memory_space<hbm>>) target(%arg5 : memref<16384xf32, #tpu.memory_space<vmem>>) target_semaphore(%arg12 : memref<!tpu.dma_semaphore, #tpu.memory_space<semaphore_mem>>)
    %scan3A = arith.constant 0 : i32
    %scan3A_24 = arith.constant 0 : i32
    %scan3A_25 = arith.constant 10 : i32
    %scan3A_26 = arith.addi %scan3A_24, %scan3A_25 : i32
    %scan3A_27 = arith.constant 1 : i32
    scf.for %scan3A_32 = %scan3A_24 to %scan3A_26 step %scan3A_27  : i32 {
      %mul3A_33 = arith.constant 2 : i32
      %mul3A_34 = arith.muli %scan3A_32, %mul3A_33 : i32
      %add3A_35 = arith.constant 0 : i32
      %add3A_36 = arith.addi %mul3A_34, %add3A_35 : i32
      %mul3A_37 = arith.constant 16384 : i32
      %mul3A_38 = arith.muli %add3A_36, %mul3A_37 : i32
      %add3A_39 = arith.addi %mul3A_16, %mul3A_38 : i32
      %mul3A_40 = arith.constant 16384 : i32
      %mul3A_41 = arith.muli %add3A_36, %mul3A_40 : i32
      %add3A_42 = arith.addi %mul3A_10, %mul3A_41 : i32
      %dma_wait3A_43 = tpu.memref_slice %arg2[%add3A_39] : memref<10485760xf32, #tpu.memory_space<hbm>> -> memref<16384xf32, #tpu.memory_space<hbm>>
      %dma_wait3A_44 = tpu.memref_slice %arg2[%add3A_39] : memref<10485760xf32, #tpu.memory_space<hbm>> -> memref<16384xf32, #tpu.memory_space<hbm>>
      tpu.wait_dma2 semaphore(%arg11 : memref<!tpu.dma_semaphore, #tpu.memory_space<semaphore_mem>>) src(%dma_wait3A_44 : memref<16384xf32, #tpu.memory_space<hbm>>) dst(%arg4 : memref<16384xf32, #tpu.memory_space<vmem>>)
      %gt3A = arith.constant 0 : i32
      %gt3A_45 = arith.cmpi sgt, %scan3A_32, %gt3A : i32
      %convert_element_type3A = arith.extui %gt3A_45 : i1 to i32
      %cond3A = arith.constant 0 : i32
      %cond3A_46 = arith.cmpi ne, %convert_element_type3A, %cond3A : i32
      scf.if %cond3A_46 {
        %sub3A = arith.constant 32768 : i32
        %sub3A_93 = arith.subi %add3A_42, %sub3A : i32
        %dma_wait3A_94 = tpu.memref_slice %arg3[%sub3A_93] : memref<10485760xf32, #tpu.memory_space<hbm>> -> memref<16384xf32, #tpu.memory_space<hbm>>
        %dma_wait3A_95 = tpu.memref_slice %arg3[%sub3A_93] : memref<10485760xf32, #tpu.memory_space<hbm>> -> memref<16384xf32, #tpu.memory_space<hbm>>
        tpu.wait_dma2 semaphore(%arg13 : memref<!tpu.dma_semaphore, #tpu.memory_space<semaphore_mem>>) src(%arg6 : memref<16384xf32, #tpu.memory_space<vmem>>) dst(%dma_wait3A_95 : memref<16384xf32, #tpu.memory_space<hbm>>)
      } else {
      }
      %scan3A_47 = arith.constant 0 : i32
      %scan3A_48 = arith.constant 0 : i32
      %scan3A_49 = arith.constant 4 : i32
      %scan3A_50 = arith.addi %scan3A_48, %scan3A_49 : i32
      %scan3A_51 = arith.constant 1 : i32
      scf.for %scan3A_93 = %scan3A_48 to %scan3A_50 step %scan3A_51  : i32 {
        %mul3A_94 = arith.constant 4096 : i32
        %mul3A_95 = arith.muli %scan3A_93, %mul3A_94 : i32
        %swap3A = arith.constant 0 : index
        %swap3A_96 = tpu.vector_load %arg8[%swap3A] {strides = array<i32>} : memref<512xi32, #tpu.memory_space<vmem>>, vector<16xi32>,
        tpu.vector_store %arg8[%swap3A], %broadcast_in_dim3A_6 {strides = array<i32>} : memref<512xi32, #tpu.memory_space<vmem>>, vector<16xi32>,
        %swap3A_97 = arith.constant 16 : index
        %swap3A_98 = tpu.vector_load %arg8[%swap3A_97] {strides = array<i32>} : memref<512xi32, #tpu.memory_space<vmem>>, vector<16xi32>,
        tpu.vector_store %arg8[%swap3A_97], %broadcast_in_dim3A_6 {strides = array<i32>} : memref<512xi32, #tpu.memory_space<vmem>>, vector<16xi32>,
        %swap3A_99 = arith.constant 32 : index
        %swap3A_100 = tpu.vector_load %arg8[%swap3A_99] {strides = array<i32>} : memref<512xi32, #tpu.memory_space<vmem>>, vector<16xi32>,
        tpu.vector_store %arg8[%swap3A_99], %broadcast_in_dim3A_6 {strides = array<i32>} : memref<512xi32, #tpu.memory_space<vmem>>, vector<16xi32>,
        %swap3A_101 = arith.constant 48 : index
        %swap3A_102 = tpu.vector_load %arg8[%swap3A_101] {strides = array<i32>} : memref<512xi32, #tpu.memory_space<vmem>>, vector<16xi32>,
        tpu.vector_store %arg8[%swap3A_101], %broadcast_in_dim3A_6 {strides = array<i32>} : memref<512xi32, #tpu.memory_space<vmem>>, vector<16xi32>,
        %swap3A_103 = arith.constant 64 : index
        %swap3A_104 = tpu.vector_load %arg8[%swap3A_103] {strides = array<i32>} : memref<512xi32, #tpu.memory_space<vmem>>, vector<16xi32>,
        tpu.vector_store %arg8[%swap3A_103], %broadcast_in_dim3A_6 {strides = array<i32>} : memref<512xi32, #tpu.memory_space<vmem>>, vector<16xi32>,
        %swap3A_105 = arith.constant 80 : index
        %swap3A_106 = tpu.vector_load %arg8[%swap3A_105] {strides = array<i32>} : memref<512xi32, #tpu.memory_space<vmem>>, vector<16xi32>,
        tpu.vector_store %arg8[%swap3A_105], %broadcast_in_dim3A_6 {strides = array<i32>} : memref<512xi32, #tpu.memory_space<vmem>>, vector<16xi32>,
        %swap3A_107 = arith.constant 96 : index
        %swap3A_108 = tpu.vector_load %arg8[%swap3A_107] {strides = array<i32>} : memref<512xi32, #tpu.memory_space<vmem>>, vector<16xi32>,
        tpu.vector_store %arg8[%swap3A_107], %broadcast_in_dim3A_6 {strides = array<i32>} : memref<512xi32, #tpu.memory_space<vmem>>, vector<16xi32>,
        %swap3A_109 = arith.constant 112 : index
        %swap3A_110 = tpu.vector_load %arg8[%swap3A_109] {strides = array<i32>} : memref<512xi32, #tpu.memory_space<vmem>>, vector<16xi32>,
        tpu.vector_store %arg8[%swap3A_109], %broadcast_in_dim3A_6 {strides = array<i32>} : memref<512xi32, #tpu.memory_space<vmem>>, vector<16xi32>,
        %swap3A_111 = arith.constant 128 : index
        %swap3A_112 = tpu.vector_load %arg8[%swap3A_111] {strides = array<i32>} : memref<512xi32, #tpu.memory_space<vmem>>, vector<16xi32>,
        tpu.vector_store %arg8[%swap3A_111], %broadcast_in_dim3A_6 {strides = array<i32>} : memref<512xi32, #tpu.memory_space<vmem>>, vector<16xi32>,
        %swap3A_113 = arith.constant 144 : index
        %swap3A_114 = tpu.vector_load %arg8[%swap3A_113] {strides = array<i32>} : memref<512xi32, #tpu.memory_space<vmem>>, vector<16xi32>,
        tpu.vector_store %arg8[%swap3A_113], %broadcast_in_dim3A_6 {strides = array<i32>} : memref<512xi32, #tpu.memory_space<vmem>>, vector<16xi32>,
        %swap3A_115 = arith.constant 160 : index
        %swap3A_116 = tpu.vector_load %arg8[%swap3A_115] {strides = array<i32>} : memref<512xi32, #tpu.memory_space<vmem>>, vector<16xi32>,
        tpu.vector_store %arg8[%swap3A_115], %broadcast_in_dim3A_6 {strides = array<i32>} : memref<512xi32, #tpu.memory_space<vmem>>, vector<16xi32>,
        %swap3A_117 = arith.constant 176 : index
        %swap3A_118 = tpu.vector_load %arg8[%swap3A_117] {strides = array<i32>} : memref<512xi32, #tpu.memory_space<vmem>>, vector<16xi32>,
        tpu.vector_store %arg8[%swap3A_117], %broadcast_in_dim3A_6 {strides = array<i32>} : memref<512xi32, #tpu.memory_space<vmem>>, vector<16xi32>,
        %swap3A_119 = arith.constant 192 : index
        %swap3A_120 = tpu.vector_load %arg8[%swap3A_119] {strides = array<i32>} : memref<512xi32, #tpu.memory_space<vmem>>, vector<16xi32>,
        tpu.vector_store %arg8[%swap3A_119], %broadcast_in_dim3A_6 {strides = array<i32>} : memref<512xi32, #tpu.memory_space<vmem>>, vector<16xi32>,
        %swap3A_121 = arith.constant 208 : index
        %swap3A_122 = tpu.vector_load %arg8[%swap3A_121] {strides = array<i32>} : memref<512xi32, #tpu.memory_space<vmem>>, vector<16xi32>,
        tpu.vector_store %arg8[%swap3A_121], %broadcast_in_dim3A_6 {strides = array<i32>} : memref<512xi32, #tpu.memory_space<vmem>>, vector<16xi32>,
        %swap3A_123 = arith.constant 224 : index
        %swap3A_124 = tpu.vector_load %arg8[%swap3A_123] {strides = array<i32>} : memref<512xi32, #tpu.memory_space<vmem>>, vector<16xi32>,
        tpu.vector_store %arg8[%swap3A_123], %broadcast_in_dim3A_6 {strides = array<i32>} : memref<512xi32, #tpu.memory_space<vmem>>, vector<16xi32>,
        %swap3A_125 = arith.constant 240 : index
        %swap3A_126 = tpu.vector_load %arg8[%swap3A_125] {strides = array<i32>} : memref<512xi32, #tpu.memory_space<vmem>>, vector<16xi32>,
        tpu.vector_store %arg8[%swap3A_125], %broadcast_in_dim3A_6 {strides = array<i32>} : memref<512xi32, #tpu.memory_space<vmem>>, vector<16xi32>,
        %swap3A_127 = arith.constant 256 : index
        %swap3A_128 = tpu.vector_load %arg8[%swap3A_127] {strides = array<i32>} : memref<512xi32, #tpu.memory_space<vmem>>, vector<16xi32>,
        tpu.vector_store %arg8[%swap3A_127], %broadcast_in_dim3A_6 {strides = array<i32>} : memref<512xi32, #tpu.memory_space<vmem>>, vector<16xi32>,
        %swap3A_129 = arith.constant 272 : index
        %swap3A_130 = tpu.vector_load %arg8[%swap3A_129] {strides = array<i32>} : memref<512xi32, #tpu.memory_space<vmem>>, vector<16xi32>,
        tpu.vector_store %arg8[%swap3A_129], %broadcast_in_dim3A_6 {strides = array<i32>} : memref<512xi32, #tpu.memory_space<vmem>>, vector<16xi32>,
        %swap3A_131 = arith.constant 288 : index
        %swap3A_132 = tpu.vector_load %arg8[%swap3A_131] {strides = array<i32>} : memref<512xi32, #tpu.memory_space<vmem>>, vector<16xi32>,
        tpu.vector_store %arg8[%swap3A_131], %broadcast_in_dim3A_6 {strides = array<i32>} : memref<512xi32, #tpu.memory_space<vmem>>, vector<16xi32>,
        %swap3A_133 = arith.constant 304 : index
        %swap3A_134 = tpu.vector_load %arg8[%swap3A_133] {strides = array<i32>} : memref<512xi32, #tpu.memory_space<vmem>>, vector<16xi32>,
        tpu.vector_store %arg8[%swap3A_133], %broadcast_in_dim3A_6 {strides = array<i32>} : memref<512xi32, #tpu.memory_space<vmem>>, vector<16xi32>,
        %swap3A_135 = arith.constant 320 : index
        %swap3A_136 = tpu.vector_load %arg8[%swap3A_135] {strides = array<i32>} : memref<512xi32, #tpu.memory_space<vmem>>, vector<16xi32>,
        tpu.vector_store %arg8[%swap3A_135], %broadcast_in_dim3A_6 {strides = array<i32>} : memref<512xi32, #tpu.memory_space<vmem>>, vector<16xi32>,
        %swap3A_137 = arith.constant 336 : index
        %swap3A_138 = tpu.vector_load %arg8[%swap3A_137] {strides = array<i32>} : memref<512xi32, #tpu.memory_space<vmem>>, vector<16xi32>,
        tpu.vector_store %arg8[%swap3A_137], %broadcast_in_dim3A_6 {strides = array<i32>} : memref<512xi32, #tpu.memory_space<vmem>>, vector<16xi32>,
        %swap3A_139 = arith.constant 352 : index
        %swap3A_140 = tpu.vector_load %arg8[%swap3A_139] {strides = array<i32>} : memref<512xi32, #tpu.memory_space<vmem>>, vector<16xi32>,
        tpu.vector_store %arg8[%swap3A_139], %broadcast_in_dim3A_6 {strides = array<i32>} : memref<512xi32, #tpu.memory_space<vmem>>, vector<16xi32>,
        %swap3A_141 = arith.constant 368 : index
        %swap3A_142 = tpu.vector_load %arg8[%swap3A_141] {strides = array<i32>} : memref<512xi32, #tpu.memory_space<vmem>>, vector<16xi32>,
        tpu.vector_store %arg8[%swap3A_141], %broadcast_in_dim3A_6 {strides = array<i32>} : memref<512xi32, #tpu.memory_space<vmem>>, vector<16xi32>,
        %swap3A_143 = arith.constant 384 : index
        %swap3A_144 = tpu.vector_load %arg8[%swap3A_143] {strides = array<i32>} : memref<512xi32, #tpu.memory_space<vmem>>, vector<16xi32>,
        tpu.vector_store %arg8[%swap3A_143], %broadcast_in_dim3A_6 {strides = array<i32>} : memref<512xi32, #tpu.memory_space<vmem>>, vector<16xi32>,
        %swap3A_145 = arith.constant 400 : index
        %swap3A_146 = tpu.vector_load %arg8[%swap3A_145] {strides = array<i32>} : memref<512xi32, #tpu.memory_space<vmem>>, vector<16xi32>,
        tpu.vector_store %arg8[%swap3A_145], %broadcast_in_dim3A_6 {strides = array<i32>} : memref<512xi32, #tpu.memory_space<vmem>>, vector<16xi32>,
        %swap3A_147 = arith.constant 416 : index
        %swap3A_148 = tpu.vector_load %arg8[%swap3A_147] {strides = array<i32>} : memref<512xi32, #tpu.memory_space<vmem>>, vector<16xi32>,
        tpu.vector_store %arg8[%swap3A_147], %broadcast_in_dim3A_6 {strides = array<i32>} : memref<512xi32, #tpu.memory_space<vmem>>, vector<16xi32>,
        %swap3A_149 = arith.constant 432 : index
        %swap3A_150 = tpu.vector_load %arg8[%swap3A_149] {strides = array<i32>} : memref<512xi32, #tpu.memory_space<vmem>>, vector<16xi32>,
        tpu.vector_store %arg8[%swap3A_149], %broadcast_in_dim3A_6 {strides = array<i32>} : memref<512xi32, #tpu.memory_space<vmem>>, vector<16xi32>,
        %swap3A_151 = arith.constant 448 : index
        %swap3A_152 = tpu.vector_load %arg8[%swap3A_151] {strides = array<i32>} : memref<512xi32, #tpu.memory_space<vmem>>, vector<16xi32>,
        tpu.vector_store %arg8[%swap3A_151], %broadcast_in_dim3A_6 {strides = array<i32>} : memref<512xi32, #tpu.memory_space<vmem>>, vector<16xi32>,
        %swap3A_153 = arith.constant 464 : index
        %swap3A_154 = tpu.vector_load %arg8[%swap3A_153] {strides = array<i32>} : memref<512xi32, #tpu.memory_space<vmem>>, vector<16xi32>,
        tpu.vector_store %arg8[%swap3A_153], %broadcast_in_dim3A_6 {strides = array<i32>} : memref<512xi32, #tpu.memory_space<vmem>>, vector<16xi32>,
        %swap3A_155 = arith.constant 480 : index
        %swap3A_156 = tpu.vector_load %arg8[%swap3A_155] {strides = array<i32>} : memref<512xi32, #tpu.memory_space<vmem>>, vector<16xi32>,
        tpu.vector_store %arg8[%swap3A_155], %broadcast_in_dim3A_6 {strides = array<i32>} : memref<512xi32, #tpu.memory_space<vmem>>, vector<16xi32>,
        %swap3A_157 = arith.constant 496 : index
        %swap3A_158 = tpu.vector_load %arg8[%swap3A_157] {strides = array<i32>} : memref<512xi32, #tpu.memory_space<vmem>>, vector<16xi32>,
        tpu.vector_store %arg8[%swap3A_157], %broadcast_in_dim3A_6 {strides = array<i32>} : memref<512xi32, #tpu.memory_space<vmem>>, vector<16xi32>,
        %parallel_loop3A = arith.constant 0 : i32
        %parallel_loop3A_159 = arith.constant 256 : i32
        %parallel_loop3A_160 = arith.constant 1 : i32
        scf.for %parallel_loop3A_580 = %parallel_loop3A to %parallel_loop3A_159 step %parallel_loop3A_160  : i32 {
          %parallel_loop3A_581 = arith.constant 16 : i32
          %parallel_loop3A_582 = arith.muli %parallel_loop3A_580, %parallel_loop3A_581 : i32
          %parallel_loop3A_583 = arith.addi %mul3A_95, %parallel_loop3A_582 : i32
          %parallel_loop3A_584 = arith.index_cast %parallel_loop3A_583 : i32 to index
          %parallel_loop3A_585 = tpu.vector_load %arg4[%parallel_loop3A_584] {strides = array<i32>} : memref<16384xf32, #tpu.memory_space<vmem>>, vector<16xf32>,
          %parallel_loop3A_586 = tpu.bitcast %parallel_loop3A_585 : vector<16xf32> -> vector<16xi32>
          %parallel_loop3A_587 = arith.constant 31 : i32
          %parallel_loop3A_588 = vector.broadcast %parallel_loop3A_587 : i32 to vector<16xi32>
          %parallel_loop3A_589 = arith.shrsi %parallel_loop3A_586, %parallel_loop3A_588 : vector<16xi32>
          %parallel_loop3A_590 = arith.constant -2147483648 : i32
          %parallel_loop3A_591 = vector.broadcast %parallel_loop3A_590 : i32 to vector<16xi32>
          %parallel_loop3A_592 = arith.ori %parallel_loop3A_589, %parallel_loop3A_591 : vector<16xi32>
          %parallel_loop3A_593 = arith.xori %parallel_loop3A_586, %parallel_loop3A_592 : vector<16xi32>
          %parallel_loop3A_594 = arith.constant 27 : i32
          %parallel_loop3A_595 = vector.broadcast %parallel_loop3A_594 : i32 to vector<16xi32>
          %parallel_loop3A_596 = arith.shrui %parallel_loop3A_593, %parallel_loop3A_595 : vector<16xi32>
          %parallel_loop3A_597 = arith.addi %mul3A_3, %parallel_loop3A_596 : vector<16xi32>
          tpu.vector_store_idx %arg8[%parallel_loop3A_597], %broadcast_in_dim3A_4 {add = true} : memref<512xi32, #tpu.memory_space<vmem>>[vector<16xi32>], vector<16xi32>,
        } {sc.loop_unroll_factor = 8 : i64, sc.parallel_access}
        %get3A = arith.constant 0 : index
        %get3A_161 = tpu.vector_load %arg8[%get3A] {strides = array<i32>} : memref<512xi32, #tpu.memory_space<vmem>>, vector<16xi32>,
        %add3A_162 = arith.addi %broadcast_in_dim3A_6, %get3A_161 : vector<16xi32>
        %get3A_163 = arith.constant 16 : index
        %get3A_164 = tpu.vector_load %arg8[%get3A_163] {strides = array<i32>} : memref<512xi32, #tpu.memory_space<vmem>>, vector<16xi32>,
        %add3A_165 = arith.addi %broadcast_in_dim3A_6, %get3A_164 : vector<16xi32>
        %get3A_166 = arith.constant 32 : index
        %get3A_167 = tpu.vector_load %arg8[%get3A_166] {strides = array<i32>} : memref<512xi32, #tpu.memory_space<vmem>>, vector<16xi32>,
        %add3A_168 = arith.addi %add3A_162, %get3A_167 : vector<16xi32>
        %get3A_169 = arith.constant 48 : index
        %get3A_170 = tpu.vector_load %arg8[%get3A_169] {strides = array<i32>} : memref<512xi32, #tpu.memory_space<vmem>>, vector<16xi32>,
        %add3A_171 = arith.addi %add3A_165, %get3A_170 : vector<16xi32>
        %get3A_172 = arith.constant 64 : index
        %get3A_173 = tpu.vector_load %arg8[%get3A_172] {strides = array<i32>} : memref<512xi32, #tpu.memory_space<vmem>>, vector<16xi32>,
        %add3A_174 = arith.addi %add3A_168, %get3A_173 : vector<16xi32>
        %get3A_175 = arith.constant 80 : index
        %get3A_176 = tpu.vector_load %arg8[%get3A_175] {strides = array<i32>} : memref<512xi32, #tpu.memory_space<vmem>>, vector<16xi32>,
        %add3A_177 = arith.addi %add3A_171, %get3A_176 : vector<16xi32>
        %get3A_178 = arith.constant 96 : index
        %get3A_179 = tpu.vector_load %arg8[%get3A_178] {strides = array<i32>} : memref<512xi32, #tpu.memory_space<vmem>>, vector<16xi32>,
        %add3A_180 = arith.addi %add3A_174, %get3A_179 : vector<16xi32>
        %get3A_181 = arith.constant 112 : index
        %get3A_182 = tpu.vector_load %arg8[%get3A_181] {strides = array<i32>} : memref<512xi32, #tpu.memory_space<vmem>>, vector<16xi32>,
        %add3A_183 = arith.addi %add3A_177, %get3A_182 : vector<16xi32>
        %get3A_184 = arith.constant 128 : index
        %get3A_185 = tpu.vector_load %arg8[%get3A_184] {strides = array<i32>} : memref<512xi32, #tpu.memory_space<vmem>>, vector<16xi32>,
        %add3A_186 = arith.addi %add3A_180, %get3A_185 : vector<16xi32>
        %get3A_187 = arith.constant 144 : index
        %get3A_188 = tpu.vector_load %arg8[%get3A_187] {strides = array<i32>} : memref<512xi32, #tpu.memory_space<vmem>>, vector<16xi32>,
        %add3A_189 = arith.addi %add3A_183, %get3A_188 : vector<16xi32>
        %get3A_190 = arith.constant 160 : index
        %get3A_191 = tpu.vector_load %arg8[%get3A_190] {strides = array<i32>} : memref<512xi32, #tpu.memory_space<vmem>>, vector<16xi32>,
        %add3A_192 = arith.addi %add3A_186, %get3A_191 : vector<16xi32>
        %get3A_193 = arith.constant 176 : index
        %get3A_194 = tpu.vector_load %arg8[%get3A_193] {strides = array<i32>} : memref<512xi32, #tpu.memory_space<vmem>>, vector<16xi32>,
        %add3A_195 = arith.addi %add3A_189, %get3A_194 : vector<16xi32>
        %get3A_196 = arith.constant 192 : index
        %get3A_197 = tpu.vector_load %arg8[%get3A_196] {strides = array<i32>} : memref<512xi32, #tpu.memory_space<vmem>>, vector<16xi32>,
        %add3A_198 = arith.addi %add3A_192, %get3A_197 : vector<16xi32>
        %get3A_199 = arith.constant 208 : index
        %get3A_200 = tpu.vector_load %arg8[%get3A_199] {strides = array<i32>} : memref<512xi32, #tpu.memory_space<vmem>>, vector<16xi32>,
        %add3A_201 = arith.addi %add3A_195, %get3A_200 : vector<16xi32>
        %get3A_202 = arith.constant 224 : index
        %get3A_203 = tpu.vector_load %arg8[%get3A_202] {strides = array<i32>} : memref<512xi32, #tpu.memory_space<vmem>>, vector<16xi32>,
        %add3A_204 = arith.addi %add3A_198, %get3A_203 : vector<16xi32>
        %get3A_205 = arith.constant 240 : index
        %get3A_206 = tpu.vector_load %arg8[%get3A_205] {strides = array<i32>} : memref<512xi32, #tpu.memory_space<vmem>>, vector<16xi32>,
        %add3A_207 = arith.addi %add3A_201, %get3A_206 : vector<16xi32>
        %get3A_208 = arith.constant 256 : index
        %get3A_209 = tpu.vector_load %arg8[%get3A_208] {strides = array<i32>} : memref<512xi32, #tpu.memory_space<vmem>>, vector<16xi32>,
        %add3A_210 = arith.addi %add3A_204, %get3A_209 : vector<16xi32>
        %get3A_211 = arith.constant 272 : index
        %get3A_212 = tpu.vector_load %arg8[%get3A_211] {strides = array<i32>} : memref<512xi32, #tpu.memory_space<vmem>>, vector<16xi32>,
        %add3A_213 = arith.addi %add3A_207, %get3A_212 : vector<16xi32>
        %get3A_214 = arith.constant 288 : index
        %get3A_215 = tpu.vector_load %arg8[%get3A_214] {strides = array<i32>} : memref<512xi32, #tpu.memory_space<vmem>>, vector<16xi32>,
        %add3A_216 = arith.addi %add3A_210, %get3A_215 : vector<16xi32>
        %get3A_217 = arith.constant 304 : index
        %get3A_218 = tpu.vector_load %arg8[%get3A_217] {strides = array<i32>} : memref<512xi32, #tpu.memory_space<vmem>>, vector<16xi32>,
        %add3A_219 = arith.addi %add3A_213, %get3A_218 : vector<16xi32>
        %get3A_220 = arith.constant 320 : index
        %get3A_221 = tpu.vector_load %arg8[%get3A_220] {strides = array<i32>} : memref<512xi32, #tpu.memory_space<vmem>>, vector<16xi32>,
        %add3A_222 = arith.addi %add3A_216, %get3A_221 : vector<16xi32>
        %get3A_223 = arith.constant 336 : index
        %get3A_224 = tpu.vector_load %arg8[%get3A_223] {strides = array<i32>} : memref<512xi32, #tpu.memory_space<vmem>>, vector<16xi32>,
        %add3A_225 = arith.addi %add3A_219, %get3A_224 : vector<16xi32>
        %get3A_226 = arith.constant 352 : index
        %get3A_227 = tpu.vector_load %arg8[%get3A_226] {strides = array<i32>} : memref<512xi32, #tpu.memory_space<vmem>>, vector<16xi32>,
        %add3A_228 = arith.addi %add3A_222, %get3A_227 : vector<16xi32>
        %get3A_229 = arith.constant 368 : index
        %get3A_230 = tpu.vector_load %arg8[%get3A_229] {strides = array<i32>} : memref<512xi32, #tpu.memory_space<vmem>>, vector<16xi32>,
        %add3A_231 = arith.addi %add3A_225, %get3A_230 : vector<16xi32>
        %get3A_232 = arith.constant 384 : index
        %get3A_233 = tpu.vector_load %arg8[%get3A_232] {strides = array<i32>} : memref<512xi32, #tpu.memory_space<vmem>>, vector<16xi32>,
        %add3A_234 = arith.addi %add3A_228, %get3A_233 : vector<16xi32>
        %get3A_235 = arith.constant 400 : index
        %get3A_236 = tpu.vector_load %arg8[%get3A_235] {strides = array<i32>} : memref<512xi32, #tpu.memory_space<vmem>>, vector<16xi32>,
        %add3A_237 = arith.addi %add3A_231, %get3A_236 : vector<16xi32>
        %get3A_238 = arith.constant 416 : index
        %get3A_239 = tpu.vector_load %arg8[%get3A_238] {strides = array<i32>} : memref<512xi32, #tpu.memory_space<vmem>>, vector<16xi32>,
        %add3A_240 = arith.addi %add3A_234, %get3A_239 : vector<16xi32>
        %get3A_241 = arith.constant 432 : index
        %get3A_242 = tpu.vector_load %arg8[%get3A_241] {strides = array<i32>} : memref<512xi32, #tpu.memory_space<vmem>>, vector<16xi32>,
        %add3A_243 = arith.addi %add3A_237, %get3A_242 : vector<16xi32>
        %get3A_244 = arith.constant 448 : index
        %get3A_245 = tpu.vector_load %arg8[%get3A_244] {strides = array<i32>} : memref<512xi32, #tpu.memory_space<vmem>>, vector<16xi32>,
        %add3A_246 = arith.addi %add3A_240, %get3A_245 : vector<16xi32>
        %get3A_247 = arith.constant 464 : index
        %get3A_248 = tpu.vector_load %arg8[%get3A_247] {strides = array<i32>} : memref<512xi32, #tpu.memory_space<vmem>>, vector<16xi32>,
        %add3A_249 = arith.addi %add3A_243, %get3A_248 : vector<16xi32>
        %get3A_250 = arith.constant 480 : index
        %get3A_251 = tpu.vector_load %arg8[%get3A_250] {strides = array<i32>} : memref<512xi32, #tpu.memory_space<vmem>>, vector<16xi32>,
        %add3A_252 = arith.addi %add3A_246, %get3A_251 : vector<16xi32>
        %get3A_253 = arith.constant 496 : index
        %get3A_254 = tpu.vector_load %arg8[%get3A_253] {strides = array<i32>} : memref<512xi32, #tpu.memory_space<vmem>>, vector<16xi32>,
        %add3A_255 = arith.addi %add3A_249, %get3A_254 : vector<16xi32>
        %broadcast_in_dim3A_256 = arith.constant true
        %broadcast_in_dim3A_257 = vector.broadcast %broadcast_in_dim3A_256 : i1 to vector<16xi1>
        %masked_cumsum3A = tpu.scan <sum>, %add3A_252 masked %broadcast_in_dim3A_257 : vector<16xi32>, vector<16xi1> -> vector<16xi32>
        %broadcast_in_dim3A_258 = arith.constant true
        %broadcast_in_dim3A_259 = vector.broadcast %broadcast_in_dim3A_258 : i1 to vector<16xi1>
        %masked_cumsum3A_260 = tpu.scan <sum>, %add3A_255 masked %broadcast_in_dim3A_259 : vector<16xi32>, vector<16xi1> -> vector<16xi32>
        %slice3A = vector.extract_strided_slice %masked_cumsum3A {offsets = [15], sizes = [1], strides = [1]} : vector<16xi32> to vector<1xi32>
        %squeeze3A = vector.extract %slice3A[0] : i32 from vector<1xi32>
        %add3A_261 = vector.broadcast %squeeze3A : i32 to vector<16xi32>
        %add3A_262 = arith.addi %masked_cumsum3A_260, %add3A_261 : vector<16xi32>
        %lt3A_263 = arith.constant 4016 : i32
        %lt3A_264 = vector.broadcast %lt3A_263 : i32 to vector<16xi32>
        %lt3A_265 = arith.cmpi slt, %masked_cumsum3A, %lt3A_264 : vector<16xi32>
        %lt3A_266 = arith.constant 4016 : i32
        %lt3A_267 = vector.broadcast %lt3A_266 : i32 to vector<16xi32>
        %lt3A_268 = arith.cmpi slt, %add3A_262, %lt3A_267 : vector<16xi32>
        %all_reduce_population_count3A = tpu.all_reduce %lt3A_265 {dim = 0 : i64, kind = #tpu.reduction_kind<sum>} : vector<16xi1> -> vector<16xi32>
        %slice3A_269 = vector.extract_strided_slice %all_reduce_population_count3A {offsets = [0], sizes = [1], strides = [1]} : vector<16xi32> to vector<1xi32>
        %squeeze3A_270 = vector.extract %slice3A_269[0] : i32 from vector<1xi32>
        %all_reduce_population_count3A_271 = tpu.all_reduce %lt3A_268 {dim = 0 : i64, kind = #tpu.reduction_kind<sum>} : vector<16xi1> -> vector<16xi32>
        %slice3A_272 = vector.extract_strided_slice %all_reduce_population_count3A_271 {offsets = [0], sizes = [1], strides = [1]} : vector<16xi32> to vector<1xi32>
        %squeeze3A_273 = vector.extract %slice3A_272[0] : i32 from vector<1xi32>
        %add3A_274 = arith.addi %squeeze3A_270, %squeeze3A_273 : i32
        %jit3A = arith.constant 0 : i32
        %broadcast_in_dim3A_275 = vector.broadcast %jit3A : i32 to vector<16xi32>
        %select_n3A = arith.select %lt3A_265, %add3A_252, %broadcast_in_dim3A_275 : vector<16xi1>, vector<16xi32>
        %reduce_sum3A = arith.constant true
        %reduce_sum3A_276 = vector.broadcast %reduce_sum3A : i1 to vector<16xi1>
        %reduce_sum3A_277 = tpu.scan <sum>, %select_n3A masked %reduce_sum3A_276 : vector<16xi32>, vector<16xi1> -> vector<16xi32>
        %reduce_sum3A_278 = vector.extract %reduce_sum3A_277[15] : i32 from vector<16xi32>
        %jit3A_279 = arith.constant 0 : i32
        %broadcast_in_dim3A_280 = vector.broadcast %jit3A_279 : i32 to vector<16xi32>
        %select_n3A_281 = arith.select %lt3A_268, %add3A_255, %broadcast_in_dim3A_280 : vector<16xi1>, vector<16xi32>
        %reduce_sum3A_282 = arith.constant true
        %reduce_sum3A_283 = vector.broadcast %reduce_sum3A_282 : i1 to vector<16xi1>
        %reduce_sum3A_284 = tpu.scan <sum>, %select_n3A_281 masked %reduce_sum3A_283 : vector<16xi32>, vector<16xi1> -> vector<16xi32>
        %reduce_sum3A_285 = vector.extract %reduce_sum3A_284[15] : i32 from vector<16xi32>
        %add3A_286 = arith.addi %reduce_sum3A_278, %reduce_sum3A_285 : i32
        %ge3A = arith.constant 4016 : i32
        %ge3A_287 = vector.broadcast %ge3A : i32 to vector<16xi32>
        %ge3A_288 = arith.cmpi sge, %masked_cumsum3A, %ge3A_287 : vector<16xi32>
        %sub3A = arith.subi %masked_cumsum3A, %add3A_252 : vector<16xi32>
        %lt3A_289 = arith.constant 4016 : i32
        %lt3A_290 = vector.broadcast %lt3A_289 : i32 to vector<16xi32>
        %lt3A_291 = arith.cmpi slt, %sub3A, %lt3A_290 : vector<16xi32>
        %and3A = arith.andi %ge3A_288, %lt3A_291 : vector<16xi1>
        %ge3A_292 = arith.constant 4016 : i32
        %ge3A_293 = vector.broadcast %ge3A_292 : i32 to vector<16xi32>
        %ge3A_294 = arith.cmpi sge, %add3A_262, %ge3A_293 : vector<16xi32>
        %sub3A_295 = arith.subi %add3A_262, %add3A_255 : vector<16xi32>
        %lt3A_296 = arith.constant 4016 : i32
        %lt3A_297 = vector.broadcast %lt3A_296 : i32 to vector<16xi32>
        %lt3A_298 = arith.cmpi slt, %sub3A_295, %lt3A_297 : vector<16xi32>
        %and3A_299 = arith.andi %ge3A_294, %lt3A_298 : vector<16xi1>
        %jit3A_300 = arith.constant 0 : i32
        %broadcast_in_dim3A_301 = vector.broadcast %jit3A_300 : i32 to vector<16xi32>
        %select_n3A_302 = arith.select %and3A, %add3A_252, %broadcast_in_dim3A_301 : vector<16xi1>, vector<16xi32>
        %reduce_sum3A_303 = arith.constant true
        %reduce_sum3A_304 = vector.broadcast %reduce_sum3A_303 : i1 to vector<16xi1>
        %reduce_sum3A_305 = tpu.scan <sum>, %select_n3A_302 masked %reduce_sum3A_304 : vector<16xi32>, vector<16xi1> -> vector<16xi32>
        %reduce_sum3A_306 = vector.extract %reduce_sum3A_305[15] : i32 from vector<16xi32>
        %jit3A_307 = arith.constant 0 : i32
        %broadcast_in_dim3A_308 = vector.broadcast %jit3A_307 : i32 to vector<16xi32>
        %select_n3A_309 = arith.select %and3A_299, %add3A_255, %broadcast_in_dim3A_308 : vector<16xi1>, vector<16xi32>
        %reduce_sum3A_310 = arith.constant true
        %reduce_sum3A_311 = vector.broadcast %reduce_sum3A_310 : i1 to vector<16xi1>
        %reduce_sum3A_312 = tpu.scan <sum>, %select_n3A_309 masked %reduce_sum3A_311 : vector<16xi32>, vector<16xi1> -> vector<16xi32>
        %reduce_sum3A_313 = vector.extract %reduce_sum3A_312[15] : i32 from vector<16xi32>
        %add3A_314 = arith.addi %reduce_sum3A_306, %reduce_sum3A_313 : i32
        %sub3A_315 = arith.constant 4096 : i32
        %sub3A_316 = arith.subi %sub3A_315, %add3A_286 : i32
        %sub3A_317 = arith.subi %sub3A_316, %add3A_314 : i32
        %sub3A_318 = arith.constant 81 : i32
        %sub3A_319 = arith.subi %sub3A_318, %sub3A_317 : i32
        %parallel_loop3A_320 = arith.constant 0 : i32
        %parallel_loop3A_321 = arith.constant 256 : i32
        %parallel_loop3A_322 = arith.constant 1 : i32
        %parallel_loop3A_323 = scf.for %parallel_loop3A_580 = %parallel_loop3A_320 to %parallel_loop3A_321 step %parallel_loop3A_322 iter_args(%parallel_loop3A_581 = %broadcast_in_dim3A_6) -> (vector<16xi32>)  : i32 {
          %parallel_loop3A_582 = arith.constant 16 : i32
          %parallel_loop3A_583 = arith.muli %parallel_loop3A_580, %parallel_loop3A_582 : i32
          %parallel_loop3A_584 = arith.addi %mul3A_95, %parallel_loop3A_583 : i32
          %parallel_loop3A_585 = arith.index_cast %parallel_loop3A_584 : i32 to index
          %parallel_loop3A_586 = tpu.vector_load %arg4[%parallel_loop3A_585] {strides = array<i32>} : memref<16384xf32, #tpu.memory_space<vmem>>, vector<16xf32>,
          %parallel_loop3A_587 = tpu.bitcast %parallel_loop3A_586 : vector<16xf32> -> vector<16xi32>
          %parallel_loop3A_588 = arith.constant 31 : i32
          %parallel_loop3A_589 = vector.broadcast %parallel_loop3A_588 : i32 to vector<16xi32>
          %parallel_loop3A_590 = arith.shrsi %parallel_loop3A_587, %parallel_loop3A_589 : vector<16xi32>
          %parallel_loop3A_591 = arith.constant -2147483648 : i32
          %parallel_loop3A_592 = vector.broadcast %parallel_loop3A_591 : i32 to vector<16xi32>
          %parallel_loop3A_593 = arith.ori %parallel_loop3A_590, %parallel_loop3A_592 : vector<16xi32>
          %parallel_loop3A_594 = arith.xori %parallel_loop3A_587, %parallel_loop3A_593 : vector<16xi32>
          %parallel_loop3A_595 = arith.constant 27 : i32
          %parallel_loop3A_596 = vector.broadcast %parallel_loop3A_595 : i32 to vector<16xi32>
          %parallel_loop3A_597 = arith.shrui %parallel_loop3A_594, %parallel_loop3A_596 : vector<16xi32>
          %parallel_loop3A_598 = vector.broadcast %add3A_274 : i32 to vector<16xi32>
          %parallel_loop3A_599 = arith.cmpi sgt, %parallel_loop3A_597, %parallel_loop3A_598 : vector<16xi32>
          %parallel_loop3A_600 = arith.constant 0.000000e+00 : f32
          %parallel_loop3A_601 = vector.broadcast %parallel_loop3A_600 : f32 to vector<16xf32>
          %parallel_loop3A_602 = arith.select %parallel_loop3A_599, %parallel_loop3A_586, %parallel_loop3A_601 : vector<16xi1>, vector<16xf32>
          %parallel_loop3A_603 = arith.constant 16 : i32
          %parallel_loop3A_604 = arith.muli %parallel_loop3A_580, %parallel_loop3A_603 : i32
          %parallel_loop3A_605 = arith.addi %mul3A_95, %parallel_loop3A_604 : i32
          %parallel_loop3A_606 = arith.index_cast %parallel_loop3A_605 : i32 to index
          %parallel_loop3A_607 = tpu.vector_load %arg6[%parallel_loop3A_606] {strides = array<i32>} : memref<16384xf32, #tpu.memory_space<vmem>>, vector<16xf32>,
          tpu.vector_store %arg6[%parallel_loop3A_606], %parallel_loop3A_602 {strides = array<i32>} : memref<16384xf32, #tpu.memory_space<vmem>>, vector<16xf32>,
          %parallel_loop3A_608 = vector.broadcast %add3A_274 : i32 to vector<16xi32>
          %parallel_loop3A_609 = arith.cmpi eq, %parallel_loop3A_597, %parallel_loop3A_608 : vector<16xi32>
          %parallel_loop3A_610 = arith.constant 4 : i32
          %parallel_loop3A_611 = vector.broadcast %parallel_loop3A_610 : i32 to vector<16xi32>
          %parallel_loop3A_612 = arith.shli %parallel_loop3A_581, %parallel_loop3A_611 : vector<16xi32>
          %parallel_loop3A_613 = arith.ori %parallel_loop3A_612, %iota3A : vector<16xi32>
          %parallel_loop3A_614 = arith.constant -2147483648 : i32
          %parallel_loop3A_615 = vector.broadcast %parallel_loop3A_614 : i32 to vector<16xi32>
          %parallel_loop3A_616 = arith.xori %parallel_loop3A_594, %parallel_loop3A_615 : vector<16xi32>
          tpu.vector_store_idx %arg9[%parallel_loop3A_613], %parallel_loop3A_616 masked %parallel_loop3A_609 : memref<4112xi32, #tpu.memory_space<vmem>>[vector<16xi32>], vector<16xi32>, vector<16xi1>
          %parallel_loop3A_617 = arith.constant 16 : i32
          %parallel_loop3A_618 = arith.muli %parallel_loop3A_580, %parallel_loop3A_617 : i32
          %parallel_loop3A_619 = vector.broadcast %parallel_loop3A_618 : i32 to vector<16xi32>
          %parallel_loop3A_620 = arith.addi %parallel_loop3A_619, %iota3A : vector<16xi32>
          tpu.vector_store_idx %arg10[%parallel_loop3A_613], %parallel_loop3A_620 masked %parallel_loop3A_609 : memref<4112xi32, #tpu.memory_space<vmem>>[vector<16xi32>], vector<16xi32>, vector<16xi1>
          %parallel_loop3A_621 = arith.constant 1 : i32
          %parallel_loop3A_622 = arith.constant 0 : i32
          %parallel_loop3A_623 = vector.broadcast %parallel_loop3A_621 : i32 to vector<16xi32>
          %parallel_loop3A_624 = vector.broadcast %parallel_loop3A_622 : i32 to vector<16xi32>
          %parallel_loop3A_625 = arith.select %parallel_loop3A_609, %parallel_loop3A_623, %parallel_loop3A_624 : vector<16xi1>, vector<16xi32>
          %parallel_loop3A_626 = arith.addi %parallel_loop3A_581, %parallel_loop3A_625 : vector<16xi32>
          scf.yield %parallel_loop3A_626 : vector<16xi32>
        } {sc.loop_unroll_factor = 4 : i64, sc.parallel_access}
        %reduce_max3A = arith.constant true
        %reduce_max3A_324 = vector.broadcast %reduce_max3A : i1 to vector<16xi1>
        %reduce_max3A_325 = arith.constant -2147483648 : i32
        %reduce_max3A_326 = vector.broadcast %reduce_max3A_325 : i32 to vector<16xi32>
        %reduce_max3A_327 = arith.xori %parallel_loop3A_323, %reduce_max3A_326 : vector<16xi32>
        %reduce_max3A_328 = tpu.scan <max>, %reduce_max3A_327 masked %reduce_max3A_324 : vector<16xi32>, vector<16xi1> -> vector<16xi32>
        %reduce_max3A_329 = arith.xori %reduce_max3A_328, %reduce_max3A_326 : vector<16xi32>
        %reduce_max3A_330 = vector.extract %reduce_max3A_329[15] : i32 from vector<16xi32>
        %shift_left3A = arith.constant 27 : i32
        %shift_left3A_331 = arith.shli %add3A_274, %shift_left3A : i32
        %xor3A = arith.constant -2147483648 : i32
        %xor3A_332 = arith.xori %shift_left3A_331, %xor3A : i32
        %add3A_333 = vector.broadcast %xor3A_332 : i32 to vector<16xi32>
        %add3A_334 = arith.addi %broadcast_in_dim3A_6, %add3A_333 : vector<16xi32>
        %add3A_335 = arith.constant 67108864 : i32
        %add3A_336 = vector.broadcast %add3A_335 : i32 to vector<16xi32>
        %add3A_337 = arith.addi %add3A_334, %add3A_336 : vector<16xi32>
        %parallel_loop3A_338 = arith.constant 0 : i32
        %parallel_loop3A_339 = arith.constant 1 : i32
        %parallel_loop3A_340 = scf.for %parallel_loop3A_580 = %parallel_loop3A_338 to %reduce_max3A_330 step %parallel_loop3A_339 iter_args(%parallel_loop3A_581 = %broadcast_in_dim3A_6) -> (vector<16xi32>)  : i32 {
          %parallel_loop3A_582 = arith.constant 16 : i32
          %parallel_loop3A_583 = arith.muli %parallel_loop3A_580, %parallel_loop3A_582 : i32
          %parallel_loop3A_584 = arith.index_cast %parallel_loop3A_583 : i32 to index
          %parallel_loop3A_585 = tpu.vector_load %arg9[%parallel_loop3A_584] {strides = array<i32>} : memref<4112xi32, #tpu.memory_space<vmem>>, vector<16xi32>,
          %parallel_loop3A_586 = arith.cmpi sge, %parallel_loop3A_585, %add3A_337 : vector<16xi32>
          %parallel_loop3A_587 = vector.broadcast %parallel_loop3A_580 : i32 to vector<16xi32>
          %parallel_loop3A_588 = arith.cmpi sgt, %parallel_loop3A_323, %parallel_loop3A_587 : vector<16xi32>
          %parallel_loop3A_589 = arith.andi %parallel_loop3A_586, %parallel_loop3A_588 : vector<16xi1>
          %parallel_loop3A_590 = tpu.all_reduce %parallel_loop3A_589 {dim = 0 : i64, kind = #tpu.reduction_kind<sum>} : vector<16xi1> -> vector<16xi32>
          %parallel_loop3A_591 = arith.addi %parallel_loop3A_581, %parallel_loop3A_590 : vector<16xi32>
          scf.yield %parallel_loop3A_591 : vector<16xi32>
        } {sc.loop_unroll_factor = 1 : i64, sc.parallel_access}
        %ge3A_341 = vector.broadcast %sub3A_319 : i32 to vector<16xi32>
        %ge3A_342 = arith.cmpi sge, %parallel_loop3A_340, %ge3A_341 : vector<16xi32>
        %select_n3A_343 = arith.select %ge3A_342, %add3A_337, %add3A_334 : vector<16xi1>, vector<16xi32>
        %add3A_344 = arith.constant 33554432 : i32
        %add3A_345 = vector.broadcast %add3A_344 : i32 to vector<16xi32>
        %add3A_346 = arith.addi %select_n3A_343, %add3A_345 : vector<16xi32>
        %parallel_loop3A_347 = arith.constant 0 : i32
        %parallel_loop3A_348 = arith.constant 1 : i32
        %parallel_loop3A_349 = scf.for %parallel_loop3A_580 = %parallel_loop3A_347 to %reduce_max3A_330 step %parallel_loop3A_348 iter_args(%parallel_loop3A_581 = %broadcast_in_dim3A_6) -> (vector<16xi32>)  : i32 {
          %parallel_loop3A_582 = arith.constant 16 : i32
          %parallel_loop3A_583 = arith.muli %parallel_loop3A_580, %parallel_loop3A_582 : i32
          %parallel_loop3A_584 = arith.index_cast %parallel_loop3A_583 : i32 to index
          %parallel_loop3A_585 = tpu.vector_load %arg9[%parallel_loop3A_584] {strides = array<i32>} : memref<4112xi32, #tpu.memory_space<vmem>>, vector<16xi32>,
          %parallel_loop3A_586 = arith.cmpi sge, %parallel_loop3A_585, %add3A_346 : vector<16xi32>
          %parallel_loop3A_587 = vector.broadcast %parallel_loop3A_580 : i32 to vector<16xi32>
          %parallel_loop3A_588 = arith.cmpi sgt, %parallel_loop3A_323, %parallel_loop3A_587 : vector<16xi32>
          %parallel_loop3A_589 = arith.andi %parallel_loop3A_586, %parallel_loop3A_588 : vector<16xi1>
          %parallel_loop3A_590 = tpu.all_reduce %parallel_loop3A_589 {dim = 0 : i64, kind = #tpu.reduction_kind<sum>} : vector<16xi1> -> vector<16xi32>
          %parallel_loop3A_591 = arith.addi %parallel_loop3A_581, %parallel_loop3A_590 : vector<16xi32>
          scf.yield %parallel_loop3A_591 : vector<16xi32>
        } {sc.loop_unroll_factor = 1 : i64, sc.parallel_access}
        %ge3A_350 = vector.broadcast %sub3A_319 : i32 to vector<16xi32>
        %ge3A_351 = arith.cmpi sge, %parallel_loop3A_349, %ge3A_350 : vector<16xi32>
        %select_n3A_352 = arith.select %ge3A_351, %add3A_346, %select_n3A_343 : vector<16xi1>, vector<16xi32>
        %add3A_353 = arith.constant 16777216 : i32
        %add3A_354 = vector.broadcast %add3A_353 : i32 to vector<16xi32>
        %add3A_355 = arith.addi %select_n3A_352, %add3A_354 : vector<16xi32>
        %parallel_loop3A_356 = arith.constant 0 : i32
        %parallel_loop3A_357 = arith.constant 1 : i32
        %parallel_loop3A_358 = scf.for %parallel_loop3A_580 = %parallel_loop3A_356 to %reduce_max3A_330 step %parallel_loop3A_357 iter_args(%parallel_loop3A_581 = %broadcast_in_dim3A_6) -> (vector<16xi32>)  : i32 {
          %parallel_loop3A_582 = arith.constant 16 : i32
          %parallel_loop3A_583 = arith.muli %parallel_loop3A_580, %parallel_loop3A_582 : i32
          %parallel_loop3A_584 = arith.index_cast %parallel_loop3A_583 : i32 to index
          %parallel_loop3A_585 = tpu.vector_load %arg9[%parallel_loop3A_584] {strides = array<i32>} : memref<4112xi32, #tpu.memory_space<vmem>>, vector<16xi32>,
          %parallel_loop3A_586 = arith.cmpi sge, %parallel_loop3A_585, %add3A_355 : vector<16xi32>
          %parallel_loop3A_587 = vector.broadcast %parallel_loop3A_580 : i32 to vector<16xi32>
          %parallel_loop3A_588 = arith.cmpi sgt, %parallel_loop3A_323, %parallel_loop3A_587 : vector<16xi32>
          %parallel_loop3A_589 = arith.andi %parallel_loop3A_586, %parallel_loop3A_588 : vector<16xi1>
          %parallel_loop3A_590 = tpu.all_reduce %parallel_loop3A_589 {dim = 0 : i64, kind = #tpu.reduction_kind<sum>} : vector<16xi1> -> vector<16xi32>
          %parallel_loop3A_591 = arith.addi %parallel_loop3A_581, %parallel_loop3A_590 : vector<16xi32>
          scf.yield %parallel_loop3A_591 : vector<16xi32>
        } {sc.loop_unroll_factor = 1 : i64, sc.parallel_access}
        %ge3A_359 = vector.broadcast %sub3A_319 : i32 to vector<16xi32>
        %ge3A_360 = arith.cmpi sge, %parallel_loop3A_358, %ge3A_359 : vector<16xi32>
        %select_n3A_361 = arith.select %ge3A_360, %add3A_355, %select_n3A_352 : vector<16xi1>, vector<16xi32>
        %add3A_362 = arith.constant 8388608 : i32
        %add3A_363 = vector.broadcast %add3A_362 : i32 to vector<16xi32>
        %add3A_364 = arith.addi %select_n3A_361, %add3A_363 : vector<16xi32>
        %parallel_loop3A_365 = arith.constant 0 : i32
        %parallel_loop3A_366 = arith.constant 1 : i32
        %parallel_loop3A_367 = scf.for %parallel_loop3A_580 = %parallel_loop3A_365 to %reduce_max3A_330 step %parallel_loop3A_366 iter_args(%parallel_loop3A_581 = %broadcast_in_dim3A_6) -> (vector<16xi32>)  : i32 {
          %parallel_loop3A_582 = arith.constant 16 : i32
          %parallel_loop3A_583 = arith.muli %parallel_loop3A_580, %parallel_loop3A_582 : i32
          %parallel_loop3A_584 = arith.index_cast %parallel_loop3A_583 : i32 to index
          %parallel_loop3A_585 = tpu.vector_load %arg9[%parallel_loop3A_584] {strides = array<i32>} : memref<4112xi32, #tpu.memory_space<vmem>>, vector<16xi32>,
          %parallel_loop3A_586 = arith.cmpi sge, %parallel_loop3A_585, %add3A_364 : vector<16xi32>
          %parallel_loop3A_587 = vector.broadcast %parallel_loop3A_580 : i32 to vector<16xi32>
          %parallel_loop3A_588 = arith.cmpi sgt, %parallel_loop3A_323, %parallel_loop3A_587 : vector<16xi32>
          %parallel_loop3A_589 = arith.andi %parallel_loop3A_586, %parallel_loop3A_588 : vector<16xi1>
          %parallel_loop3A_590 = tpu.all_reduce %parallel_loop3A_589 {dim = 0 : i64, kind = #tpu.reduction_kind<sum>} : vector<16xi1> -> vector<16xi32>
          %parallel_loop3A_591 = arith.addi %parallel_loop3A_581, %parallel_loop3A_590 : vector<16xi32>
          scf.yield %parallel_loop3A_591 : vector<16xi32>
        } {sc.loop_unroll_factor = 1 : i64, sc.parallel_access}
        %ge3A_368 = vector.broadcast %sub3A_319 : i32 to vector<16xi32>
        %ge3A_369 = arith.cmpi sge, %parallel_loop3A_367, %ge3A_368 : vector<16xi32>
        %select_n3A_370 = arith.select %ge3A_369, %add3A_364, %select_n3A_361 : vector<16xi1>, vector<16xi32>
        %add3A_371 = arith.constant 4194304 : i32
        %add3A_372 = vector.broadcast %add3A_371 : i32 to vector<16xi32>
        %add3A_373 = arith.addi %select_n3A_370, %add3A_372 : vector<16xi32>
        %parallel_loop3A_374 = arith.constant 0 : i32
        %parallel_loop3A_375 = arith.constant 1 : i32
        %parallel_loop3A_376 = scf.for %parallel_loop3A_580 = %parallel_loop3A_374 to %reduce_max3A_330 step %parallel_loop3A_375 iter_args(%parallel_loop3A_581 = %broadcast_in_dim3A_6) -> (vector<16xi32>)  : i32 {
          %parallel_loop3A_582 = arith.constant 16 : i32
          %parallel_loop3A_583 = arith.muli %parallel_loop3A_580, %parallel_loop3A_582 : i32
          %parallel_loop3A_584 = arith.index_cast %parallel_loop3A_583 : i32 to index
          %parallel_loop3A_585 = tpu.vector_load %arg9[%parallel_loop3A_584] {strides = array<i32>} : memref<4112xi32, #tpu.memory_space<vmem>>, vector<16xi32>,
          %parallel_loop3A_586 = arith.cmpi sge, %parallel_loop3A_585, %add3A_373 : vector<16xi32>
          %parallel_loop3A_587 = vector.broadcast %parallel_loop3A_580 : i32 to vector<16xi32>
          %parallel_loop3A_588 = arith.cmpi sgt, %parallel_loop3A_323, %parallel_loop3A_587 : vector<16xi32>
          %parallel_loop3A_589 = arith.andi %parallel_loop3A_586, %parallel_loop3A_588 : vector<16xi1>
          %parallel_loop3A_590 = tpu.all_reduce %parallel_loop3A_589 {dim = 0 : i64, kind = #tpu.reduction_kind<sum>} : vector<16xi1> -> vector<16xi32>
          %parallel_loop3A_591 = arith.addi %parallel_loop3A_581, %parallel_loop3A_590 : vector<16xi32>
          scf.yield %parallel_loop3A_591 : vector<16xi32>
        } {sc.loop_unroll_factor = 1 : i64, sc.parallel_access}
        %ge3A_377 = vector.broadcast %sub3A_319 : i32 to vector<16xi32>
        %ge3A_378 = arith.cmpi sge, %parallel_loop3A_376, %ge3A_377 : vector<16xi32>
        %select_n3A_379 = arith.select %ge3A_378, %add3A_373, %select_n3A_370 : vector<16xi1>, vector<16xi32>
        %add3A_380 = arith.constant 2097152 : i32
        %add3A_381 = vector.broadcast %add3A_380 : i32 to vector<16xi32>
        %add3A_382 = arith.addi %select_n3A_379, %add3A_381 : vector<16xi32>
        %parallel_loop3A_383 = arith.constant 0 : i32
        %parallel_loop3A_384 = arith.constant 1 : i32
        %parallel_loop3A_385 = scf.for %parallel_loop3A_580 = %parallel_loop3A_383 to %reduce_max3A_330 step %parallel_loop3A_384 iter_args(%parallel_loop3A_581 = %broadcast_in_dim3A_6) -> (vector<16xi32>)  : i32 {
          %parallel_loop3A_582 = arith.constant 16 : i32
          %parallel_loop3A_583 = arith.muli %parallel_loop3A_580, %parallel_loop3A_582 : i32
          %parallel_loop3A_584 = arith.index_cast %parallel_loop3A_583 : i32 to index
          %parallel_loop3A_585 = tpu.vector_load %arg9[%parallel_loop3A_584] {strides = array<i32>} : memref<4112xi32, #tpu.memory_space<vmem>>, vector<16xi32>,
          %parallel_loop3A_586 = arith.cmpi sge, %parallel_loop3A_585, %add3A_382 : vector<16xi32>
          %parallel_loop3A_587 = vector.broadcast %parallel_loop3A_580 : i32 to vector<16xi32>
          %parallel_loop3A_588 = arith.cmpi sgt, %parallel_loop3A_323, %parallel_loop3A_587 : vector<16xi32>
          %parallel_loop3A_589 = arith.andi %parallel_loop3A_586, %parallel_loop3A_588 : vector<16xi1>
          %parallel_loop3A_590 = tpu.all_reduce %parallel_loop3A_589 {dim = 0 : i64, kind = #tpu.reduction_kind<sum>} : vector<16xi1> -> vector<16xi32>
          %parallel_loop3A_591 = arith.addi %parallel_loop3A_581, %parallel_loop3A_590 : vector<16xi32>
          scf.yield %parallel_loop3A_591 : vector<16xi32>
        } {sc.loop_unroll_factor = 1 : i64, sc.parallel_access}
        %ge3A_386 = vector.broadcast %sub3A_319 : i32 to vector<16xi32>
        %ge3A_387 = arith.cmpi sge, %parallel_loop3A_385, %ge3A_386 : vector<16xi32>
        %select_n3A_388 = arith.select %ge3A_387, %add3A_382, %select_n3A_379 : vector<16xi1>, vector<16xi32>
        %add3A_389 = arith.constant 1048576 : i32
        %add3A_390 = vector.broadcast %add3A_389 : i32 to vector<16xi32>
        %add3A_391 = arith.addi %select_n3A_388, %add3A_390 : vector<16xi32>
        %parallel_loop3A_392 = arith.constant 0 : i32
        %parallel_loop3A_393 = arith.constant 1 : i32
        %parallel_loop3A_394 = scf.for %parallel_loop3A_580 = %parallel_loop3A_392 to %reduce_max3A_330 step %parallel_loop3A_393 iter_args(%parallel_loop3A_581 = %broadcast_in_dim3A_6) -> (vector<16xi32>)  : i32 {
          %parallel_loop3A_582 = arith.constant 16 : i32
          %parallel_loop3A_583 = arith.muli %parallel_loop3A_580, %parallel_loop3A_582 : i32
          %parallel_loop3A_584 = arith.index_cast %parallel_loop3A_583 : i32 to index
          %parallel_loop3A_585 = tpu.vector_load %arg9[%parallel_loop3A_584] {strides = array<i32>} : memref<4112xi32, #tpu.memory_space<vmem>>, vector<16xi32>,
          %parallel_loop3A_586 = arith.cmpi sge, %parallel_loop3A_585, %add3A_391 : vector<16xi32>
          %parallel_loop3A_587 = vector.broadcast %parallel_loop3A_580 : i32 to vector<16xi32>
          %parallel_loop3A_588 = arith.cmpi sgt, %parallel_loop3A_323, %parallel_loop3A_587 : vector<16xi32>
          %parallel_loop3A_589 = arith.andi %parallel_loop3A_586, %parallel_loop3A_588 : vector<16xi1>
          %parallel_loop3A_590 = tpu.all_reduce %parallel_loop3A_589 {dim = 0 : i64, kind = #tpu.reduction_kind<sum>} : vector<16xi1> -> vector<16xi32>
          %parallel_loop3A_591 = arith.addi %parallel_loop3A_581, %parallel_loop3A_590 : vector<16xi32>
          scf.yield %parallel_loop3A_591 : vector<16xi32>
        } {sc.loop_unroll_factor = 1 : i64, sc.parallel_access}
        %ge3A_395 = vector.broadcast %sub3A_319 : i32 to vector<16xi32>
        %ge3A_396 = arith.cmpi sge, %parallel_loop3A_394, %ge3A_395 : vector<16xi32>
        %select_n3A_397 = arith.select %ge3A_396, %add3A_391, %select_n3A_388 : vector<16xi1>, vector<16xi32>
        %add3A_398 = arith.constant 524288 : i32
        %add3A_399 = vector.broadcast %add3A_398 : i32 to vector<16xi32>
        %add3A_400 = arith.addi %select_n3A_397, %add3A_399 : vector<16xi32>
        %parallel_loop3A_401 = arith.constant 0 : i32
        %parallel_loop3A_402 = arith.constant 1 : i32
        %parallel_loop3A_403 = scf.for %parallel_loop3A_580 = %parallel_loop3A_401 to %reduce_max3A_330 step %parallel_loop3A_402 iter_args(%parallel_loop3A_581 = %broadcast_in_dim3A_6) -> (vector<16xi32>)  : i32 {
          %parallel_loop3A_582 = arith.constant 16 : i32
          %parallel_loop3A_583 = arith.muli %parallel_loop3A_580, %parallel_loop3A_582 : i32
          %parallel_loop3A_584 = arith.index_cast %parallel_loop3A_583 : i32 to index
          %parallel_loop3A_585 = tpu.vector_load %arg9[%parallel_loop3A_584] {strides = array<i32>} : memref<4112xi32, #tpu.memory_space<vmem>>, vector<16xi32>,
          %parallel_loop3A_586 = arith.cmpi sge, %parallel_loop3A_585, %add3A_400 : vector<16xi32>
          %parallel_loop3A_587 = vector.broadcast %parallel_loop3A_580 : i32 to vector<16xi32>
          %parallel_loop3A_588 = arith.cmpi sgt, %parallel_loop3A_323, %parallel_loop3A_587 : vector<16xi32>
          %parallel_loop3A_589 = arith.andi %parallel_loop3A_586, %parallel_loop3A_588 : vector<16xi1>
          %parallel_loop3A_590 = tpu.all_reduce %parallel_loop3A_589 {dim = 0 : i64, kind = #tpu.reduction_kind<sum>} : vector<16xi1> -> vector<16xi32>
          %parallel_loop3A_591 = arith.addi %parallel_loop3A_581, %parallel_loop3A_590 : vector<16xi32>
          scf.yield %parallel_loop3A_591 : vector<16xi32>
        } {sc.loop_unroll_factor = 1 : i64, sc.parallel_access}
        %ge3A_404 = vector.broadcast %sub3A_319 : i32 to vector<16xi32>
        %ge3A_405 = arith.cmpi sge, %parallel_loop3A_403, %ge3A_404 : vector<16xi32>
        %select_n3A_406 = arith.select %ge3A_405, %add3A_400, %select_n3A_397 : vector<16xi1>, vector<16xi32>
        %add3A_407 = arith.constant 262144 : i32
        %add3A_408 = vector.broadcast %add3A_407 : i32 to vector<16xi32>
        %add3A_409 = arith.addi %select_n3A_406, %add3A_408 : vector<16xi32>
        %parallel_loop3A_410 = arith.constant 0 : i32
        %parallel_loop3A_411 = arith.constant 1 : i32
        %parallel_loop3A_412 = scf.for %parallel_loop3A_580 = %parallel_loop3A_410 to %reduce_max3A_330 step %parallel_loop3A_411 iter_args(%parallel_loop3A_581 = %broadcast_in_dim3A_6) -> (vector<16xi32>)  : i32 {
          %parallel_loop3A_582 = arith.constant 16 : i32
          %parallel_loop3A_583 = arith.muli %parallel_loop3A_580, %parallel_loop3A_582 : i32
          %parallel_loop3A_584 = arith.index_cast %parallel_loop3A_583 : i32 to index
          %parallel_loop3A_585 = tpu.vector_load %arg9[%parallel_loop3A_584] {strides = array<i32>} : memref<4112xi32, #tpu.memory_space<vmem>>, vector<16xi32>,
          %parallel_loop3A_586 = arith.cmpi sge, %parallel_loop3A_585, %add3A_409 : vector<16xi32>
          %parallel_loop3A_587 = vector.broadcast %parallel_loop3A_580 : i32 to vector<16xi32>
          %parallel_loop3A_588 = arith.cmpi sgt, %parallel_loop3A_323, %parallel_loop3A_587 : vector<16xi32>
          %parallel_loop3A_589 = arith.andi %parallel_loop3A_586, %parallel_loop3A_588 : vector<16xi1>
          %parallel_loop3A_590 = tpu.all_reduce %parallel_loop3A_589 {dim = 0 : i64, kind = #tpu.reduction_kind<sum>} : vector<16xi1> -> vector<16xi32>
          %parallel_loop3A_591 = arith.addi %parallel_loop3A_581, %parallel_loop3A_590 : vector<16xi32>
          scf.yield %parallel_loop3A_591 : vector<16xi32>
        } {sc.loop_unroll_factor = 1 : i64, sc.parallel_access}
        %ge3A_413 = vector.broadcast %sub3A_319 : i32 to vector<16xi32>
        %ge3A_414 = arith.cmpi sge, %parallel_loop3A_412, %ge3A_413 : vector<16xi32>
        %select_n3A_415 = arith.select %ge3A_414, %add3A_409, %select_n3A_406 : vector<16xi1>, vector<16xi32>
        %add3A_416 = arith.constant 131072 : i32
        %add3A_417 = vector.broadcast %add3A_416 : i32 to vector<16xi32>
        %add3A_418 = arith.addi %select_n3A_415, %add3A_417 : vector<16xi32>
        %parallel_loop3A_419 = arith.constant 0 : i32
        %parallel_loop3A_420 = arith.constant 1 : i32
        %parallel_loop3A_421 = scf.for %parallel_loop3A_580 = %parallel_loop3A_419 to %reduce_max3A_330 step %parallel_loop3A_420 iter_args(%parallel_loop3A_581 = %broadcast_in_dim3A_6) -> (vector<16xi32>)  : i32 {
          %parallel_loop3A_582 = arith.constant 16 : i32
          %parallel_loop3A_583 = arith.muli %parallel_loop3A_580, %parallel_loop3A_582 : i32
          %parallel_loop3A_584 = arith.index_cast %parallel_loop3A_583 : i32 to index
          %parallel_loop3A_585 = tpu.vector_load %arg9[%parallel_loop3A_584] {strides = array<i32>} : memref<4112xi32, #tpu.memory_space<vmem>>, vector<16xi32>,
          %parallel_loop3A_586 = arith.cmpi sge, %parallel_loop3A_585, %add3A_418 : vector<16xi32>
          %parallel_loop3A_587 = vector.broadcast %parallel_loop3A_580 : i32 to vector<16xi32>
          %parallel_loop3A_588 = arith.cmpi sgt, %parallel_loop3A_323, %parallel_loop3A_587 : vector<16xi32>
          %parallel_loop3A_589 = arith.andi %parallel_loop3A_586, %parallel_loop3A_588 : vector<16xi1>
          %parallel_loop3A_590 = tpu.all_reduce %parallel_loop3A_589 {dim = 0 : i64, kind = #tpu.reduction_kind<sum>} : vector<16xi1> -> vector<16xi32>
          %parallel_loop3A_591 = arith.addi %parallel_loop3A_581, %parallel_loop3A_590 : vector<16xi32>
          scf.yield %parallel_loop3A_591 : vector<16xi32>
        } {sc.loop_unroll_factor = 1 : i64, sc.parallel_access}
        %ge3A_422 = vector.broadcast %sub3A_319 : i32 to vector<16xi32>
        %ge3A_423 = arith.cmpi sge, %parallel_loop3A_421, %ge3A_422 : vector<16xi32>
        %select_n3A_424 = arith.select %ge3A_423, %add3A_418, %select_n3A_415 : vector<16xi1>, vector<16xi32>
        %add3A_425 = arith.constant 65536 : i32
        %add3A_426 = vector.broadcast %add3A_425 : i32 to vector<16xi32>
        %add3A_427 = arith.addi %select_n3A_424, %add3A_426 : vector<16xi32>
        %parallel_loop3A_428 = arith.constant 0 : i32
        %parallel_loop3A_429 = arith.constant 1 : i32
        %parallel_loop3A_430 = scf.for %parallel_loop3A_580 = %parallel_loop3A_428 to %reduce_max3A_330 step %parallel_loop3A_429 iter_args(%parallel_loop3A_581 = %broadcast_in_dim3A_6) -> (vector<16xi32>)  : i32 {
          %parallel_loop3A_582 = arith.constant 16 : i32
          %parallel_loop3A_583 = arith.muli %parallel_loop3A_580, %parallel_loop3A_582 : i32
          %parallel_loop3A_584 = arith.index_cast %parallel_loop3A_583 : i32 to index
          %parallel_loop3A_585 = tpu.vector_load %arg9[%parallel_loop3A_584] {strides = array<i32>} : memref<4112xi32, #tpu.memory_space<vmem>>, vector<16xi32>,
          %parallel_loop3A_586 = arith.cmpi sge, %parallel_loop3A_585, %add3A_427 : vector<16xi32>
          %parallel_loop3A_587 = vector.broadcast %parallel_loop3A_580 : i32 to vector<16xi32>
          %parallel_loop3A_588 = arith.cmpi sgt, %parallel_loop3A_323, %parallel_loop3A_587 : vector<16xi32>
          %parallel_loop3A_589 = arith.andi %parallel_loop3A_586, %parallel_loop3A_588 : vector<16xi1>
          %parallel_loop3A_590 = tpu.all_reduce %parallel_loop3A_589 {dim = 0 : i64, kind = #tpu.reduction_kind<sum>} : vector<16xi1> -> vector<16xi32>
          %parallel_loop3A_591 = arith.addi %parallel_loop3A_581, %parallel_loop3A_590 : vector<16xi32>
          scf.yield %parallel_loop3A_591 : vector<16xi32>
        } {sc.loop_unroll_factor = 1 : i64, sc.parallel_access}
        %ge3A_431 = vector.broadcast %sub3A_319 : i32 to vector<16xi32>
        %ge3A_432 = arith.cmpi sge, %parallel_loop3A_430, %ge3A_431 : vector<16xi32>
        %select_n3A_433 = arith.select %ge3A_432, %add3A_427, %select_n3A_424 : vector<16xi1>, vector<16xi32>
        %add3A_434 = arith.constant 32768 : i32
        %add3A_435 = vector.broadcast %add3A_434 : i32 to vector<16xi32>
        %add3A_436 = arith.addi %select_n3A_433, %add3A_435 : vector<16xi32>
        %parallel_loop3A_437 = arith.constant 0 : i32
        %parallel_loop3A_438 = arith.constant 1 : i32
        %parallel_loop3A_439 = scf.for %parallel_loop3A_580 = %parallel_loop3A_437 to %reduce_max3A_330 step %parallel_loop3A_438 iter_args(%parallel_loop3A_581 = %broadcast_in_dim3A_6) -> (vector<16xi32>)  : i32 {
          %parallel_loop3A_582 = arith.constant 16 : i32
          %parallel_loop3A_583 = arith.muli %parallel_loop3A_580, %parallel_loop3A_582 : i32
          %parallel_loop3A_584 = arith.index_cast %parallel_loop3A_583 : i32 to index
          %parallel_loop3A_585 = tpu.vector_load %arg9[%parallel_loop3A_584] {strides = array<i32>} : memref<4112xi32, #tpu.memory_space<vmem>>, vector<16xi32>,
          %parallel_loop3A_586 = arith.cmpi sge, %parallel_loop3A_585, %add3A_436 : vector<16xi32>
          %parallel_loop3A_587 = vector.broadcast %parallel_loop3A_580 : i32 to vector<16xi32>
          %parallel_loop3A_588 = arith.cmpi sgt, %parallel_loop3A_323, %parallel_loop3A_587 : vector<16xi32>
          %parallel_loop3A_589 = arith.andi %parallel_loop3A_586, %parallel_loop3A_588 : vector<16xi1>
          %parallel_loop3A_590 = tpu.all_reduce %parallel_loop3A_589 {dim = 0 : i64, kind = #tpu.reduction_kind<sum>} : vector<16xi1> -> vector<16xi32>
          %parallel_loop3A_591 = arith.addi %parallel_loop3A_581, %parallel_loop3A_590 : vector<16xi32>
          scf.yield %parallel_loop3A_591 : vector<16xi32>
        } {sc.loop_unroll_factor = 1 : i64, sc.parallel_access}
        %ge3A_440 = vector.broadcast %sub3A_319 : i32 to vector<16xi32>
        %ge3A_441 = arith.cmpi sge, %parallel_loop3A_439, %ge3A_440 : vector<16xi32>
        %select_n3A_442 = arith.select %ge3A_441, %add3A_436, %select_n3A_433 : vector<16xi1>, vector<16xi32>
        %add3A_443 = arith.constant 16384 : i32
        %add3A_444 = vector.broadcast %add3A_443 : i32 to vector<16xi32>
        %add3A_445 = arith.addi %select_n3A_442, %add3A_444 : vector<16xi32>
        %parallel_loop3A_446 = arith.constant 0 : i32
        %parallel_loop3A_447 = arith.constant 1 : i32
        %parallel_loop3A_448 = scf.for %parallel_loop3A_580 = %parallel_loop3A_446 to %reduce_max3A_330 step %parallel_loop3A_447 iter_args(%parallel_loop3A_581 = %broadcast_in_dim3A_6) -> (vector<16xi32>)  : i32 {
          %parallel_loop3A_582 = arith.constant 16 : i32
          %parallel_loop3A_583 = arith.muli %parallel_loop3A_580, %parallel_loop3A_582 : i32
          %parallel_loop3A_584 = arith.index_cast %parallel_loop3A_583 : i32 to index
          %parallel_loop3A_585 = tpu.vector_load %arg9[%parallel_loop3A_584] {strides = array<i32>} : memref<4112xi32, #tpu.memory_space<vmem>>, vector<16xi32>,
          %parallel_loop3A_586 = arith.cmpi sge, %parallel_loop3A_585, %add3A_445 : vector<16xi32>
          %parallel_loop3A_587 = vector.broadcast %parallel_loop3A_580 : i32 to vector<16xi32>
          %parallel_loop3A_588 = arith.cmpi sgt, %parallel_loop3A_323, %parallel_loop3A_587 : vector<16xi32>
          %parallel_loop3A_589 = arith.andi %parallel_loop3A_586, %parallel_loop3A_588 : vector<16xi1>
          %parallel_loop3A_590 = tpu.all_reduce %parallel_loop3A_589 {dim = 0 : i64, kind = #tpu.reduction_kind<sum>} : vector<16xi1> -> vector<16xi32>
          %parallel_loop3A_591 = arith.addi %parallel_loop3A_581, %parallel_loop3A_590 : vector<16xi32>
          scf.yield %parallel_loop3A_591 : vector<16xi32>
        } {sc.loop_unroll_factor = 1 : i64, sc.parallel_access}
        %ge3A_449 = vector.broadcast %sub3A_319 : i32 to vector<16xi32>
        %ge3A_450 = arith.cmpi sge, %parallel_loop3A_448, %ge3A_449 : vector<16xi32>
        %select_n3A_451 = arith.select %ge3A_450, %add3A_445, %select_n3A_442 : vector<16xi1>, vector<16xi32>
        %add3A_452 = arith.constant 8192 : i32
        %add3A_453 = vector.broadcast %add3A_452 : i32 to vector<16xi32>
        %add3A_454 = arith.addi %select_n3A_451, %add3A_453 : vector<16xi32>
        %parallel_loop3A_455 = arith.constant 0 : i32
        %parallel_loop3A_456 = arith.constant 1 : i32
        %parallel_loop3A_457 = scf.for %parallel_loop3A_580 = %parallel_loop3A_455 to %reduce_max3A_330 step %parallel_loop3A_456 iter_args(%parallel_loop3A_581 = %broadcast_in_dim3A_6) -> (vector<16xi32>)  : i32 {
          %parallel_loop3A_582 = arith.constant 16 : i32
          %parallel_loop3A_583 = arith.muli %parallel_loop3A_580, %parallel_loop3A_582 : i32
          %parallel_loop3A_584 = arith.index_cast %parallel_loop3A_583 : i32 to index
          %parallel_loop3A_585 = tpu.vector_load %arg9[%parallel_loop3A_584] {strides = array<i32>} : memref<4112xi32, #tpu.memory_space<vmem>>, vector<16xi32>,
          %parallel_loop3A_586 = arith.cmpi sge, %parallel_loop3A_585, %add3A_454 : vector<16xi32>
          %parallel_loop3A_587 = vector.broadcast %parallel_loop3A_580 : i32 to vector<16xi32>
          %parallel_loop3A_588 = arith.cmpi sgt, %parallel_loop3A_323, %parallel_loop3A_587 : vector<16xi32>
          %parallel_loop3A_589 = arith.andi %parallel_loop3A_586, %parallel_loop3A_588 : vector<16xi1>
          %parallel_loop3A_590 = tpu.all_reduce %parallel_loop3A_589 {dim = 0 : i64, kind = #tpu.reduction_kind<sum>} : vector<16xi1> -> vector<16xi32>
          %parallel_loop3A_591 = arith.addi %parallel_loop3A_581, %parallel_loop3A_590 : vector<16xi32>
          scf.yield %parallel_loop3A_591 : vector<16xi32>
        } {sc.loop_unroll_factor = 1 : i64, sc.parallel_access}
        %ge3A_458 = vector.broadcast %sub3A_319 : i32 to vector<16xi32>
        %ge3A_459 = arith.cmpi sge, %parallel_loop3A_457, %ge3A_458 : vector<16xi32>
        %select_n3A_460 = arith.select %ge3A_459, %add3A_454, %select_n3A_451 : vector<16xi1>, vector<16xi32>
        %add3A_461 = arith.constant 4096 : i32
        %add3A_462 = vector.broadcast %add3A_461 : i32 to vector<16xi32>
        %add3A_463 = arith.addi %select_n3A_460, %add3A_462 : vector<16xi32>
        %parallel_loop3A_464 = arith.constant 0 : i32
        %parallel_loop3A_465 = arith.constant 1 : i32
        %parallel_loop3A_466 = scf.for %parallel_loop3A_580 = %parallel_loop3A_464 to %reduce_max3A_330 step %parallel_loop3A_465 iter_args(%parallel_loop3A_581 = %broadcast_in_dim3A_6) -> (vector<16xi32>)  : i32 {
          %parallel_loop3A_582 = arith.constant 16 : i32
          %parallel_loop3A_583 = arith.muli %parallel_loop3A_580, %parallel_loop3A_582 : i32
          %parallel_loop3A_584 = arith.index_cast %parallel_loop3A_583 : i32 to index
          %parallel_loop3A_585 = tpu.vector_load %arg9[%parallel_loop3A_584] {strides = array<i32>} : memref<4112xi32, #tpu.memory_space<vmem>>, vector<16xi32>,
          %parallel_loop3A_586 = arith.cmpi sge, %parallel_loop3A_585, %add3A_463 : vector<16xi32>
          %parallel_loop3A_587 = vector.broadcast %parallel_loop3A_580 : i32 to vector<16xi32>
          %parallel_loop3A_588 = arith.cmpi sgt, %parallel_loop3A_323, %parallel_loop3A_587 : vector<16xi32>
          %parallel_loop3A_589 = arith.andi %parallel_loop3A_586, %parallel_loop3A_588 : vector<16xi1>
          %parallel_loop3A_590 = tpu.all_reduce %parallel_loop3A_589 {dim = 0 : i64, kind = #tpu.reduction_kind<sum>} : vector<16xi1> -> vector<16xi32>
          %parallel_loop3A_591 = arith.addi %parallel_loop3A_581, %parallel_loop3A_590 : vector<16xi32>
          scf.yield %parallel_loop3A_591 : vector<16xi32>
        } {sc.loop_unroll_factor = 1 : i64, sc.parallel_access}
        %ge3A_467 = vector.broadcast %sub3A_319 : i32 to vector<16xi32>
        %ge3A_468 = arith.cmpi sge, %parallel_loop3A_466, %ge3A_467 : vector<16xi32>
        %select_n3A_469 = arith.select %ge3A_468, %add3A_463, %select_n3A_460 : vector<16xi1>, vector<16xi32>
        %add3A_470 = arith.constant 2048 : i32
        %add3A_471 = vector.broadcast %add3A_470 : i32 to vector<16xi32>
        %add3A_472 = arith.addi %select_n3A_469, %add3A_471 : vector<16xi32>
        %parallel_loop3A_473 = arith.constant 0 : i32
        %parallel_loop3A_474 = arith.constant 1 : i32
        %parallel_loop3A_475 = scf.for %parallel_loop3A_580 = %parallel_loop3A_473 to %reduce_max3A_330 step %parallel_loop3A_474 iter_args(%parallel_loop3A_581 = %broadcast_in_dim3A_6) -> (vector<16xi32>)  : i32 {
          %parallel_loop3A_582 = arith.constant 16 : i32
          %parallel_loop3A_583 = arith.muli %parallel_loop3A_580, %parallel_loop3A_582 : i32
          %parallel_loop3A_584 = arith.index_cast %parallel_loop3A_583 : i32 to index
          %parallel_loop3A_585 = tpu.vector_load %arg9[%parallel_loop3A_584] {strides = array<i32>} : memref<4112xi32, #tpu.memory_space<vmem>>, vector<16xi32>,
          %parallel_loop3A_586 = arith.cmpi sge, %parallel_loop3A_585, %add3A_472 : vector<16xi32>
          %parallel_loop3A_587 = vector.broadcast %parallel_loop3A_580 : i32 to vector<16xi32>
          %parallel_loop3A_588 = arith.cmpi sgt, %parallel_loop3A_323, %parallel_loop3A_587 : vector<16xi32>
          %parallel_loop3A_589 = arith.andi %parallel_loop3A_586, %parallel_loop3A_588 : vector<16xi1>
          %parallel_loop3A_590 = tpu.all_reduce %parallel_loop3A_589 {dim = 0 : i64, kind = #tpu.reduction_kind<sum>} : vector<16xi1> -> vector<16xi32>
          %parallel_loop3A_591 = arith.addi %parallel_loop3A_581, %parallel_loop3A_590 : vector<16xi32>
          scf.yield %parallel_loop3A_591 : vector<16xi32>
        } {sc.loop_unroll_factor = 1 : i64, sc.parallel_access}
        %ge3A_476 = vector.broadcast %sub3A_319 : i32 to vector<16xi32>
        %ge3A_477 = arith.cmpi sge, %parallel_loop3A_475, %ge3A_476 : vector<16xi32>
        %select_n3A_478 = arith.select %ge3A_477, %add3A_472, %select_n3A_469 : vector<16xi1>, vector<16xi32>
        %add3A_479 = arith.constant 1024 : i32
        %add3A_480 = vector.broadcast %add3A_479 : i32 to vector<16xi32>
        %add3A_481 = arith.addi %select_n3A_478, %add3A_480 : vector<16xi32>
        %parallel_loop3A_482 = arith.constant 0 : i32
        %parallel_loop3A_483 = arith.constant 1 : i32
        %parallel_loop3A_484 = scf.for %parallel_loop3A_580 = %parallel_loop3A_482 to %reduce_max3A_330 step %parallel_loop3A_483 iter_args(%parallel_loop3A_581 = %broadcast_in_dim3A_6) -> (vector<16xi32>)  : i32 {
          %parallel_loop3A_582 = arith.constant 16 : i32
          %parallel_loop3A_583 = arith.muli %parallel_loop3A_580, %parallel_loop3A_582 : i32
          %parallel_loop3A_584 = arith.index_cast %parallel_loop3A_583 : i32 to index
          %parallel_loop3A_585 = tpu.vector_load %arg9[%parallel_loop3A_584] {strides = array<i32>} : memref<4112xi32, #tpu.memory_space<vmem>>, vector<16xi32>,
          %parallel_loop3A_586 = arith.cmpi sge, %parallel_loop3A_585, %add3A_481 : vector<16xi32>
          %parallel_loop3A_587 = vector.broadcast %parallel_loop3A_580 : i32 to vector<16xi32>
          %parallel_loop3A_588 = arith.cmpi sgt, %parallel_loop3A_323, %parallel_loop3A_587 : vector<16xi32>
          %parallel_loop3A_589 = arith.andi %parallel_loop3A_586, %parallel_loop3A_588 : vector<16xi1>
          %parallel_loop3A_590 = tpu.all_reduce %parallel_loop3A_589 {dim = 0 : i64, kind = #tpu.reduction_kind<sum>} : vector<16xi1> -> vector<16xi32>
          %parallel_loop3A_591 = arith.addi %parallel_loop3A_581, %parallel_loop3A_590 : vector<16xi32>
          scf.yield %parallel_loop3A_591 : vector<16xi32>
        } {sc.loop_unroll_factor = 1 : i64, sc.parallel_access}
        %ge3A_485 = vector.broadcast %sub3A_319 : i32 to vector<16xi32>
        %ge3A_486 = arith.cmpi sge, %parallel_loop3A_484, %ge3A_485 : vector<16xi32>
        %select_n3A_487 = arith.select %ge3A_486, %add3A_481, %select_n3A_478 : vector<16xi1>, vector<16xi32>
        %add3A_488 = arith.constant 512 : i32
        %add3A_489 = vector.broadcast %add3A_488 : i32 to vector<16xi32>
        %add3A_490 = arith.addi %select_n3A_487, %add3A_489 : vector<16xi32>
        %parallel_loop3A_491 = arith.constant 0 : i32
        %parallel_loop3A_492 = arith.constant 1 : i32
        %parallel_loop3A_493 = scf.for %parallel_loop3A_580 = %parallel_loop3A_491 to %reduce_max3A_330 step %parallel_loop3A_492 iter_args(%parallel_loop3A_581 = %broadcast_in_dim3A_6) -> (vector<16xi32>)  : i32 {
          %parallel_loop3A_582 = arith.constant 16 : i32
          %parallel_loop3A_583 = arith.muli %parallel_loop3A_580, %parallel_loop3A_582 : i32
          %parallel_loop3A_584 = arith.index_cast %parallel_loop3A_583 : i32 to index
          %parallel_loop3A_585 = tpu.vector_load %arg9[%parallel_loop3A_584] {strides = array<i32>} : memref<4112xi32, #tpu.memory_space<vmem>>, vector<16xi32>,
          %parallel_loop3A_586 = arith.cmpi sge, %parallel_loop3A_585, %add3A_490 : vector<16xi32>
          %parallel_loop3A_587 = vector.broadcast %parallel_loop3A_580 : i32 to vector<16xi32>
          %parallel_loop3A_588 = arith.cmpi sgt, %parallel_loop3A_323, %parallel_loop3A_587 : vector<16xi32>
          %parallel_loop3A_589 = arith.andi %parallel_loop3A_586, %parallel_loop3A_588 : vector<16xi1>
          %parallel_loop3A_590 = tpu.all_reduce %parallel_loop3A_589 {dim = 0 : i64, kind = #tpu.reduction_kind<sum>} : vector<16xi1> -> vector<16xi32>
          %parallel_loop3A_591 = arith.addi %parallel_loop3A_581, %parallel_loop3A_590 : vector<16xi32>
          scf.yield %parallel_loop3A_591 : vector<16xi32>
        } {sc.loop_unroll_factor = 1 : i64, sc.parallel_access}
        %ge3A_494 = vector.broadcast %sub3A_319 : i32 to vector<16xi32>
        %ge3A_495 = arith.cmpi sge, %parallel_loop3A_493, %ge3A_494 : vector<16xi32>
        %select_n3A_496 = arith.select %ge3A_495, %add3A_490, %select_n3A_487 : vector<16xi1>, vector<16xi32>
        %add3A_497 = arith.constant 256 : i32
        %add3A_498 = vector.broadcast %add3A_497 : i32 to vector<16xi32>
        %add3A_499 = arith.addi %select_n3A_496, %add3A_498 : vector<16xi32>
        %parallel_loop3A_500 = arith.constant 0 : i32
        %parallel_loop3A_501 = arith.constant 1 : i32
        %parallel_loop3A_502 = scf.for %parallel_loop3A_580 = %parallel_loop3A_500 to %reduce_max3A_330 step %parallel_loop3A_501 iter_args(%parallel_loop3A_581 = %broadcast_in_dim3A_6) -> (vector<16xi32>)  : i32 {
          %parallel_loop3A_582 = arith.constant 16 : i32
          %parallel_loop3A_583 = arith.muli %parallel_loop3A_580, %parallel_loop3A_582 : i32
          %parallel_loop3A_584 = arith.index_cast %parallel_loop3A_583 : i32 to index
          %parallel_loop3A_585 = tpu.vector_load %arg9[%parallel_loop3A_584] {strides = array<i32>} : memref<4112xi32, #tpu.memory_space<vmem>>, vector<16xi32>,
          %parallel_loop3A_586 = arith.cmpi sge, %parallel_loop3A_585, %add3A_499 : vector<16xi32>
          %parallel_loop3A_587 = vector.broadcast %parallel_loop3A_580 : i32 to vector<16xi32>
          %parallel_loop3A_588 = arith.cmpi sgt, %parallel_loop3A_323, %parallel_loop3A_587 : vector<16xi32>
          %parallel_loop3A_589 = arith.andi %parallel_loop3A_586, %parallel_loop3A_588 : vector<16xi1>
          %parallel_loop3A_590 = tpu.all_reduce %parallel_loop3A_589 {dim = 0 : i64, kind = #tpu.reduction_kind<sum>} : vector<16xi1> -> vector<16xi32>
          %parallel_loop3A_591 = arith.addi %parallel_loop3A_581, %parallel_loop3A_590 : vector<16xi32>
          scf.yield %parallel_loop3A_591 : vector<16xi32>
        } {sc.loop_unroll_factor = 1 : i64, sc.parallel_access}
        %ge3A_503 = vector.broadcast %sub3A_319 : i32 to vector<16xi32>
        %ge3A_504 = arith.cmpi sge, %parallel_loop3A_502, %ge3A_503 : vector<16xi32>
        %select_n3A_505 = arith.select %ge3A_504, %add3A_499, %select_n3A_496 : vector<16xi1>, vector<16xi32>
        %add3A_506 = arith.constant 128 : i32
        %add3A_507 = vector.broadcast %add3A_506 : i32 to vector<16xi32>
        %add3A_508 = arith.addi %select_n3A_505, %add3A_507 : vector<16xi32>
        %parallel_loop3A_509 = arith.constant 0 : i32
        %parallel_loop3A_510 = arith.constant 1 : i32
        %parallel_loop3A_511 = scf.for %parallel_loop3A_580 = %parallel_loop3A_509 to %reduce_max3A_330 step %parallel_loop3A_510 iter_args(%parallel_loop3A_581 = %broadcast_in_dim3A_6) -> (vector<16xi32>)  : i32 {
          %parallel_loop3A_582 = arith.constant 16 : i32
          %parallel_loop3A_583 = arith.muli %parallel_loop3A_580, %parallel_loop3A_582 : i32
          %parallel_loop3A_584 = arith.index_cast %parallel_loop3A_583 : i32 to index
          %parallel_loop3A_585 = tpu.vector_load %arg9[%parallel_loop3A_584] {strides = array<i32>} : memref<4112xi32, #tpu.memory_space<vmem>>, vector<16xi32>,
          %parallel_loop3A_586 = arith.cmpi sge, %parallel_loop3A_585, %add3A_508 : vector<16xi32>
          %parallel_loop3A_587 = vector.broadcast %parallel_loop3A_580 : i32 to vector<16xi32>
          %parallel_loop3A_588 = arith.cmpi sgt, %parallel_loop3A_323, %parallel_loop3A_587 : vector<16xi32>
          %parallel_loop3A_589 = arith.andi %parallel_loop3A_586, %parallel_loop3A_588 : vector<16xi1>
          %parallel_loop3A_590 = tpu.all_reduce %parallel_loop3A_589 {dim = 0 : i64, kind = #tpu.reduction_kind<sum>} : vector<16xi1> -> vector<16xi32>
          %parallel_loop3A_591 = arith.addi %parallel_loop3A_581, %parallel_loop3A_590 : vector<16xi32>
          scf.yield %parallel_loop3A_591 : vector<16xi32>
        } {sc.loop_unroll_factor = 1 : i64, sc.parallel_access}
        %ge3A_512 = vector.broadcast %sub3A_319 : i32 to vector<16xi32>
        %ge3A_513 = arith.cmpi sge, %parallel_loop3A_511, %ge3A_512 : vector<16xi32>
        %select_n3A_514 = arith.select %ge3A_513, %add3A_508, %select_n3A_505 : vector<16xi1>, vector<16xi32>
        %add3A_515 = arith.constant 64 : i32
        %add3A_516 = vector.broadcast %add3A_515 : i32 to vector<16xi32>
        %add3A_517 = arith.addi %select_n3A_514, %add3A_516 : vector<16xi32>
        %parallel_loop3A_518 = arith.constant 0 : i32
        %parallel_loop3A_519 = arith.constant 1 : i32
        %parallel_loop3A_520 = scf.for %parallel_loop3A_580 = %parallel_loop3A_518 to %reduce_max3A_330 step %parallel_loop3A_519 iter_args(%parallel_loop3A_581 = %broadcast_in_dim3A_6) -> (vector<16xi32>)  : i32 {
          %parallel_loop3A_582 = arith.constant 16 : i32
          %parallel_loop3A_583 = arith.muli %parallel_loop3A_580, %parallel_loop3A_582 : i32
          %parallel_loop3A_584 = arith.index_cast %parallel_loop3A_583 : i32 to index
          %parallel_loop3A_585 = tpu.vector_load %arg9[%parallel_loop3A_584] {strides = array<i32>} : memref<4112xi32, #tpu.memory_space<vmem>>, vector<16xi32>,
          %parallel_loop3A_586 = arith.cmpi sge, %parallel_loop3A_585, %add3A_517 : vector<16xi32>
          %parallel_loop3A_587 = vector.broadcast %parallel_loop3A_580 : i32 to vector<16xi32>
          %parallel_loop3A_588 = arith.cmpi sgt, %parallel_loop3A_323, %parallel_loop3A_587 : vector<16xi32>
          %parallel_loop3A_589 = arith.andi %parallel_loop3A_586, %parallel_loop3A_588 : vector<16xi1>
          %parallel_loop3A_590 = tpu.all_reduce %parallel_loop3A_589 {dim = 0 : i64, kind = #tpu.reduction_kind<sum>} : vector<16xi1> -> vector<16xi32>
          %parallel_loop3A_591 = arith.addi %parallel_loop3A_581, %parallel_loop3A_590 : vector<16xi32>
          scf.yield %parallel_loop3A_591 : vector<16xi32>
        } {sc.loop_unroll_factor = 1 : i64, sc.parallel_access}
        %ge3A_521 = vector.broadcast %sub3A_319 : i32 to vector<16xi32>
        %ge3A_522 = arith.cmpi sge, %parallel_loop3A_520, %ge3A_521 : vector<16xi32>
        %select_n3A_523 = arith.select %ge3A_522, %add3A_517, %select_n3A_514 : vector<16xi1>, vector<16xi32>
        %add3A_524 = arith.constant 32 : i32
        %add3A_525 = vector.broadcast %add3A_524 : i32 to vector<16xi32>
        %add3A_526 = arith.addi %select_n3A_523, %add3A_525 : vector<16xi32>
        %parallel_loop3A_527 = arith.constant 0 : i32
        %parallel_loop3A_528 = arith.constant 1 : i32
        %parallel_loop3A_529 = scf.for %parallel_loop3A_580 = %parallel_loop3A_527 to %reduce_max3A_330 step %parallel_loop3A_528 iter_args(%parallel_loop3A_581 = %broadcast_in_dim3A_6) -> (vector<16xi32>)  : i32 {
          %parallel_loop3A_582 = arith.constant 16 : i32
          %parallel_loop3A_583 = arith.muli %parallel_loop3A_580, %parallel_loop3A_582 : i32
          %parallel_loop3A_584 = arith.index_cast %parallel_loop3A_583 : i32 to index
          %parallel_loop3A_585 = tpu.vector_load %arg9[%parallel_loop3A_584] {strides = array<i32>} : memref<4112xi32, #tpu.memory_space<vmem>>, vector<16xi32>,
          %parallel_loop3A_586 = arith.cmpi sge, %parallel_loop3A_585, %add3A_526 : vector<16xi32>
          %parallel_loop3A_587 = vector.broadcast %parallel_loop3A_580 : i32 to vector<16xi32>
          %parallel_loop3A_588 = arith.cmpi sgt, %parallel_loop3A_323, %parallel_loop3A_587 : vector<16xi32>
          %parallel_loop3A_589 = arith.andi %parallel_loop3A_586, %parallel_loop3A_588 : vector<16xi1>
          %parallel_loop3A_590 = tpu.all_reduce %parallel_loop3A_589 {dim = 0 : i64, kind = #tpu.reduction_kind<sum>} : vector<16xi1> -> vector<16xi32>
          %parallel_loop3A_591 = arith.addi %parallel_loop3A_581, %parallel_loop3A_590 : vector<16xi32>
          scf.yield %parallel_loop3A_591 : vector<16xi32>
        } {sc.loop_unroll_factor = 1 : i64, sc.parallel_access}
        %ge3A_530 = vector.broadcast %sub3A_319 : i32 to vector<16xi32>
        %ge3A_531 = arith.cmpi sge, %parallel_loop3A_529, %ge3A_530 : vector<16xi32>
        %select_n3A_532 = arith.select %ge3A_531, %add3A_526, %select_n3A_523 : vector<16xi1>, vector<16xi32>
        %add3A_533 = arith.constant 16 : i32
        %add3A_534 = vector.broadcast %add3A_533 : i32 to vector<16xi32>
        %add3A_535 = arith.addi %select_n3A_532, %add3A_534 : vector<16xi32>
        %parallel_loop3A_536 = arith.constant 0 : i32
        %parallel_loop3A_537 = arith.constant 1 : i32
        %parallel_loop3A_538 = scf.for %parallel_loop3A_580 = %parallel_loop3A_536 to %reduce_max3A_330 step %parallel_loop3A_537 iter_args(%parallel_loop3A_581 = %broadcast_in_dim3A_6) -> (vector<16xi32>)  : i32 {
          %parallel_loop3A_582 = arith.constant 16 : i32
          %parallel_loop3A_583 = arith.muli %parallel_loop3A_580, %parallel_loop3A_582 : i32
          %parallel_loop3A_584 = arith.index_cast %parallel_loop3A_583 : i32 to index
          %parallel_loop3A_585 = tpu.vector_load %arg9[%parallel_loop3A_584] {strides = array<i32>} : memref<4112xi32, #tpu.memory_space<vmem>>, vector<16xi32>,
          %parallel_loop3A_586 = arith.cmpi sge, %parallel_loop3A_585, %add3A_535 : vector<16xi32>
          %parallel_loop3A_587 = vector.broadcast %parallel_loop3A_580 : i32 to vector<16xi32>
          %parallel_loop3A_588 = arith.cmpi sgt, %parallel_loop3A_323, %parallel_loop3A_587 : vector<16xi32>
          %parallel_loop3A_589 = arith.andi %parallel_loop3A_586, %parallel_loop3A_588 : vector<16xi1>
          %parallel_loop3A_590 = tpu.all_reduce %parallel_loop3A_589 {dim = 0 : i64, kind = #tpu.reduction_kind<sum>} : vector<16xi1> -> vector<16xi32>
          %parallel_loop3A_591 = arith.addi %parallel_loop3A_581, %parallel_loop3A_590 : vector<16xi32>
          scf.yield %parallel_loop3A_591 : vector<16xi32>
        } {sc.loop_unroll_factor = 1 : i64, sc.parallel_access}
        %ge3A_539 = vector.broadcast %sub3A_319 : i32 to vector<16xi32>
        %ge3A_540 = arith.cmpi sge, %parallel_loop3A_538, %ge3A_539 : vector<16xi32>
        %select_n3A_541 = arith.select %ge3A_540, %add3A_535, %select_n3A_532 : vector<16xi1>, vector<16xi32>
        %add3A_542 = arith.constant 8 : i32
        %add3A_543 = vector.broadcast %add3A_542 : i32 to vector<16xi32>
        %add3A_544 = arith.addi %select_n3A_541, %add3A_543 : vector<16xi32>
        %parallel_loop3A_545 = arith.constant 0 : i32
        %parallel_loop3A_546 = arith.constant 1 : i32
        %parallel_loop3A_547 = scf.for %parallel_loop3A_580 = %parallel_loop3A_545 to %reduce_max3A_330 step %parallel_loop3A_546 iter_args(%parallel_loop3A_581 = %broadcast_in_dim3A_6) -> (vector<16xi32>)  : i32 {
          %parallel_loop3A_582 = arith.constant 16 : i32
          %parallel_loop3A_583 = arith.muli %parallel_loop3A_580, %parallel_loop3A_582 : i32
          %parallel_loop3A_584 = arith.index_cast %parallel_loop3A_583 : i32 to index
          %parallel_loop3A_585 = tpu.vector_load %arg9[%parallel_loop3A_584] {strides = array<i32>} : memref<4112xi32, #tpu.memory_space<vmem>>, vector<16xi32>,
          %parallel_loop3A_586 = arith.cmpi sge, %parallel_loop3A_585, %add3A_544 : vector<16xi32>
          %parallel_loop3A_587 = vector.broadcast %parallel_loop3A_580 : i32 to vector<16xi32>
          %parallel_loop3A_588 = arith.cmpi sgt, %parallel_loop3A_323, %parallel_loop3A_587 : vector<16xi32>
          %parallel_loop3A_589 = arith.andi %parallel_loop3A_586, %parallel_loop3A_588 : vector<16xi1>
          %parallel_loop3A_590 = tpu.all_reduce %parallel_loop3A_589 {dim = 0 : i64, kind = #tpu.reduction_kind<sum>} : vector<16xi1> -> vector<16xi32>
          %parallel_loop3A_591 = arith.addi %parallel_loop3A_581, %parallel_loop3A_590 : vector<16xi32>
          scf.yield %parallel_loop3A_591 : vector<16xi32>
        } {sc.loop_unroll_factor = 1 : i64, sc.parallel_access}
        %ge3A_548 = vector.broadcast %sub3A_319 : i32 to vector<16xi32>
        %ge3A_549 = arith.cmpi sge, %parallel_loop3A_547, %ge3A_548 : vector<16xi32>
        %select_n3A_550 = arith.select %ge3A_549, %add3A_544, %select_n3A_541 : vector<16xi1>, vector<16xi32>
        %add3A_551 = arith.constant 4 : i32
        %add3A_552 = vector.broadcast %add3A_551 : i32 to vector<16xi32>
        %add3A_553 = arith.addi %select_n3A_550, %add3A_552 : vector<16xi32>
        %parallel_loop3A_554 = arith.constant 0 : i32
        %parallel_loop3A_555 = arith.constant 1 : i32
        %parallel_loop3A_556 = scf.for %parallel_loop3A_580 = %parallel_loop3A_554 to %reduce_max3A_330 step %parallel_loop3A_555 iter_args(%parallel_loop3A_581 = %broadcast_in_dim3A_6) -> (vector<16xi32>)  : i32 {
          %parallel_loop3A_582 = arith.constant 16 : i32
          %parallel_loop3A_583 = arith.muli %parallel_loop3A_580, %parallel_loop3A_582 : i32
          %parallel_loop3A_584 = arith.index_cast %parallel_loop3A_583 : i32 to index
          %parallel_loop3A_585 = tpu.vector_load %arg9[%parallel_loop3A_584] {strides = array<i32>} : memref<4112xi32, #tpu.memory_space<vmem>>, vector<16xi32>,
          %parallel_loop3A_586 = arith.cmpi sge, %parallel_loop3A_585, %add3A_553 : vector<16xi32>
          %parallel_loop3A_587 = vector.broadcast %parallel_loop3A_580 : i32 to vector<16xi32>
          %parallel_loop3A_588 = arith.cmpi sgt, %parallel_loop3A_323, %parallel_loop3A_587 : vector<16xi32>
          %parallel_loop3A_589 = arith.andi %parallel_loop3A_586, %parallel_loop3A_588 : vector<16xi1>
          %parallel_loop3A_590 = tpu.all_reduce %parallel_loop3A_589 {dim = 0 : i64, kind = #tpu.reduction_kind<sum>} : vector<16xi1> -> vector<16xi32>
          %parallel_loop3A_591 = arith.addi %parallel_loop3A_581, %parallel_loop3A_590 : vector<16xi32>
          scf.yield %parallel_loop3A_591 : vector<16xi32>
        } {sc.loop_unroll_factor = 1 : i64, sc.parallel_access}
        %ge3A_557 = vector.broadcast %sub3A_319 : i32 to vector<16xi32>
        %ge3A_558 = arith.cmpi sge, %parallel_loop3A_556, %ge3A_557 : vector<16xi32>
        %select_n3A_559 = arith.select %ge3A_558, %add3A_553, %select_n3A_550 : vector<16xi1>, vector<16xi32>
        %add3A_560 = arith.constant 2 : i32
        %add3A_561 = vector.broadcast %add3A_560 : i32 to vector<16xi32>
        %add3A_562 = arith.addi %select_n3A_559, %add3A_561 : vector<16xi32>
        %parallel_loop3A_563 = arith.constant 0 : i32
        %parallel_loop3A_564 = arith.constant 1 : i32
        %parallel_loop3A_565 = scf.for %parallel_loop3A_580 = %parallel_loop3A_563 to %reduce_max3A_330 step %parallel_loop3A_564 iter_args(%parallel_loop3A_581 = %broadcast_in_dim3A_6) -> (vector<16xi32>)  : i32 {
          %parallel_loop3A_582 = arith.constant 16 : i32
          %parallel_loop3A_583 = arith.muli %parallel_loop3A_580, %parallel_loop3A_582 : i32
          %parallel_loop3A_584 = arith.index_cast %parallel_loop3A_583 : i32 to index
          %parallel_loop3A_585 = tpu.vector_load %arg9[%parallel_loop3A_584] {strides = array<i32>} : memref<4112xi32, #tpu.memory_space<vmem>>, vector<16xi32>,
          %parallel_loop3A_586 = arith.cmpi sge, %parallel_loop3A_585, %add3A_562 : vector<16xi32>
          %parallel_loop3A_587 = vector.broadcast %parallel_loop3A_580 : i32 to vector<16xi32>
          %parallel_loop3A_588 = arith.cmpi sgt, %parallel_loop3A_323, %parallel_loop3A_587 : vector<16xi32>
          %parallel_loop3A_589 = arith.andi %parallel_loop3A_586, %parallel_loop3A_588 : vector<16xi1>
          %parallel_loop3A_590 = tpu.all_reduce %parallel_loop3A_589 {dim = 0 : i64, kind = #tpu.reduction_kind<sum>} : vector<16xi1> -> vector<16xi32>
          %parallel_loop3A_591 = arith.addi %parallel_loop3A_581, %parallel_loop3A_590 : vector<16xi32>
          scf.yield %parallel_loop3A_591 : vector<16xi32>
        } {sc.loop_unroll_factor = 1 : i64, sc.parallel_access}
        %ge3A_566 = vector.broadcast %sub3A_319 : i32 to vector<16xi32>
        %ge3A_567 = arith.cmpi sge, %parallel_loop3A_565, %ge3A_566 : vector<16xi32>
        %select_n3A_568 = arith.select %ge3A_567, %add3A_562, %select_n3A_559 : vector<16xi1>, vector<16xi32>
        %add3A_569 = arith.constant 1 : i32
        %add3A_570 = vector.broadcast %add3A_569 : i32 to vector<16xi32>
        %add3A_571 = arith.addi %select_n3A_568, %add3A_570 : vector<16xi32>
        %parallel_loop3A_572 = arith.constant 0 : i32
        %parallel_loop3A_573 = arith.constant 1 : i32
        %parallel_loop3A_574 = scf.for %parallel_loop3A_580 = %parallel_loop3A_572 to %reduce_max3A_330 step %parallel_loop3A_573 iter_args(%parallel_loop3A_581 = %broadcast_in_dim3A_6) -> (vector<16xi32>)  : i32 {
          %parallel_loop3A_582 = arith.constant 16 : i32
          %parallel_loop3A_583 = arith.muli %parallel_loop3A_580, %parallel_loop3A_582 : i32
          %parallel_loop3A_584 = arith.index_cast %parallel_loop3A_583 : i32 to index
          %parallel_loop3A_585 = tpu.vector_load %arg9[%parallel_loop3A_584] {strides = array<i32>} : memref<4112xi32, #tpu.memory_space<vmem>>, vector<16xi32>,
          %parallel_loop3A_586 = arith.cmpi sge, %parallel_loop3A_585, %add3A_571 : vector<16xi32>
          %parallel_loop3A_587 = vector.broadcast %parallel_loop3A_580 : i32 to vector<16xi32>
          %parallel_loop3A_588 = arith.cmpi sgt, %parallel_loop3A_323, %parallel_loop3A_587 : vector<16xi32>
          %parallel_loop3A_589 = arith.andi %parallel_loop3A_586, %parallel_loop3A_588 : vector<16xi1>
          %parallel_loop3A_590 = tpu.all_reduce %parallel_loop3A_589 {dim = 0 : i64, kind = #tpu.reduction_kind<sum>} : vector<16xi1> -> vector<16xi32>
          %parallel_loop3A_591 = arith.addi %parallel_loop3A_581, %parallel_loop3A_590 : vector<16xi32>
          scf.yield %parallel_loop3A_591 : vector<16xi32>
        } {sc.loop_unroll_factor = 1 : i64, sc.parallel_access}
        %ge3A_575 = vector.broadcast %sub3A_319 : i32 to vector<16xi32>
        %ge3A_576 = arith.cmpi sge, %parallel_loop3A_574, %ge3A_575 : vector<16xi32>
        %select_n3A_577 = arith.select %ge3A_576, %add3A_571, %select_n3A_568 : vector<16xi1>, vector<16xi32>
        %parallel_loop3A_578 = arith.constant 0 : i32
        %parallel_loop3A_579 = arith.constant 1 : i32
        scf.for %parallel_loop3A_580 = %parallel_loop3A_578 to %reduce_max3A_330 step %parallel_loop3A_579  : i32 {
          %parallel_loop3A_581 = arith.constant 16 : i32
          %parallel_loop3A_582 = arith.muli %parallel_loop3A_580, %parallel_loop3A_581 : i32
          %parallel_loop3A_583 = arith.index_cast %parallel_loop3A_582 : i32 to index
          %parallel_loop3A_584 = tpu.vector_load %arg9[%parallel_loop3A_583] {strides = array<i32>} : memref<4112xi32, #tpu.memory_space<vmem>>, vector<16xi32>,
          %parallel_loop3A_585 = arith.constant 16 : i32
          %parallel_loop3A_586 = arith.muli %parallel_loop3A_580, %parallel_loop3A_585 : i32
          %parallel_loop3A_587 = arith.index_cast %parallel_loop3A_586 : i32 to index
          %parallel_loop3A_588 = tpu.vector_load %arg10[%parallel_loop3A_587] {strides = array<i32>} : memref<4112xi32, #tpu.memory_space<vmem>>, vector<16xi32>,
          %parallel_loop3A_589 = arith.cmpi sge, %parallel_loop3A_584, %select_n3A_577 : vector<16xi32>
          %parallel_loop3A_590 = vector.broadcast %parallel_loop3A_580 : i32 to vector<16xi32>
          %parallel_loop3A_591 = arith.cmpi sgt, %parallel_loop3A_323, %parallel_loop3A_590 : vector<16xi32>
          %parallel_loop3A_592 = arith.andi %parallel_loop3A_589, %parallel_loop3A_591 : vector<16xi1>
          %parallel_loop3A_593 = arith.constant 31 : i32
          %parallel_loop3A_594 = vector.broadcast %parallel_loop3A_593 : i32 to vector<16xi32>
          %parallel_loop3A_595 = arith.shrsi %parallel_loop3A_584, %parallel_loop3A_594 : vector<16xi32>
          %parallel_loop3A_596 = arith.constant 2147483647 : i32
          %parallel_loop3A_597 = vector.broadcast %parallel_loop3A_596 : i32 to vector<16xi32>
          %parallel_loop3A_598 = arith.andi %parallel_loop3A_595, %parallel_loop3A_597 : vector<16xi32>
          %parallel_loop3A_599 = arith.xori %parallel_loop3A_584, %parallel_loop3A_598 : vector<16xi32>
          %parallel_loop3A_600 = tpu.bitcast %parallel_loop3A_599 : vector<16xi32> -> vector<16xf32>
          %parallel_loop3A_601 = vector.broadcast %mul3A_95 : i32 to vector<16xi32>
          %parallel_loop3A_602 = arith.addi %parallel_loop3A_601, %parallel_loop3A_588 : vector<16xi32>
          tpu.vector_store_idx %arg6[%parallel_loop3A_602], %parallel_loop3A_600 masked %parallel_loop3A_592 : memref<16384xf32, #tpu.memory_space<vmem>>[vector<16xi32>], vector<16xf32>, vector<16xi1>
        } {sc.loop_unroll_factor = 1 : i64, sc.parallel_access}
      }
      %scan3A_52 = arith.constant 4 : i32
      %dma_start3A_53 = tpu.memref_slice %arg3[%add3A_42] : memref<10485760xf32, #tpu.memory_space<hbm>> -> memref<16384xf32, #tpu.memory_space<hbm>>
      %dma_start3A_54 = tpu.memref_slice %arg3[%add3A_42] : memref<10485760xf32, #tpu.memory_space<hbm>> -> memref<16384xf32, #tpu.memory_space<hbm>>
      tpu.enqueue_dma source(%arg6 : memref<16384xf32, #tpu.memory_space<vmem>>) target(%dma_start3A_54 : memref<16384xf32, #tpu.memory_space<hbm>>) target_semaphore(%arg13 : memref<!tpu.dma_semaphore, #tpu.memory_space<semaphore_mem>>)
      %add3A_55 = arith.constant 2 : i32
      %add3A_56 = arith.addi %add3A_36, %add3A_55 : i32
      %lt3A = arith.constant 20 : i32
      %lt3A_57 = arith.cmpi slt, %add3A_56, %lt3A : i32
      %convert_element_type3A_58 = arith.extui %lt3A_57 : i1 to i32
      %cond3A_59 = arith.constant 0 : i32
      %cond3A_60 = arith.cmpi ne, %convert_element_type3A_58, %cond3A_59 : i32
      scf.if %cond3A_60 {
        %add3A_93 = arith.constant 32768 : i32
        %add3A_94 = arith.addi %add3A_39, %add3A_93 : i32
        %dma_start3A_95 = tpu.memref_slice %arg2[%add3A_94] : memref<10485760xf32, #tpu.memory_space<hbm>> -> memref<16384xf32, #tpu.memory_space<hbm>>
        %dma_start3A_96 = tpu.memref_slice %arg2[%add3A_94] : memref<10485760xf32, #tpu.memory_space<hbm>> -> memref<16384xf32, #tpu.memory_space<hbm>>
        tpu.enqueue_dma source(%dma_start3A_96 : memref<16384xf32, #tpu.memory_space<hbm>>) target(%arg4 : memref<16384xf32, #tpu.memory_space<vmem>>) target_semaphore(%arg11 : memref<!tpu.dma_semaphore, #tpu.memory_space<semaphore_mem>>)
      } else {
      }
      %mul3A_61 = arith.constant 2 : i32
      %mul3A_62 = arith.muli %scan3A_32, %mul3A_61 : i32
      %add3A_63 = arith.constant 1 : i32
      %add3A_64 = arith.addi %mul3A_62, %add3A_63 : i32
      %mul3A_65 = arith.constant 16384 : i32
      %mul3A_66 = arith.muli %add3A_64, %mul3A_65 : i32
      %add3A_67 = arith.addi %mul3A_16, %mul3A_66 : i32
      %mul3A_68 = arith.constant 16384 : i32
      %mul3A_69 = arith.muli %add3A_64, %mul3A_68 : i32
      %add3A_70 = arith.addi %mul3A_10, %mul3A_69 : i32
      %dma_wait3A_71 = tpu.memref_slice %arg2[%add3A_67] : memref<10485760xf32, #tpu.memory_space<hbm>> -> memref<16384xf32, #tpu.memory_space<hbm>>
      %dma_wait3A_72 = tpu.memref_slice %arg2[%add3A_67] : memref<10485760xf32, #tpu.memory_space<hbm>> -> memref<16384xf32, #tpu.memory_space<hbm>>
      tpu.wait_dma2 semaphore(%arg12 : memref<!tpu.dma_semaphore, #tpu.memory_space<semaphore_mem>>) src(%dma_wait3A_72 : memref<16384xf32, #tpu.memory_space<hbm>>) dst(%arg5 : memref<16384xf32, #tpu.memory_space<vmem>>)
      %gt3A_73 = arith.constant 0 : i32
      %gt3A_74 = arith.cmpi sgt, %scan3A_32, %gt3A_73 : i32
      %convert_element_type3A_75 = arith.extui %gt3A_74 : i1 to i32
      %cond3A_76 = arith.constant 0 : i32
      %cond3A_77 = arith.cmpi ne, %convert_element_type3A_75, %cond3A_76 : i32
      scf.if %cond3A_77 {
        %sub3A = arith.constant 32768 : i32
        %sub3A_93 = arith.subi %add3A_70, %sub3A : i32
        %dma_wait3A_94 = tpu.memref_slice %arg3[%sub3A_93] : memref<10485760xf32, #tpu.memory_space<hbm>> -> memref<16384xf32, #tpu.memory_space<hbm>>
        %dma_wait3A_95 = tpu.memref_slice %arg3[%sub3A_93] : memref<10485760xf32, #tpu.memory_space<hbm>> -> memref<16384xf32, #tpu.memory_space<hbm>>
        tpu.wait_dma2 semaphore(%arg14 : memref<!tpu.dma_semaphore, #tpu.memory_space<semaphore_mem>>) src(%arg7 : memref<16384xf32, #tpu.memory_space<vmem>>) dst(%dma_wait3A_95 : memref<16384xf32, #tpu.memory_space<hbm>>)
      } else {
      }
      %scan3A_78 = arith.constant 0 : i32
      %scan3A_79 = arith.constant 0 : i32
      %scan3A_80 = arith.constant 4 : i32
      %scan3A_81 = arith.addi %scan3A_79, %scan3A_80 : i32
      %scan3A_82 = arith.constant 1 : i32
      scf.for %scan3A_93 = %scan3A_79 to %scan3A_81 step %scan3A_82  : i32 {
        %mul3A_94 = arith.constant 4096 : i32
        %mul3A_95 = arith.muli %scan3A_93, %mul3A_94 : i32
        %swap3A = arith.constant 0 : index
        %swap3A_96 = tpu.vector_load %arg8[%swap3A] {strides = array<i32>} : memref<512xi32, #tpu.memory_space<vmem>>, vector<16xi32>,
        tpu.vector_store %arg8[%swap3A], %broadcast_in_dim3A_6 {strides = array<i32>} : memref<512xi32, #tpu.memory_space<vmem>>, vector<16xi32>,
        %swap3A_97 = arith.constant 16 : index
        %swap3A_98 = tpu.vector_load %arg8[%swap3A_97] {strides = array<i32>} : memref<512xi32, #tpu.memory_space<vmem>>, vector<16xi32>,
        tpu.vector_store %arg8[%swap3A_97], %broadcast_in_dim3A_6 {strides = array<i32>} : memref<512xi32, #tpu.memory_space<vmem>>, vector<16xi32>,
        %swap3A_99 = arith.constant 32 : index
        %swap3A_100 = tpu.vector_load %arg8[%swap3A_99] {strides = array<i32>} : memref<512xi32, #tpu.memory_space<vmem>>, vector<16xi32>,
        tpu.vector_store %arg8[%swap3A_99], %broadcast_in_dim3A_6 {strides = array<i32>} : memref<512xi32, #tpu.memory_space<vmem>>, vector<16xi32>,
        %swap3A_101 = arith.constant 48 : index
        %swap3A_102 = tpu.vector_load %arg8[%swap3A_101] {strides = array<i32>} : memref<512xi32, #tpu.memory_space<vmem>>, vector<16xi32>,
        tpu.vector_store %arg8[%swap3A_101], %broadcast_in_dim3A_6 {strides = array<i32>} : memref<512xi32, #tpu.memory_space<vmem>>, vector<16xi32>,
        %swap3A_103 = arith.constant 64 : index
        %swap3A_104 = tpu.vector_load %arg8[%swap3A_103] {strides = array<i32>} : memref<512xi32, #tpu.memory_space<vmem>>, vector<16xi32>,
        tpu.vector_store %arg8[%swap3A_103], %broadcast_in_dim3A_6 {strides = array<i32>} : memref<512xi32, #tpu.memory_space<vmem>>, vector<16xi32>,
        %swap3A_105 = arith.constant 80 : index
        %swap3A_106 = tpu.vector_load %arg8[%swap3A_105] {strides = array<i32>} : memref<512xi32, #tpu.memory_space<vmem>>, vector<16xi32>,
        tpu.vector_store %arg8[%swap3A_105], %broadcast_in_dim3A_6 {strides = array<i32>} : memref<512xi32, #tpu.memory_space<vmem>>, vector<16xi32>,
        %swap3A_107 = arith.constant 96 : index
        %swap3A_108 = tpu.vector_load %arg8[%swap3A_107] {strides = array<i32>} : memref<512xi32, #tpu.memory_space<vmem>>, vector<16xi32>,
        tpu.vector_store %arg8[%swap3A_107], %broadcast_in_dim3A_6 {strides = array<i32>} : memref<512xi32, #tpu.memory_space<vmem>>, vector<16xi32>,
        %swap3A_109 = arith.constant 112 : index
        %swap3A_110 = tpu.vector_load %arg8[%swap3A_109] {strides = array<i32>} : memref<512xi32, #tpu.memory_space<vmem>>, vector<16xi32>,
        tpu.vector_store %arg8[%swap3A_109], %broadcast_in_dim3A_6 {strides = array<i32>} : memref<512xi32, #tpu.memory_space<vmem>>, vector<16xi32>,
        %swap3A_111 = arith.constant 128 : index
        %swap3A_112 = tpu.vector_load %arg8[%swap3A_111] {strides = array<i32>} : memref<512xi32, #tpu.memory_space<vmem>>, vector<16xi32>,
        tpu.vector_store %arg8[%swap3A_111], %broadcast_in_dim3A_6 {strides = array<i32>} : memref<512xi32, #tpu.memory_space<vmem>>, vector<16xi32>,
        %swap3A_113 = arith.constant 144 : index
        %swap3A_114 = tpu.vector_load %arg8[%swap3A_113] {strides = array<i32>} : memref<512xi32, #tpu.memory_space<vmem>>, vector<16xi32>,
        tpu.vector_store %arg8[%swap3A_113], %broadcast_in_dim3A_6 {strides = array<i32>} : memref<512xi32, #tpu.memory_space<vmem>>, vector<16xi32>,
        %swap3A_115 = arith.constant 160 : index
        %swap3A_116 = tpu.vector_load %arg8[%swap3A_115] {strides = array<i32>} : memref<512xi32, #tpu.memory_space<vmem>>, vector<16xi32>,
        tpu.vector_store %arg8[%swap3A_115], %broadcast_in_dim3A_6 {strides = array<i32>} : memref<512xi32, #tpu.memory_space<vmem>>, vector<16xi32>,
        %swap3A_117 = arith.constant 176 : index
        %swap3A_118 = tpu.vector_load %arg8[%swap3A_117] {strides = array<i32>} : memref<512xi32, #tpu.memory_space<vmem>>, vector<16xi32>,
        tpu.vector_store %arg8[%swap3A_117], %broadcast_in_dim3A_6 {strides = array<i32>} : memref<512xi32, #tpu.memory_space<vmem>>, vector<16xi32>,
        %swap3A_119 = arith.constant 192 : index
        %swap3A_120 = tpu.vector_load %arg8[%swap3A_119] {strides = array<i32>} : memref<512xi32, #tpu.memory_space<vmem>>, vector<16xi32>,
        tpu.vector_store %arg8[%swap3A_119], %broadcast_in_dim3A_6 {strides = array<i32>} : memref<512xi32, #tpu.memory_space<vmem>>, vector<16xi32>,
        %swap3A_121 = arith.constant 208 : index
        %swap3A_122 = tpu.vector_load %arg8[%swap3A_121] {strides = array<i32>} : memref<512xi32, #tpu.memory_space<vmem>>, vector<16xi32>,
        tpu.vector_store %arg8[%swap3A_121], %broadcast_in_dim3A_6 {strides = array<i32>} : memref<512xi32, #tpu.memory_space<vmem>>, vector<16xi32>,
        %swap3A_123 = arith.constant 224 : index
        %swap3A_124 = tpu.vector_load %arg8[%swap3A_123] {strides = array<i32>} : memref<512xi32, #tpu.memory_space<vmem>>, vector<16xi32>,
        tpu.vector_store %arg8[%swap3A_123], %broadcast_in_dim3A_6 {strides = array<i32>} : memref<512xi32, #tpu.memory_space<vmem>>, vector<16xi32>,
        %swap3A_125 = arith.constant 240 : index
        %swap3A_126 = tpu.vector_load %arg8[%swap3A_125] {strides = array<i32>} : memref<512xi32, #tpu.memory_space<vmem>>, vector<16xi32>,
        tpu.vector_store %arg8[%swap3A_125], %broadcast_in_dim3A_6 {strides = array<i32>} : memref<512xi32, #tpu.memory_space<vmem>>, vector<16xi32>,
        %swap3A_127 = arith.constant 256 : index
        %swap3A_128 = tpu.vector_load %arg8[%swap3A_127] {strides = array<i32>} : memref<512xi32, #tpu.memory_space<vmem>>, vector<16xi32>,
        tpu.vector_store %arg8[%swap3A_127], %broadcast_in_dim3A_6 {strides = array<i32>} : memref<512xi32, #tpu.memory_space<vmem>>, vector<16xi32>,
        %swap3A_129 = arith.constant 272 : index
        %swap3A_130 = tpu.vector_load %arg8[%swap3A_129] {strides = array<i32>} : memref<512xi32, #tpu.memory_space<vmem>>, vector<16xi32>,
        tpu.vector_store %arg8[%swap3A_129], %broadcast_in_dim3A_6 {strides = array<i32>} : memref<512xi32, #tpu.memory_space<vmem>>, vector<16xi32>,
        %swap3A_131 = arith.constant 288 : index
        %swap3A_132 = tpu.vector_load %arg8[%swap3A_131] {strides = array<i32>} : memref<512xi32, #tpu.memory_space<vmem>>, vector<16xi32>,
        tpu.vector_store %arg8[%swap3A_131], %broadcast_in_dim3A_6 {strides = array<i32>} : memref<512xi32, #tpu.memory_space<vmem>>, vector<16xi32>,
        %swap3A_133 = arith.constant 304 : index
        %swap3A_134 = tpu.vector_load %arg8[%swap3A_133] {strides = array<i32>} : memref<512xi32, #tpu.memory_space<vmem>>, vector<16xi32>,
        tpu.vector_store %arg8[%swap3A_133], %broadcast_in_dim3A_6 {strides = array<i32>} : memref<512xi32, #tpu.memory_space<vmem>>, vector<16xi32>,
        %swap3A_135 = arith.constant 320 : index
        %swap3A_136 = tpu.vector_load %arg8[%swap3A_135] {strides = array<i32>} : memref<512xi32, #tpu.memory_space<vmem>>, vector<16xi32>,
        tpu.vector_store %arg8[%swap3A_135], %broadcast_in_dim3A_6 {strides = array<i32>} : memref<512xi32, #tpu.memory_space<vmem>>, vector<16xi32>,
        %swap3A_137 = arith.constant 336 : index
        %swap3A_138 = tpu.vector_load %arg8[%swap3A_137] {strides = array<i32>} : memref<512xi32, #tpu.memory_space<vmem>>, vector<16xi32>,
        tpu.vector_store %arg8[%swap3A_137], %broadcast_in_dim3A_6 {strides = array<i32>} : memref<512xi32, #tpu.memory_space<vmem>>, vector<16xi32>,
        %swap3A_139 = arith.constant 352 : index
        %swap3A_140 = tpu.vector_load %arg8[%swap3A_139] {strides = array<i32>} : memref<512xi32, #tpu.memory_space<vmem>>, vector<16xi32>,
        tpu.vector_store %arg8[%swap3A_139], %broadcast_in_dim3A_6 {strides = array<i32>} : memref<512xi32, #tpu.memory_space<vmem>>, vector<16xi32>,
        %swap3A_141 = arith.constant 368 : index
        %swap3A_142 = tpu.vector_load %arg8[%swap3A_141] {strides = array<i32>} : memref<512xi32, #tpu.memory_space<vmem>>, vector<16xi32>,
        tpu.vector_store %arg8[%swap3A_141], %broadcast_in_dim3A_6 {strides = array<i32>} : memref<512xi32, #tpu.memory_space<vmem>>, vector<16xi32>,
        %swap3A_143 = arith.constant 384 : index
        %swap3A_144 = tpu.vector_load %arg8[%swap3A_143] {strides = array<i32>} : memref<512xi32, #tpu.memory_space<vmem>>, vector<16xi32>,
        tpu.vector_store %arg8[%swap3A_143], %broadcast_in_dim3A_6 {strides = array<i32>} : memref<512xi32, #tpu.memory_space<vmem>>, vector<16xi32>,
        %swap3A_145 = arith.constant 400 : index
        %swap3A_146 = tpu.vector_load %arg8[%swap3A_145] {strides = array<i32>} : memref<512xi32, #tpu.memory_space<vmem>>, vector<16xi32>,
        tpu.vector_store %arg8[%swap3A_145], %broadcast_in_dim3A_6 {strides = array<i32>} : memref<512xi32, #tpu.memory_space<vmem>>, vector<16xi32>,
        %swap3A_147 = arith.constant 416 : index
        %swap3A_148 = tpu.vector_load %arg8[%swap3A_147] {strides = array<i32>} : memref<512xi32, #tpu.memory_space<vmem>>, vector<16xi32>,
        tpu.vector_store %arg8[%swap3A_147], %broadcast_in_dim3A_6 {strides = array<i32>} : memref<512xi32, #tpu.memory_space<vmem>>, vector<16xi32>,
        %swap3A_149 = arith.constant 432 : index
        %swap3A_150 = tpu.vector_load %arg8[%swap3A_149] {strides = array<i32>} : memref<512xi32, #tpu.memory_space<vmem>>, vector<16xi32>,
        tpu.vector_store %arg8[%swap3A_149], %broadcast_in_dim3A_6 {strides = array<i32>} : memref<512xi32, #tpu.memory_space<vmem>>, vector<16xi32>,
        %swap3A_151 = arith.constant 448 : index
        %swap3A_152 = tpu.vector_load %arg8[%swap3A_151] {strides = array<i32>} : memref<512xi32, #tpu.memory_space<vmem>>, vector<16xi32>,
        tpu.vector_store %arg8[%swap3A_151], %broadcast_in_dim3A_6 {strides = array<i32>} : memref<512xi32, #tpu.memory_space<vmem>>, vector<16xi32>,
        %swap3A_153 = arith.constant 464 : index
        %swap3A_154 = tpu.vector_load %arg8[%swap3A_153] {strides = array<i32>} : memref<512xi32, #tpu.memory_space<vmem>>, vector<16xi32>,
        tpu.vector_store %arg8[%swap3A_153], %broadcast_in_dim3A_6 {strides = array<i32>} : memref<512xi32, #tpu.memory_space<vmem>>, vector<16xi32>,
        %swap3A_155 = arith.constant 480 : index
        %swap3A_156 = tpu.vector_load %arg8[%swap3A_155] {strides = array<i32>} : memref<512xi32, #tpu.memory_space<vmem>>, vector<16xi32>,
        tpu.vector_store %arg8[%swap3A_155], %broadcast_in_dim3A_6 {strides = array<i32>} : memref<512xi32, #tpu.memory_space<vmem>>, vector<16xi32>,
        %swap3A_157 = arith.constant 496 : index
        %swap3A_158 = tpu.vector_load %arg8[%swap3A_157] {strides = array<i32>} : memref<512xi32, #tpu.memory_space<vmem>>, vector<16xi32>,
        tpu.vector_store %arg8[%swap3A_157], %broadcast_in_dim3A_6 {strides = array<i32>} : memref<512xi32, #tpu.memory_space<vmem>>, vector<16xi32>,
        %parallel_loop3A = arith.constant 0 : i32
        %parallel_loop3A_159 = arith.constant 256 : i32
        %parallel_loop3A_160 = arith.constant 1 : i32
        scf.for %parallel_loop3A_580 = %parallel_loop3A to %parallel_loop3A_159 step %parallel_loop3A_160  : i32 {
          %parallel_loop3A_581 = arith.constant 16 : i32
          %parallel_loop3A_582 = arith.muli %parallel_loop3A_580, %parallel_loop3A_581 : i32
          %parallel_loop3A_583 = arith.addi %mul3A_95, %parallel_loop3A_582 : i32
          %parallel_loop3A_584 = arith.index_cast %parallel_loop3A_583 : i32 to index
          %parallel_loop3A_585 = tpu.vector_load %arg5[%parallel_loop3A_584] {strides = array<i32>} : memref<16384xf32, #tpu.memory_space<vmem>>, vector<16xf32>,
          %parallel_loop3A_586 = tpu.bitcast %parallel_loop3A_585 : vector<16xf32> -> vector<16xi32>
          %parallel_loop3A_587 = arith.constant 31 : i32
          %parallel_loop3A_588 = vector.broadcast %parallel_loop3A_587 : i32 to vector<16xi32>
          %parallel_loop3A_589 = arith.shrsi %parallel_loop3A_586, %parallel_loop3A_588 : vector<16xi32>
          %parallel_loop3A_590 = arith.constant -2147483648 : i32
          %parallel_loop3A_591 = vector.broadcast %parallel_loop3A_590 : i32 to vector<16xi32>
          %parallel_loop3A_592 = arith.ori %parallel_loop3A_589, %parallel_loop3A_591 : vector<16xi32>
          %parallel_loop3A_593 = arith.xori %parallel_loop3A_586, %parallel_loop3A_592 : vector<16xi32>
          %parallel_loop3A_594 = arith.constant 27 : i32
          %parallel_loop3A_595 = vector.broadcast %parallel_loop3A_594 : i32 to vector<16xi32>
          %parallel_loop3A_596 = arith.shrui %parallel_loop3A_593, %parallel_loop3A_595 : vector<16xi32>
          %parallel_loop3A_597 = arith.addi %mul3A_3, %parallel_loop3A_596 : vector<16xi32>
          tpu.vector_store_idx %arg8[%parallel_loop3A_597], %broadcast_in_dim3A_4 {add = true} : memref<512xi32, #tpu.memory_space<vmem>>[vector<16xi32>], vector<16xi32>,
        } {sc.loop_unroll_factor = 8 : i64, sc.parallel_access}
        %get3A = arith.constant 0 : index
        %get3A_161 = tpu.vector_load %arg8[%get3A] {strides = array<i32>} : memref<512xi32, #tpu.memory_space<vmem>>, vector<16xi32>,
        %add3A_162 = arith.addi %broadcast_in_dim3A_6, %get3A_161 : vector<16xi32>
        %get3A_163 = arith.constant 16 : index
        %get3A_164 = tpu.vector_load %arg8[%get3A_163] {strides = array<i32>} : memref<512xi32, #tpu.memory_space<vmem>>, vector<16xi32>,
        %add3A_165 = arith.addi %broadcast_in_dim3A_6, %get3A_164 : vector<16xi32>
        %get3A_166 = arith.constant 32 : index
        %get3A_167 = tpu.vector_load %arg8[%get3A_166] {strides = array<i32>} : memref<512xi32, #tpu.memory_space<vmem>>, vector<16xi32>,
        %add3A_168 = arith.addi %add3A_162, %get3A_167 : vector<16xi32>
        %get3A_169 = arith.constant 48 : index
        %get3A_170 = tpu.vector_load %arg8[%get3A_169] {strides = array<i32>} : memref<512xi32, #tpu.memory_space<vmem>>, vector<16xi32>,
        %add3A_171 = arith.addi %add3A_165, %get3A_170 : vector<16xi32>
        %get3A_172 = arith.constant 64 : index
        %get3A_173 = tpu.vector_load %arg8[%get3A_172] {strides = array<i32>} : memref<512xi32, #tpu.memory_space<vmem>>, vector<16xi32>,
        %add3A_174 = arith.addi %add3A_168, %get3A_173 : vector<16xi32>
        %get3A_175 = arith.constant 80 : index
        %get3A_176 = tpu.vector_load %arg8[%get3A_175] {strides = array<i32>} : memref<512xi32, #tpu.memory_space<vmem>>, vector<16xi32>,
        %add3A_177 = arith.addi %add3A_171, %get3A_176 : vector<16xi32>
        %get3A_178 = arith.constant 96 : index
        %get3A_179 = tpu.vector_load %arg8[%get3A_178] {strides = array<i32>} : memref<512xi32, #tpu.memory_space<vmem>>, vector<16xi32>,
        %add3A_180 = arith.addi %add3A_174, %get3A_179 : vector<16xi32>
        %get3A_181 = arith.constant 112 : index
        %get3A_182 = tpu.vector_load %arg8[%get3A_181] {strides = array<i32>} : memref<512xi32, #tpu.memory_space<vmem>>, vector<16xi32>,
        %add3A_183 = arith.addi %add3A_177, %get3A_182 : vector<16xi32>
        %get3A_184 = arith.constant 128 : index
        %get3A_185 = tpu.vector_load %arg8[%get3A_184] {strides = array<i32>} : memref<512xi32, #tpu.memory_space<vmem>>, vector<16xi32>,
        %add3A_186 = arith.addi %add3A_180, %get3A_185 : vector<16xi32>
        %get3A_187 = arith.constant 144 : index
        %get3A_188 = tpu.vector_load %arg8[%get3A_187] {strides = array<i32>} : memref<512xi32, #tpu.memory_space<vmem>>, vector<16xi32>,
        %add3A_189 = arith.addi %add3A_183, %get3A_188 : vector<16xi32>
        %get3A_190 = arith.constant 160 : index
        %get3A_191 = tpu.vector_load %arg8[%get3A_190] {strides = array<i32>} : memref<512xi32, #tpu.memory_space<vmem>>, vector<16xi32>,
        %add3A_192 = arith.addi %add3A_186, %get3A_191 : vector<16xi32>
        %get3A_193 = arith.constant 176 : index
        %get3A_194 = tpu.vector_load %arg8[%get3A_193] {strides = array<i32>} : memref<512xi32, #tpu.memory_space<vmem>>, vector<16xi32>,
        %add3A_195 = arith.addi %add3A_189, %get3A_194 : vector<16xi32>
        %get3A_196 = arith.constant 192 : index
        %get3A_197 = tpu.vector_load %arg8[%get3A_196] {strides = array<i32>} : memref<512xi32, #tpu.memory_space<vmem>>, vector<16xi32>,
        %add3A_198 = arith.addi %add3A_192, %get3A_197 : vector<16xi32>
        %get3A_199 = arith.constant 208 : index
        %get3A_200 = tpu.vector_load %arg8[%get3A_199] {strides = array<i32>} : memref<512xi32, #tpu.memory_space<vmem>>, vector<16xi32>,
        %add3A_201 = arith.addi %add3A_195, %get3A_200 : vector<16xi32>
        %get3A_202 = arith.constant 224 : index
        %get3A_203 = tpu.vector_load %arg8[%get3A_202] {strides = array<i32>} : memref<512xi32, #tpu.memory_space<vmem>>, vector<16xi32>,
        %add3A_204 = arith.addi %add3A_198, %get3A_203 : vector<16xi32>
        %get3A_205 = arith.constant 240 : index
        %get3A_206 = tpu.vector_load %arg8[%get3A_205] {strides = array<i32>} : memref<512xi32, #tpu.memory_space<vmem>>, vector<16xi32>,
        %add3A_207 = arith.addi %add3A_201, %get3A_206 : vector<16xi32>
        %get3A_208 = arith.constant 256 : index
        %get3A_209 = tpu.vector_load %arg8[%get3A_208] {strides = array<i32>} : memref<512xi32, #tpu.memory_space<vmem>>, vector<16xi32>,
        %add3A_210 = arith.addi %add3A_204, %get3A_209 : vector<16xi32>
        %get3A_211 = arith.constant 272 : index
        %get3A_212 = tpu.vector_load %arg8[%get3A_211] {strides = array<i32>} : memref<512xi32, #tpu.memory_space<vmem>>, vector<16xi32>,
        %add3A_213 = arith.addi %add3A_207, %get3A_212 : vector<16xi32>
        %get3A_214 = arith.constant 288 : index
        %get3A_215 = tpu.vector_load %arg8[%get3A_214] {strides = array<i32>} : memref<512xi32, #tpu.memory_space<vmem>>, vector<16xi32>,
        %add3A_216 = arith.addi %add3A_210, %get3A_215 : vector<16xi32>
        %get3A_217 = arith.constant 304 : index
        %get3A_218 = tpu.vector_load %arg8[%get3A_217] {strides = array<i32>} : memref<512xi32, #tpu.memory_space<vmem>>, vector<16xi32>,
        %add3A_219 = arith.addi %add3A_213, %get3A_218 : vector<16xi32>
        %get3A_220 = arith.constant 320 : index
        %get3A_221 = tpu.vector_load %arg8[%get3A_220] {strides = array<i32>} : memref<512xi32, #tpu.memory_space<vmem>>, vector<16xi32>,
        %add3A_222 = arith.addi %add3A_216, %get3A_221 : vector<16xi32>
        %get3A_223 = arith.constant 336 : index
        %get3A_224 = tpu.vector_load %arg8[%get3A_223] {strides = array<i32>} : memref<512xi32, #tpu.memory_space<vmem>>, vector<16xi32>,
        %add3A_225 = arith.addi %add3A_219, %get3A_224 : vector<16xi32>
        %get3A_226 = arith.constant 352 : index
        %get3A_227 = tpu.vector_load %arg8[%get3A_226] {strides = array<i32>} : memref<512xi32, #tpu.memory_space<vmem>>, vector<16xi32>,
        %add3A_228 = arith.addi %add3A_222, %get3A_227 : vector<16xi32>
        %get3A_229 = arith.constant 368 : index
        %get3A_230 = tpu.vector_load %arg8[%get3A_229] {strides = array<i32>} : memref<512xi32, #tpu.memory_space<vmem>>, vector<16xi32>,
        %add3A_231 = arith.addi %add3A_225, %get3A_230 : vector<16xi32>
        %get3A_232 = arith.constant 384 : index
        %get3A_233 = tpu.vector_load %arg8[%get3A_232] {strides = array<i32>} : memref<512xi32, #tpu.memory_space<vmem>>, vector<16xi32>,
        %add3A_234 = arith.addi %add3A_228, %get3A_233 : vector<16xi32>
        %get3A_235 = arith.constant 400 : index
        %get3A_236 = tpu.vector_load %arg8[%get3A_235] {strides = array<i32>} : memref<512xi32, #tpu.memory_space<vmem>>, vector<16xi32>,
        %add3A_237 = arith.addi %add3A_231, %get3A_236 : vector<16xi32>
        %get3A_238 = arith.constant 416 : index
        %get3A_239 = tpu.vector_load %arg8[%get3A_238] {strides = array<i32>} : memref<512xi32, #tpu.memory_space<vmem>>, vector<16xi32>,
        %add3A_240 = arith.addi %add3A_234, %get3A_239 : vector<16xi32>
        %get3A_241 = arith.constant 432 : index
        %get3A_242 = tpu.vector_load %arg8[%get3A_241] {strides = array<i32>} : memref<512xi32, #tpu.memory_space<vmem>>, vector<16xi32>,
        %add3A_243 = arith.addi %add3A_237, %get3A_242 : vector<16xi32>
        %get3A_244 = arith.constant 448 : index
        %get3A_245 = tpu.vector_load %arg8[%get3A_244] {strides = array<i32>} : memref<512xi32, #tpu.memory_space<vmem>>, vector<16xi32>,
        %add3A_246 = arith.addi %add3A_240, %get3A_245 : vector<16xi32>
        %get3A_247 = arith.constant 464 : index
        %get3A_248 = tpu.vector_load %arg8[%get3A_247] {strides = array<i32>} : memref<512xi32, #tpu.memory_space<vmem>>, vector<16xi32>,
        %add3A_249 = arith.addi %add3A_243, %get3A_248 : vector<16xi32>
        %get3A_250 = arith.constant 480 : index
        %get3A_251 = tpu.vector_load %arg8[%get3A_250] {strides = array<i32>} : memref<512xi32, #tpu.memory_space<vmem>>, vector<16xi32>,
        %add3A_252 = arith.addi %add3A_246, %get3A_251 : vector<16xi32>
        %get3A_253 = arith.constant 496 : index
        %get3A_254 = tpu.vector_load %arg8[%get3A_253] {strides = array<i32>} : memref<512xi32, #tpu.memory_space<vmem>>, vector<16xi32>,
        %add3A_255 = arith.addi %add3A_249, %get3A_254 : vector<16xi32>
        %broadcast_in_dim3A_256 = arith.constant true
        %broadcast_in_dim3A_257 = vector.broadcast %broadcast_in_dim3A_256 : i1 to vector<16xi1>
        %masked_cumsum3A = tpu.scan <sum>, %add3A_252 masked %broadcast_in_dim3A_257 : vector<16xi32>, vector<16xi1> -> vector<16xi32>
        %broadcast_in_dim3A_258 = arith.constant true
        %broadcast_in_dim3A_259 = vector.broadcast %broadcast_in_dim3A_258 : i1 to vector<16xi1>
        %masked_cumsum3A_260 = tpu.scan <sum>, %add3A_255 masked %broadcast_in_dim3A_259 : vector<16xi32>, vector<16xi1> -> vector<16xi32>
        %slice3A = vector.extract_strided_slice %masked_cumsum3A {offsets = [15], sizes = [1], strides = [1]} : vector<16xi32> to vector<1xi32>
        %squeeze3A = vector.extract %slice3A[0] : i32 from vector<1xi32>
        %add3A_261 = vector.broadcast %squeeze3A : i32 to vector<16xi32>
        %add3A_262 = arith.addi %masked_cumsum3A_260, %add3A_261 : vector<16xi32>
        %lt3A_263 = arith.constant 4016 : i32
        %lt3A_264 = vector.broadcast %lt3A_263 : i32 to vector<16xi32>
        %lt3A_265 = arith.cmpi slt, %masked_cumsum3A, %lt3A_264 : vector<16xi32>
        %lt3A_266 = arith.constant 4016 : i32
        %lt3A_267 = vector.broadcast %lt3A_266 : i32 to vector<16xi32>
        %lt3A_268 = arith.cmpi slt, %add3A_262, %lt3A_267 : vector<16xi32>
        %all_reduce_population_count3A = tpu.all_reduce %lt3A_265 {dim = 0 : i64, kind = #tpu.reduction_kind<sum>} : vector<16xi1> -> vector<16xi32>
        %slice3A_269 = vector.extract_strided_slice %all_reduce_population_count3A {offsets = [0], sizes = [1], strides = [1]} : vector<16xi32> to vector<1xi32>
        %squeeze3A_270 = vector.extract %slice3A_269[0] : i32 from vector<1xi32>
        %all_reduce_population_count3A_271 = tpu.all_reduce %lt3A_268 {dim = 0 : i64, kind = #tpu.reduction_kind<sum>} : vector<16xi1> -> vector<16xi32>
        %slice3A_272 = vector.extract_strided_slice %all_reduce_population_count3A_271 {offsets = [0], sizes = [1], strides = [1]} : vector<16xi32> to vector<1xi32>
        %squeeze3A_273 = vector.extract %slice3A_272[0] : i32 from vector<1xi32>
        %add3A_274 = arith.addi %squeeze3A_270, %squeeze3A_273 : i32
        %jit3A = arith.constant 0 : i32
        %broadcast_in_dim3A_275 = vector.broadcast %jit3A : i32 to vector<16xi32>
        %select_n3A = arith.select %lt3A_265, %add3A_252, %broadcast_in_dim3A_275 : vector<16xi1>, vector<16xi32>
        %reduce_sum3A = arith.constant true
        %reduce_sum3A_276 = vector.broadcast %reduce_sum3A : i1 to vector<16xi1>
        %reduce_sum3A_277 = tpu.scan <sum>, %select_n3A masked %reduce_sum3A_276 : vector<16xi32>, vector<16xi1> -> vector<16xi32>
        %reduce_sum3A_278 = vector.extract %reduce_sum3A_277[15] : i32 from vector<16xi32>
        %jit3A_279 = arith.constant 0 : i32
        %broadcast_in_dim3A_280 = vector.broadcast %jit3A_279 : i32 to vector<16xi32>
        %select_n3A_281 = arith.select %lt3A_268, %add3A_255, %broadcast_in_dim3A_280 : vector<16xi1>, vector<16xi32>
        %reduce_sum3A_282 = arith.constant true
        %reduce_sum3A_283 = vector.broadcast %reduce_sum3A_282 : i1 to vector<16xi1>
        %reduce_sum3A_284 = tpu.scan <sum>, %select_n3A_281 masked %reduce_sum3A_283 : vector<16xi32>, vector<16xi1> -> vector<16xi32>
        %reduce_sum3A_285 = vector.extract %reduce_sum3A_284[15] : i32 from vector<16xi32>
        %add3A_286 = arith.addi %reduce_sum3A_278, %reduce_sum3A_285 : i32
        %ge3A = arith.constant 4016 : i32
        %ge3A_287 = vector.broadcast %ge3A : i32 to vector<16xi32>
        %ge3A_288 = arith.cmpi sge, %masked_cumsum3A, %ge3A_287 : vector<16xi32>
        %sub3A = arith.subi %masked_cumsum3A, %add3A_252 : vector<16xi32>
        %lt3A_289 = arith.constant 4016 : i32
        %lt3A_290 = vector.broadcast %lt3A_289 : i32 to vector<16xi32>
        %lt3A_291 = arith.cmpi slt, %sub3A, %lt3A_290 : vector<16xi32>
        %and3A = arith.andi %ge3A_288, %lt3A_291 : vector<16xi1>
        %ge3A_292 = arith.constant 4016 : i32
        %ge3A_293 = vector.broadcast %ge3A_292 : i32 to vector<16xi32>
        %ge3A_294 = arith.cmpi sge, %add3A_262, %ge3A_293 : vector<16xi32>
        %sub3A_295 = arith.subi %add3A_262, %add3A_255 : vector<16xi32>
        %lt3A_296 = arith.constant 4016 : i32
        %lt3A_297 = vector.broadcast %lt3A_296 : i32 to vector<16xi32>
        %lt3A_298 = arith.cmpi slt, %sub3A_295, %lt3A_297 : vector<16xi32>
        %and3A_299 = arith.andi %ge3A_294, %lt3A_298 : vector<16xi1>
        %jit3A_300 = arith.constant 0 : i32
        %broadcast_in_dim3A_301 = vector.broadcast %jit3A_300 : i32 to vector<16xi32>
        %select_n3A_302 = arith.select %and3A, %add3A_252, %broadcast_in_dim3A_301 : vector<16xi1>, vector<16xi32>
        %reduce_sum3A_303 = arith.constant true
        %reduce_sum3A_304 = vector.broadcast %reduce_sum3A_303 : i1 to vector<16xi1>
        %reduce_sum3A_305 = tpu.scan <sum>, %select_n3A_302 masked %reduce_sum3A_304 : vector<16xi32>, vector<16xi1> -> vector<16xi32>
        %reduce_sum3A_306 = vector.extract %reduce_sum3A_305[15] : i32 from vector<16xi32>
        %jit3A_307 = arith.constant 0 : i32
        %broadcast_in_dim3A_308 = vector.broadcast %jit3A_307 : i32 to vector<16xi32>
        %select_n3A_309 = arith.select %and3A_299, %add3A_255, %broadcast_in_dim3A_308 : vector<16xi1>, vector<16xi32>
        %reduce_sum3A_310 = arith.constant true
        %reduce_sum3A_311 = vector.broadcast %reduce_sum3A_310 : i1 to vector<16xi1>
        %reduce_sum3A_312 = tpu.scan <sum>, %select_n3A_309 masked %reduce_sum3A_311 : vector<16xi32>, vector<16xi1> -> vector<16xi32>
        %reduce_sum3A_313 = vector.extract %reduce_sum3A_312[15] : i32 from vector<16xi32>
        %add3A_314 = arith.addi %reduce_sum3A_306, %reduce_sum3A_313 : i32
        %sub3A_315 = arith.constant 4096 : i32
        %sub3A_316 = arith.subi %sub3A_315, %add3A_286 : i32
        %sub3A_317 = arith.subi %sub3A_316, %add3A_314 : i32
        %sub3A_318 = arith.constant 81 : i32
        %sub3A_319 = arith.subi %sub3A_318, %sub3A_317 : i32
        %parallel_loop3A_320 = arith.constant 0 : i32
        %parallel_loop3A_321 = arith.constant 256 : i32
        %parallel_loop3A_322 = arith.constant 1 : i32
        %parallel_loop3A_323 = scf.for %parallel_loop3A_580 = %parallel_loop3A_320 to %parallel_loop3A_321 step %parallel_loop3A_322 iter_args(%parallel_loop3A_581 = %broadcast_in_dim3A_6) -> (vector<16xi32>)  : i32 {
          %parallel_loop3A_582 = arith.constant 16 : i32
          %parallel_loop3A_583 = arith.muli %parallel_loop3A_580, %parallel_loop3A_582 : i32
          %parallel_loop3A_584 = arith.addi %mul3A_95, %parallel_loop3A_583 : i32
          %parallel_loop3A_585 = arith.index_cast %parallel_loop3A_584 : i32 to index
          %parallel_loop3A_586 = tpu.vector_load %arg5[%parallel_loop3A_585] {strides = array<i32>} : memref<16384xf32, #tpu.memory_space<vmem>>, vector<16xf32>,
          %parallel_loop3A_587 = tpu.bitcast %parallel_loop3A_586 : vector<16xf32> -> vector<16xi32>
          %parallel_loop3A_588 = arith.constant 31 : i32
          %parallel_loop3A_589 = vector.broadcast %parallel_loop3A_588 : i32 to vector<16xi32>
          %parallel_loop3A_590 = arith.shrsi %parallel_loop3A_587, %parallel_loop3A_589 : vector<16xi32>
          %parallel_loop3A_591 = arith.constant -2147483648 : i32
          %parallel_loop3A_592 = vector.broadcast %parallel_loop3A_591 : i32 to vector<16xi32>
          %parallel_loop3A_593 = arith.ori %parallel_loop3A_590, %parallel_loop3A_592 : vector<16xi32>
          %parallel_loop3A_594 = arith.xori %parallel_loop3A_587, %parallel_loop3A_593 : vector<16xi32>
          %parallel_loop3A_595 = arith.constant 27 : i32
          %parallel_loop3A_596 = vector.broadcast %parallel_loop3A_595 : i32 to vector<16xi32>
          %parallel_loop3A_597 = arith.shrui %parallel_loop3A_594, %parallel_loop3A_596 : vector<16xi32>
          %parallel_loop3A_598 = vector.broadcast %add3A_274 : i32 to vector<16xi32>
          %parallel_loop3A_599 = arith.cmpi sgt, %parallel_loop3A_597, %parallel_loop3A_598 : vector<16xi32>
          %parallel_loop3A_600 = arith.constant 0.000000e+00 : f32
          %parallel_loop3A_601 = vector.broadcast %parallel_loop3A_600 : f32 to vector<16xf32>
          %parallel_loop3A_602 = arith.select %parallel_loop3A_599, %parallel_loop3A_586, %parallel_loop3A_601 : vector<16xi1>, vector<16xf32>
          %parallel_loop3A_603 = arith.constant 16 : i32
          %parallel_loop3A_604 = arith.muli %parallel_loop3A_580, %parallel_loop3A_603 : i32
          %parallel_loop3A_605 = arith.addi %mul3A_95, %parallel_loop3A_604 : i32
          %parallel_loop3A_606 = arith.index_cast %parallel_loop3A_605 : i32 to index
          %parallel_loop3A_607 = tpu.vector_load %arg7[%parallel_loop3A_606] {strides = array<i32>} : memref<16384xf32, #tpu.memory_space<vmem>>, vector<16xf32>,
          tpu.vector_store %arg7[%parallel_loop3A_606], %parallel_loop3A_602 {strides = array<i32>} : memref<16384xf32, #tpu.memory_space<vmem>>, vector<16xf32>,
          %parallel_loop3A_608 = vector.broadcast %add3A_274 : i32 to vector<16xi32>
          %parallel_loop3A_609 = arith.cmpi eq, %parallel_loop3A_597, %parallel_loop3A_608 : vector<16xi32>
          %parallel_loop3A_610 = arith.constant 4 : i32
          %parallel_loop3A_611 = vector.broadcast %parallel_loop3A_610 : i32 to vector<16xi32>
          %parallel_loop3A_612 = arith.shli %parallel_loop3A_581, %parallel_loop3A_611 : vector<16xi32>
          %parallel_loop3A_613 = arith.ori %parallel_loop3A_612, %iota3A : vector<16xi32>
          %parallel_loop3A_614 = arith.constant -2147483648 : i32
          %parallel_loop3A_615 = vector.broadcast %parallel_loop3A_614 : i32 to vector<16xi32>
          %parallel_loop3A_616 = arith.xori %parallel_loop3A_594, %parallel_loop3A_615 : vector<16xi32>
          tpu.vector_store_idx %arg9[%parallel_loop3A_613], %parallel_loop3A_616 masked %parallel_loop3A_609 : memref<4112xi32, #tpu.memory_space<vmem>>[vector<16xi32>], vector<16xi32>, vector<16xi1>
          %parallel_loop3A_617 = arith.constant 16 : i32
          %parallel_loop3A_618 = arith.muli %parallel_loop3A_580, %parallel_loop3A_617 : i32
          %parallel_loop3A_619 = vector.broadcast %parallel_loop3A_618 : i32 to vector<16xi32>
          %parallel_loop3A_620 = arith.addi %parallel_loop3A_619, %iota3A : vector<16xi32>
          tpu.vector_store_idx %arg10[%parallel_loop3A_613], %parallel_loop3A_620 masked %parallel_loop3A_609 : memref<4112xi32, #tpu.memory_space<vmem>>[vector<16xi32>], vector<16xi32>, vector<16xi1>
          %parallel_loop3A_621 = arith.constant 1 : i32
          %parallel_loop3A_622 = arith.constant 0 : i32
          %parallel_loop3A_623 = vector.broadcast %parallel_loop3A_621 : i32 to vector<16xi32>
          %parallel_loop3A_624 = vector.broadcast %parallel_loop3A_622 : i32 to vector<16xi32>
          %parallel_loop3A_625 = arith.select %parallel_loop3A_609, %parallel_loop3A_623, %parallel_loop3A_624 : vector<16xi1>, vector<16xi32>
          %parallel_loop3A_626 = arith.addi %parallel_loop3A_581, %parallel_loop3A_625 : vector<16xi32>
          scf.yield %parallel_loop3A_626 : vector<16xi32>
        } {sc.loop_unroll_factor = 4 : i64, sc.parallel_access}
        %reduce_max3A = arith.constant true
        %reduce_max3A_324 = vector.broadcast %reduce_max3A : i1 to vector<16xi1>
        %reduce_max3A_325 = arith.constant -2147483648 : i32
        %reduce_max3A_326 = vector.broadcast %reduce_max3A_325 : i32 to vector<16xi32>
        %reduce_max3A_327 = arith.xori %parallel_loop3A_323, %reduce_max3A_326 : vector<16xi32>
        %reduce_max3A_328 = tpu.scan <max>, %reduce_max3A_327 masked %reduce_max3A_324 : vector<16xi32>, vector<16xi1> -> vector<16xi32>
        %reduce_max3A_329 = arith.xori %reduce_max3A_328, %reduce_max3A_326 : vector<16xi32>
        %reduce_max3A_330 = vector.extract %reduce_max3A_329[15] : i32 from vector<16xi32>
        %shift_left3A = arith.constant 27 : i32
        %shift_left3A_331 = arith.shli %add3A_274, %shift_left3A : i32
        %xor3A = arith.constant -2147483648 : i32
        %xor3A_332 = arith.xori %shift_left3A_331, %xor3A : i32
        %add3A_333 = vector.broadcast %xor3A_332 : i32 to vector<16xi32>
        %add3A_334 = arith.addi %broadcast_in_dim3A_6, %add3A_333 : vector<16xi32>
        %add3A_335 = arith.constant 67108864 : i32
        %add3A_336 = vector.broadcast %add3A_335 : i32 to vector<16xi32>
        %add3A_337 = arith.addi %add3A_334, %add3A_336 : vector<16xi32>
        %parallel_loop3A_338 = arith.constant 0 : i32
        %parallel_loop3A_339 = arith.constant 1 : i32
        %parallel_loop3A_340 = scf.for %parallel_loop3A_580 = %parallel_loop3A_338 to %reduce_max3A_330 step %parallel_loop3A_339 iter_args(%parallel_loop3A_581 = %broadcast_in_dim3A_6) -> (vector<16xi32>)  : i32 {
          %parallel_loop3A_582 = arith.constant 16 : i32
          %parallel_loop3A_583 = arith.muli %parallel_loop3A_580, %parallel_loop3A_582 : i32
          %parallel_loop3A_584 = arith.index_cast %parallel_loop3A_583 : i32 to index
          %parallel_loop3A_585 = tpu.vector_load %arg9[%parallel_loop3A_584] {strides = array<i32>} : memref<4112xi32, #tpu.memory_space<vmem>>, vector<16xi32>,
          %parallel_loop3A_586 = arith.cmpi sge, %parallel_loop3A_585, %add3A_337 : vector<16xi32>
          %parallel_loop3A_587 = vector.broadcast %parallel_loop3A_580 : i32 to vector<16xi32>
          %parallel_loop3A_588 = arith.cmpi sgt, %parallel_loop3A_323, %parallel_loop3A_587 : vector<16xi32>
          %parallel_loop3A_589 = arith.andi %parallel_loop3A_586, %parallel_loop3A_588 : vector<16xi1>
          %parallel_loop3A_590 = tpu.all_reduce %parallel_loop3A_589 {dim = 0 : i64, kind = #tpu.reduction_kind<sum>} : vector<16xi1> -> vector<16xi32>
          %parallel_loop3A_591 = arith.addi %parallel_loop3A_581, %parallel_loop3A_590 : vector<16xi32>
          scf.yield %parallel_loop3A_591 : vector<16xi32>
        } {sc.loop_unroll_factor = 1 : i64, sc.parallel_access}
        %ge3A_341 = vector.broadcast %sub3A_319 : i32 to vector<16xi32>
        %ge3A_342 = arith.cmpi sge, %parallel_loop3A_340, %ge3A_341 : vector<16xi32>
        %select_n3A_343 = arith.select %ge3A_342, %add3A_337, %add3A_334 : vector<16xi1>, vector<16xi32>
        %add3A_344 = arith.constant 33554432 : i32
        %add3A_345 = vector.broadcast %add3A_344 : i32 to vector<16xi32>
        %add3A_346 = arith.addi %select_n3A_343, %add3A_345 : vector<16xi32>
        %parallel_loop3A_347 = arith.constant 0 : i32
        %parallel_loop3A_348 = arith.constant 1 : i32
        %parallel_loop3A_349 = scf.for %parallel_loop3A_580 = %parallel_loop3A_347 to %reduce_max3A_330 step %parallel_loop3A_348 iter_args(%parallel_loop3A_581 = %broadcast_in_dim3A_6) -> (vector<16xi32>)  : i32 {
          %parallel_loop3A_582 = arith.constant 16 : i32
          %parallel_loop3A_583 = arith.muli %parallel_loop3A_580, %parallel_loop3A_582 : i32
          %parallel_loop3A_584 = arith.index_cast %parallel_loop3A_583 : i32 to index
          %parallel_loop3A_585 = tpu.vector_load %arg9[%parallel_loop3A_584] {strides = array<i32>} : memref<4112xi32, #tpu.memory_space<vmem>>, vector<16xi32>,
          %parallel_loop3A_586 = arith.cmpi sge, %parallel_loop3A_585, %add3A_346 : vector<16xi32>
          %parallel_loop3A_587 = vector.broadcast %parallel_loop3A_580 : i32 to vector<16xi32>
          %parallel_loop3A_588 = arith.cmpi sgt, %parallel_loop3A_323, %parallel_loop3A_587 : vector<16xi32>
          %parallel_loop3A_589 = arith.andi %parallel_loop3A_586, %parallel_loop3A_588 : vector<16xi1>
          %parallel_loop3A_590 = tpu.all_reduce %parallel_loop3A_589 {dim = 0 : i64, kind = #tpu.reduction_kind<sum>} : vector<16xi1> -> vector<16xi32>
          %parallel_loop3A_591 = arith.addi %parallel_loop3A_581, %parallel_loop3A_590 : vector<16xi32>
          scf.yield %parallel_loop3A_591 : vector<16xi32>
        } {sc.loop_unroll_factor = 1 : i64, sc.parallel_access}
        %ge3A_350 = vector.broadcast %sub3A_319 : i32 to vector<16xi32>
        %ge3A_351 = arith.cmpi sge, %parallel_loop3A_349, %ge3A_350 : vector<16xi32>
        %select_n3A_352 = arith.select %ge3A_351, %add3A_346, %select_n3A_343 : vector<16xi1>, vector<16xi32>
        %add3A_353 = arith.constant 16777216 : i32
        %add3A_354 = vector.broadcast %add3A_353 : i32 to vector<16xi32>
        %add3A_355 = arith.addi %select_n3A_352, %add3A_354 : vector<16xi32>
        %parallel_loop3A_356 = arith.constant 0 : i32
        %parallel_loop3A_357 = arith.constant 1 : i32
        %parallel_loop3A_358 = scf.for %parallel_loop3A_580 = %parallel_loop3A_356 to %reduce_max3A_330 step %parallel_loop3A_357 iter_args(%parallel_loop3A_581 = %broadcast_in_dim3A_6) -> (vector<16xi32>)  : i32 {
          %parallel_loop3A_582 = arith.constant 16 : i32
          %parallel_loop3A_583 = arith.muli %parallel_loop3A_580, %parallel_loop3A_582 : i32
          %parallel_loop3A_584 = arith.index_cast %parallel_loop3A_583 : i32 to index
          %parallel_loop3A_585 = tpu.vector_load %arg9[%parallel_loop3A_584] {strides = array<i32>} : memref<4112xi32, #tpu.memory_space<vmem>>, vector<16xi32>,
          %parallel_loop3A_586 = arith.cmpi sge, %parallel_loop3A_585, %add3A_355 : vector<16xi32>
          %parallel_loop3A_587 = vector.broadcast %parallel_loop3A_580 : i32 to vector<16xi32>
          %parallel_loop3A_588 = arith.cmpi sgt, %parallel_loop3A_323, %parallel_loop3A_587 : vector<16xi32>
          %parallel_loop3A_589 = arith.andi %parallel_loop3A_586, %parallel_loop3A_588 : vector<16xi1>
          %parallel_loop3A_590 = tpu.all_reduce %parallel_loop3A_589 {dim = 0 : i64, kind = #tpu.reduction_kind<sum>} : vector<16xi1> -> vector<16xi32>
          %parallel_loop3A_591 = arith.addi %parallel_loop3A_581, %parallel_loop3A_590 : vector<16xi32>
          scf.yield %parallel_loop3A_591 : vector<16xi32>
        } {sc.loop_unroll_factor = 1 : i64, sc.parallel_access}
        %ge3A_359 = vector.broadcast %sub3A_319 : i32 to vector<16xi32>
        %ge3A_360 = arith.cmpi sge, %parallel_loop3A_358, %ge3A_359 : vector<16xi32>
        %select_n3A_361 = arith.select %ge3A_360, %add3A_355, %select_n3A_352 : vector<16xi1>, vector<16xi32>
        %add3A_362 = arith.constant 8388608 : i32
        %add3A_363 = vector.broadcast %add3A_362 : i32 to vector<16xi32>
        %add3A_364 = arith.addi %select_n3A_361, %add3A_363 : vector<16xi32>
        %parallel_loop3A_365 = arith.constant 0 : i32
        %parallel_loop3A_366 = arith.constant 1 : i32
        %parallel_loop3A_367 = scf.for %parallel_loop3A_580 = %parallel_loop3A_365 to %reduce_max3A_330 step %parallel_loop3A_366 iter_args(%parallel_loop3A_581 = %broadcast_in_dim3A_6) -> (vector<16xi32>)  : i32 {
          %parallel_loop3A_582 = arith.constant 16 : i32
          %parallel_loop3A_583 = arith.muli %parallel_loop3A_580, %parallel_loop3A_582 : i32
          %parallel_loop3A_584 = arith.index_cast %parallel_loop3A_583 : i32 to index
          %parallel_loop3A_585 = tpu.vector_load %arg9[%parallel_loop3A_584] {strides = array<i32>} : memref<4112xi32, #tpu.memory_space<vmem>>, vector<16xi32>,
          %parallel_loop3A_586 = arith.cmpi sge, %parallel_loop3A_585, %add3A_364 : vector<16xi32>
          %parallel_loop3A_587 = vector.broadcast %parallel_loop3A_580 : i32 to vector<16xi32>
          %parallel_loop3A_588 = arith.cmpi sgt, %parallel_loop3A_323, %parallel_loop3A_587 : vector<16xi32>
          %parallel_loop3A_589 = arith.andi %parallel_loop3A_586, %parallel_loop3A_588 : vector<16xi1>
          %parallel_loop3A_590 = tpu.all_reduce %parallel_loop3A_589 {dim = 0 : i64, kind = #tpu.reduction_kind<sum>} : vector<16xi1> -> vector<16xi32>
          %parallel_loop3A_591 = arith.addi %parallel_loop3A_581, %parallel_loop3A_590 : vector<16xi32>
          scf.yield %parallel_loop3A_591 : vector<16xi32>
        } {sc.loop_unroll_factor = 1 : i64, sc.parallel_access}
        %ge3A_368 = vector.broadcast %sub3A_319 : i32 to vector<16xi32>
        %ge3A_369 = arith.cmpi sge, %parallel_loop3A_367, %ge3A_368 : vector<16xi32>
        %select_n3A_370 = arith.select %ge3A_369, %add3A_364, %select_n3A_361 : vector<16xi1>, vector<16xi32>
        %add3A_371 = arith.constant 4194304 : i32
        %add3A_372 = vector.broadcast %add3A_371 : i32 to vector<16xi32>
        %add3A_373 = arith.addi %select_n3A_370, %add3A_372 : vector<16xi32>
        %parallel_loop3A_374 = arith.constant 0 : i32
        %parallel_loop3A_375 = arith.constant 1 : i32
        %parallel_loop3A_376 = scf.for %parallel_loop3A_580 = %parallel_loop3A_374 to %reduce_max3A_330 step %parallel_loop3A_375 iter_args(%parallel_loop3A_581 = %broadcast_in_dim3A_6) -> (vector<16xi32>)  : i32 {
          %parallel_loop3A_582 = arith.constant 16 : i32
          %parallel_loop3A_583 = arith.muli %parallel_loop3A_580, %parallel_loop3A_582 : i32
          %parallel_loop3A_584 = arith.index_cast %parallel_loop3A_583 : i32 to index
          %parallel_loop3A_585 = tpu.vector_load %arg9[%parallel_loop3A_584] {strides = array<i32>} : memref<4112xi32, #tpu.memory_space<vmem>>, vector<16xi32>,
          %parallel_loop3A_586 = arith.cmpi sge, %parallel_loop3A_585, %add3A_373 : vector<16xi32>
          %parallel_loop3A_587 = vector.broadcast %parallel_loop3A_580 : i32 to vector<16xi32>
          %parallel_loop3A_588 = arith.cmpi sgt, %parallel_loop3A_323, %parallel_loop3A_587 : vector<16xi32>
          %parallel_loop3A_589 = arith.andi %parallel_loop3A_586, %parallel_loop3A_588 : vector<16xi1>
          %parallel_loop3A_590 = tpu.all_reduce %parallel_loop3A_589 {dim = 0 : i64, kind = #tpu.reduction_kind<sum>} : vector<16xi1> -> vector<16xi32>
          %parallel_loop3A_591 = arith.addi %parallel_loop3A_581, %parallel_loop3A_590 : vector<16xi32>
          scf.yield %parallel_loop3A_591 : vector<16xi32>
        } {sc.loop_unroll_factor = 1 : i64, sc.parallel_access}
        %ge3A_377 = vector.broadcast %sub3A_319 : i32 to vector<16xi32>
        %ge3A_378 = arith.cmpi sge, %parallel_loop3A_376, %ge3A_377 : vector<16xi32>
        %select_n3A_379 = arith.select %ge3A_378, %add3A_373, %select_n3A_370 : vector<16xi1>, vector<16xi32>
        %add3A_380 = arith.constant 2097152 : i32
        %add3A_381 = vector.broadcast %add3A_380 : i32 to vector<16xi32>
        %add3A_382 = arith.addi %select_n3A_379, %add3A_381 : vector<16xi32>
        %parallel_loop3A_383 = arith.constant 0 : i32
        %parallel_loop3A_384 = arith.constant 1 : i32
        %parallel_loop3A_385 = scf.for %parallel_loop3A_580 = %parallel_loop3A_383 to %reduce_max3A_330 step %parallel_loop3A_384 iter_args(%parallel_loop3A_581 = %broadcast_in_dim3A_6) -> (vector<16xi32>)  : i32 {
          %parallel_loop3A_582 = arith.constant 16 : i32
          %parallel_loop3A_583 = arith.muli %parallel_loop3A_580, %parallel_loop3A_582 : i32
          %parallel_loop3A_584 = arith.index_cast %parallel_loop3A_583 : i32 to index
          %parallel_loop3A_585 = tpu.vector_load %arg9[%parallel_loop3A_584] {strides = array<i32>} : memref<4112xi32, #tpu.memory_space<vmem>>, vector<16xi32>,
          %parallel_loop3A_586 = arith.cmpi sge, %parallel_loop3A_585, %add3A_382 : vector<16xi32>
          %parallel_loop3A_587 = vector.broadcast %parallel_loop3A_580 : i32 to vector<16xi32>
          %parallel_loop3A_588 = arith.cmpi sgt, %parallel_loop3A_323, %parallel_loop3A_587 : vector<16xi32>
          %parallel_loop3A_589 = arith.andi %parallel_loop3A_586, %parallel_loop3A_588 : vector<16xi1>
          %parallel_loop3A_590 = tpu.all_reduce %parallel_loop3A_589 {dim = 0 : i64, kind = #tpu.reduction_kind<sum>} : vector<16xi1> -> vector<16xi32>
          %parallel_loop3A_591 = arith.addi %parallel_loop3A_581, %parallel_loop3A_590 : vector<16xi32>
          scf.yield %parallel_loop3A_591 : vector<16xi32>
        } {sc.loop_unroll_factor = 1 : i64, sc.parallel_access}
        %ge3A_386 = vector.broadcast %sub3A_319 : i32 to vector<16xi32>
        %ge3A_387 = arith.cmpi sge, %parallel_loop3A_385, %ge3A_386 : vector<16xi32>
        %select_n3A_388 = arith.select %ge3A_387, %add3A_382, %select_n3A_379 : vector<16xi1>, vector<16xi32>
        %add3A_389 = arith.constant 1048576 : i32
        %add3A_390 = vector.broadcast %add3A_389 : i32 to vector<16xi32>
        %add3A_391 = arith.addi %select_n3A_388, %add3A_390 : vector<16xi32>
        %parallel_loop3A_392 = arith.constant 0 : i32
        %parallel_loop3A_393 = arith.constant 1 : i32
        %parallel_loop3A_394 = scf.for %parallel_loop3A_580 = %parallel_loop3A_392 to %reduce_max3A_330 step %parallel_loop3A_393 iter_args(%parallel_loop3A_581 = %broadcast_in_dim3A_6) -> (vector<16xi32>)  : i32 {
          %parallel_loop3A_582 = arith.constant 16 : i32
          %parallel_loop3A_583 = arith.muli %parallel_loop3A_580, %parallel_loop3A_582 : i32
          %parallel_loop3A_584 = arith.index_cast %parallel_loop3A_583 : i32 to index
          %parallel_loop3A_585 = tpu.vector_load %arg9[%parallel_loop3A_584] {strides = array<i32>} : memref<4112xi32, #tpu.memory_space<vmem>>, vector<16xi32>,
          %parallel_loop3A_586 = arith.cmpi sge, %parallel_loop3A_585, %add3A_391 : vector<16xi32>
          %parallel_loop3A_587 = vector.broadcast %parallel_loop3A_580 : i32 to vector<16xi32>
          %parallel_loop3A_588 = arith.cmpi sgt, %parallel_loop3A_323, %parallel_loop3A_587 : vector<16xi32>
          %parallel_loop3A_589 = arith.andi %parallel_loop3A_586, %parallel_loop3A_588 : vector<16xi1>
          %parallel_loop3A_590 = tpu.all_reduce %parallel_loop3A_589 {dim = 0 : i64, kind = #tpu.reduction_kind<sum>} : vector<16xi1> -> vector<16xi32>
          %parallel_loop3A_591 = arith.addi %parallel_loop3A_581, %parallel_loop3A_590 : vector<16xi32>
          scf.yield %parallel_loop3A_591 : vector<16xi32>
        } {sc.loop_unroll_factor = 1 : i64, sc.parallel_access}
        %ge3A_395 = vector.broadcast %sub3A_319 : i32 to vector<16xi32>
        %ge3A_396 = arith.cmpi sge, %parallel_loop3A_394, %ge3A_395 : vector<16xi32>
        %select_n3A_397 = arith.select %ge3A_396, %add3A_391, %select_n3A_388 : vector<16xi1>, vector<16xi32>
        %add3A_398 = arith.constant 524288 : i32
        %add3A_399 = vector.broadcast %add3A_398 : i32 to vector<16xi32>
        %add3A_400 = arith.addi %select_n3A_397, %add3A_399 : vector<16xi32>
        %parallel_loop3A_401 = arith.constant 0 : i32
        %parallel_loop3A_402 = arith.constant 1 : i32
        %parallel_loop3A_403 = scf.for %parallel_loop3A_580 = %parallel_loop3A_401 to %reduce_max3A_330 step %parallel_loop3A_402 iter_args(%parallel_loop3A_581 = %broadcast_in_dim3A_6) -> (vector<16xi32>)  : i32 {
          %parallel_loop3A_582 = arith.constant 16 : i32
          %parallel_loop3A_583 = arith.muli %parallel_loop3A_580, %parallel_loop3A_582 : i32
          %parallel_loop3A_584 = arith.index_cast %parallel_loop3A_583 : i32 to index
          %parallel_loop3A_585 = tpu.vector_load %arg9[%parallel_loop3A_584] {strides = array<i32>} : memref<4112xi32, #tpu.memory_space<vmem>>, vector<16xi32>,
          %parallel_loop3A_586 = arith.cmpi sge, %parallel_loop3A_585, %add3A_400 : vector<16xi32>
          %parallel_loop3A_587 = vector.broadcast %parallel_loop3A_580 : i32 to vector<16xi32>
          %parallel_loop3A_588 = arith.cmpi sgt, %parallel_loop3A_323, %parallel_loop3A_587 : vector<16xi32>
          %parallel_loop3A_589 = arith.andi %parallel_loop3A_586, %parallel_loop3A_588 : vector<16xi1>
          %parallel_loop3A_590 = tpu.all_reduce %parallel_loop3A_589 {dim = 0 : i64, kind = #tpu.reduction_kind<sum>} : vector<16xi1> -> vector<16xi32>
          %parallel_loop3A_591 = arith.addi %parallel_loop3A_581, %parallel_loop3A_590 : vector<16xi32>
          scf.yield %parallel_loop3A_591 : vector<16xi32>
        } {sc.loop_unroll_factor = 1 : i64, sc.parallel_access}
        %ge3A_404 = vector.broadcast %sub3A_319 : i32 to vector<16xi32>
        %ge3A_405 = arith.cmpi sge, %parallel_loop3A_403, %ge3A_404 : vector<16xi32>
        %select_n3A_406 = arith.select %ge3A_405, %add3A_400, %select_n3A_397 : vector<16xi1>, vector<16xi32>
        %add3A_407 = arith.constant 262144 : i32
        %add3A_408 = vector.broadcast %add3A_407 : i32 to vector<16xi32>
        %add3A_409 = arith.addi %select_n3A_406, %add3A_408 : vector<16xi32>
        %parallel_loop3A_410 = arith.constant 0 : i32
        %parallel_loop3A_411 = arith.constant 1 : i32
        %parallel_loop3A_412 = scf.for %parallel_loop3A_580 = %parallel_loop3A_410 to %reduce_max3A_330 step %parallel_loop3A_411 iter_args(%parallel_loop3A_581 = %broadcast_in_dim3A_6) -> (vector<16xi32>)  : i32 {
          %parallel_loop3A_582 = arith.constant 16 : i32
          %parallel_loop3A_583 = arith.muli %parallel_loop3A_580, %parallel_loop3A_582 : i32
          %parallel_loop3A_584 = arith.index_cast %parallel_loop3A_583 : i32 to index
          %parallel_loop3A_585 = tpu.vector_load %arg9[%parallel_loop3A_584] {strides = array<i32>} : memref<4112xi32, #tpu.memory_space<vmem>>, vector<16xi32>,
          %parallel_loop3A_586 = arith.cmpi sge, %parallel_loop3A_585, %add3A_409 : vector<16xi32>
          %parallel_loop3A_587 = vector.broadcast %parallel_loop3A_580 : i32 to vector<16xi32>
          %parallel_loop3A_588 = arith.cmpi sgt, %parallel_loop3A_323, %parallel_loop3A_587 : vector<16xi32>
          %parallel_loop3A_589 = arith.andi %parallel_loop3A_586, %parallel_loop3A_588 : vector<16xi1>
          %parallel_loop3A_590 = tpu.all_reduce %parallel_loop3A_589 {dim = 0 : i64, kind = #tpu.reduction_kind<sum>} : vector<16xi1> -> vector<16xi32>
          %parallel_loop3A_591 = arith.addi %parallel_loop3A_581, %parallel_loop3A_590 : vector<16xi32>
          scf.yield %parallel_loop3A_591 : vector<16xi32>
        } {sc.loop_unroll_factor = 1 : i64, sc.parallel_access}
        %ge3A_413 = vector.broadcast %sub3A_319 : i32 to vector<16xi32>
        %ge3A_414 = arith.cmpi sge, %parallel_loop3A_412, %ge3A_413 : vector<16xi32>
        %select_n3A_415 = arith.select %ge3A_414, %add3A_409, %select_n3A_406 : vector<16xi1>, vector<16xi32>
        %add3A_416 = arith.constant 131072 : i32
        %add3A_417 = vector.broadcast %add3A_416 : i32 to vector<16xi32>
        %add3A_418 = arith.addi %select_n3A_415, %add3A_417 : vector<16xi32>
        %parallel_loop3A_419 = arith.constant 0 : i32
        %parallel_loop3A_420 = arith.constant 1 : i32
        %parallel_loop3A_421 = scf.for %parallel_loop3A_580 = %parallel_loop3A_419 to %reduce_max3A_330 step %parallel_loop3A_420 iter_args(%parallel_loop3A_581 = %broadcast_in_dim3A_6) -> (vector<16xi32>)  : i32 {
          %parallel_loop3A_582 = arith.constant 16 : i32
          %parallel_loop3A_583 = arith.muli %parallel_loop3A_580, %parallel_loop3A_582 : i32
          %parallel_loop3A_584 = arith.index_cast %parallel_loop3A_583 : i32 to index
          %parallel_loop3A_585 = tpu.vector_load %arg9[%parallel_loop3A_584] {strides = array<i32>} : memref<4112xi32, #tpu.memory_space<vmem>>, vector<16xi32>,
          %parallel_loop3A_586 = arith.cmpi sge, %parallel_loop3A_585, %add3A_418 : vector<16xi32>
          %parallel_loop3A_587 = vector.broadcast %parallel_loop3A_580 : i32 to vector<16xi32>
          %parallel_loop3A_588 = arith.cmpi sgt, %parallel_loop3A_323, %parallel_loop3A_587 : vector<16xi32>
          %parallel_loop3A_589 = arith.andi %parallel_loop3A_586, %parallel_loop3A_588 : vector<16xi1>
          %parallel_loop3A_590 = tpu.all_reduce %parallel_loop3A_589 {dim = 0 : i64, kind = #tpu.reduction_kind<sum>} : vector<16xi1> -> vector<16xi32>
          %parallel_loop3A_591 = arith.addi %parallel_loop3A_581, %parallel_loop3A_590 : vector<16xi32>
          scf.yield %parallel_loop3A_591 : vector<16xi32>
        } {sc.loop_unroll_factor = 1 : i64, sc.parallel_access}
        %ge3A_422 = vector.broadcast %sub3A_319 : i32 to vector<16xi32>
        %ge3A_423 = arith.cmpi sge, %parallel_loop3A_421, %ge3A_422 : vector<16xi32>
        %select_n3A_424 = arith.select %ge3A_423, %add3A_418, %select_n3A_415 : vector<16xi1>, vector<16xi32>
        %add3A_425 = arith.constant 65536 : i32
        %add3A_426 = vector.broadcast %add3A_425 : i32 to vector<16xi32>
        %add3A_427 = arith.addi %select_n3A_424, %add3A_426 : vector<16xi32>
        %parallel_loop3A_428 = arith.constant 0 : i32
        %parallel_loop3A_429 = arith.constant 1 : i32
        %parallel_loop3A_430 = scf.for %parallel_loop3A_580 = %parallel_loop3A_428 to %reduce_max3A_330 step %parallel_loop3A_429 iter_args(%parallel_loop3A_581 = %broadcast_in_dim3A_6) -> (vector<16xi32>)  : i32 {
          %parallel_loop3A_582 = arith.constant 16 : i32
          %parallel_loop3A_583 = arith.muli %parallel_loop3A_580, %parallel_loop3A_582 : i32
          %parallel_loop3A_584 = arith.index_cast %parallel_loop3A_583 : i32 to index
          %parallel_loop3A_585 = tpu.vector_load %arg9[%parallel_loop3A_584] {strides = array<i32>} : memref<4112xi32, #tpu.memory_space<vmem>>, vector<16xi32>,
          %parallel_loop3A_586 = arith.cmpi sge, %parallel_loop3A_585, %add3A_427 : vector<16xi32>
          %parallel_loop3A_587 = vector.broadcast %parallel_loop3A_580 : i32 to vector<16xi32>
          %parallel_loop3A_588 = arith.cmpi sgt, %parallel_loop3A_323, %parallel_loop3A_587 : vector<16xi32>
          %parallel_loop3A_589 = arith.andi %parallel_loop3A_586, %parallel_loop3A_588 : vector<16xi1>
          %parallel_loop3A_590 = tpu.all_reduce %parallel_loop3A_589 {dim = 0 : i64, kind = #tpu.reduction_kind<sum>} : vector<16xi1> -> vector<16xi32>
          %parallel_loop3A_591 = arith.addi %parallel_loop3A_581, %parallel_loop3A_590 : vector<16xi32>
          scf.yield %parallel_loop3A_591 : vector<16xi32>
        } {sc.loop_unroll_factor = 1 : i64, sc.parallel_access}
        %ge3A_431 = vector.broadcast %sub3A_319 : i32 to vector<16xi32>
        %ge3A_432 = arith.cmpi sge, %parallel_loop3A_430, %ge3A_431 : vector<16xi32>
        %select_n3A_433 = arith.select %ge3A_432, %add3A_427, %select_n3A_424 : vector<16xi1>, vector<16xi32>
        %add3A_434 = arith.constant 32768 : i32
        %add3A_435 = vector.broadcast %add3A_434 : i32 to vector<16xi32>
        %add3A_436 = arith.addi %select_n3A_433, %add3A_435 : vector<16xi32>
        %parallel_loop3A_437 = arith.constant 0 : i32
        %parallel_loop3A_438 = arith.constant 1 : i32
        %parallel_loop3A_439 = scf.for %parallel_loop3A_580 = %parallel_loop3A_437 to %reduce_max3A_330 step %parallel_loop3A_438 iter_args(%parallel_loop3A_581 = %broadcast_in_dim3A_6) -> (vector<16xi32>)  : i32 {
          %parallel_loop3A_582 = arith.constant 16 : i32
          %parallel_loop3A_583 = arith.muli %parallel_loop3A_580, %parallel_loop3A_582 : i32
          %parallel_loop3A_584 = arith.index_cast %parallel_loop3A_583 : i32 to index
          %parallel_loop3A_585 = tpu.vector_load %arg9[%parallel_loop3A_584] {strides = array<i32>} : memref<4112xi32, #tpu.memory_space<vmem>>, vector<16xi32>,
          %parallel_loop3A_586 = arith.cmpi sge, %parallel_loop3A_585, %add3A_436 : vector<16xi32>
          %parallel_loop3A_587 = vector.broadcast %parallel_loop3A_580 : i32 to vector<16xi32>
          %parallel_loop3A_588 = arith.cmpi sgt, %parallel_loop3A_323, %parallel_loop3A_587 : vector<16xi32>
          %parallel_loop3A_589 = arith.andi %parallel_loop3A_586, %parallel_loop3A_588 : vector<16xi1>
          %parallel_loop3A_590 = tpu.all_reduce %parallel_loop3A_589 {dim = 0 : i64, kind = #tpu.reduction_kind<sum>} : vector<16xi1> -> vector<16xi32>
          %parallel_loop3A_591 = arith.addi %parallel_loop3A_581, %parallel_loop3A_590 : vector<16xi32>
          scf.yield %parallel_loop3A_591 : vector<16xi32>
        } {sc.loop_unroll_factor = 1 : i64, sc.parallel_access}
        %ge3A_440 = vector.broadcast %sub3A_319 : i32 to vector<16xi32>
        %ge3A_441 = arith.cmpi sge, %parallel_loop3A_439, %ge3A_440 : vector<16xi32>
        %select_n3A_442 = arith.select %ge3A_441, %add3A_436, %select_n3A_433 : vector<16xi1>, vector<16xi32>
        %add3A_443 = arith.constant 16384 : i32
        %add3A_444 = vector.broadcast %add3A_443 : i32 to vector<16xi32>
        %add3A_445 = arith.addi %select_n3A_442, %add3A_444 : vector<16xi32>
        %parallel_loop3A_446 = arith.constant 0 : i32
        %parallel_loop3A_447 = arith.constant 1 : i32
        %parallel_loop3A_448 = scf.for %parallel_loop3A_580 = %parallel_loop3A_446 to %reduce_max3A_330 step %parallel_loop3A_447 iter_args(%parallel_loop3A_581 = %broadcast_in_dim3A_6) -> (vector<16xi32>)  : i32 {
          %parallel_loop3A_582 = arith.constant 16 : i32
          %parallel_loop3A_583 = arith.muli %parallel_loop3A_580, %parallel_loop3A_582 : i32
          %parallel_loop3A_584 = arith.index_cast %parallel_loop3A_583 : i32 to index
          %parallel_loop3A_585 = tpu.vector_load %arg9[%parallel_loop3A_584] {strides = array<i32>} : memref<4112xi32, #tpu.memory_space<vmem>>, vector<16xi32>,
          %parallel_loop3A_586 = arith.cmpi sge, %parallel_loop3A_585, %add3A_445 : vector<16xi32>
          %parallel_loop3A_587 = vector.broadcast %parallel_loop3A_580 : i32 to vector<16xi32>
          %parallel_loop3A_588 = arith.cmpi sgt, %parallel_loop3A_323, %parallel_loop3A_587 : vector<16xi32>
          %parallel_loop3A_589 = arith.andi %parallel_loop3A_586, %parallel_loop3A_588 : vector<16xi1>
          %parallel_loop3A_590 = tpu.all_reduce %parallel_loop3A_589 {dim = 0 : i64, kind = #tpu.reduction_kind<sum>} : vector<16xi1> -> vector<16xi32>
          %parallel_loop3A_591 = arith.addi %parallel_loop3A_581, %parallel_loop3A_590 : vector<16xi32>
          scf.yield %parallel_loop3A_591 : vector<16xi32>
        } {sc.loop_unroll_factor = 1 : i64, sc.parallel_access}
        %ge3A_449 = vector.broadcast %sub3A_319 : i32 to vector<16xi32>
        %ge3A_450 = arith.cmpi sge, %parallel_loop3A_448, %ge3A_449 : vector<16xi32>
        %select_n3A_451 = arith.select %ge3A_450, %add3A_445, %select_n3A_442 : vector<16xi1>, vector<16xi32>
        %add3A_452 = arith.constant 8192 : i32
        %add3A_453 = vector.broadcast %add3A_452 : i32 to vector<16xi32>
        %add3A_454 = arith.addi %select_n3A_451, %add3A_453 : vector<16xi32>
        %parallel_loop3A_455 = arith.constant 0 : i32
        %parallel_loop3A_456 = arith.constant 1 : i32
        %parallel_loop3A_457 = scf.for %parallel_loop3A_580 = %parallel_loop3A_455 to %reduce_max3A_330 step %parallel_loop3A_456 iter_args(%parallel_loop3A_581 = %broadcast_in_dim3A_6) -> (vector<16xi32>)  : i32 {
          %parallel_loop3A_582 = arith.constant 16 : i32
          %parallel_loop3A_583 = arith.muli %parallel_loop3A_580, %parallel_loop3A_582 : i32
          %parallel_loop3A_584 = arith.index_cast %parallel_loop3A_583 : i32 to index
          %parallel_loop3A_585 = tpu.vector_load %arg9[%parallel_loop3A_584] {strides = array<i32>} : memref<4112xi32, #tpu.memory_space<vmem>>, vector<16xi32>,
          %parallel_loop3A_586 = arith.cmpi sge, %parallel_loop3A_585, %add3A_454 : vector<16xi32>
          %parallel_loop3A_587 = vector.broadcast %parallel_loop3A_580 : i32 to vector<16xi32>
          %parallel_loop3A_588 = arith.cmpi sgt, %parallel_loop3A_323, %parallel_loop3A_587 : vector<16xi32>
          %parallel_loop3A_589 = arith.andi %parallel_loop3A_586, %parallel_loop3A_588 : vector<16xi1>
          %parallel_loop3A_590 = tpu.all_reduce %parallel_loop3A_589 {dim = 0 : i64, kind = #tpu.reduction_kind<sum>} : vector<16xi1> -> vector<16xi32>
          %parallel_loop3A_591 = arith.addi %parallel_loop3A_581, %parallel_loop3A_590 : vector<16xi32>
          scf.yield %parallel_loop3A_591 : vector<16xi32>
        } {sc.loop_unroll_factor = 1 : i64, sc.parallel_access}
        %ge3A_458 = vector.broadcast %sub3A_319 : i32 to vector<16xi32>
        %ge3A_459 = arith.cmpi sge, %parallel_loop3A_457, %ge3A_458 : vector<16xi32>
        %select_n3A_460 = arith.select %ge3A_459, %add3A_454, %select_n3A_451 : vector<16xi1>, vector<16xi32>
        %add3A_461 = arith.constant 4096 : i32
        %add3A_462 = vector.broadcast %add3A_461 : i32 to vector<16xi32>
        %add3A_463 = arith.addi %select_n3A_460, %add3A_462 : vector<16xi32>
        %parallel_loop3A_464 = arith.constant 0 : i32
        %parallel_loop3A_465 = arith.constant 1 : i32
        %parallel_loop3A_466 = scf.for %parallel_loop3A_580 = %parallel_loop3A_464 to %reduce_max3A_330 step %parallel_loop3A_465 iter_args(%parallel_loop3A_581 = %broadcast_in_dim3A_6) -> (vector<16xi32>)  : i32 {
          %parallel_loop3A_582 = arith.constant 16 : i32
          %parallel_loop3A_583 = arith.muli %parallel_loop3A_580, %parallel_loop3A_582 : i32
          %parallel_loop3A_584 = arith.index_cast %parallel_loop3A_583 : i32 to index
          %parallel_loop3A_585 = tpu.vector_load %arg9[%parallel_loop3A_584] {strides = array<i32>} : memref<4112xi32, #tpu.memory_space<vmem>>, vector<16xi32>,
          %parallel_loop3A_586 = arith.cmpi sge, %parallel_loop3A_585, %add3A_463 : vector<16xi32>
          %parallel_loop3A_587 = vector.broadcast %parallel_loop3A_580 : i32 to vector<16xi32>
          %parallel_loop3A_588 = arith.cmpi sgt, %parallel_loop3A_323, %parallel_loop3A_587 : vector<16xi32>
          %parallel_loop3A_589 = arith.andi %parallel_loop3A_586, %parallel_loop3A_588 : vector<16xi1>
          %parallel_loop3A_590 = tpu.all_reduce %parallel_loop3A_589 {dim = 0 : i64, kind = #tpu.reduction_kind<sum>} : vector<16xi1> -> vector<16xi32>
          %parallel_loop3A_591 = arith.addi %parallel_loop3A_581, %parallel_loop3A_590 : vector<16xi32>
          scf.yield %parallel_loop3A_591 : vector<16xi32>
        } {sc.loop_unroll_factor = 1 : i64, sc.parallel_access}
        %ge3A_467 = vector.broadcast %sub3A_319 : i32 to vector<16xi32>
        %ge3A_468 = arith.cmpi sge, %parallel_loop3A_466, %ge3A_467 : vector<16xi32>
        %select_n3A_469 = arith.select %ge3A_468, %add3A_463, %select_n3A_460 : vector<16xi1>, vector<16xi32>
        %add3A_470 = arith.constant 2048 : i32
        %add3A_471 = vector.broadcast %add3A_470 : i32 to vector<16xi32>
        %add3A_472 = arith.addi %select_n3A_469, %add3A_471 : vector<16xi32>
        %parallel_loop3A_473 = arith.constant 0 : i32
        %parallel_loop3A_474 = arith.constant 1 : i32
        %parallel_loop3A_475 = scf.for %parallel_loop3A_580 = %parallel_loop3A_473 to %reduce_max3A_330 step %parallel_loop3A_474 iter_args(%parallel_loop3A_581 = %broadcast_in_dim3A_6) -> (vector<16xi32>)  : i32 {
          %parallel_loop3A_582 = arith.constant 16 : i32
          %parallel_loop3A_583 = arith.muli %parallel_loop3A_580, %parallel_loop3A_582 : i32
          %parallel_loop3A_584 = arith.index_cast %parallel_loop3A_583 : i32 to index
          %parallel_loop3A_585 = tpu.vector_load %arg9[%parallel_loop3A_584] {strides = array<i32>} : memref<4112xi32, #tpu.memory_space<vmem>>, vector<16xi32>,
          %parallel_loop3A_586 = arith.cmpi sge, %parallel_loop3A_585, %add3A_472 : vector<16xi32>
          %parallel_loop3A_587 = vector.broadcast %parallel_loop3A_580 : i32 to vector<16xi32>
          %parallel_loop3A_588 = arith.cmpi sgt, %parallel_loop3A_323, %parallel_loop3A_587 : vector<16xi32>
          %parallel_loop3A_589 = arith.andi %parallel_loop3A_586, %parallel_loop3A_588 : vector<16xi1>
          %parallel_loop3A_590 = tpu.all_reduce %parallel_loop3A_589 {dim = 0 : i64, kind = #tpu.reduction_kind<sum>} : vector<16xi1> -> vector<16xi32>
          %parallel_loop3A_591 = arith.addi %parallel_loop3A_581, %parallel_loop3A_590 : vector<16xi32>
          scf.yield %parallel_loop3A_591 : vector<16xi32>
        } {sc.loop_unroll_factor = 1 : i64, sc.parallel_access}
        %ge3A_476 = vector.broadcast %sub3A_319 : i32 to vector<16xi32>
        %ge3A_477 = arith.cmpi sge, %parallel_loop3A_475, %ge3A_476 : vector<16xi32>
        %select_n3A_478 = arith.select %ge3A_477, %add3A_472, %select_n3A_469 : vector<16xi1>, vector<16xi32>
        %add3A_479 = arith.constant 1024 : i32
        %add3A_480 = vector.broadcast %add3A_479 : i32 to vector<16xi32>
        %add3A_481 = arith.addi %select_n3A_478, %add3A_480 : vector<16xi32>
        %parallel_loop3A_482 = arith.constant 0 : i32
        %parallel_loop3A_483 = arith.constant 1 : i32
        %parallel_loop3A_484 = scf.for %parallel_loop3A_580 = %parallel_loop3A_482 to %reduce_max3A_330 step %parallel_loop3A_483 iter_args(%parallel_loop3A_581 = %broadcast_in_dim3A_6) -> (vector<16xi32>)  : i32 {
          %parallel_loop3A_582 = arith.constant 16 : i32
          %parallel_loop3A_583 = arith.muli %parallel_loop3A_580, %parallel_loop3A_582 : i32
          %parallel_loop3A_584 = arith.index_cast %parallel_loop3A_583 : i32 to index
          %parallel_loop3A_585 = tpu.vector_load %arg9[%parallel_loop3A_584] {strides = array<i32>} : memref<4112xi32, #tpu.memory_space<vmem>>, vector<16xi32>,
          %parallel_loop3A_586 = arith.cmpi sge, %parallel_loop3A_585, %add3A_481 : vector<16xi32>
          %parallel_loop3A_587 = vector.broadcast %parallel_loop3A_580 : i32 to vector<16xi32>
          %parallel_loop3A_588 = arith.cmpi sgt, %parallel_loop3A_323, %parallel_loop3A_587 : vector<16xi32>
          %parallel_loop3A_589 = arith.andi %parallel_loop3A_586, %parallel_loop3A_588 : vector<16xi1>
          %parallel_loop3A_590 = tpu.all_reduce %parallel_loop3A_589 {dim = 0 : i64, kind = #tpu.reduction_kind<sum>} : vector<16xi1> -> vector<16xi32>
          %parallel_loop3A_591 = arith.addi %parallel_loop3A_581, %parallel_loop3A_590 : vector<16xi32>
          scf.yield %parallel_loop3A_591 : vector<16xi32>
        } {sc.loop_unroll_factor = 1 : i64, sc.parallel_access}
        %ge3A_485 = vector.broadcast %sub3A_319 : i32 to vector<16xi32>
        %ge3A_486 = arith.cmpi sge, %parallel_loop3A_484, %ge3A_485 : vector<16xi32>
        %select_n3A_487 = arith.select %ge3A_486, %add3A_481, %select_n3A_478 : vector<16xi1>, vector<16xi32>
        %add3A_488 = arith.constant 512 : i32
        %add3A_489 = vector.broadcast %add3A_488 : i32 to vector<16xi32>
        %add3A_490 = arith.addi %select_n3A_487, %add3A_489 : vector<16xi32>
        %parallel_loop3A_491 = arith.constant 0 : i32
        %parallel_loop3A_492 = arith.constant 1 : i32
        %parallel_loop3A_493 = scf.for %parallel_loop3A_580 = %parallel_loop3A_491 to %reduce_max3A_330 step %parallel_loop3A_492 iter_args(%parallel_loop3A_581 = %broadcast_in_dim3A_6) -> (vector<16xi32>)  : i32 {
          %parallel_loop3A_582 = arith.constant 16 : i32
          %parallel_loop3A_583 = arith.muli %parallel_loop3A_580, %parallel_loop3A_582 : i32
          %parallel_loop3A_584 = arith.index_cast %parallel_loop3A_583 : i32 to index
          %parallel_loop3A_585 = tpu.vector_load %arg9[%parallel_loop3A_584] {strides = array<i32>} : memref<4112xi32, #tpu.memory_space<vmem>>, vector<16xi32>,
          %parallel_loop3A_586 = arith.cmpi sge, %parallel_loop3A_585, %add3A_490 : vector<16xi32>
          %parallel_loop3A_587 = vector.broadcast %parallel_loop3A_580 : i32 to vector<16xi32>
          %parallel_loop3A_588 = arith.cmpi sgt, %parallel_loop3A_323, %parallel_loop3A_587 : vector<16xi32>
          %parallel_loop3A_589 = arith.andi %parallel_loop3A_586, %parallel_loop3A_588 : vector<16xi1>
          %parallel_loop3A_590 = tpu.all_reduce %parallel_loop3A_589 {dim = 0 : i64, kind = #tpu.reduction_kind<sum>} : vector<16xi1> -> vector<16xi32>
          %parallel_loop3A_591 = arith.addi %parallel_loop3A_581, %parallel_loop3A_590 : vector<16xi32>
          scf.yield %parallel_loop3A_591 : vector<16xi32>
        } {sc.loop_unroll_factor = 1 : i64, sc.parallel_access}
        %ge3A_494 = vector.broadcast %sub3A_319 : i32 to vector<16xi32>
        %ge3A_495 = arith.cmpi sge, %parallel_loop3A_493, %ge3A_494 : vector<16xi32>
        %select_n3A_496 = arith.select %ge3A_495, %add3A_490, %select_n3A_487 : vector<16xi1>, vector<16xi32>
        %add3A_497 = arith.constant 256 : i32
        %add3A_498 = vector.broadcast %add3A_497 : i32 to vector<16xi32>
        %add3A_499 = arith.addi %select_n3A_496, %add3A_498 : vector<16xi32>
        %parallel_loop3A_500 = arith.constant 0 : i32
        %parallel_loop3A_501 = arith.constant 1 : i32
        %parallel_loop3A_502 = scf.for %parallel_loop3A_580 = %parallel_loop3A_500 to %reduce_max3A_330 step %parallel_loop3A_501 iter_args(%parallel_loop3A_581 = %broadcast_in_dim3A_6) -> (vector<16xi32>)  : i32 {
          %parallel_loop3A_582 = arith.constant 16 : i32
          %parallel_loop3A_583 = arith.muli %parallel_loop3A_580, %parallel_loop3A_582 : i32
          %parallel_loop3A_584 = arith.index_cast %parallel_loop3A_583 : i32 to index
          %parallel_loop3A_585 = tpu.vector_load %arg9[%parallel_loop3A_584] {strides = array<i32>} : memref<4112xi32, #tpu.memory_space<vmem>>, vector<16xi32>,
          %parallel_loop3A_586 = arith.cmpi sge, %parallel_loop3A_585, %add3A_499 : vector<16xi32>
          %parallel_loop3A_587 = vector.broadcast %parallel_loop3A_580 : i32 to vector<16xi32>
          %parallel_loop3A_588 = arith.cmpi sgt, %parallel_loop3A_323, %parallel_loop3A_587 : vector<16xi32>
          %parallel_loop3A_589 = arith.andi %parallel_loop3A_586, %parallel_loop3A_588 : vector<16xi1>
          %parallel_loop3A_590 = tpu.all_reduce %parallel_loop3A_589 {dim = 0 : i64, kind = #tpu.reduction_kind<sum>} : vector<16xi1> -> vector<16xi32>
          %parallel_loop3A_591 = arith.addi %parallel_loop3A_581, %parallel_loop3A_590 : vector<16xi32>
          scf.yield %parallel_loop3A_591 : vector<16xi32>
        } {sc.loop_unroll_factor = 1 : i64, sc.parallel_access}
        %ge3A_503 = vector.broadcast %sub3A_319 : i32 to vector<16xi32>
        %ge3A_504 = arith.cmpi sge, %parallel_loop3A_502, %ge3A_503 : vector<16xi32>
        %select_n3A_505 = arith.select %ge3A_504, %add3A_499, %select_n3A_496 : vector<16xi1>, vector<16xi32>
        %add3A_506 = arith.constant 128 : i32
        %add3A_507 = vector.broadcast %add3A_506 : i32 to vector<16xi32>
        %add3A_508 = arith.addi %select_n3A_505, %add3A_507 : vector<16xi32>
        %parallel_loop3A_509 = arith.constant 0 : i32
        %parallel_loop3A_510 = arith.constant 1 : i32
        %parallel_loop3A_511 = scf.for %parallel_loop3A_580 = %parallel_loop3A_509 to %reduce_max3A_330 step %parallel_loop3A_510 iter_args(%parallel_loop3A_581 = %broadcast_in_dim3A_6) -> (vector<16xi32>)  : i32 {
          %parallel_loop3A_582 = arith.constant 16 : i32
          %parallel_loop3A_583 = arith.muli %parallel_loop3A_580, %parallel_loop3A_582 : i32
          %parallel_loop3A_584 = arith.index_cast %parallel_loop3A_583 : i32 to index
          %parallel_loop3A_585 = tpu.vector_load %arg9[%parallel_loop3A_584] {strides = array<i32>} : memref<4112xi32, #tpu.memory_space<vmem>>, vector<16xi32>,
          %parallel_loop3A_586 = arith.cmpi sge, %parallel_loop3A_585, %add3A_508 : vector<16xi32>
          %parallel_loop3A_587 = vector.broadcast %parallel_loop3A_580 : i32 to vector<16xi32>
          %parallel_loop3A_588 = arith.cmpi sgt, %parallel_loop3A_323, %parallel_loop3A_587 : vector<16xi32>
          %parallel_loop3A_589 = arith.andi %parallel_loop3A_586, %parallel_loop3A_588 : vector<16xi1>
          %parallel_loop3A_590 = tpu.all_reduce %parallel_loop3A_589 {dim = 0 : i64, kind = #tpu.reduction_kind<sum>} : vector<16xi1> -> vector<16xi32>
          %parallel_loop3A_591 = arith.addi %parallel_loop3A_581, %parallel_loop3A_590 : vector<16xi32>
          scf.yield %parallel_loop3A_591 : vector<16xi32>
        } {sc.loop_unroll_factor = 1 : i64, sc.parallel_access}
        %ge3A_512 = vector.broadcast %sub3A_319 : i32 to vector<16xi32>
        %ge3A_513 = arith.cmpi sge, %parallel_loop3A_511, %ge3A_512 : vector<16xi32>
        %select_n3A_514 = arith.select %ge3A_513, %add3A_508, %select_n3A_505 : vector<16xi1>, vector<16xi32>
        %add3A_515 = arith.constant 64 : i32
        %add3A_516 = vector.broadcast %add3A_515 : i32 to vector<16xi32>
        %add3A_517 = arith.addi %select_n3A_514, %add3A_516 : vector<16xi32>
        %parallel_loop3A_518 = arith.constant 0 : i32
        %parallel_loop3A_519 = arith.constant 1 : i32
        %parallel_loop3A_520 = scf.for %parallel_loop3A_580 = %parallel_loop3A_518 to %reduce_max3A_330 step %parallel_loop3A_519 iter_args(%parallel_loop3A_581 = %broadcast_in_dim3A_6) -> (vector<16xi32>)  : i32 {
          %parallel_loop3A_582 = arith.constant 16 : i32
          %parallel_loop3A_583 = arith.muli %parallel_loop3A_580, %parallel_loop3A_582 : i32
          %parallel_loop3A_584 = arith.index_cast %parallel_loop3A_583 : i32 to index
          %parallel_loop3A_585 = tpu.vector_load %arg9[%parallel_loop3A_584] {strides = array<i32>} : memref<4112xi32, #tpu.memory_space<vmem>>, vector<16xi32>,
          %parallel_loop3A_586 = arith.cmpi sge, %parallel_loop3A_585, %add3A_517 : vector<16xi32>
          %parallel_loop3A_587 = vector.broadcast %parallel_loop3A_580 : i32 to vector<16xi32>
          %parallel_loop3A_588 = arith.cmpi sgt, %parallel_loop3A_323, %parallel_loop3A_587 : vector<16xi32>
          %parallel_loop3A_589 = arith.andi %parallel_loop3A_586, %parallel_loop3A_588 : vector<16xi1>
          %parallel_loop3A_590 = tpu.all_reduce %parallel_loop3A_589 {dim = 0 : i64, kind = #tpu.reduction_kind<sum>} : vector<16xi1> -> vector<16xi32>
          %parallel_loop3A_591 = arith.addi %parallel_loop3A_581, %parallel_loop3A_590 : vector<16xi32>
          scf.yield %parallel_loop3A_591 : vector<16xi32>
        } {sc.loop_unroll_factor = 1 : i64, sc.parallel_access}
        %ge3A_521 = vector.broadcast %sub3A_319 : i32 to vector<16xi32>
        %ge3A_522 = arith.cmpi sge, %parallel_loop3A_520, %ge3A_521 : vector<16xi32>
        %select_n3A_523 = arith.select %ge3A_522, %add3A_517, %select_n3A_514 : vector<16xi1>, vector<16xi32>
        %add3A_524 = arith.constant 32 : i32
        %add3A_525 = vector.broadcast %add3A_524 : i32 to vector<16xi32>
        %add3A_526 = arith.addi %select_n3A_523, %add3A_525 : vector<16xi32>
        %parallel_loop3A_527 = arith.constant 0 : i32
        %parallel_loop3A_528 = arith.constant 1 : i32
        %parallel_loop3A_529 = scf.for %parallel_loop3A_580 = %parallel_loop3A_527 to %reduce_max3A_330 step %parallel_loop3A_528 iter_args(%parallel_loop3A_581 = %broadcast_in_dim3A_6) -> (vector<16xi32>)  : i32 {
          %parallel_loop3A_582 = arith.constant 16 : i32
          %parallel_loop3A_583 = arith.muli %parallel_loop3A_580, %parallel_loop3A_582 : i32
          %parallel_loop3A_584 = arith.index_cast %parallel_loop3A_583 : i32 to index
          %parallel_loop3A_585 = tpu.vector_load %arg9[%parallel_loop3A_584] {strides = array<i32>} : memref<4112xi32, #tpu.memory_space<vmem>>, vector<16xi32>,
          %parallel_loop3A_586 = arith.cmpi sge, %parallel_loop3A_585, %add3A_526 : vector<16xi32>
          %parallel_loop3A_587 = vector.broadcast %parallel_loop3A_580 : i32 to vector<16xi32>
          %parallel_loop3A_588 = arith.cmpi sgt, %parallel_loop3A_323, %parallel_loop3A_587 : vector<16xi32>
          %parallel_loop3A_589 = arith.andi %parallel_loop3A_586, %parallel_loop3A_588 : vector<16xi1>
          %parallel_loop3A_590 = tpu.all_reduce %parallel_loop3A_589 {dim = 0 : i64, kind = #tpu.reduction_kind<sum>} : vector<16xi1> -> vector<16xi32>
          %parallel_loop3A_591 = arith.addi %parallel_loop3A_581, %parallel_loop3A_590 : vector<16xi32>
          scf.yield %parallel_loop3A_591 : vector<16xi32>
        } {sc.loop_unroll_factor = 1 : i64, sc.parallel_access}
        %ge3A_530 = vector.broadcast %sub3A_319 : i32 to vector<16xi32>
        %ge3A_531 = arith.cmpi sge, %parallel_loop3A_529, %ge3A_530 : vector<16xi32>
        %select_n3A_532 = arith.select %ge3A_531, %add3A_526, %select_n3A_523 : vector<16xi1>, vector<16xi32>
        %add3A_533 = arith.constant 16 : i32
        %add3A_534 = vector.broadcast %add3A_533 : i32 to vector<16xi32>
        %add3A_535 = arith.addi %select_n3A_532, %add3A_534 : vector<16xi32>
        %parallel_loop3A_536 = arith.constant 0 : i32
        %parallel_loop3A_537 = arith.constant 1 : i32
        %parallel_loop3A_538 = scf.for %parallel_loop3A_580 = %parallel_loop3A_536 to %reduce_max3A_330 step %parallel_loop3A_537 iter_args(%parallel_loop3A_581 = %broadcast_in_dim3A_6) -> (vector<16xi32>)  : i32 {
          %parallel_loop3A_582 = arith.constant 16 : i32
          %parallel_loop3A_583 = arith.muli %parallel_loop3A_580, %parallel_loop3A_582 : i32
          %parallel_loop3A_584 = arith.index_cast %parallel_loop3A_583 : i32 to index
          %parallel_loop3A_585 = tpu.vector_load %arg9[%parallel_loop3A_584] {strides = array<i32>} : memref<4112xi32, #tpu.memory_space<vmem>>, vector<16xi32>,
          %parallel_loop3A_586 = arith.cmpi sge, %parallel_loop3A_585, %add3A_535 : vector<16xi32>
          %parallel_loop3A_587 = vector.broadcast %parallel_loop3A_580 : i32 to vector<16xi32>
          %parallel_loop3A_588 = arith.cmpi sgt, %parallel_loop3A_323, %parallel_loop3A_587 : vector<16xi32>
          %parallel_loop3A_589 = arith.andi %parallel_loop3A_586, %parallel_loop3A_588 : vector<16xi1>
          %parallel_loop3A_590 = tpu.all_reduce %parallel_loop3A_589 {dim = 0 : i64, kind = #tpu.reduction_kind<sum>} : vector<16xi1> -> vector<16xi32>
          %parallel_loop3A_591 = arith.addi %parallel_loop3A_581, %parallel_loop3A_590 : vector<16xi32>
          scf.yield %parallel_loop3A_591 : vector<16xi32>
        } {sc.loop_unroll_factor = 1 : i64, sc.parallel_access}
        %ge3A_539 = vector.broadcast %sub3A_319 : i32 to vector<16xi32>
        %ge3A_540 = arith.cmpi sge, %parallel_loop3A_538, %ge3A_539 : vector<16xi32>
        %select_n3A_541 = arith.select %ge3A_540, %add3A_535, %select_n3A_532 : vector<16xi1>, vector<16xi32>
        %add3A_542 = arith.constant 8 : i32
        %add3A_543 = vector.broadcast %add3A_542 : i32 to vector<16xi32>
        %add3A_544 = arith.addi %select_n3A_541, %add3A_543 : vector<16xi32>
        %parallel_loop3A_545 = arith.constant 0 : i32
        %parallel_loop3A_546 = arith.constant 1 : i32
        %parallel_loop3A_547 = scf.for %parallel_loop3A_580 = %parallel_loop3A_545 to %reduce_max3A_330 step %parallel_loop3A_546 iter_args(%parallel_loop3A_581 = %broadcast_in_dim3A_6) -> (vector<16xi32>)  : i32 {
          %parallel_loop3A_582 = arith.constant 16 : i32
          %parallel_loop3A_583 = arith.muli %parallel_loop3A_580, %parallel_loop3A_582 : i32
          %parallel_loop3A_584 = arith.index_cast %parallel_loop3A_583 : i32 to index
          %parallel_loop3A_585 = tpu.vector_load %arg9[%parallel_loop3A_584] {strides = array<i32>} : memref<4112xi32, #tpu.memory_space<vmem>>, vector<16xi32>,
          %parallel_loop3A_586 = arith.cmpi sge, %parallel_loop3A_585, %add3A_544 : vector<16xi32>
          %parallel_loop3A_587 = vector.broadcast %parallel_loop3A_580 : i32 to vector<16xi32>
          %parallel_loop3A_588 = arith.cmpi sgt, %parallel_loop3A_323, %parallel_loop3A_587 : vector<16xi32>
          %parallel_loop3A_589 = arith.andi %parallel_loop3A_586, %parallel_loop3A_588 : vector<16xi1>
          %parallel_loop3A_590 = tpu.all_reduce %parallel_loop3A_589 {dim = 0 : i64, kind = #tpu.reduction_kind<sum>} : vector<16xi1> -> vector<16xi32>
          %parallel_loop3A_591 = arith.addi %parallel_loop3A_581, %parallel_loop3A_590 : vector<16xi32>
          scf.yield %parallel_loop3A_591 : vector<16xi32>
        } {sc.loop_unroll_factor = 1 : i64, sc.parallel_access}
        %ge3A_548 = vector.broadcast %sub3A_319 : i32 to vector<16xi32>
        %ge3A_549 = arith.cmpi sge, %parallel_loop3A_547, %ge3A_548 : vector<16xi32>
        %select_n3A_550 = arith.select %ge3A_549, %add3A_544, %select_n3A_541 : vector<16xi1>, vector<16xi32>
        %add3A_551 = arith.constant 4 : i32
        %add3A_552 = vector.broadcast %add3A_551 : i32 to vector<16xi32>
        %add3A_553 = arith.addi %select_n3A_550, %add3A_552 : vector<16xi32>
        %parallel_loop3A_554 = arith.constant 0 : i32
        %parallel_loop3A_555 = arith.constant 1 : i32
        %parallel_loop3A_556 = scf.for %parallel_loop3A_580 = %parallel_loop3A_554 to %reduce_max3A_330 step %parallel_loop3A_555 iter_args(%parallel_loop3A_581 = %broadcast_in_dim3A_6) -> (vector<16xi32>)  : i32 {
          %parallel_loop3A_582 = arith.constant 16 : i32
          %parallel_loop3A_583 = arith.muli %parallel_loop3A_580, %parallel_loop3A_582 : i32
          %parallel_loop3A_584 = arith.index_cast %parallel_loop3A_583 : i32 to index
          %parallel_loop3A_585 = tpu.vector_load %arg9[%parallel_loop3A_584] {strides = array<i32>} : memref<4112xi32, #tpu.memory_space<vmem>>, vector<16xi32>,
          %parallel_loop3A_586 = arith.cmpi sge, %parallel_loop3A_585, %add3A_553 : vector<16xi32>
          %parallel_loop3A_587 = vector.broadcast %parallel_loop3A_580 : i32 to vector<16xi32>
          %parallel_loop3A_588 = arith.cmpi sgt, %parallel_loop3A_323, %parallel_loop3A_587 : vector<16xi32>
          %parallel_loop3A_589 = arith.andi %parallel_loop3A_586, %parallel_loop3A_588 : vector<16xi1>
          %parallel_loop3A_590 = tpu.all_reduce %parallel_loop3A_589 {dim = 0 : i64, kind = #tpu.reduction_kind<sum>} : vector<16xi1> -> vector<16xi32>
          %parallel_loop3A_591 = arith.addi %parallel_loop3A_581, %parallel_loop3A_590 : vector<16xi32>
          scf.yield %parallel_loop3A_591 : vector<16xi32>
        } {sc.loop_unroll_factor = 1 : i64, sc.parallel_access}
        %ge3A_557 = vector.broadcast %sub3A_319 : i32 to vector<16xi32>
        %ge3A_558 = arith.cmpi sge, %parallel_loop3A_556, %ge3A_557 : vector<16xi32>
        %select_n3A_559 = arith.select %ge3A_558, %add3A_553, %select_n3A_550 : vector<16xi1>, vector<16xi32>
        %add3A_560 = arith.constant 2 : i32
        %add3A_561 = vector.broadcast %add3A_560 : i32 to vector<16xi32>
        %add3A_562 = arith.addi %select_n3A_559, %add3A_561 : vector<16xi32>
        %parallel_loop3A_563 = arith.constant 0 : i32
        %parallel_loop3A_564 = arith.constant 1 : i32
        %parallel_loop3A_565 = scf.for %parallel_loop3A_580 = %parallel_loop3A_563 to %reduce_max3A_330 step %parallel_loop3A_564 iter_args(%parallel_loop3A_581 = %broadcast_in_dim3A_6) -> (vector<16xi32>)  : i32 {
          %parallel_loop3A_582 = arith.constant 16 : i32
          %parallel_loop3A_583 = arith.muli %parallel_loop3A_580, %parallel_loop3A_582 : i32
          %parallel_loop3A_584 = arith.index_cast %parallel_loop3A_583 : i32 to index
          %parallel_loop3A_585 = tpu.vector_load %arg9[%parallel_loop3A_584] {strides = array<i32>} : memref<4112xi32, #tpu.memory_space<vmem>>, vector<16xi32>,
          %parallel_loop3A_586 = arith.cmpi sge, %parallel_loop3A_585, %add3A_562 : vector<16xi32>
          %parallel_loop3A_587 = vector.broadcast %parallel_loop3A_580 : i32 to vector<16xi32>
          %parallel_loop3A_588 = arith.cmpi sgt, %parallel_loop3A_323, %parallel_loop3A_587 : vector<16xi32>
          %parallel_loop3A_589 = arith.andi %parallel_loop3A_586, %parallel_loop3A_588 : vector<16xi1>
          %parallel_loop3A_590 = tpu.all_reduce %parallel_loop3A_589 {dim = 0 : i64, kind = #tpu.reduction_kind<sum>} : vector<16xi1> -> vector<16xi32>
          %parallel_loop3A_591 = arith.addi %parallel_loop3A_581, %parallel_loop3A_590 : vector<16xi32>
          scf.yield %parallel_loop3A_591 : vector<16xi32>
        } {sc.loop_unroll_factor = 1 : i64, sc.parallel_access}
        %ge3A_566 = vector.broadcast %sub3A_319 : i32 to vector<16xi32>
        %ge3A_567 = arith.cmpi sge, %parallel_loop3A_565, %ge3A_566 : vector<16xi32>
        %select_n3A_568 = arith.select %ge3A_567, %add3A_562, %select_n3A_559 : vector<16xi1>, vector<16xi32>
        %add3A_569 = arith.constant 1 : i32
        %add3A_570 = vector.broadcast %add3A_569 : i32 to vector<16xi32>
        %add3A_571 = arith.addi %select_n3A_568, %add3A_570 : vector<16xi32>
        %parallel_loop3A_572 = arith.constant 0 : i32
        %parallel_loop3A_573 = arith.constant 1 : i32
        %parallel_loop3A_574 = scf.for %parallel_loop3A_580 = %parallel_loop3A_572 to %reduce_max3A_330 step %parallel_loop3A_573 iter_args(%parallel_loop3A_581 = %broadcast_in_dim3A_6) -> (vector<16xi32>)  : i32 {
          %parallel_loop3A_582 = arith.constant 16 : i32
          %parallel_loop3A_583 = arith.muli %parallel_loop3A_580, %parallel_loop3A_582 : i32
          %parallel_loop3A_584 = arith.index_cast %parallel_loop3A_583 : i32 to index
          %parallel_loop3A_585 = tpu.vector_load %arg9[%parallel_loop3A_584] {strides = array<i32>} : memref<4112xi32, #tpu.memory_space<vmem>>, vector<16xi32>,
          %parallel_loop3A_586 = arith.cmpi sge, %parallel_loop3A_585, %add3A_571 : vector<16xi32>
          %parallel_loop3A_587 = vector.broadcast %parallel_loop3A_580 : i32 to vector<16xi32>
          %parallel_loop3A_588 = arith.cmpi sgt, %parallel_loop3A_323, %parallel_loop3A_587 : vector<16xi32>
          %parallel_loop3A_589 = arith.andi %parallel_loop3A_586, %parallel_loop3A_588 : vector<16xi1>
          %parallel_loop3A_590 = tpu.all_reduce %parallel_loop3A_589 {dim = 0 : i64, kind = #tpu.reduction_kind<sum>} : vector<16xi1> -> vector<16xi32>
          %parallel_loop3A_591 = arith.addi %parallel_loop3A_581, %parallel_loop3A_590 : vector<16xi32>
          scf.yield %parallel_loop3A_591 : vector<16xi32>
        } {sc.loop_unroll_factor = 1 : i64, sc.parallel_access}
        %ge3A_575 = vector.broadcast %sub3A_319 : i32 to vector<16xi32>
        %ge3A_576 = arith.cmpi sge, %parallel_loop3A_574, %ge3A_575 : vector<16xi32>
        %select_n3A_577 = arith.select %ge3A_576, %add3A_571, %select_n3A_568 : vector<16xi1>, vector<16xi32>
        %parallel_loop3A_578 = arith.constant 0 : i32
        %parallel_loop3A_579 = arith.constant 1 : i32
        scf.for %parallel_loop3A_580 = %parallel_loop3A_578 to %reduce_max3A_330 step %parallel_loop3A_579  : i32 {
          %parallel_loop3A_581 = arith.constant 16 : i32
          %parallel_loop3A_582 = arith.muli %parallel_loop3A_580, %parallel_loop3A_581 : i32
          %parallel_loop3A_583 = arith.index_cast %parallel_loop3A_582 : i32 to index
          %parallel_loop3A_584 = tpu.vector_load %arg9[%parallel_loop3A_583] {strides = array<i32>} : memref<4112xi32, #tpu.memory_space<vmem>>, vector<16xi32>,
          %parallel_loop3A_585 = arith.constant 16 : i32
          %parallel_loop3A_586 = arith.muli %parallel_loop3A_580, %parallel_loop3A_585 : i32
          %parallel_loop3A_587 = arith.index_cast %parallel_loop3A_586 : i32 to index
          %parallel_loop3A_588 = tpu.vector_load %arg10[%parallel_loop3A_587] {strides = array<i32>} : memref<4112xi32, #tpu.memory_space<vmem>>, vector<16xi32>,
          %parallel_loop3A_589 = arith.cmpi sge, %parallel_loop3A_584, %select_n3A_577 : vector<16xi32>
          %parallel_loop3A_590 = vector.broadcast %parallel_loop3A_580 : i32 to vector<16xi32>
          %parallel_loop3A_591 = arith.cmpi sgt, %parallel_loop3A_323, %parallel_loop3A_590 : vector<16xi32>
          %parallel_loop3A_592 = arith.andi %parallel_loop3A_589, %parallel_loop3A_591 : vector<16xi1>
          %parallel_loop3A_593 = arith.constant 31 : i32
          %parallel_loop3A_594 = vector.broadcast %parallel_loop3A_593 : i32 to vector<16xi32>
          %parallel_loop3A_595 = arith.shrsi %parallel_loop3A_584, %parallel_loop3A_594 : vector<16xi32>
          %parallel_loop3A_596 = arith.constant 2147483647 : i32
          %parallel_loop3A_597 = vector.broadcast %parallel_loop3A_596 : i32 to vector<16xi32>
          %parallel_loop3A_598 = arith.andi %parallel_loop3A_595, %parallel_loop3A_597 : vector<16xi32>
          %parallel_loop3A_599 = arith.xori %parallel_loop3A_584, %parallel_loop3A_598 : vector<16xi32>
          %parallel_loop3A_600 = tpu.bitcast %parallel_loop3A_599 : vector<16xi32> -> vector<16xf32>
          %parallel_loop3A_601 = vector.broadcast %mul3A_95 : i32 to vector<16xi32>
          %parallel_loop3A_602 = arith.addi %parallel_loop3A_601, %parallel_loop3A_588 : vector<16xi32>
          tpu.vector_store_idx %arg7[%parallel_loop3A_602], %parallel_loop3A_600 masked %parallel_loop3A_592 : memref<16384xf32, #tpu.memory_space<vmem>>[vector<16xi32>], vector<16xf32>, vector<16xi1>
        } {sc.loop_unroll_factor = 1 : i64, sc.parallel_access}
      }
      %scan3A_83 = arith.constant 4 : i32
      %dma_start3A_84 = tpu.memref_slice %arg3[%add3A_70] : memref<10485760xf32, #tpu.memory_space<hbm>> -> memref<16384xf32, #tpu.memory_space<hbm>>
      %dma_start3A_85 = tpu.memref_slice %arg3[%add3A_70] : memref<10485760xf32, #tpu.memory_space<hbm>> -> memref<16384xf32, #tpu.memory_space<hbm>>
      tpu.enqueue_dma source(%arg7 : memref<16384xf32, #tpu.memory_space<vmem>>) target(%dma_start3A_85 : memref<16384xf32, #tpu.memory_space<hbm>>) target_semaphore(%arg14 : memref<!tpu.dma_semaphore, #tpu.memory_space<semaphore_mem>>)
      %add3A_86 = arith.constant 2 : i32
      %add3A_87 = arith.addi %add3A_64, %add3A_86 : i32
      %lt3A_88 = arith.constant 20 : i32
      %lt3A_89 = arith.cmpi slt, %add3A_87, %lt3A_88 : i32
      %convert_element_type3A_90 = arith.extui %lt3A_89 : i1 to i32
      %cond3A_91 = arith.constant 0 : i32
      %cond3A_92 = arith.cmpi ne, %convert_element_type3A_90, %cond3A_91 : i32
      scf.if %cond3A_92 {
        %add3A_93 = arith.constant 32768 : i32
        %add3A_94 = arith.addi %add3A_67, %add3A_93 : i32
        %dma_start3A_95 = tpu.memref_slice %arg2[%add3A_94] : memref<10485760xf32, #tpu.memory_space<hbm>> -> memref<16384xf32, #tpu.memory_space<hbm>>
        %dma_start3A_96 = tpu.memref_slice %arg2[%add3A_94] : memref<10485760xf32, #tpu.memory_space<hbm>> -> memref<16384xf32, #tpu.memory_space<hbm>>
        tpu.enqueue_dma source(%dma_start3A_96 : memref<16384xf32, #tpu.memory_space<hbm>>) target(%arg5 : memref<16384xf32, #tpu.memory_space<vmem>>) target_semaphore(%arg12 : memref<!tpu.dma_semaphore, #tpu.memory_space<semaphore_mem>>)
      } else {
      }
    }
    %scan3A_28 = arith.constant 10 : i32
    %dma_wait3A = tpu.memref_slice %arg3[%mul3A_10] : memref<10485760xf32, #tpu.memory_space<hbm>> -> memref<16384xf32, #tpu.memory_space<hbm>>
    %dma_wait3A_29 = tpu.memref_slice %arg3[%mul3A_10] : memref<10485760xf32, #tpu.memory_space<hbm>> -> memref<16384xf32, #tpu.memory_space<hbm>>
    tpu.wait_dma2 semaphore(%arg13 : memref<!tpu.dma_semaphore, #tpu.memory_space<semaphore_mem>>) src(%arg6 : memref<16384xf32, #tpu.memory_space<vmem>>) dst(%dma_wait3A_29 : memref<16384xf32, #tpu.memory_space<hbm>>)
    %dma_wait3A_30 = tpu.memref_slice %arg3[%mul3A_10] : memref<10485760xf32, #tpu.memory_space<hbm>> -> memref<16384xf32, #tpu.memory_space<hbm>>
    %dma_wait3A_31 = tpu.memref_slice %arg3[%mul3A_10] : memref<10485760xf32, #tpu.memory_space<hbm>> -> memref<16384xf32, #tpu.memory_space<hbm>>
    tpu.wait_dma2 semaphore(%arg14 : memref<!tpu.dma_semaphore, #tpu.memory_space<semaphore_mem>>) src(%arg7 : memref<16384xf32, #tpu.memory_space<vmem>>) dst(%dma_wait3A_31 : memref<16384xf32, #tpu.memory_space<hbm>>)
    return
  }
}

module attributes {stable_mosaic.version = 14 : i64} {
  func.func @_wta_tc_body(%arg0: i32, %arg1: memref<256x4096xf32, #tpu.memory_space<vmem>>, %arg2: memref<256x4096xf32, #tpu.memory_space<vmem>>) attributes {dimension_semantics = [#tpu.dimension_semantics<parallel>], iteration_bounds = array<i64: 54>, scalar_prefetch = 0 : i64, scratch_operands = 0 : i64, tpu.core_type = #tpu.core_type<tc>, window_params = [{transform_indices = @transform_0, window_bounds = array<i64: 256, 4096>}, {transform_indices = @transform_1, window_bounds = array<i64: 256, 4096>}]} {
    %get3A = arith.constant 0 : index
    %get3A_0 = arith.constant 0 : index
    %get3A_1 = vector.load %arg1[%get3A, %get3A_0] : memref<256x4096xf32, #tpu.memory_space<vmem>>, vector<256x4096xf32>
    %bitcast_convert_type3A = tpu.bitcast %get3A_1 : vector<256x4096xf32> -> vector<256x4096xi32>
    %shift_right_arithmetic3A = arith.constant 31 : i32
    %shift_right_arithmetic3A_2 = vector.broadcast %shift_right_arithmetic3A : i32 to vector<256x4096xi32>
    %shift_right_arithmetic3A_3 = arith.shrsi %bitcast_convert_type3A, %shift_right_arithmetic3A_2 : vector<256x4096xi32>
    %and3A = arith.constant 2147483647 : i32
    %and3A_4 = vector.broadcast %and3A : i32 to vector<256x4096xi32>
    %and3A_5 = arith.andi %shift_right_arithmetic3A_3, %and3A_4 : vector<256x4096xi32>
    %xor3A = arith.xori %bitcast_convert_type3A, %and3A_5 : vector<256x4096xi32>
    %broadcast_in_dim3A = arith.constant -2147483648 : i32
    %broadcast_in_dim3A_6 = vector.broadcast %broadcast_in_dim3A : i32 to vector<256x1xi32>
    %add3A = arith.constant -2147483648 : i32
    %add3A_7 = vector.broadcast %add3A : i32 to vector<256x1xi32>
    %add3A_8 = arith.addi %broadcast_in_dim3A_6, %add3A_7 : vector<256x1xi32>
    %ge3A = vector.broadcast %add3A_8 : vector<256x1xi32> to vector<256x4096xi32>
    %ge3A_9 = arith.cmpi sge, %xor3A, %ge3A : vector<256x4096xi32>
    %convert_element_type3A = arith.extui %ge3A_9 : vector<256x4096xi1> to vector<256x4096xi32>
    %reduce_sum3A = arith.constant dense<0> : vector<256xi32>
    %reduce_sum3A_10 = vector.multi_reduction <add>, %convert_element_type3A, %reduce_sum3A [1] : vector<256x4096xi32> to vector<256xi32>
    %broadcast_in_dim3A_11 = vector.shape_cast %reduce_sum3A_10 : vector<256xi32> to vector<256x1xi32>
    %ge3A_12 = arith.constant 81 : i32
    %ge3A_13 = vector.broadcast %ge3A_12 : i32 to vector<256x1xi32>
    %ge3A_14 = arith.cmpi sge, %broadcast_in_dim3A_11, %ge3A_13 : vector<256x1xi32>
    %select_n3A = arith.select %ge3A_14, %add3A_8, %broadcast_in_dim3A_6 : vector<256x1xi1>, vector<256x1xi32>
    %add3A_15 = arith.constant 1073741824 : i32
    %add3A_16 = vector.broadcast %add3A_15 : i32 to vector<256x1xi32>
    %add3A_17 = arith.addi %select_n3A, %add3A_16 : vector<256x1xi32>
    %ge3A_18 = vector.broadcast %add3A_17 : vector<256x1xi32> to vector<256x4096xi32>
    %ge3A_19 = arith.cmpi sge, %xor3A, %ge3A_18 : vector<256x4096xi32>
    %convert_element_type3A_20 = arith.extui %ge3A_19 : vector<256x4096xi1> to vector<256x4096xi32>
    %reduce_sum3A_21 = arith.constant dense<0> : vector<256xi32>
    %reduce_sum3A_22 = vector.multi_reduction <add>, %convert_element_type3A_20, %reduce_sum3A_21 [1] : vector<256x4096xi32> to vector<256xi32>
    %broadcast_in_dim3A_23 = vector.shape_cast %reduce_sum3A_22 : vector<256xi32> to vector<256x1xi32>
    %ge3A_24 = arith.constant 81 : i32
    %ge3A_25 = vector.broadcast %ge3A_24 : i32 to vector<256x1xi32>
    %ge3A_26 = arith.cmpi sge, %broadcast_in_dim3A_23, %ge3A_25 : vector<256x1xi32>
    %select_n3A_27 = arith.select %ge3A_26, %add3A_17, %select_n3A : vector<256x1xi1>, vector<256x1xi32>
    %add3A_28 = arith.constant 536870912 : i32
    %add3A_29 = vector.broadcast %add3A_28 : i32 to vector<256x1xi32>
    %add3A_30 = arith.addi %select_n3A_27, %add3A_29 : vector<256x1xi32>
    %ge3A_31 = vector.broadcast %add3A_30 : vector<256x1xi32> to vector<256x4096xi32>
    %ge3A_32 = arith.cmpi sge, %xor3A, %ge3A_31 : vector<256x4096xi32>
    %convert_element_type3A_33 = arith.extui %ge3A_32 : vector<256x4096xi1> to vector<256x4096xi32>
    %reduce_sum3A_34 = arith.constant dense<0> : vector<256xi32>
    %reduce_sum3A_35 = vector.multi_reduction <add>, %convert_element_type3A_33, %reduce_sum3A_34 [1] : vector<256x4096xi32> to vector<256xi32>
    %broadcast_in_dim3A_36 = vector.shape_cast %reduce_sum3A_35 : vector<256xi32> to vector<256x1xi32>
    %ge3A_37 = arith.constant 81 : i32
    %ge3A_38 = vector.broadcast %ge3A_37 : i32 to vector<256x1xi32>
    %ge3A_39 = arith.cmpi sge, %broadcast_in_dim3A_36, %ge3A_38 : vector<256x1xi32>
    %select_n3A_40 = arith.select %ge3A_39, %add3A_30, %select_n3A_27 : vector<256x1xi1>, vector<256x1xi32>
    %add3A_41 = arith.constant 268435456 : i32
    %add3A_42 = vector.broadcast %add3A_41 : i32 to vector<256x1xi32>
    %add3A_43 = arith.addi %select_n3A_40, %add3A_42 : vector<256x1xi32>
    %ge3A_44 = vector.broadcast %add3A_43 : vector<256x1xi32> to vector<256x4096xi32>
    %ge3A_45 = arith.cmpi sge, %xor3A, %ge3A_44 : vector<256x4096xi32>
    %convert_element_type3A_46 = arith.extui %ge3A_45 : vector<256x4096xi1> to vector<256x4096xi32>
    %reduce_sum3A_47 = arith.constant dense<0> : vector<256xi32>
    %reduce_sum3A_48 = vector.multi_reduction <add>, %convert_element_type3A_46, %reduce_sum3A_47 [1] : vector<256x4096xi32> to vector<256xi32>
    %broadcast_in_dim3A_49 = vector.shape_cast %reduce_sum3A_48 : vector<256xi32> to vector<256x1xi32>
    %ge3A_50 = arith.constant 81 : i32
    %ge3A_51 = vector.broadcast %ge3A_50 : i32 to vector<256x1xi32>
    %ge3A_52 = arith.cmpi sge, %broadcast_in_dim3A_49, %ge3A_51 : vector<256x1xi32>
    %select_n3A_53 = arith.select %ge3A_52, %add3A_43, %select_n3A_40 : vector<256x1xi1>, vector<256x1xi32>
    %add3A_54 = arith.constant 134217728 : i32
    %add3A_55 = vector.broadcast %add3A_54 : i32 to vector<256x1xi32>
    %add3A_56 = arith.addi %select_n3A_53, %add3A_55 : vector<256x1xi32>
    %ge3A_57 = vector.broadcast %add3A_56 : vector<256x1xi32> to vector<256x4096xi32>
    %ge3A_58 = arith.cmpi sge, %xor3A, %ge3A_57 : vector<256x4096xi32>
    %convert_element_type3A_59 = arith.extui %ge3A_58 : vector<256x4096xi1> to vector<256x4096xi32>
    %reduce_sum3A_60 = arith.constant dense<0> : vector<256xi32>
    %reduce_sum3A_61 = vector.multi_reduction <add>, %convert_element_type3A_59, %reduce_sum3A_60 [1] : vector<256x4096xi32> to vector<256xi32>
    %broadcast_in_dim3A_62 = vector.shape_cast %reduce_sum3A_61 : vector<256xi32> to vector<256x1xi32>
    %ge3A_63 = arith.constant 81 : i32
    %ge3A_64 = vector.broadcast %ge3A_63 : i32 to vector<256x1xi32>
    %ge3A_65 = arith.cmpi sge, %broadcast_in_dim3A_62, %ge3A_64 : vector<256x1xi32>
    %select_n3A_66 = arith.select %ge3A_65, %add3A_56, %select_n3A_53 : vector<256x1xi1>, vector<256x1xi32>
    %add3A_67 = arith.constant 67108864 : i32
    %add3A_68 = vector.broadcast %add3A_67 : i32 to vector<256x1xi32>
    %add3A_69 = arith.addi %select_n3A_66, %add3A_68 : vector<256x1xi32>
    %ge3A_70 = vector.broadcast %add3A_69 : vector<256x1xi32> to vector<256x4096xi32>
    %ge3A_71 = arith.cmpi sge, %xor3A, %ge3A_70 : vector<256x4096xi32>
    %convert_element_type3A_72 = arith.extui %ge3A_71 : vector<256x4096xi1> to vector<256x4096xi32>
    %reduce_sum3A_73 = arith.constant dense<0> : vector<256xi32>
    %reduce_sum3A_74 = vector.multi_reduction <add>, %convert_element_type3A_72, %reduce_sum3A_73 [1] : vector<256x4096xi32> to vector<256xi32>
    %broadcast_in_dim3A_75 = vector.shape_cast %reduce_sum3A_74 : vector<256xi32> to vector<256x1xi32>
    %ge3A_76 = arith.constant 81 : i32
    %ge3A_77 = vector.broadcast %ge3A_76 : i32 to vector<256x1xi32>
    %ge3A_78 = arith.cmpi sge, %broadcast_in_dim3A_75, %ge3A_77 : vector<256x1xi32>
    %select_n3A_79 = arith.select %ge3A_78, %add3A_69, %select_n3A_66 : vector<256x1xi1>, vector<256x1xi32>
    %add3A_80 = arith.constant 33554432 : i32
    %add3A_81 = vector.broadcast %add3A_80 : i32 to vector<256x1xi32>
    %add3A_82 = arith.addi %select_n3A_79, %add3A_81 : vector<256x1xi32>
    %ge3A_83 = vector.broadcast %add3A_82 : vector<256x1xi32> to vector<256x4096xi32>
    %ge3A_84 = arith.cmpi sge, %xor3A, %ge3A_83 : vector<256x4096xi32>
    %convert_element_type3A_85 = arith.extui %ge3A_84 : vector<256x4096xi1> to vector<256x4096xi32>
    %reduce_sum3A_86 = arith.constant dense<0> : vector<256xi32>
    %reduce_sum3A_87 = vector.multi_reduction <add>, %convert_element_type3A_85, %reduce_sum3A_86 [1] : vector<256x4096xi32> to vector<256xi32>
    %broadcast_in_dim3A_88 = vector.shape_cast %reduce_sum3A_87 : vector<256xi32> to vector<256x1xi32>
    %ge3A_89 = arith.constant 81 : i32
    %ge3A_90 = vector.broadcast %ge3A_89 : i32 to vector<256x1xi32>
    %ge3A_91 = arith.cmpi sge, %broadcast_in_dim3A_88, %ge3A_90 : vector<256x1xi32>
    %select_n3A_92 = arith.select %ge3A_91, %add3A_82, %select_n3A_79 : vector<256x1xi1>, vector<256x1xi32>
    %add3A_93 = arith.constant 16777216 : i32
    %add3A_94 = vector.broadcast %add3A_93 : i32 to vector<256x1xi32>
    %add3A_95 = arith.addi %select_n3A_92, %add3A_94 : vector<256x1xi32>
    %ge3A_96 = vector.broadcast %add3A_95 : vector<256x1xi32> to vector<256x4096xi32>
    %ge3A_97 = arith.cmpi sge, %xor3A, %ge3A_96 : vector<256x4096xi32>
    %convert_element_type3A_98 = arith.extui %ge3A_97 : vector<256x4096xi1> to vector<256x4096xi32>
    %reduce_sum3A_99 = arith.constant dense<0> : vector<256xi32>
    %reduce_sum3A_100 = vector.multi_reduction <add>, %convert_element_type3A_98, %reduce_sum3A_99 [1] : vector<256x4096xi32> to vector<256xi32>
    %broadcast_in_dim3A_101 = vector.shape_cast %reduce_sum3A_100 : vector<256xi32> to vector<256x1xi32>
    %ge3A_102 = arith.constant 81 : i32
    %ge3A_103 = vector.broadcast %ge3A_102 : i32 to vector<256x1xi32>
    %ge3A_104 = arith.cmpi sge, %broadcast_in_dim3A_101, %ge3A_103 : vector<256x1xi32>
    %select_n3A_105 = arith.select %ge3A_104, %add3A_95, %select_n3A_92 : vector<256x1xi1>, vector<256x1xi32>
    %add3A_106 = arith.constant 8388608 : i32
    %add3A_107 = vector.broadcast %add3A_106 : i32 to vector<256x1xi32>
    %add3A_108 = arith.addi %select_n3A_105, %add3A_107 : vector<256x1xi32>
    %ge3A_109 = vector.broadcast %add3A_108 : vector<256x1xi32> to vector<256x4096xi32>
    %ge3A_110 = arith.cmpi sge, %xor3A, %ge3A_109 : vector<256x4096xi32>
    %convert_element_type3A_111 = arith.extui %ge3A_110 : vector<256x4096xi1> to vector<256x4096xi32>
    %reduce_sum3A_112 = arith.constant dense<0> : vector<256xi32>
    %reduce_sum3A_113 = vector.multi_reduction <add>, %convert_element_type3A_111, %reduce_sum3A_112 [1] : vector<256x4096xi32> to vector<256xi32>
    %broadcast_in_dim3A_114 = vector.shape_cast %reduce_sum3A_113 : vector<256xi32> to vector<256x1xi32>
    %ge3A_115 = arith.constant 81 : i32
    %ge3A_116 = vector.broadcast %ge3A_115 : i32 to vector<256x1xi32>
    %ge3A_117 = arith.cmpi sge, %broadcast_in_dim3A_114, %ge3A_116 : vector<256x1xi32>
    %select_n3A_118 = arith.select %ge3A_117, %add3A_108, %select_n3A_105 : vector<256x1xi1>, vector<256x1xi32>
    %add3A_119 = arith.constant 4194304 : i32
    %add3A_120 = vector.broadcast %add3A_119 : i32 to vector<256x1xi32>
    %add3A_121 = arith.addi %select_n3A_118, %add3A_120 : vector<256x1xi32>
    %ge3A_122 = vector.broadcast %add3A_121 : vector<256x1xi32> to vector<256x4096xi32>
    %ge3A_123 = arith.cmpi sge, %xor3A, %ge3A_122 : vector<256x4096xi32>
    %convert_element_type3A_124 = arith.extui %ge3A_123 : vector<256x4096xi1> to vector<256x4096xi32>
    %reduce_sum3A_125 = arith.constant dense<0> : vector<256xi32>
    %reduce_sum3A_126 = vector.multi_reduction <add>, %convert_element_type3A_124, %reduce_sum3A_125 [1] : vector<256x4096xi32> to vector<256xi32>
    %broadcast_in_dim3A_127 = vector.shape_cast %reduce_sum3A_126 : vector<256xi32> to vector<256x1xi32>
    %ge3A_128 = arith.constant 81 : i32
    %ge3A_129 = vector.broadcast %ge3A_128 : i32 to vector<256x1xi32>
    %ge3A_130 = arith.cmpi sge, %broadcast_in_dim3A_127, %ge3A_129 : vector<256x1xi32>
    %select_n3A_131 = arith.select %ge3A_130, %add3A_121, %select_n3A_118 : vector<256x1xi1>, vector<256x1xi32>
    %add3A_132 = arith.constant 2097152 : i32
    %add3A_133 = vector.broadcast %add3A_132 : i32 to vector<256x1xi32>
    %add3A_134 = arith.addi %select_n3A_131, %add3A_133 : vector<256x1xi32>
    %ge3A_135 = vector.broadcast %add3A_134 : vector<256x1xi32> to vector<256x4096xi32>
    %ge3A_136 = arith.cmpi sge, %xor3A, %ge3A_135 : vector<256x4096xi32>
    %convert_element_type3A_137 = arith.extui %ge3A_136 : vector<256x4096xi1> to vector<256x4096xi32>
    %reduce_sum3A_138 = arith.constant dense<0> : vector<256xi32>
    %reduce_sum3A_139 = vector.multi_reduction <add>, %convert_element_type3A_137, %reduce_sum3A_138 [1] : vector<256x4096xi32> to vector<256xi32>
    %broadcast_in_dim3A_140 = vector.shape_cast %reduce_sum3A_139 : vector<256xi32> to vector<256x1xi32>
    %ge3A_141 = arith.constant 81 : i32
    %ge3A_142 = vector.broadcast %ge3A_141 : i32 to vector<256x1xi32>
    %ge3A_143 = arith.cmpi sge, %broadcast_in_dim3A_140, %ge3A_142 : vector<256x1xi32>
    %select_n3A_144 = arith.select %ge3A_143, %add3A_134, %select_n3A_131 : vector<256x1xi1>, vector<256x1xi32>
    %add3A_145 = arith.constant 1048576 : i32
    %add3A_146 = vector.broadcast %add3A_145 : i32 to vector<256x1xi32>
    %add3A_147 = arith.addi %select_n3A_144, %add3A_146 : vector<256x1xi32>
    %ge3A_148 = vector.broadcast %add3A_147 : vector<256x1xi32> to vector<256x4096xi32>
    %ge3A_149 = arith.cmpi sge, %xor3A, %ge3A_148 : vector<256x4096xi32>
    %convert_element_type3A_150 = arith.extui %ge3A_149 : vector<256x4096xi1> to vector<256x4096xi32>
    %reduce_sum3A_151 = arith.constant dense<0> : vector<256xi32>
    %reduce_sum3A_152 = vector.multi_reduction <add>, %convert_element_type3A_150, %reduce_sum3A_151 [1] : vector<256x4096xi32> to vector<256xi32>
    %broadcast_in_dim3A_153 = vector.shape_cast %reduce_sum3A_152 : vector<256xi32> to vector<256x1xi32>
    %ge3A_154 = arith.constant 81 : i32
    %ge3A_155 = vector.broadcast %ge3A_154 : i32 to vector<256x1xi32>
    %ge3A_156 = arith.cmpi sge, %broadcast_in_dim3A_153, %ge3A_155 : vector<256x1xi32>
    %select_n3A_157 = arith.select %ge3A_156, %add3A_147, %select_n3A_144 : vector<256x1xi1>, vector<256x1xi32>
    %add3A_158 = arith.constant 524288 : i32
    %add3A_159 = vector.broadcast %add3A_158 : i32 to vector<256x1xi32>
    %add3A_160 = arith.addi %select_n3A_157, %add3A_159 : vector<256x1xi32>
    %ge3A_161 = vector.broadcast %add3A_160 : vector<256x1xi32> to vector<256x4096xi32>
    %ge3A_162 = arith.cmpi sge, %xor3A, %ge3A_161 : vector<256x4096xi32>
    %convert_element_type3A_163 = arith.extui %ge3A_162 : vector<256x4096xi1> to vector<256x4096xi32>
    %reduce_sum3A_164 = arith.constant dense<0> : vector<256xi32>
    %reduce_sum3A_165 = vector.multi_reduction <add>, %convert_element_type3A_163, %reduce_sum3A_164 [1] : vector<256x4096xi32> to vector<256xi32>
    %broadcast_in_dim3A_166 = vector.shape_cast %reduce_sum3A_165 : vector<256xi32> to vector<256x1xi32>
    %ge3A_167 = arith.constant 81 : i32
    %ge3A_168 = vector.broadcast %ge3A_167 : i32 to vector<256x1xi32>
    %ge3A_169 = arith.cmpi sge, %broadcast_in_dim3A_166, %ge3A_168 : vector<256x1xi32>
    %select_n3A_170 = arith.select %ge3A_169, %add3A_160, %select_n3A_157 : vector<256x1xi1>, vector<256x1xi32>
    %add3A_171 = arith.constant 262144 : i32
    %add3A_172 = vector.broadcast %add3A_171 : i32 to vector<256x1xi32>
    %add3A_173 = arith.addi %select_n3A_170, %add3A_172 : vector<256x1xi32>
    %ge3A_174 = vector.broadcast %add3A_173 : vector<256x1xi32> to vector<256x4096xi32>
    %ge3A_175 = arith.cmpi sge, %xor3A, %ge3A_174 : vector<256x4096xi32>
    %convert_element_type3A_176 = arith.extui %ge3A_175 : vector<256x4096xi1> to vector<256x4096xi32>
    %reduce_sum3A_177 = arith.constant dense<0> : vector<256xi32>
    %reduce_sum3A_178 = vector.multi_reduction <add>, %convert_element_type3A_176, %reduce_sum3A_177 [1] : vector<256x4096xi32> to vector<256xi32>
    %broadcast_in_dim3A_179 = vector.shape_cast %reduce_sum3A_178 : vector<256xi32> to vector<256x1xi32>
    %ge3A_180 = arith.constant 81 : i32
    %ge3A_181 = vector.broadcast %ge3A_180 : i32 to vector<256x1xi32>
    %ge3A_182 = arith.cmpi sge, %broadcast_in_dim3A_179, %ge3A_181 : vector<256x1xi32>
    %select_n3A_183 = arith.select %ge3A_182, %add3A_173, %select_n3A_170 : vector<256x1xi1>, vector<256x1xi32>
    %add3A_184 = arith.constant 131072 : i32
    %add3A_185 = vector.broadcast %add3A_184 : i32 to vector<256x1xi32>
    %add3A_186 = arith.addi %select_n3A_183, %add3A_185 : vector<256x1xi32>
    %ge3A_187 = vector.broadcast %add3A_186 : vector<256x1xi32> to vector<256x4096xi32>
    %ge3A_188 = arith.cmpi sge, %xor3A, %ge3A_187 : vector<256x4096xi32>
    %convert_element_type3A_189 = arith.extui %ge3A_188 : vector<256x4096xi1> to vector<256x4096xi32>
    %reduce_sum3A_190 = arith.constant dense<0> : vector<256xi32>
    %reduce_sum3A_191 = vector.multi_reduction <add>, %convert_element_type3A_189, %reduce_sum3A_190 [1] : vector<256x4096xi32> to vector<256xi32>
    %broadcast_in_dim3A_192 = vector.shape_cast %reduce_sum3A_191 : vector<256xi32> to vector<256x1xi32>
    %ge3A_193 = arith.constant 81 : i32
    %ge3A_194 = vector.broadcast %ge3A_193 : i32 to vector<256x1xi32>
    %ge3A_195 = arith.cmpi sge, %broadcast_in_dim3A_192, %ge3A_194 : vector<256x1xi32>
    %select_n3A_196 = arith.select %ge3A_195, %add3A_186, %select_n3A_183 : vector<256x1xi1>, vector<256x1xi32>
    %add3A_197 = arith.constant 65536 : i32
    %add3A_198 = vector.broadcast %add3A_197 : i32 to vector<256x1xi32>
    %add3A_199 = arith.addi %select_n3A_196, %add3A_198 : vector<256x1xi32>
    %ge3A_200 = vector.broadcast %add3A_199 : vector<256x1xi32> to vector<256x4096xi32>
    %ge3A_201 = arith.cmpi sge, %xor3A, %ge3A_200 : vector<256x4096xi32>
    %convert_element_type3A_202 = arith.extui %ge3A_201 : vector<256x4096xi1> to vector<256x4096xi32>
    %reduce_sum3A_203 = arith.constant dense<0> : vector<256xi32>
    %reduce_sum3A_204 = vector.multi_reduction <add>, %convert_element_type3A_202, %reduce_sum3A_203 [1] : vector<256x4096xi32> to vector<256xi32>
    %broadcast_in_dim3A_205 = vector.shape_cast %reduce_sum3A_204 : vector<256xi32> to vector<256x1xi32>
    %ge3A_206 = arith.constant 81 : i32
    %ge3A_207 = vector.broadcast %ge3A_206 : i32 to vector<256x1xi32>
    %ge3A_208 = arith.cmpi sge, %broadcast_in_dim3A_205, %ge3A_207 : vector<256x1xi32>
    %select_n3A_209 = arith.select %ge3A_208, %add3A_199, %select_n3A_196 : vector<256x1xi1>, vector<256x1xi32>
    %add3A_210 = arith.constant 32768 : i32
    %add3A_211 = vector.broadcast %add3A_210 : i32 to vector<256x1xi32>
    %add3A_212 = arith.addi %select_n3A_209, %add3A_211 : vector<256x1xi32>
    %ge3A_213 = vector.broadcast %add3A_212 : vector<256x1xi32> to vector<256x4096xi32>
    %ge3A_214 = arith.cmpi sge, %xor3A, %ge3A_213 : vector<256x4096xi32>
    %convert_element_type3A_215 = arith.extui %ge3A_214 : vector<256x4096xi1> to vector<256x4096xi32>
    %reduce_sum3A_216 = arith.constant dense<0> : vector<256xi32>
    %reduce_sum3A_217 = vector.multi_reduction <add>, %convert_element_type3A_215, %reduce_sum3A_216 [1] : vector<256x4096xi32> to vector<256xi32>
    %broadcast_in_dim3A_218 = vector.shape_cast %reduce_sum3A_217 : vector<256xi32> to vector<256x1xi32>
    %ge3A_219 = arith.constant 81 : i32
    %ge3A_220 = vector.broadcast %ge3A_219 : i32 to vector<256x1xi32>
    %ge3A_221 = arith.cmpi sge, %broadcast_in_dim3A_218, %ge3A_220 : vector<256x1xi32>
    %select_n3A_222 = arith.select %ge3A_221, %add3A_212, %select_n3A_209 : vector<256x1xi1>, vector<256x1xi32>
    %add3A_223 = arith.constant 16384 : i32
    %add3A_224 = vector.broadcast %add3A_223 : i32 to vector<256x1xi32>
    %add3A_225 = arith.addi %select_n3A_222, %add3A_224 : vector<256x1xi32>
    %ge3A_226 = vector.broadcast %add3A_225 : vector<256x1xi32> to vector<256x4096xi32>
    %ge3A_227 = arith.cmpi sge, %xor3A, %ge3A_226 : vector<256x4096xi32>
    %convert_element_type3A_228 = arith.extui %ge3A_227 : vector<256x4096xi1> to vector<256x4096xi32>
    %reduce_sum3A_229 = arith.constant dense<0> : vector<256xi32>
    %reduce_sum3A_230 = vector.multi_reduction <add>, %convert_element_type3A_228, %reduce_sum3A_229 [1] : vector<256x4096xi32> to vector<256xi32>
    %broadcast_in_dim3A_231 = vector.shape_cast %reduce_sum3A_230 : vector<256xi32> to vector<256x1xi32>
    %ge3A_232 = arith.constant 81 : i32
    %ge3A_233 = vector.broadcast %ge3A_232 : i32 to vector<256x1xi32>
    %ge3A_234 = arith.cmpi sge, %broadcast_in_dim3A_231, %ge3A_233 : vector<256x1xi32>
    %select_n3A_235 = arith.select %ge3A_234, %add3A_225, %select_n3A_222 : vector<256x1xi1>, vector<256x1xi32>
    %add3A_236 = arith.constant 8192 : i32
    %add3A_237 = vector.broadcast %add3A_236 : i32 to vector<256x1xi32>
    %add3A_238 = arith.addi %select_n3A_235, %add3A_237 : vector<256x1xi32>
    %ge3A_239 = vector.broadcast %add3A_238 : vector<256x1xi32> to vector<256x4096xi32>
    %ge3A_240 = arith.cmpi sge, %xor3A, %ge3A_239 : vector<256x4096xi32>
    %convert_element_type3A_241 = arith.extui %ge3A_240 : vector<256x4096xi1> to vector<256x4096xi32>
    %reduce_sum3A_242 = arith.constant dense<0> : vector<256xi32>
    %reduce_sum3A_243 = vector.multi_reduction <add>, %convert_element_type3A_241, %reduce_sum3A_242 [1] : vector<256x4096xi32> to vector<256xi32>
    %broadcast_in_dim3A_244 = vector.shape_cast %reduce_sum3A_243 : vector<256xi32> to vector<256x1xi32>
    %ge3A_245 = arith.constant 81 : i32
    %ge3A_246 = vector.broadcast %ge3A_245 : i32 to vector<256x1xi32>
    %ge3A_247 = arith.cmpi sge, %broadcast_in_dim3A_244, %ge3A_246 : vector<256x1xi32>
    %select_n3A_248 = arith.select %ge3A_247, %add3A_238, %select_n3A_235 : vector<256x1xi1>, vector<256x1xi32>
    %add3A_249 = arith.constant 4096 : i32
    %add3A_250 = vector.broadcast %add3A_249 : i32 to vector<256x1xi32>
    %add3A_251 = arith.addi %select_n3A_248, %add3A_250 : vector<256x1xi32>
    %ge3A_252 = vector.broadcast %add3A_251 : vector<256x1xi32> to vector<256x4096xi32>
    %ge3A_253 = arith.cmpi sge, %xor3A, %ge3A_252 : vector<256x4096xi32>
    %convert_element_type3A_254 = arith.extui %ge3A_253 : vector<256x4096xi1> to vector<256x4096xi32>
    %reduce_sum3A_255 = arith.constant dense<0> : vector<256xi32>
    %reduce_sum3A_256 = vector.multi_reduction <add>, %convert_element_type3A_254, %reduce_sum3A_255 [1] : vector<256x4096xi32> to vector<256xi32>
    %broadcast_in_dim3A_257 = vector.shape_cast %reduce_sum3A_256 : vector<256xi32> to vector<256x1xi32>
    %ge3A_258 = arith.constant 81 : i32
    %ge3A_259 = vector.broadcast %ge3A_258 : i32 to vector<256x1xi32>
    %ge3A_260 = arith.cmpi sge, %broadcast_in_dim3A_257, %ge3A_259 : vector<256x1xi32>
    %select_n3A_261 = arith.select %ge3A_260, %add3A_251, %select_n3A_248 : vector<256x1xi1>, vector<256x1xi32>
    %add3A_262 = arith.constant 2048 : i32
    %add3A_263 = vector.broadcast %add3A_262 : i32 to vector<256x1xi32>
    %add3A_264 = arith.addi %select_n3A_261, %add3A_263 : vector<256x1xi32>
    %ge3A_265 = vector.broadcast %add3A_264 : vector<256x1xi32> to vector<256x4096xi32>
    %ge3A_266 = arith.cmpi sge, %xor3A, %ge3A_265 : vector<256x4096xi32>
    %convert_element_type3A_267 = arith.extui %ge3A_266 : vector<256x4096xi1> to vector<256x4096xi32>
    %reduce_sum3A_268 = arith.constant dense<0> : vector<256xi32>
    %reduce_sum3A_269 = vector.multi_reduction <add>, %convert_element_type3A_267, %reduce_sum3A_268 [1] : vector<256x4096xi32> to vector<256xi32>
    %broadcast_in_dim3A_270 = vector.shape_cast %reduce_sum3A_269 : vector<256xi32> to vector<256x1xi32>
    %ge3A_271 = arith.constant 81 : i32
    %ge3A_272 = vector.broadcast %ge3A_271 : i32 to vector<256x1xi32>
    %ge3A_273 = arith.cmpi sge, %broadcast_in_dim3A_270, %ge3A_272 : vector<256x1xi32>
    %select_n3A_274 = arith.select %ge3A_273, %add3A_264, %select_n3A_261 : vector<256x1xi1>, vector<256x1xi32>
    %add3A_275 = arith.constant 1024 : i32
    %add3A_276 = vector.broadcast %add3A_275 : i32 to vector<256x1xi32>
    %add3A_277 = arith.addi %select_n3A_274, %add3A_276 : vector<256x1xi32>
    %ge3A_278 = vector.broadcast %add3A_277 : vector<256x1xi32> to vector<256x4096xi32>
    %ge3A_279 = arith.cmpi sge, %xor3A, %ge3A_278 : vector<256x4096xi32>
    %convert_element_type3A_280 = arith.extui %ge3A_279 : vector<256x4096xi1> to vector<256x4096xi32>
    %reduce_sum3A_281 = arith.constant dense<0> : vector<256xi32>
    %reduce_sum3A_282 = vector.multi_reduction <add>, %convert_element_type3A_280, %reduce_sum3A_281 [1] : vector<256x4096xi32> to vector<256xi32>
    %broadcast_in_dim3A_283 = vector.shape_cast %reduce_sum3A_282 : vector<256xi32> to vector<256x1xi32>
    %ge3A_284 = arith.constant 81 : i32
    %ge3A_285 = vector.broadcast %ge3A_284 : i32 to vector<256x1xi32>
    %ge3A_286 = arith.cmpi sge, %broadcast_in_dim3A_283, %ge3A_285 : vector<256x1xi32>
    %select_n3A_287 = arith.select %ge3A_286, %add3A_277, %select_n3A_274 : vector<256x1xi1>, vector<256x1xi32>
    %add3A_288 = arith.constant 512 : i32
    %add3A_289 = vector.broadcast %add3A_288 : i32 to vector<256x1xi32>
    %add3A_290 = arith.addi %select_n3A_287, %add3A_289 : vector<256x1xi32>
    %ge3A_291 = vector.broadcast %add3A_290 : vector<256x1xi32> to vector<256x4096xi32>
    %ge3A_292 = arith.cmpi sge, %xor3A, %ge3A_291 : vector<256x4096xi32>
    %convert_element_type3A_293 = arith.extui %ge3A_292 : vector<256x4096xi1> to vector<256x4096xi32>
    %reduce_sum3A_294 = arith.constant dense<0> : vector<256xi32>
    %reduce_sum3A_295 = vector.multi_reduction <add>, %convert_element_type3A_293, %reduce_sum3A_294 [1] : vector<256x4096xi32> to vector<256xi32>
    %broadcast_in_dim3A_296 = vector.shape_cast %reduce_sum3A_295 : vector<256xi32> to vector<256x1xi32>
    %ge3A_297 = arith.constant 81 : i32
    %ge3A_298 = vector.broadcast %ge3A_297 : i32 to vector<256x1xi32>
    %ge3A_299 = arith.cmpi sge, %broadcast_in_dim3A_296, %ge3A_298 : vector<256x1xi32>
    %select_n3A_300 = arith.select %ge3A_299, %add3A_290, %select_n3A_287 : vector<256x1xi1>, vector<256x1xi32>
    %add3A_301 = arith.constant 256 : i32
    %add3A_302 = vector.broadcast %add3A_301 : i32 to vector<256x1xi32>
    %add3A_303 = arith.addi %select_n3A_300, %add3A_302 : vector<256x1xi32>
    %ge3A_304 = vector.broadcast %add3A_303 : vector<256x1xi32> to vector<256x4096xi32>
    %ge3A_305 = arith.cmpi sge, %xor3A, %ge3A_304 : vector<256x4096xi32>
    %convert_element_type3A_306 = arith.extui %ge3A_305 : vector<256x4096xi1> to vector<256x4096xi32>
    %reduce_sum3A_307 = arith.constant dense<0> : vector<256xi32>
    %reduce_sum3A_308 = vector.multi_reduction <add>, %convert_element_type3A_306, %reduce_sum3A_307 [1] : vector<256x4096xi32> to vector<256xi32>
    %broadcast_in_dim3A_309 = vector.shape_cast %reduce_sum3A_308 : vector<256xi32> to vector<256x1xi32>
    %ge3A_310 = arith.constant 81 : i32
    %ge3A_311 = vector.broadcast %ge3A_310 : i32 to vector<256x1xi32>
    %ge3A_312 = arith.cmpi sge, %broadcast_in_dim3A_309, %ge3A_311 : vector<256x1xi32>
    %select_n3A_313 = arith.select %ge3A_312, %add3A_303, %select_n3A_300 : vector<256x1xi1>, vector<256x1xi32>
    %add3A_314 = arith.constant 128 : i32
    %add3A_315 = vector.broadcast %add3A_314 : i32 to vector<256x1xi32>
    %add3A_316 = arith.addi %select_n3A_313, %add3A_315 : vector<256x1xi32>
    %ge3A_317 = vector.broadcast %add3A_316 : vector<256x1xi32> to vector<256x4096xi32>
    %ge3A_318 = arith.cmpi sge, %xor3A, %ge3A_317 : vector<256x4096xi32>
    %convert_element_type3A_319 = arith.extui %ge3A_318 : vector<256x4096xi1> to vector<256x4096xi32>
    %reduce_sum3A_320 = arith.constant dense<0> : vector<256xi32>
    %reduce_sum3A_321 = vector.multi_reduction <add>, %convert_element_type3A_319, %reduce_sum3A_320 [1] : vector<256x4096xi32> to vector<256xi32>
    %broadcast_in_dim3A_322 = vector.shape_cast %reduce_sum3A_321 : vector<256xi32> to vector<256x1xi32>
    %ge3A_323 = arith.constant 81 : i32
    %ge3A_324 = vector.broadcast %ge3A_323 : i32 to vector<256x1xi32>
    %ge3A_325 = arith.cmpi sge, %broadcast_in_dim3A_322, %ge3A_324 : vector<256x1xi32>
    %select_n3A_326 = arith.select %ge3A_325, %add3A_316, %select_n3A_313 : vector<256x1xi1>, vector<256x1xi32>
    %add3A_327 = arith.constant 64 : i32
    %add3A_328 = vector.broadcast %add3A_327 : i32 to vector<256x1xi32>
    %add3A_329 = arith.addi %select_n3A_326, %add3A_328 : vector<256x1xi32>
    %ge3A_330 = vector.broadcast %add3A_329 : vector<256x1xi32> to vector<256x4096xi32>
    %ge3A_331 = arith.cmpi sge, %xor3A, %ge3A_330 : vector<256x4096xi32>
    %convert_element_type3A_332 = arith.extui %ge3A_331 : vector<256x4096xi1> to vector<256x4096xi32>
    %reduce_sum3A_333 = arith.constant dense<0> : vector<256xi32>
    %reduce_sum3A_334 = vector.multi_reduction <add>, %convert_element_type3A_332, %reduce_sum3A_333 [1] : vector<256x4096xi32> to vector<256xi32>
    %broadcast_in_dim3A_335 = vector.shape_cast %reduce_sum3A_334 : vector<256xi32> to vector<256x1xi32>
    %ge3A_336 = arith.constant 81 : i32
    %ge3A_337 = vector.broadcast %ge3A_336 : i32 to vector<256x1xi32>
    %ge3A_338 = arith.cmpi sge, %broadcast_in_dim3A_335, %ge3A_337 : vector<256x1xi32>
    %select_n3A_339 = arith.select %ge3A_338, %add3A_329, %select_n3A_326 : vector<256x1xi1>, vector<256x1xi32>
    %add3A_340 = arith.constant 32 : i32
    %add3A_341 = vector.broadcast %add3A_340 : i32 to vector<256x1xi32>
    %add3A_342 = arith.addi %select_n3A_339, %add3A_341 : vector<256x1xi32>
    %ge3A_343 = vector.broadcast %add3A_342 : vector<256x1xi32> to vector<256x4096xi32>
    %ge3A_344 = arith.cmpi sge, %xor3A, %ge3A_343 : vector<256x4096xi32>
    %convert_element_type3A_345 = arith.extui %ge3A_344 : vector<256x4096xi1> to vector<256x4096xi32>
    %reduce_sum3A_346 = arith.constant dense<0> : vector<256xi32>
    %reduce_sum3A_347 = vector.multi_reduction <add>, %convert_element_type3A_345, %reduce_sum3A_346 [1] : vector<256x4096xi32> to vector<256xi32>
    %broadcast_in_dim3A_348 = vector.shape_cast %reduce_sum3A_347 : vector<256xi32> to vector<256x1xi32>
    %ge3A_349 = arith.constant 81 : i32
    %ge3A_350 = vector.broadcast %ge3A_349 : i32 to vector<256x1xi32>
    %ge3A_351 = arith.cmpi sge, %broadcast_in_dim3A_348, %ge3A_350 : vector<256x1xi32>
    %select_n3A_352 = arith.select %ge3A_351, %add3A_342, %select_n3A_339 : vector<256x1xi1>, vector<256x1xi32>
    %add3A_353 = arith.constant 16 : i32
    %add3A_354 = vector.broadcast %add3A_353 : i32 to vector<256x1xi32>
    %add3A_355 = arith.addi %select_n3A_352, %add3A_354 : vector<256x1xi32>
    %ge3A_356 = vector.broadcast %add3A_355 : vector<256x1xi32> to vector<256x4096xi32>
    %ge3A_357 = arith.cmpi sge, %xor3A, %ge3A_356 : vector<256x4096xi32>
    %convert_element_type3A_358 = arith.extui %ge3A_357 : vector<256x4096xi1> to vector<256x4096xi32>
    %reduce_sum3A_359 = arith.constant dense<0> : vector<256xi32>
    %reduce_sum3A_360 = vector.multi_reduction <add>, %convert_element_type3A_358, %reduce_sum3A_359 [1] : vector<256x4096xi32> to vector<256xi32>
    %broadcast_in_dim3A_361 = vector.shape_cast %reduce_sum3A_360 : vector<256xi32> to vector<256x1xi32>
    %ge3A_362 = arith.constant 81 : i32
    %ge3A_363 = vector.broadcast %ge3A_362 : i32 to vector<256x1xi32>
    %ge3A_364 = arith.cmpi sge, %broadcast_in_dim3A_361, %ge3A_363 : vector<256x1xi32>
    %select_n3A_365 = arith.select %ge3A_364, %add3A_355, %select_n3A_352 : vector<256x1xi1>, vector<256x1xi32>
    %add3A_366 = arith.constant 8 : i32
    %add3A_367 = vector.broadcast %add3A_366 : i32 to vector<256x1xi32>
    %add3A_368 = arith.addi %select_n3A_365, %add3A_367 : vector<256x1xi32>
    %ge3A_369 = vector.broadcast %add3A_368 : vector<256x1xi32> to vector<256x4096xi32>
    %ge3A_370 = arith.cmpi sge, %xor3A, %ge3A_369 : vector<256x4096xi32>
    %convert_element_type3A_371 = arith.extui %ge3A_370 : vector<256x4096xi1> to vector<256x4096xi32>
    %reduce_sum3A_372 = arith.constant dense<0> : vector<256xi32>
    %reduce_sum3A_373 = vector.multi_reduction <add>, %convert_element_type3A_371, %reduce_sum3A_372 [1] : vector<256x4096xi32> to vector<256xi32>
    %broadcast_in_dim3A_374 = vector.shape_cast %reduce_sum3A_373 : vector<256xi32> to vector<256x1xi32>
    %ge3A_375 = arith.constant 81 : i32
    %ge3A_376 = vector.broadcast %ge3A_375 : i32 to vector<256x1xi32>
    %ge3A_377 = arith.cmpi sge, %broadcast_in_dim3A_374, %ge3A_376 : vector<256x1xi32>
    %select_n3A_378 = arith.select %ge3A_377, %add3A_368, %select_n3A_365 : vector<256x1xi1>, vector<256x1xi32>
    %add3A_379 = arith.constant 4 : i32
    %add3A_380 = vector.broadcast %add3A_379 : i32 to vector<256x1xi32>
    %add3A_381 = arith.addi %select_n3A_378, %add3A_380 : vector<256x1xi32>
    %ge3A_382 = vector.broadcast %add3A_381 : vector<256x1xi32> to vector<256x4096xi32>
    %ge3A_383 = arith.cmpi sge, %xor3A, %ge3A_382 : vector<256x4096xi32>
    %convert_element_type3A_384 = arith.extui %ge3A_383 : vector<256x4096xi1> to vector<256x4096xi32>
    %reduce_sum3A_385 = arith.constant dense<0> : vector<256xi32>
    %reduce_sum3A_386 = vector.multi_reduction <add>, %convert_element_type3A_384, %reduce_sum3A_385 [1] : vector<256x4096xi32> to vector<256xi32>
    %broadcast_in_dim3A_387 = vector.shape_cast %reduce_sum3A_386 : vector<256xi32> to vector<256x1xi32>
    %ge3A_388 = arith.constant 81 : i32
    %ge3A_389 = vector.broadcast %ge3A_388 : i32 to vector<256x1xi32>
    %ge3A_390 = arith.cmpi sge, %broadcast_in_dim3A_387, %ge3A_389 : vector<256x1xi32>
    %select_n3A_391 = arith.select %ge3A_390, %add3A_381, %select_n3A_378 : vector<256x1xi1>, vector<256x1xi32>
    %add3A_392 = arith.constant 2 : i32
    %add3A_393 = vector.broadcast %add3A_392 : i32 to vector<256x1xi32>
    %add3A_394 = arith.addi %select_n3A_391, %add3A_393 : vector<256x1xi32>
    %ge3A_395 = vector.broadcast %add3A_394 : vector<256x1xi32> to vector<256x4096xi32>
    %ge3A_396 = arith.cmpi sge, %xor3A, %ge3A_395 : vector<256x4096xi32>
    %convert_element_type3A_397 = arith.extui %ge3A_396 : vector<256x4096xi1> to vector<256x4096xi32>
    %reduce_sum3A_398 = arith.constant dense<0> : vector<256xi32>
    %reduce_sum3A_399 = vector.multi_reduction <add>, %convert_element_type3A_397, %reduce_sum3A_398 [1] : vector<256x4096xi32> to vector<256xi32>
    %broadcast_in_dim3A_400 = vector.shape_cast %reduce_sum3A_399 : vector<256xi32> to vector<256x1xi32>
    %ge3A_401 = arith.constant 81 : i32
    %ge3A_402 = vector.broadcast %ge3A_401 : i32 to vector<256x1xi32>
    %ge3A_403 = arith.cmpi sge, %broadcast_in_dim3A_400, %ge3A_402 : vector<256x1xi32>
    %select_n3A_404 = arith.select %ge3A_403, %add3A_394, %select_n3A_391 : vector<256x1xi1>, vector<256x1xi32>
    %add3A_405 = arith.constant 1 : i32
    %add3A_406 = vector.broadcast %add3A_405 : i32 to vector<256x1xi32>
    %add3A_407 = arith.addi %select_n3A_404, %add3A_406 : vector<256x1xi32>
    %ge3A_408 = vector.broadcast %add3A_407 : vector<256x1xi32> to vector<256x4096xi32>
    %ge3A_409 = arith.cmpi sge, %xor3A, %ge3A_408 : vector<256x4096xi32>
    %convert_element_type3A_410 = arith.extui %ge3A_409 : vector<256x4096xi1> to vector<256x4096xi32>
    %reduce_sum3A_411 = arith.constant dense<0> : vector<256xi32>
    %reduce_sum3A_412 = vector.multi_reduction <add>, %convert_element_type3A_410, %reduce_sum3A_411 [1] : vector<256x4096xi32> to vector<256xi32>
    %broadcast_in_dim3A_413 = vector.shape_cast %reduce_sum3A_412 : vector<256xi32> to vector<256x1xi32>
    %ge3A_414 = arith.constant 81 : i32
    %ge3A_415 = vector.broadcast %ge3A_414 : i32 to vector<256x1xi32>
    %ge3A_416 = arith.cmpi sge, %broadcast_in_dim3A_413, %ge3A_415 : vector<256x1xi32>
    %select_n3A_417 = arith.select %ge3A_416, %add3A_407, %select_n3A_404 : vector<256x1xi1>, vector<256x1xi32>
    %ge3A_418 = vector.broadcast %select_n3A_417 : vector<256x1xi32> to vector<256x4096xi32>
    %ge3A_419 = arith.cmpi sge, %xor3A, %ge3A_418 : vector<256x4096xi32>
    %jit3A = arith.constant 0.000000e+00 : f32
    %broadcast_in_dim3A_420 = vector.broadcast %jit3A : f32 to vector<256x4096xf32>
    %select_n3A_421 = arith.select %ge3A_419, %get3A_1, %broadcast_in_dim3A_420 : vector<256x4096xi1>, vector<256x4096xf32>
    %swap3A = arith.constant 0 : index
    %swap3A_422 = arith.constant 0 : index
    %swap3A_423 = vector.load %arg2[%swap3A, %swap3A_422] : memref<256x4096xf32, #tpu.memory_space<vmem>>, vector<256x4096xf32>
    tpu.vector_store %arg2[%swap3A, %swap3A_422], %select_n3A_421 {strides = array<i32>} : memref<256x4096xf32, #tpu.memory_space<vmem>>, vector<256x4096xf32>,
    return
  }
  func.func @transform_0(%arg0: i32) -> (i32, i32) {
    %c0_i32 = arith.constant 0 : i32
    %c0_i32_0 = arith.constant 0 : i32
    return %arg0, %c0_i32 : i32, i32
  }
  func.func @transform_1(%arg0: i32) -> (i32, i32) {
    %c0_i32 = arith.constant 0 : i32
    %c0_i32_0 = arith.constant 0 : i32
    return %arg0, %c0_i32 : i32, i32
  }
}

module attributes {stable_mosaic.version = 14 : i64} {
  func.func @_patch_body(%arg0: i32, %arg1: memref<256x4096xf32, #tpu.memory_space<vmem>>, %arg2: memref<256x4096xf32, #tpu.memory_space<vmem>>, %arg3: memref<256x4096xf32, #tpu.memory_space<vmem>>) attributes {dimension_semantics = [#tpu.dimension_semantics<parallel>], iteration_bounds = array<i64: 10>, scalar_prefetch = 0 : i64, scratch_operands = 0 : i64, tpu.core_type = #tpu.core_type<tc>, window_params = [{transform_indices = @transform_0, window_bounds = array<i64: 256, 4096>}, {transform_indices = @transform_1, window_bounds = array<i64: 256, 4096>}, {transform_indices = @transform_2, window_bounds = array<i64: 256, 4096>}]} {
    %get3A = arith.constant 0 : index
    %get3A_0 = arith.constant 0 : index
    %get3A_1 = vector.load %arg2[%get3A, %get3A_0] : memref<256x4096xf32, #tpu.memory_space<vmem>>, vector<256x4096xf32>
    %swap3A = arith.constant 0 : index
    %swap3A_2 = arith.constant 0 : index
    %swap3A_3 = vector.load %arg3[%swap3A, %swap3A_2] : memref<256x4096xf32, #tpu.memory_space<vmem>>, vector<256x4096xf32>
    tpu.vector_store %arg3[%swap3A, %swap3A_2], %get3A_1 {strides = array<i32>} : memref<256x4096xf32, #tpu.memory_space<vmem>>, vector<256x4096xf32>,
    return
  }
  func.func @transform_0(%arg0: i32) -> (i32, i32) {
    %add3A = arith.constant 54 : i32
    %add3A_0 = arith.addi %arg0, %add3A : i32
    %c0_i32 = arith.constant 0 : i32
    %c0_i32_1 = arith.constant 0 : i32
    return %add3A_0, %c0_i32 : i32, i32
  }
  func.func @transform_1(%arg0: i32) -> (i32, i32) {
    %c0_i32 = arith.constant 0 : i32
    %c0_i32_0 = arith.constant 0 : i32
    return %arg0, %c0_i32 : i32, i32
  }
  func.func @transform_2(%arg0: i32) -> (i32, i32) {
    %add3A = arith.constant 54 : i32
    %add3A_0 = arith.addi %arg0, %add3A : i32
    %c0_i32 = arith.constant 0 : i32
    %c0_i32_1 = arith.constant 0 : i32
    return %add3A_0, %c0_i32 : i32, i32
  }
}

</mosaic_0001>

<sc_bundles>
// kernel: kernel.5.cloned.1.call-start
scs
__scs_entry_jumppad:
0x0: {  	(pc) =	sbr.rel $0x88, $3  }
0x1: {  	(tag) =	ssettag $0x0;
	lr =	simm.s32 $0x1  }
0x2: {  	[smem:$0x3FA0] =	sst lr;
	_ =	strace $0xD0000000  }
0x3: {  	_ = 	snop  }
0x4: {  	_ = 	snop  }
0x5: {  	_ = 	snop  }
0x6: {  	_ = 	snop  }
0x7: {  	_ = 	snop  }
__scs_overlays_trampoline_lowered:
0x8: {  	[smem:$0x3FAF] =	sst s0  }
0x9: {  	[smem:$0x3FB0] =	sst s1  }
0xa: {  	[smem:$0x3FB1] =	sst s2  }
0xb: {  	[smem:$0x3FB2] =	sst s3  }
0xc: {  	[smem:$0x3FB3] =	sst s4  }
0xd: {  	[smem:$0x3FB4] =	sst s5  }
0xe: {  	[smem:$0x3FB5] =	sst s6  }
0xf: {  	[smem:$0x3FB6] =	sst s7  }
0x10: {  	[smem:$0x3FB7] =	sst s8  }
0x11: {  	[smem:$0x3FB8] =	sst s9;
	s0 =	simm.s32 @!p0 $0x0  }
0x12: {  	s1 =	sld [smem:$0x3F9E];
	s0 =	simm.s32 @p0 $0x1  }
0x13: {  	[smem:$0x3FB9] =	sst s0;
	s0 =	simm.s32 @!p1 $0x0  }
0x14: {  	s2 =	sld [smem:$0x3F9D];
	s0 =	simm.s32 @p1 $0x1  }
0x15: {  	[smem:$0x3FBA] =	sst s0;
	s0 =	simm.s32 @!p2 $0x0  }
0x16: {  	s3 =	sld [smem:$0x3FDB];
	s0 =	simm.s32 @p2 $0x1  }
0x17: {  	s4 =	simm.s32 $0x1BF5;
	[smem:$0x3FBC] =	sst s0  }
0x18: {  	s0 =	sld [smem:$0x3F9F];
	_ =	swait.ge [sflag:s4], $0x0  }
0x19: {  	s7 =	sld [smem:$0x3FA0]  }
0x1a: {  	s8 =	sadd.s32 $0xFFFFE003, lr  }
0x1b: {  	s9 =	sadd.s32 $0xFFFFFEF7, lr;
	s5 =	simm.s32 $0xFFFFFFFF;
	p2 =	slt.u32 s8, $0xFFFFF086  }
0x1c: {  	p1 =	slt.u32 s9, $0xF7A;
	s5 =	simm.s32 @!p2 $0x0  }
0x1d: {  	s5 =	simm.s32 @p1 $0x1;
	p0 =	seq.s32 s7, s2  }
0x1e: {  	s7 =	smul.u32 @!p0 $0xF7A, s2;
	p2 =	seq.s32 @!p0 s5, $0x0  }
0x1f: {  	s9 =	smul.u32 $0xF7A, s1;
	s8 =	simm.s32 @!p0 $0x1BF5;
	p2 =	por !p2, p0  }
0x20: {  	[sflag:s8] =	ssyncset.s32 @!p0 $0xFFFFF086;
	s6 =	sadd.s32 @!p0 s3, s7;
	s7 =	simm.s32 @!p0 $0x108  }
0x21: {  	s3 =	sadd.s32 s3, s9;
	s6 =	sadd.s32 @!p0 $0x88, s6;
	s7 =	simm.s32 @p2 $0x1082  }
0x22: {  	[simem:s7], [sflag:s8] =	dma.local @!p0 [hbm:s6], $0xF7A  }
0x23: {  	s9 =	sor.u32 $0xD0000000, s2;
	s6 =	simm.s32 $0x108;
	_ =	swait.ge @!p0 [sflag:s8], $0x0  }
0x24: {  	s3 =	sadd.s32 $0x88, s3;
	s6 =	simm.s32 @!p1 $0x1082;
	[sflag:s4] =	ssyncset.s32 $0xFFFFF086  }
0x25: {  	[simem:s6], [sflag:s4] =	dma.local [hbm:s3], $0xF7A  }
0x26: {  	[smem:$0x3FA0] =	sst s1;
	(tag) =	ssettag s2;
	_ =	strace s9  }
0x27: {  	s1 =	sld [smem:$0x3FB0]  }
0x28: {  	s2 =	sld [smem:$0x3FB1]  }
0x29: {  	s4 =	sld [smem:$0x3FB3]  }
0x2a: {  	p0 =	seq.s32 s5, $0x0;
	s5 =	sld [smem:$0x3FB4]  }
0x2b: {  	s6 =	sld [smem:$0x3FB5]  }
0x2c: {  	s7 =	sld [smem:$0x3FB6]  }
0x2d: {  	s3 =	simm.s32 $0x108;
	s8 =	sld [smem:$0x3FB7]  }
0x2e: {  	s3 =	simm.s32 @!p0 $0x1082;
	s9 =	sld [smem:$0x3FB8]  }
0x2f: {  	lr =	sadd.s32 s0, s3;
	s0 =	sld [smem:$0x3FAF]  }
0x30: {  	s3 =	sld [smem:$0x3FB2]  }
0x31: {  	[smem:$0x3FBB] =	sst s10  }
0x32: {  	s10 =	sld [smem:$0x3FB9];
	_ =	sdelay $0x3  }
0x33: {  	p0 =	seq.s32 s10, $0x1;
	s10 =	sld [smem:$0x3FBB];
	_ =	sdelay $0x3  }
0x34: {  	[smem:$0x3FBB] =	sst s10  }
0x35: {  	s10 =	sld [smem:$0x3FBA];
	_ =	sdelay $0x3  }
0x36: {  	p1 =	seq.s32 s10, $0x1;
	s10 =	sld [smem:$0x3FBB];
	_ =	sdelay $0x3  }
0x37: {  	[smem:$0x3FBB] =	sst s10  }
0x38: {  	s10 =	sld [smem:$0x3FBC]  }
0x39: {  	_ = 	snop;
	(pc) =	sbr.ind lr, $3  }
0x3a: {  	_ = 	snop  }
0x3b: {  	_ = 	snop  }
0x3c: {  	p2 =	seq.s32 s10, $0x1;
	s10 =	sld [smem:$0x3FBB]  }
0x3d: {  	_ =	shalt  }
0x3e: {  	_ =	shalt  }
0x3f: {  	_ =	shalt  }
0x40: {  	_ =	shalt  }
0x41: {  	_ =	shalt  }
0x42: {  	_ =	shalt  }
0x43: {  	_ =	shalt  }
0x44: {  	_ =	shalt  }
0x45: {  	_ =	shalt  }
0x46: {  	_ =	shalt  }
0x47: {  	_ =	shalt  }
0x48: {  	_ =	shalt  }
0x49: {  	_ =	shalt  }
0x4a: {  	_ =	shalt  }
0x4b: {  	_ =	shalt  }
0x4c: {  	_ =	shalt  }
0x4d: {  	_ =	shalt  }
0x4e: {  	_ =	shalt  }
0x4f: {  	_ =	shalt  }
0x50: {  	_ =	shalt  }
0x51: {  	_ =	shalt  }
0x52: {  	_ =	shalt  }
0x53: {  	_ =	shalt  }
0x54: {  	_ =	shalt  }
0x55: {  	_ =	shalt  }
0x56: {  	_ =	shalt  }
0x57: {  	_ =	shalt  }
0x58: {  	_ =	shalt  }
0x59: {  	_ =	shalt  }
0x5a: {  	_ =	shalt  }
0x5b: {  	_ =	shalt  }
0x5c: {  	_ =	shalt  }
0x5d: {  	_ =	shalt  }
0x5e: {  	_ =	shalt  }
0x5f: {  	_ =	shalt  }
0x60: {  	_ =	shalt  }
0x61: {  	_ =	shalt  }
0x62: {  	_ =	shalt  }
0x63: {  	_ =	shalt  }
0x64: {  	_ =	shalt  }
0x65: {  	_ =	shalt  }
0x66: {  	_ =	shalt  }
0x67: {  	_ =	shalt  }
0x68: {  	_ =	shalt  }
0x69: {  	_ =	shalt  }
0x6a: {  	_ =	shalt  }
0x6b: {  	_ =	shalt  }
0x6c: {  	_ =	shalt  }
0x6d: {  	_ =	shalt  }
0x6e: {  	_ =	shalt  }
0x6f: {  	_ =	shalt  }
0x70: {  	_ =	shalt  }
0x71: {  	_ =	shalt  }
0x72: {  	_ =	shalt  }
0x73: {  	_ =	shalt  }
0x74: {  	_ =	shalt  }
0x75: {  	_ =	shalt  }
0x76: {  	_ =	shalt  }
0x77: {  	_ =	shalt  }
0x78: {  	_ =	shalt  }
0x79: {  	_ =	shalt  }
0x7a: {  	_ =	shalt  }
0x7b: {  	_ =	shalt  }
0x7c: {  	_ =	shalt  }
0x7d: {  	_ =	shalt  }
0x7e: {  	_ =	shalt  }
0x7f: {  	_ =	shalt  }
0x80: {  	_ =	shalt  }
0x81: {  	_ =	shalt  }
0x82: {  	_ =	shalt  }
0x83: {  	_ =	shalt  }
0x84: {  	_ =	shalt  }
0x85: {  	_ =	shalt  }
0x86: {  	_ =	shalt  }
0x87: {  	_ =	shalt  }
.Lfunc_end0:
.L_simem_size_0:
called_computation.1_lowered:
.L_overlay_start_0:
0x88: {  	s2 =	sld [smem:$0x3FD9]  }
0x89: {  	s3 =	sld [smem:$0x3FFE];
	_ =	sdelay $0x1  }
0x8a: {  	s1 =	srdreg.scid  }
0x8b: {  	s0 =	sand.u32 $0x1, s1  }
0x8c: {  	s16 =	sshll.u32 s0, $0xA;
	s2 =	sadd.s32 s3, s2  }
0x8d: {  	s2 =	sadd.s32 s2, s16  }
0x8e: {  	[smem:$0x3FC7] =	sst s2  }
0x8f: {  	_ = 	snop  }
0x90: {  	(tm) =	ssettm $0x1  }
0x91: {  	s17 =	sld [smem:$0x3FFB];
	_ =	sdelay $0x3  }
0x92: {  	_ =	strace s17  }
0x93: {  	s2 =	sld [smem:$0x3FFC];
	_ =	sdelay $0x3  }
0x94: {  	_ =	strace s2  }
0x95: {  	s2 =	sld [smem:$0x3FFD];
	_ =	sdelay $0x3  }
0x96: {  	_ =	strace s2  }
0x97: {  	_ =	strace $0x8FFFFFFF  }
0x98: {  	s18 =	sld [smem:$0x3FDB];
	_ =	sdelay $0x1  }
0x99: {  	s19 =	simm.s32 $_scs_section_size  }
0x9a: {  	s4 =	simm.s32 $_size__tile_overlayer_lowered;
	s5 =	simm.s32 $_tile_overlayer_lowered  }
0x9b: {  	s22 =	simm.s32 $0x1BFF;
	s21 =	sshll.u32 s5, $0x1;
	s2 =	sadd.s32 s19, s18  }
0x9c: {  	s6 =	simm.s32 $0x0;
	s20 =	sshll.u32 s4, $0x1;
	s4 =	sadd.s32 s21, s2  }
0x9d: {  	[timem:s6], [sflag:s22] =	dma.local [hbm:s4], s20  }
0x9e: {  	_ =	swait.ge [sflag:s22], s20  }
0x9f: {  	s3 =	ssub.s32 $0x0, s20;
	[sflag:s22] =	ssyncset.done $0x0  }
0xa0: {  	[sflag:s22] =	ssyncadd.s32 s3;
	_ =	sdelay $0x1  }
0xa1: {  	s23 =	simm.s32 $0x1B8B  }
0xa2: {  	_ =	swait.ge [sflag:s23], $0x1  }
0xa3: {  	[sflag:s23] =	ssyncset.done $0x0  }
0xa4: {  	s25 =	simm.s32 $0x1B8E;
	s24 =	sld [smem:$0x3FFE];
	[sflag:s23] =	ssyncadd.s32 $0xFFFFFFFF  }
0xa5: {  	s26 =	simm.s32 $execute0_lowered;
	[smem:$0x3FD2] =	sst s25  }
0xa6: {  	s4 =	sshll.u32 s26, $0x1;
	_ =	strace $0x80000049;
	[dreg:$0x1] =	wrdreg $0xFFFFFFFF  }
0xa7: {  	s28 =	simm.s32 $_size_execute0_lowered;
	s2 =	sadd.s32 s2, s4;
	[dreg:$0x0] =	wrdreg $0x0  }
0xa8: {  	s4 =	sshll.u32 s28, $0x1;
	[dreg:$0x2] =	wrdreg s2  }
0xa9: {  	[dreg:$0x3] =	wrdreg s4  }
0xaa: {  	[dreg:$0x4] =	wrdreg $0xC0  }
0xab: {  	_ =	task [dreg:s6], $0x5FFFF  }
0xac: {  	[dreg:$0x1] =	wrdreg $0xFFFFFFFF  }
0xad: {  	[dreg:$0x0] =	wrdreg $0x60  }
0xae: {  	[dreg:$0x2] =	wrdreg s24  }
0xaf: {  	[dreg:$0x3] =	wrdreg $0x9  }
0xb0: {  	_ =	task.clear_ibuf [dreg:s6], $0x4FFFF;
	_ =	strace $0x90000049  }
0xb1: {  	s29 =	simm.s32 $0x9;
	_ =	strace $0x8000004B  }
0xb2: {  	_ =	swait.ge [sflag:s29], $0x1  }
0xb3: {  	[sflag:s29] =	ssyncadd.s32 $0xFFFFFFFF  }
0xb4: {  	_ =	strace $0x9000004B  }
0xb5: {  	_ =	sfence  }
0xb6: {  	s30 =	sld [smem:$0x0];
	_ =	sdelay $0x2  }
0xb7: {  	s31 =	sshll.u32 s1, $0xD;
	s1 =	sshrl.u32 s1, $0x2  }
0xb8: {  	s3 =	sand.u32 $0x4000, s31;
	s1 =	sadd.s32 s1, s30  }
0xb9: {  	s0 =	sor.u32 s3, s0;
	s1 =	sshll.u32 s1, $0x11  }
0xba: {  	s0 =	sor.u32 s1, s0  }
0xbb: {  	s0 =	sadd.s32 $0x8F2B, s0  }
0xbc: {  	[sflag:s0] =	ssyncadd.remote.s32 $0x1  }
0xbd: {  	_ =	sfence.sel $0xFFFF  }
0xbe: {  	[dreg:$0x0] =	wrdreg $0xFFFFFFFF;
	(pc) =	sbr.abs _section_cstart, $3  }
0xbf: {  	[dreg:$0x1] =	wrdreg $0xFFFFFFFF  }
0xc0: {  	_ =	task.clear_ibuf [dreg:s6], $0x2FFFF;
	_ =	strace $0x9FFFFFFF  }
0xc1: {  	(tm) =	ssettm $0x7FFFFFFF  }
tec
execute0_lowered:
.L_overlay_start_1:
0x0: {  	(tag) =	ssettag $0x1  }
0x1: {  	s0 =	srdreg.scid  }
0x2: {  	s1 =	stileid.u32;
	s5 =	rddreg [dreg:$0x0]  }
0x3: {  	s2 =	simm.s32 $0x0;
	s9 =	simm.s32 $0x4000;
	s10 =	simm.s32 $0x1  }
0x4: {  	s11 =	simm.s32 $0x10000;
	s12 =	simm.s32 $0x10200;
	s13 =	simm.s32 $0x11280  }
0x5: {  	s14 =	simm.s32 $0x8000;
	s0 =	sand.u32 $0x1, s0;
	s1 =	sshll.u32 s1, $0x1  }
0x6: {  	s15 =	simm.s32 $0x2;
	s1 =	sor.u32 s0, s1;
	s0 =	ssub.s32 $0x2, s0  }
0x7: {  	s16 =	simm.s32 $0xC000;
	s3 =	smul.u32 $0x50000, s1;
	s7 =	sshrl.u32 s0, $0x1  }
.Ltmp0:
0x8: {  	[smem:$0x7FF] =	sst s2;
	s0 =	ssub.s32 s0, s7;
	(pc) =	sbr.rel .LBB2_1-.Ltmp0, $4  }
0x9: {  	s4 =	sadd.s32 $0x800, s5;
	s1 =	sshrl.u32 s3, $0x3;
	s0 =	smax.u32 s0, $0x1  }
0xa: {  	_ =	strace $0x8000004A;
	s1 =	sadd.s32 s4, s1;
	[dreg:$0x4] =	wrdreg s0  }
0xb: {  	v0 =	vlaneseq.u32;
	s18 =	simm.s32 $0x4;
	[dreg:$0x2] =	wrdreg s1;
	s1 =	sadd.s32 $0x800, s1  }
0xc: {  	v1 =	vimm.s32 $0x0;
	v3 =	vimm.s32 $0x1;
	s19 =	simm.s32 $0x0;
	s6 =	sadd.s32 $0x140800, s5;
	v2 =	vmul.u32 $0x20, v0;
	[dreg:$0x3] =	wrdreg s1  }
.LBB2_334:
0xd: {  	s0 =	simm.s32 $0x3  }
0xe: {  	_ =	swait.ge [sflag:s0], $0x4000  }
0xf: {  	[sflag:s0] =	ssyncset.done $0x0  }
0x10: {  	[sflag:s0] =	ssyncadd.s32 $0xFFFFC000  }
0x11: {  	_ =	swait.ge [sflag:s18], $0x4000  }
0x12: {  	s19 =	sadd.s32 $0x1, s19;
	s31 =	rddreg [dreg:$0x4]  }
0x13: {  	p0 =	sne.s32 s19, s31  }
.Ltmp1:
0x14: {  	_ = 	snop;
	(pc) =	sbr.rel @!p0 .LBB2_335-.Ltmp1, $3  }
0x15: {  	_ =	sdelay $0x1  }
0x16: {  	[sflag:s18] =	ssyncset.done $0x0  }
0x17: {  	[sflag:s18] =	ssyncadd.s32 $0xFFFFC000  }
.LBB2_1:
0x18: {  	s0 =	rddreg [dreg:$0x2]  }
0x19: {  	[tilespmem:s2], [sflag:$0x1] =	stream.linear.gather [hbm4b:s0+s2], $0x4000, $0x38;
	[tilespmem:$0x12300] =	vst v63  }
0x1a: {  	s31 =	rddreg [dreg:$0x3];
	s20 =	simm.s32 $0x0  }
0x1b: {  	[tilespmem:s9], [sflag:$0x2] =	stream.linear.gather [hbm4b:s31+s2], $0x4000, $0x38;
	[tilespmem:$0x12300] =	vst v63  }
.LBB2_2:
0x1c: {  	_ =	swait.ge [sflag:s10], $0x4000  }
.Ltmp2:
0x1d: {  	p0 =	seq.s32 s20, $0x0;
	[sflag:s10] =	ssyncset.done $0x0;
	(pc) =	sbr.rel .LBB2_3-.Ltmp2, $4  }
0x1e: {  	s0 =	simm.s32 @!p0 $0x3;
	[sflag:s10] =	ssyncadd.s32 $0xFFFFC000  }
0x1f: {  	s21 =	sshll.u32 s20, $0xF;
	s23 =	simm.s32 $0x0;
	_ =	swait.ge @!p0 [sflag:s0], $0x4000  }
0x20: {  	s24 =	simm.s32 $0x40;
	s25 =	simm.s32 $0x8020;
	[sflag:s0] =	ssyncset.done @!p0 $0x0  }
0x21: {  	s26 =	simm.s32 $0x20;
	s22 =	sadd.s32 s3, s21;
	[sflag:s0] =	ssyncadd.s32 @!p0 $0xFFFFC000  }
.LBB2_158:
0x22: {  	s28 =	simm.s32 $0x11280;
	p2 =	por $0x0, $0x0  }
.LBB2_165:
0x23: {  	v12 =	vld [tilespmem:s1+$0x0];
	s1 =	sadd.s32 @p2 $0x10, s28  }
0x24: {  	s0 =	smov.u32 @p2 s1  }
0x25: {  	v13 =	vld [tilespmem:s0+$0x0];
	_ =	sdelay $0x1  }
0x26: {  	vm3 =	vgt.s32 v4, s31;
	vm1 =	vmand @p2 vm1, vm2  }
0x27: {  	v4 =	vadd.s32 @p2 v5, v8;
	vm1 =	vmmov @p2 vm1;
	vm15 =	vge.s32 v12, v6  }
0x28: {  	v4 =	vpsel p2, v4, v0;
	vm2 =	vmand vm3, vm15  }
0x29: {  	v5 =	vadd.s32 v5, v13  }
0x2a: {  	v6 =	vand.u32 @p2 $0x7FFFFFFF, v7  }
0x2b: {  	v63 =	vshra.s32 v12, $0x1F;
	v6 =	vxor.u32 @p2 v10, v6  }
0x2c: {  	[tilespmem:v9+s14+$0x0] =	vst.idx.msk @p1 vm0, v11;
	v7 =	vand.u32 $0x7FFFFFFF, v63;
	v6 =	vpsel p2, v6, v0  }
0x2d: {  	[tilespmem:v4+s14+$0x0] =	vst.idx.msk @p2 vm1, v6;
	v4 =	vxor.u32 v12, v7  }
0x2e: {  	[tilespmem:v5+s14+$0x0] =	vst.idx.msk vm2, v4  }
.LBB2_166:
0x2f: {  	s23 =	sadd.s32 $0x1, s23  }
0x30: {  	p1 =	seq.s32 s23, $0x4  }
.Ltmp3:
0x31: {  	_ = 	snop;
	(pc) =	sbr.rel @p1 .LBB2_167-.Ltmp3, $2  }
0x32: {  	_ =	sdelay $0x2  }
0x33: {  	s24 =	sadd.s32 $0x1000, s24;
	s25 =	sadd.s32 $0x1000, s25;
	s26 =	sadd.s32 $0x1000, s26  }
.LBB2_3:
0x34: {  	[tilespmem:$0x10000] =	vst v1  }
0x35: {  	[tilespmem:$0x10010] =	vst v1  }
0x36: {  	[tilespmem:$0x10020] =	vst v1  }
0x37: {  	[tilespmem:$0x10030] =	vst v1  }
0x38: {  	[tilespmem:$0x10040] =	vst v1  }
0x39: {  	[tilespmem:$0x10050] =	vst v1  }
0x3a: {  	[tilespmem:$0x10060] =	vst v1  }
0x3b: {  	[tilespmem:$0x10070] =	vst v1  }
0x3c: {  	[tilespmem:$0x10080] =	vst v1  }
0x3d: {  	[tilespmem:$0x10090] =	vst v1  }
0x3e: {  	[tilespmem:$0x100A0] =	vst v1  }
0x3f: {  	[tilespmem:$0x100B0] =	vst v1  }
0x40: {  	[tilespmem:$0x100C0] =	vst v1  }
0x41: {  	[tilespmem:$0x100D0] =	vst v1  }
0x42: {  	[tilespmem:$0x100E0] =	vst v1  }
0x43: {  	[tilespmem:$0x100F0] =	vst v1  }
0x44: {  	[tilespmem:$0x10100] =	vst v1  }
0x45: {  	[tilespmem:$0x10110] =	vst v1  }
0x46: {  	[tilespmem:$0x10120] =	vst v1  }
0x47: {  	[tilespmem:$0x10130] =	vst v1  }
0x48: {  	[tilespmem:$0x10140] =	vst v1  }
0x49: {  	[tilespmem:$0x10150] =	vst v1  }
0x4a: {  	[tilespmem:$0x10160] =	vst v1  }
0x4b: {  	[tilespmem:$0x10170] =	vst v1  }
0x4c: {  	[tilespmem:$0x10180] =	vst v1  }
0x4d: {  	[tilespmem:$0x10190] =	vst v1  }
0x4e: {  	[tilespmem:$0x101A0] =	vst v1  }
0x4f: {  	[tilespmem:$0x101B0] =	vst v1  }
0x50: {  	[tilespmem:$0x101C0] =	vst v1  }
0x51: {  	[tilespmem:$0x101D0] =	vst v1  }
0x52: {  	[tilespmem:$0x101E0] =	vst v1  }
0x53: {  	[tilespmem:$0x101F0] =	vst v1  }
0x54: {  	v4 =	vld [tilespmem:s24+$0x30]  }
0x55: {  	v5 =	vld [tilespmem:s24+$0xFFFFFFD0]  }
0x56: {  	v6 =	vld [tilespmem:s24+$0xFFFFFFE0]  }
0x57: {  	v7 =	vld [tilespmem:s24+$0xFFFFFFF0]  }
0x58: {  	v8 =	vld [tilespmem:s24+$0x0];
	_ =	sdelay $0x1  }
0x59: {  	v9 =	vld [tilespmem:s24+$0x10]  }
0x5a: {  	v12 =	vld [tilespmem:s24+$0x20]  }
0x5b: {  	v13 =	vld [tilespmem:s24+$0xFFFFFFC0];
	v10 =	vshra.s32 v4, $0x1F;
	v11 =	vshra.s32 v5, $0x1F;
	v14 =	vshra.s32 v6, $0x1F  }
0x5c: {  	v62 =	vshra.s32 v7, $0x1F;
	v15 =	vshra.s32 v8, $0x1F;
	v10 =	vor.u32 $0x80000000, v10  }
0x5d: {  	v11 =	vor.u32 $0x80000000, v11;
	v4 =	vxor.u32 v4, v10;
	v10 =	vor.u32 $0x80000000, v14  }
0x5e: {  	v14 =	vor.u32 $0x80000000, v62;
	v11 =	vxor.u32 v5, v11;
	v4 =	vshrl.u32 v4, $0x1B  }
0x5f: {  	v5 =	vshra.s32 v9, $0x1F;
	v63 =	vxor.u32 v6, v10;
	v16 =	vor.u32 v2, v4  }
0x60: {  	v6 =	vor.u32 $0x80000000, v5;
	v5 =	vshra.s32 v12, $0x1F;
	v10 =	vshra.s32 v13, $0x1F  }
0x61: {  	v14 =	vxor.u32 v7, v14;
	v4 =	vor.u32 $0x80000000, v15;
	v7 =	vor.u32 $0x80000000, v5  }
0x62: {  	v10 =	vor.u32 $0x80000000, v10;
	v5 =	vxor.u32 v8, v4;
	v4 =	vxor.u32 v9, v6  }
0x63: {  	v8 =	vxor.u32 v13, v10;
	v6 =	vshrl.u32 v11, $0x1B;
	v7 =	vxor.u32 v12, v7  }
0x64: {  	s28 =	sshll.u32 s23, $0xC;
	s0 =	simm.s32 $0x0;
	s1 =	sadd.s32 $0x80, s24;
	v9 =	vshrl.u32 v63, $0x1B;
	v10 =	vshrl.u32 v8, $0x1B;
	v8 =	vshrl.u32 v14, $0x1B;
	[tilespmem:v16+s11+$0x0] =	vst.idx.add.s32.msk $0xffff, v3  }
.LBB2_4:
0x65: {  	v11 =	vld [tilespmem:s1+$0x30];
	s0 =	sadd.s32 $0x8, s0;
	v5 =	vshrl.u32 v5, $0x1B;
	v4 =	vshrl.u32 v4, $0x1B;
	v7 =	vshrl.u32 v7, $0x1B  }
0x66: {  	v10 =	vor.u32 v2, v10;
	v6 =	vor.u32 v2, v6;
	v9 =	vor.u32 v2, v9;
	v12 =	vld [tilespmem:s1+$0xFFFFFFD0];
	p1 =	slt.u32 s0, $0xF8  }
0x67: {  	v8 =	vor.u32 v2, v8;
	v5 =	vor.u32 v2, v5;
	v14 =	vor.u32 v2, v4;
	v13 =	vld [tilespmem:s1+$0xFFFFFFE0]  }
0x68: {  	v15 =	vor.u32 v2, v7;
	v4 =	vld [tilespmem:s1+$0xFFFFFFF0]  }
0x69: {  	v7 =	vld [tilespmem:s1+$0x0]  }
0x6a: {  	v16 =	vld [tilespmem:s1+$0x10];
	v17 =	vshra.s32 v11, $0x1F  }
0x6b: {  	v18 =	vshra.s32 v12, $0x1F;
	v19 =	vld [tilespmem:s1+$0x20];
	v17 =	vor.u32 $0x80000000, v17  }
0x6c: {  	v20 =	vld [tilespmem:s1+$0xFFFFFFC0];
	v18 =	vor.u32 $0x80000000, v18;
	v21 =	vshra.s32 v13, $0x1F;
	v11 =	vxor.u32 v11, v17  }
0x6d: {  	v17 =	vor.u32 $0x80000000, v21;
	v21 =	vshra.s32 v4, $0x1F;
	v11 =	vshrl.u32 v11, $0x1B;
	[tilespmem:v10+s11+$0x0] =	vst.idx.add.s32.msk $0xffff, v3  }
0x6e: {  	v10 =	vor.u32 $0x80000000, v21;
	v21 =	vshra.s32 v7, $0x1F;
	v11 =	vor.u32 v2, v11;
	[tilespmem:v6+s11+$0x0] =	vst.idx.add.s32.msk $0xffff, v3  }
0x6f: {  	v6 =	vxor.u32 v12, v18;
	v12 =	vor.u32 $0x80000000, v21;
	v18 =	vshra.s32 v16, $0x1F;
	[tilespmem:v9+s11+$0x0] =	vst.idx.add.s32.msk $0xffff, v3  }
.Ltmp4:
0x70: {  	v9 =	vxor.u32 v13, v17;
	v13 =	vor.u32 $0x80000000, v18;
	v17 =	vshra.s32 v19, $0x1F;
	[tilespmem:v8+s11+$0x0] =	vst.idx.add.s32.msk $0xffff, v3;
	(pc) =	sbr.rel @p1 .LBB2_4-.Ltmp4, $4  }
0x71: {  	v18 =	vxor.u32 v4, v10;
	v8 =	vshra.s32 v20, $0x1F;
	v10 =	vor.u32 $0x80000000, v17;
	[tilespmem:v5+s11+$0x0] =	vst.idx.add.s32.msk $0xffff, v3  }
0x72: {  	v5 =	vxor.u32 v7, v12;
	v4 =	vxor.u32 v16, v13;
	v8 =	vor.u32 $0x80000000, v8;
	[tilespmem:v14+s11+$0x0] =	vst.idx.add.s32.msk $0xffff, v3  }
0x73: {  	v6 =	vshrl.u32 v6, $0x1B;
	v7 =	vxor.u32 v19, v10;
	v8 =	vxor.u32 v20, v8;
	[tilespmem:v11+s11+$0x0] =	vst.idx.add.s32.msk $0xffff, v3  }
0x74: {  	s1 =	sadd.s32 $0x80, s1;
	v9 =	vshrl.u32 v9, $0x1B;
	v10 =	vshrl.u32 v8, $0x1B;
	v8 =	vshrl.u32 v18, $0x1B;
	[tilespmem:v15+s11+$0x0] =	vst.idx.add.s32.msk $0xffff, v3  }
0x75: {  	v10 =	vor.u32 v2, v10  }
0x76: {  	v6 =	vor.u32 v2, v6  }
0x77: {  	v9 =	vor.u32 v2, v9  }
0x78: {  	v5 =	vshrl.u32 v5, $0x1B;
	v8 =	vor.u32 v2, v8  }
0x79: {  	v4 =	vshrl.u32 v4, $0x1B;
	v5 =	vor.u32 v2, v5  }
0x7a: {  	v7 =	vshrl.u32 v7, $0x1B;
	v4 =	vor.u32 v2, v4;
	[tilespmem:v10+s11+$0x0] =	vst.idx.add.s32.msk $0xffff, v3  }
0x7b: {  	v7 =	vor.u32 v2, v7;
	[tilespmem:v6+s11+$0x0] =	vst.idx.add.s32.msk $0xffff, v3  }
0x7c: {  	[tilespmem:v9+s11+$0x0] =	vst.idx.add.s32.msk $0xffff, v3  }
0x7d: {  	[tilespmem:v8+s11+$0x0] =	vst.idx.add.s32.msk $0xffff, v3  }
0x7e: {  	[tilespmem:v5+s11+$0x0] =	vst.idx.add.s32.msk $0xffff, v3  }
0x7f: {  	[tilespmem:v4+s11+$0x0] =	vst.idx.add.s32.msk $0xffff, v3  }
0x80: {  	[tilespmem:v7+s11+$0x0] =	vst.idx.add.s32.msk $0xffff, v3  }
0x81: {  	v4 =	vld [tilespmem:$0x10000]  }
0x82: {  	v5 =	vld [tilespmem:$0x10010]  }
0x83: {  	v6 =	vld [tilespmem:$0x10020]  }
0x84: {  	v7 =	vld [tilespmem:$0x10030]  }
0x85: {  	v8 =	vld [tilespmem:$0x10040]  }
0x86: {  	v9 =	vld [tilespmem:$0x10050]  }
0x87: {  	v10 =	vld [tilespmem:$0x10060]  }
0x88: {  	v11 =	vld [tilespmem:$0x10070]  }
0x89: {  	v12 =	vld [tilespmem:$0x10080]  }
0x8a: {  	v13 =	vld [tilespmem:$0x10090]  }
0x8b: {  	v14 =	vld [tilespmem:$0x100A0]  }
0x8c: {  	v15 =	vld [tilespmem:$0x100B0]  }
0x8d: {  	v16 =	vld [tilespmem:$0x100C0]  }
0x8e: {  	v17 =	vld [tilespmem:$0x100D0]  }
0x8f: {  	v18 =	vld [tilespmem:$0x100E0]  }
0x90: {  	v19 =	vld [tilespmem:$0x100F0]  }
0x91: {  	v20 =	vld [tilespmem:$0x10100]  }
0x92: {  	v21 =	vld [tilespmem:$0x10110]  }
0x93: {  	v22 =	vld [tilespmem:$0x10120]  }
0x94: {  	v23 =	vld [tilespmem:$0x10130]  }
0x95: {  	v4 =	vadd.s32 v4, v6;
	v6 =	vld [tilespmem:$0x10140]  }
0x96: {  	v5 =	vadd.s32 v5, v7;
	v7 =	vld [tilespmem:$0x10160];
	v4 =	vadd.s32 v8, v4  }
0x97: {  	v8 =	vld [tilespmem:$0x10150];
	v4 =	vadd.s32 v10, v4  }
0x98: {  	v5 =	vadd.s32 v9, v5;
	v9 =	vld [tilespmem:$0x10170];
	v4 =	vadd.s32 v12, v4  }
0x99: {  	v5 =	vadd.s32 v11, v5;
	v10 =	vld [tilespmem:$0x10180];
	v4 =	vadd.s32 v14, v4  }
0x9a: {  	v11 =	vld [tilespmem:$0x10190];
	v5 =	vadd.s32 v13, v5;
	v4 =	vadd.s32 v16, v4  }
0x9b: {  	v12 =	vld [tilespmem:$0x101A0];
	v5 =	vadd.s32 v15, v5;
	v4 =	vadd.s32 v18, v4  }
0x9c: {  	v13 =	vld [tilespmem:$0x101B0];
	v5 =	vadd.s32 v17, v5;
	v4 =	vadd.s32 v20, v4  }
0x9d: {  	v14 =	vld [tilespmem:$0x101C0];
	v5 =	vadd.s32 v19, v5;
	v4 =	vadd.s32 v22, v4  }
0x9e: {  	v5 =	vadd.s32 v21, v5;
	v4 =	vadd.s32 v6, v4;
	v6 =	vld [tilespmem:$0x101E0]  }
0x9f: {  	v5 =	vadd.s32 v23, v5;
	v4 =	vadd.s32 v7, v4;
	v7 =	vld [tilespmem:$0x101D0]  }
0xa0: {  	v5 =	vadd.s32 v8, v5;
	v8 =	vld [tilespmem:$0x101F0];
	v4 =	vadd.s32 v10, v4  }
0xa1: {  	v5 =	vadd.s32 v9, v5;
	v4 =	vadd.s32 v12, v4  }
0xa2: {  	v5 =	vadd.s32 v11, v5;
	v4 =	vadd.s32 v14, v4  }
0xa3: {  	v5 =	vadd.s32 v13, v5;
	v6 =	vadd.s32 v6, v4  }
0xa4: {  	v4 =	vadd.s32 v7, v5;
	(xrf0) =	vadd.scan.msk.s32 $0xffff, v6  }
0xa5: {  	v7 =	vadd.s32 v8, v4  }
0xa6: {  	(xrf0) =	vadd.scan.msk.s32 $0xffff, v7;
	_ =	sdelay $0x3  }
0xa7: {  	v9, _, _ =	vpop (xrf0)  }
0xa8: {  	v4 =	vbroadcast v9, $0xF  }
0xa9: {  	v5, _, _ =	vpop (xrf0)  }
0xaa: {  	vm1 =	vlt.s32 v9, $0xFB0;
	v8 =	vadd.s32 v4, v5  }
0xab: {  	v4 =	vmpcnt.ones.xlane vm1;
	vm0 =	vlt.s32 v8, $0xFB0  }
0xac: {  	v5 =	vmpcnt.ones.xlane vm0  }
0xad: {  	(v2sf) =	vpush v4, $0x0  }
0xae: {  	(v2sf) =	vpush v5, $0x0;
	_ =	sdelay $0x4  }
0xaf: {  	v11 =	vld [tilespmem:s26+$0xFFFFFFE0]  }
0xb0: {  	v4 =	vld [tilespmem:s26+$0x0]  }
0xb1: {  	v12 =	vld [tilespmem:s26+$0x10];
	_ =	sdelay $0x1  }
0xb2: {  	s29 =	simm.s32 $0x0;
	s17 =	simm.s32 $0x20  }
0xb3: {  	s5 =	simm.s32 $0x30;
	v27 =	vor.u32 s29, v0;
	v29 =	vor.u32 s17, v0;
	v10 =	vld [tilespmem:s26+$0xFFFFFFF0]  }
0xb4: {  	v30 =	vor.u32 s5, v0;
	v14 =	vimm.s32 $0x0;
	v13 =	vshra.s32 v4, $0x1F  }
0xb5: {  	v16 =	vshra.s32 v11, $0x1F;
	v15 =	vshra.s32 v12, $0x1F;
	v13 =	vor.u32 $0x80000000, v13  }
0xb6: {  	v17 =	vxor.u32 v4, v13;
	v13 =	vor.u32 $0x80000000, v15;
	v15 =	vor.u32 $0x80000000, v16  }
0xb7: {  	v16 =	vshrl.u32 v17, $0x1B;
	v18 =	vxor.u32 v12, v13;
	v15 =	vxor.u32 v11, v15;
	s0 =	spop (v2sf)  }
0xb8: {  	v13 =	vshra.s32 v10, $0x1F;
	v19 =	vshrl.u32 v18, $0x1B;
	v20 =	vshrl.u32 v15, $0x1B;
	s1 =	spop (v2sf)  }
0xb9: {  	s8 =	simm.s32 $0x10;
	v13 =	vor.u32 $0x80000000, v13;
	v60 =	vxor.u32 $0x80000000, v15;
	v15 =	vxor.u32 $0x80000000, v17;
	s30 =	sadd.s32 s0, s1  }
0xba: {  	v17 =	vor.u32 s8, v0;
	v21 =	vxor.u32 v10, v13;
	v5 =	vmov s30  }
0xbb: {  	v61 =	vxor.u32 $0x80000000, v18;
	v22 =	vshrl.u32 v21, $0x1B;
	vm5 =	veq.s32 v19, v5  }
0xbc: {  	vm4 =	veq.s32 v20, v5;
	vm2 =	veq.s32 v16, v5;
	vm6 =	vgt.s32 v22, v5  }
0xbd: {  	vm3 =	veq.s32 v22, v5;
	vm7 =	vgt.s32 v19, v5;
	v13 =	vsel vm4, $0x1, v1  }
0xbe: {  	v24 =	vsel vm3, $0x1, v1;
	v26 =	vnsel vm6, $0x0, v10;
	vm6 =	vgt.s32 v20, v5  }
0xbf: {  	s7 =	sadd.s32 $0x40, s26;
	v13 =	vadd.s32 v13, v14;
	v59 =	vnsel vm6, $0x0, v11;
	vm6 =	vgt.s32 v16, v5  }
0xc0: {  	v11 =	vld [tilespmem:s7+$0x10];
	v16 =	vxor.u32 $0x80000000, v21;
	v22 =	vshll.u32 v13, $0x4;
	v10 =	vadd.s32 v24, v13  }
0xc1: {  	v21 =	vnsel vm7, $0x0, v12;
	v12 =	vld [tilespmem:s7+$0xFFFFFFE0];
	v22 =	vor.u32 v0, v22;
	v13 =	vshll.u32 v10, $0x4  }
0xc2: {  	v23 =	vsel vm2, $0x1, v1;
	v25 =	vsel vm5, $0x1, v1;
	v20 =	vor.u32 v0, v13;
	v13 =	vld [tilespmem:s7+$0x0]  }
0xc3: {  	v28 =	vld [tilespmem:s7+$0xFFFFFFF0];
	vm7 =	vmmov vm4;
	[tilespmem:s25+$0xFFFFFFF0] =	vst v26;
	v14 =	vshll.u32 v14, $0x4;
	v10 =	vadd.s32 v23, v10  }
0xc4: {  	v4 =	vnsel vm6, $0x0, v4;
	vm6 =	vmmov vm5;
	[tilespmem:s25+$0x10] =	vst v21;
	v23 =	vshll.u32 v10, $0x4  }
0xc5: {  	v31 =	vor.u32 v0, v14;
	[tilespmem:s25+$0x0] =	vst v4;
	v23 =	vor.u32 v0, v23;
	v18 =	vshra.s32 v11, $0x1F  }
0xc6: {  	v10 =	vadd.s32 v25, v10;
	v4 =	vshra.s32 v12, $0x1F;
	v14 =	vor.u32 $0x80000000, v18;
	[tilespmem:v22+s12+$0x0] =	vst.idx.msk vm3, v16  }
0xc7: {  	v4 =	vor.u32 $0x80000000, v4;
	v14 =	vxor.u32 v11, v14;
	v19 =	vshra.s32 v13, $0x1F;
	[tilespmem:v20+s12+$0x0] =	vst.idx.msk vm2, v15  }
0xc8: {  	v15 =	vxor.u32 v12, v4;
	v4 =	vshra.s32 v28, $0x1F;
	v18 =	vshrl.u32 v14, $0x1B;
	[tilespmem:v22+s13+$0x0] =	vst.idx.msk vm3, v17  }
0xc9: {  	v16 =	vor.u32 $0x80000000, v19;
	[tilespmem:v20+s13+$0x0] =	vst.idx.msk vm2, v29;
	v22 =	vshrl.u32 v15, $0x1B;
	vm5 =	veq.s32 v18, v5  }
0xca: {  	v4 =	vor.u32 $0x80000000, v4;
	[tilespmem:v23+s12+$0x0] =	vst.idx.msk vm6, v61;
	v16 =	vxor.u32 v13, v16;
	vm4 =	veq.s32 v22, v5  }
0xcb: {  	v20 =	vxor.u32 v28, v4;
	v63 =	vsel vm5, $0x1, v1;
	[tilespmem:v23+s13+$0x0] =	vst.idx.msk vm6, v30;
	vm6 =	vgt.s32 v22, v5  }
0xcc: {  	v19 =	vshrl.u32 v16, $0x1B;
	v4 =	vsel vm4, $0x1, v1;
	v17 =	vshrl.u32 v20, $0x1B  }
0xcd: {  	vm2 =	veq.s32 v19, v5;
	v4 =	vadd.s32 v4, v10;
	vm3 =	veq.s32 v17, v5  }
0xce: {  	vm8 =	vgt.s32 v17, v5;
	v17 =	vshll.u32 v4, $0x4;
	v62 =	vsel vm3, $0x1, v1  }
0xcf: {  	[tilespmem:s25+$0xFFFFFFE0] =	vst v59;
	v21 =	vsel vm2, $0x1, v1;
	v17 =	vor.u32 v0, v17;
	v4 =	vadd.s32 v62, v4  }
0xd0: {  	[tilespmem:v31+s12+$0x0] =	vst.idx.msk vm7, v60;
	v23 =	vnsel vm8, $0x0, v28;
	v22 =	vshll.u32 v4, $0x4;
	v4 =	vadd.s32 v21, v4  }
0xd1: {  	s31 =	smov.u32 s25;
	s1 =	simm.s32 $0x4;
	s0 =	sadd.s32 $0x40, s7;
	[tilespmem:v31+s13+$0x0] =	vst.idx.msk vm7, v27;
	v21 =	vor.u32 v0, v22;
	v22 =	vshll.u32 v4, $0x4;
	v4 =	vadd.s32 v63, v4  }
.LBB2_6:
0xd2: {  	v24 =	vld [tilespmem:s0+$0x0];
	s1 =	sadd.s32 $0x4, s1;
	v25 =	vnsel vm6, $0x0, v12;
	vm6 =	vgt.s32 v19, v5;
	vm7 =	vgt.s32 v18, v5;
	s29 =	sadd.s32 $0x40, s29;
	s31 =	sadd.s32 $0x40, s31  }
0xd3: {  	v18 =	vxor.u32 $0x80000000, v20;
	p1 =	slt.u32 s1, $0xFC;
	[tilespmem:s31+$0xFFFFFFF0] =	vst v23;
	v13 =	vnsel vm6, $0x0, v13;
	v23 =	vnsel vm7, $0x0, v11;
	v11 =	vld [tilespmem:s0+$0x10]  }
0xd4: {  	v26 =	vxor.u32 $0x80000000, v15;
	v15 =	vxor.u32 $0x80000000, v16;
	s5 =	sadd.s32 $0x10, s29;
	vm6 =	vmmov vm5;
	v12 =	vld [tilespmem:s0+$0xFFFFFFE0];
	[tilespmem:v17+s12+$0x0] =	vst.idx.msk vm3, v18  }
0xd5: {  	v28 =	vor.u32 s29, v0;
	s7 =	sadd.s32 $0x30, s29;
	vm7 =	vmmov vm4;
	v16 =	vor.u32 s5, v0;
	s5 =	sadd.s32 $0x20, s29;
	v27 =	vld [tilespmem:s0+$0xFFFFFFF0];
	[tilespmem:s31+$0x0] =	vst v13  }
0xd6: {  	v22 =	vor.u32 v0, v22;
	v29 =	vor.u32 s7, v0;
	v19 =	vor.u32 s5, v0;
	[tilespmem:v21+s12+$0x0] =	vst.idx.msk vm2, v15  }
0xd7: {  	v18 =	vshll.u32 v10, $0x4;
	v10 =	vmovc v4;
	v15 =	vshra.s32 v24, $0x1F;
	[tilespmem:v21+s13+$0x0] =	vst.idx.msk vm2, v19;
	v21 =	vxor.u32 $0x80000000, v14;
	v13 =	vmovc v24  }
0xd8: {  	v24 =	vor.u32 v0, v18;
	v14 =	vor.u32 $0x80000000, v15;
	v15 =	vshra.s32 v11, $0x1F;
	[tilespmem:v17+s13+$0x0] =	vst.idx.msk vm3, v16  }
0xd9: {  	v17 =	vshra.s32 v12, $0x1F;
	v16 =	vxor.u32 v13, v14;
	v14 =	vor.u32 $0x80000000, v15  }
0xda: {  	v15 =	vor.u32 $0x80000000, v17;
	v19 =	vshrl.u32 v16, $0x1B;
	v14 =	vxor.u32 v11, v14  }
0xdb: {  	v17 =	vshra.s32 v27, $0x1F;
	v15 =	vxor.u32 v12, v15;
	v18 =	vshrl.u32 v14, $0x1B  }
0xdc: {  	v17 =	vor.u32 $0x80000000, v17;
	v30 =	vshrl.u32 v15, $0x1B;
	vm5 =	veq.s32 v18, v5  }
0xdd: {  	vm2 =	veq.s32 v19, v5;
	v20 =	vxor.u32 v27, v17;
	vm4 =	veq.s32 v30, v5;
	[tilespmem:s31+$0x10] =	vst v23  }
0xde: {  	v31 =	vsel vm2, $0x1, v1;
	v23 =	vshrl.u32 v20, $0x1B;
	v17 =	vsel vm4, $0x1, v1;
	[tilespmem:v22+s12+$0x0] =	vst.idx.msk vm6, v21  }
.Ltmp5:
0xdf: {  	vm8 =	vgt.s32 v23, v5;
	vm3 =	veq.s32 v23, v5;
	v4 =	vadd.s32 v17, v4;
	[tilespmem:s31+$0xFFFFFFE0] =	vst v25;
	(pc) =	sbr.rel @p1 .LBB2_6-.Ltmp5, $4  }
0xe0: {  	v21 =	vsel vm3, $0x1, v1;
	v25 =	vsel vm5, $0x1, v1;
	v17 =	vshll.u32 v4, $0x4;
	[tilespmem:v22+s13+$0x0] =	vst.idx.msk vm6, v29  }
0xe1: {  	v23 =	vnsel vm8, $0x0, v27;
	v4 =	vadd.s32 v21, v4;
	v17 =	vor.u32 v0, v17;
	[tilespmem:v24+s12+$0x0] =	vst.idx.msk vm7, v26  }
0xe2: {  	vm6 =	vgt.s32 v30, v5;
	v21 =	vshll.u32 v4, $0x4;
	v4 =	vadd.s32 v31, v4;
	[tilespmem:v24+s13+$0x0] =	vst.idx.msk vm7, v28  }
0xe3: {  	s0 =	sadd.s32 $0x40, s0;
	v21 =	vor.u32 v0, v21;
	v22 =	vshll.u32 v4, $0x4;
	v4 =	vadd.s32 v25, v4  }
0xe4: {  	v24 =	vsub.s32 v9, v6;
	vm7 =	vgt.s32 v9, $0xFAF;
	v60 =	vnsel vm1, $0x0, v6  }
0xe5: {  	v61 =	vsub.s32 v8, v7;
	vm11 =	vgt.s32 v8, $0xFAF;
	vm8 =	vlt.s32 v24, $0xFB0  }
0xe6: {  	v62 =	vnsel vm0, $0x0, v7;
	(xrf0) =	vadd.scan.msk.s32 $0xffff, v60;
	vm12 =	vlt.s32 v61, $0xFB0;
	vm10 =	vmand vm7, vm8  }
0xe7: {  	(xrf0) =	vadd.scan.msk.s32 $0xffff, v62;
	vm0 =	vmand vm11, vm12;
	v6 =	vnsel vm10, $0x0, v6  }
0xe8: {  	(xrf0) =	vadd.scan.msk.s32 $0xffff, v6;
	v6 =	vnsel vm0, $0x0, v7  }
0xe9: {  	(xrf0) =	vadd.scan.msk.s32 $0xffff, v6;
	v6 =	vxor.u32 $0x80000000, v4  }
0xea: {  	(xrf0) =	vmax.scan.msk.u32 $0xffff, v6;
	_ =	sdelay $0x1  }
0xeb: {  	v6, _, _ =	vpop (xrf0)  }
0xec: {  	v7, _, _ =	vpop (xrf0);
	(v2sf) =	vpush v6, $0xF  }
0xed: {  	v6, _, _ =	vpop (xrf0);
	(v2sf) =	vpush v7, $0xF  }
0xee: {  	v7, _, _ =	vpop (xrf0);
	(v2sf) =	vpush v6, $0xF  }
0xef: {  	(v2sf) =	vpush v7, $0xF;
	v6, _, _ =	vpop (xrf0)  }
0xf0: {  	(v2sf) =	vpush v6, $0xF;
	_ =	sdelay $0x7  }
0xf1: {  	s8 =	sadd.s32 $0x40, s31;
	vm13 =	vgt.s32 v19, v5  }
0xf2: {  	s31 =	sadd.s32 $0x40, s29;
	[tilespmem:s8+$0xFFFFFFF0] =	vst v23;
	v7 =	vnsel vm13, $0x0, v13  }
0xf3: {  	vm15 =	vgt.s32 v18, v5;
	s0 =	sadd.s32 $0x20, s31;
	v6 =	vxor.u32 $0x80000000, v20;
	[tilespmem:s8+$0x0] =	vst v7  }
0xf4: {  	s1 =	sadd.s32 $0x10, s31;
	v5 =	vor.u32 s0, v0;
	v7 =	vor.u32 v0, v22;
	[tilespmem:v17+s12+$0x0] =	vst.idx.msk vm3, v6;
	v6 =	vxor.u32 $0x80000000, v16;
	s0 =	spop (v2sf)  }
0xf5: {  	[tilespmem:v21+s12+$0x0] =	vst.idx.msk vm2, v6;
	v6 =	vor.u32 s1, v0;
	s1 =	spop (v2sf)  }
0xf6: {  	[tilespmem:v21+s13+$0x0] =	vst.idx.msk vm2, v5;
	s5 =	spop (v2sf)  }
0xf7: {  	v5 =	vnsel vm15, $0x0, v11;
	[tilespmem:v17+s13+$0x0] =	vst.idx.msk vm3, v6;
	s7 =	spop (v2sf)  }
0xf8: {  	vm4 =	vmmov vm4;
	v63 =	vshll.u32 v10, $0x4;
	s29 =	sadd.s32 $0x30, s31;
	v6 =	vxor.u32 $0x80000000, v14;
	[tilespmem:s8+$0x10] =	vst v5;
	s17 =	spop (v2sf)  }
0xf9: {  	v8 =	vor.u32 v0, v63;
	[tilespmem:v7+s12+$0x0] =	vst.idx.msk vm5, v6;
	v6 =	vor.u32 s29, v0;
	s29 =	sxor.u32 $0x80000000, s17  }
0xfa: {  	p1 =	slt.s32 s29, $0x1  }
.Ltmp6:
0xfb: {  	v5 =	vnsel vm6, $0x0, v12;
	(pc) =	sbr.rel @p1 .LBB2_166-.Ltmp6, $4  }
0xfc: {  	[tilespmem:s8+$0xFFFFFFE0] =	vst v5  }
0xfd: {  	v5 =	vxor.u32 $0x80000000, v15;
	[tilespmem:v7+s13+$0x0] =	vst.idx.msk vm5, v6  }
0xfe: {  	v6 =	vor.u32 s31, v0;
	[tilespmem:v8+s12+$0x0] =	vst.idx.msk vm4, v5  }
0xff: {  	vm14 =	vmmov vm5;
	[tilespmem:v8+s13+$0x0] =	vst.idx.msk vm4, v6  }
0x100: {  	p2 =	sne.s32 s29, $0x1  }
.Ltmp7:
0x101: {  	_ = 	snop;
	(pc) =	sbr.rel @!p2 .LBB2_9-.Ltmp7, $4  }
0x102: {  	s0 =	sadd.s32 s1, s0;
	s17 =	sshll.u32 s30, $0x1B  }
0x103: {  	s0 =	sadd.s32 s5, s0;
	s1 =	sxor.u32 $0x80000000, s17  }
0x104: {  	s31 =	simm.s32 $0x10200;
	p1 =	por $0x0, $0x0;
	s0 =	sadd.s32 s7, s0;
	v5 =	vmov s1  }
0x105: {  	v6 =	vimm.s32 $0x0;
	v8 =	vld [tilespmem:s31+$0x0];
	s1 =	simm.s32 $0x0;
	s30 =	sadd.s32 $0xFFFFF051, s0;
	v7 =	vor.u32 $0x4000000, v5;
	s0 =	simm.s32 $0x1  }
0x106: {  	_ = 	snop  }
0x107: {  	p4 =	sne.s32 s29, $0x2  }
.Ltmp8:
0x108: {  	_ = 	snop;
	(pc) =	sbr.rel @!p4 .LBB2_11-.Ltmp8, $4  }
0x109: {  	_ = 	snop  }
0x10a: {  	vm1 =	vgt.s32 v4, s1;
	vm0 =	vge.s32 v8, v7  }
0x10b: {  	s7 =	simm.s32 $0x10210;
	vm0 =	vmand vm1, vm0  }
0x10c: {  	s5 =	simm.s32 $0x2;
	p3 =	por $0x1, $0x1;
	v9 =	vimm.s32 $0x0;
	s8 =	simm.s32 $0x1;
	v8 =	vld [tilespmem:s7+$0x0];
	v10 =	vmpcnt.ones.xlane vm0  }
.LBB2_12:
0x10d: {  	s17 =	smov.u32 s5;
	s5 =	sadd.s32 $0x1, s5  }
0x10e: {  	p4 =	sne.s32 s29, s5  }
.Ltmp9:
0x10f: {  	v9 =	vadd.s32 v9, v10;
	(pc) =	sbr.rel @p4 .LBB2_12-.Ltmp9, $4  }
0x110: {  	_ = 	snop  }
0x111: {  	vm1 =	vgt.s32 v4, s8;
	s7 =	sadd.s32 $0x10, s7;
	s8 =	smov.u32 s17;
	vm0 =	vge.s32 v8, v7  }
0x112: {  	v8 =	vld [tilespmem:s7+$0x0];
	vm0 =	vmand vm1, vm0  }
0x113: {  	v10 =	vmpcnt.ones.xlane vm0  }
.LBB2_13:
0x114: {  	_ =	sdelay $0x2  }
0x115: {  	vm1 =	vgt.s32 v4, s8;
	vm0 =	vge.s32 v8, v7  }
0x116: {  	vm0 =	vmand vm1, vm0  }
0x117: {  	v8 =	vadd.s32 @p3 v9, v10;
	v9 =	vmpcnt.ones.xlane vm0  }
.Ltmp10:
0x118: {  	v8 =	vpsel p3, v8, v6;
	(pc) =	sbr.rel @!p2 .LBB2_14-.Ltmp10, $4  }
0x119: {  	v8 =	vadd.s32 v8, v9  }
0x11a: {  	vm15 =	vlt.s32 v8, s30  }
0x11b: {  	v7 =	vsel vm15, v5, v7  }
0x11c: {  	v9 =	vld [tilespmem:s31+$0x0];
	v5 =	vmov s30;
	v8 =	vor.u32 $0x2000000, v7  }
0x11d: {  	_ = 	snop  }
0x11e: {  	p2 =	sne.s32 s29, $0x2  }
.Ltmp11:
0x11f: {  	_ = 	snop;
	(pc) =	sbr.rel @!p2 .LBB2_16-.Ltmp11, $4  }
0x120: {  	_ = 	snop  }
0x121: {  	vm1 =	vgt.s32 v4, s1;
	vm0 =	vge.s32 v9, v8  }
0x122: {  	s1 =	simm.s32 $0x10210;
	vm0 =	vmand vm1, vm0  }
0x123: {  	s5 =	simm.s32 $0x2;
	p1 =	por $0x1, $0x1;
	v10 =	vimm.s32 $0x0;
	v9 =	vld [tilespmem:s1+$0x0];
	v11 =	vmpcnt.ones.xlane vm0  }
.LBB2_17:
0x124: {  	s7 =	smov.u32 s5;
	s5 =	sadd.s32 $0x1, s5  }
0x125: {  	p2 =	sne.s32 s29, s5  }
.Ltmp12:
0x126: {  	v10 =	vadd.s32 v10, v11;
	(pc) =	sbr.rel @p2 .LBB2_17-.Ltmp12, $4  }
0x127: {  	_ = 	snop  }
0x128: {  	vm1 =	vgt.s32 v4, s0;
	s1 =	sadd.s32 $0x10, s1;
	s0 =	smov.u32 s7;
	vm0 =	vge.s32 v9, v8  }
0x129: {  	v9 =	vld [tilespmem:s1+$0x0];
	vm0 =	vmand vm1, vm0  }
0x12a: {  	v11 =	vmpcnt.ones.xlane vm0  }
0x12b: {  	s1 =	smov.u32 s0  }
.LBB2_19:
0x12c: {  	_ =	sdelay $0x1  }
0x12d: {  	vm1 =	vgt.s32 v4, s1;
	vm0 =	vge.s32 v9, v8  }
0x12e: {  	vm0 =	vmand vm1, vm0  }
0x12f: {  	p2 =	sne.s32 s29, $0x1;
	v9 =	vadd.s32 @p1 v10, v11;
	v10 =	vmpcnt.ones.xlane vm0  }
.Ltmp13:
0x130: {  	v6 =	vpsel p1, v9, v6;
	(pc) =	sbr.rel @!p2 .LBB2_20-.Ltmp13, $4  }
0x131: {  	v6 =	vadd.s32 v6, v10  }
0x132: {  	vm15 =	vlt.s32 v6, v5  }
0x133: {  	s30 =	simm.s32 $0x10200;
	v7 =	vsel vm15, v7, v8  }
0x134: {  	s1 =	simm.s32 $0x0;
	s0 =	simm.s32 $0x1;
	v9 =	vld [tilespmem:s30+$0x0];
	p1 =	por $0x0, $0x0;
	v6 =	vimm.s32 $0x0;
	v8 =	vadd.s32 $0x1000000, v7  }
0x135: {  	_ = 	snop  }
0x136: {  	p4 =	sne.s32 s29, $0x2  }
.Ltmp14:
0x137: {  	_ = 	snop;
	(pc) =	sbr.rel @!p4 .LBB2_22-.Ltmp14, $4  }
0x138: {  	_ = 	snop  }
0x139: {  	vm1 =	vgt.s32 v4, s1;
	vm0 =	vge.s32 v9, v8  }
0x13a: {  	s7 =	simm.s32 $0x10210;
	vm0 =	vmand vm1, vm0  }
0x13b: {  	s5 =	simm.s32 $0x2;
	p3 =	por $0x1, $0x1;
	v10 =	vimm.s32 $0x0;
	s8 =	simm.s32 $0x1;
	v9 =	vld [tilespmem:s7+$0x0];
	v11 =	vmpcnt.ones.xlane vm0  }
.LBB2_23:
0x13c: {  	s17 =	smov.u32 s5;
	s5 =	sadd.s32 $0x1, s5  }
0x13d: {  	p4 =	sne.s32 s29, s5  }
.Ltmp15:
0x13e: {  	v10 =	vadd.s32 v10, v11;
	(pc) =	sbr.rel @p4 .LBB2_23-.Ltmp15, $4  }
0x13f: {  	_ = 	snop  }
0x140: {  	vm1 =	vgt.s32 v4, s8;
	s7 =	sadd.s32 $0x10, s7;
	s8 =	smov.u32 s17;
	vm0 =	vge.s32 v9, v8  }
0x141: {  	v9 =	vld [tilespmem:s7+$0x0];
	vm0 =	vmand vm1, vm0  }
0x142: {  	v11 =	vmpcnt.ones.xlane vm0  }
.LBB2_24:
0x143: {  	_ =	sdelay $0x2  }
0x144: {  	vm1 =	vgt.s32 v4, s8;
	vm0 =	vge.s32 v9, v8  }
0x145: {  	vm0 =	vmand vm1, vm0  }
0x146: {  	v9 =	vadd.s32 @p3 v10, v11;
	v10 =	vmpcnt.ones.xlane vm0  }
.Ltmp16:
0x147: {  	v9 =	vpsel p3, v9, v6;
	(pc) =	sbr.rel @!p2 .LBB2_25-.Ltmp16, $4  }
0x148: {  	v9 =	vadd.s32 v9, v10  }
0x149: {  	vm15 =	vlt.s32 v9, v5  }
0x14a: {  	v7 =	vsel vm15, v7, v8  }
0x14b: {  	v9 =	vld [tilespmem:s30+$0x0];
	v8 =	vadd.s32 $0x800000, v7  }
0x14c: {  	_ = 	snop  }
0x14d: {  	p2 =	sne.s32 s29, $0x2  }
.Ltmp17:
0x14e: {  	_ = 	snop;
	(pc) =	sbr.rel @!p2 .LBB2_27-.Ltmp17, $4  }
0x14f: {  	_ = 	snop  }
0x150: {  	vm1 =	vgt.s32 v4, s1;
	vm0 =	vge.s32 v9, v8  }
0x151: {  	s1 =	simm.s32 $0x10210;
	vm0 =	vmand vm1, vm0  }
0x152: {  	s5 =	simm.s32 $0x2;
	p1 =	por $0x1, $0x1;
	v10 =	vimm.s32 $0x0;
	v9 =	vld [tilespmem:s1+$0x0];
	v11 =	vmpcnt.ones.xlane vm0  }
.LBB2_28:
0x153: {  	s7 =	smov.u32 s5;
	s5 =	sadd.s32 $0x1, s5  }
0x154: {  	p2 =	sne.s32 s29, s5  }
.Ltmp18:
0x155: {  	v10 =	vadd.s32 v10, v11;
	(pc) =	sbr.rel @p2 .LBB2_28-.Ltmp18, $4  }
0x156: {  	_ = 	snop  }
0x157: {  	vm1 =	vgt.s32 v4, s0;
	s1 =	sadd.s32 $0x10, s1;
	s0 =	smov.u32 s7;
	vm0 =	vge.s32 v9, v8  }
0x158: {  	v9 =	vld [tilespmem:s1+$0x0];
	vm0 =	vmand vm1, vm0  }
0x159: {  	v11 =	vmpcnt.ones.xlane vm0  }
0x15a: {  	s1 =	smov.u32 s0  }
.LBB2_30:
0x15b: {  	_ =	sdelay $0x1  }
0x15c: {  	vm1 =	vgt.s32 v4, s1;
	vm0 =	vge.s32 v9, v8  }
0x15d: {  	vm0 =	vmand vm1, vm0  }
0x15e: {  	p2 =	sne.s32 s29, $0x1;
	v9 =	vadd.s32 @p1 v10, v11;
	v10 =	vmpcnt.ones.xlane vm0  }
.Ltmp19:
0x15f: {  	v6 =	vpsel p1, v9, v6;
	(pc) =	sbr.rel @!p2 .LBB2_31-.Ltmp19, $4  }
0x160: {  	v6 =	vadd.s32 v6, v10  }
0x161: {  	vm15 =	vlt.s32 v6, v5  }
0x162: {  	s30 =	simm.s32 $0x10200;
	v7 =	vsel vm15, v7, v8  }
0x163: {  	s1 =	simm.s32 $0x0;
	s0 =	simm.s32 $0x1;
	v9 =	vld [tilespmem:s30+$0x0];
	p1 =	por $0x0, $0x0;
	v6 =	vimm.s32 $0x0;
	v8 =	vadd.s32 $0x400000, v7  }
0x164: {  	_ = 	snop  }
0x165: {  	p4 =	sne.s32 s29, $0x2  }
.Ltmp20:
0x166: {  	_ = 	snop;
	(pc) =	sbr.rel @!p4 .LBB2_33-.Ltmp20, $4  }
0x167: {  	_ = 	snop  }
0x168: {  	vm1 =	vgt.s32 v4, s1;
	vm0 =	vge.s32 v9, v8  }
0x169: {  	s7 =	simm.s32 $0x10210;
	vm0 =	vmand vm1, vm0  }
0x16a: {  	s5 =	simm.s32 $0x2;
	p3 =	por $0x1, $0x1;
	v10 =	vimm.s32 $0x0;
	s8 =	simm.s32 $0x1;
	v9 =	vld [tilespmem:s7+$0x0];
	v11 =	vmpcnt.ones.xlane vm0  }
.LBB2_34:
0x16b: {  	s17 =	smov.u32 s5;
	s5 =	sadd.s32 $0x1, s5  }
0x16c: {  	p4 =	sne.s32 s29, s5  }
.Ltmp21:
0x16d: {  	v10 =	vadd.s32 v10, v11;
	(pc) =	sbr.rel @p4 .LBB2_34-.Ltmp21, $4  }
0x16e: {  	_ = 	snop  }
0x16f: {  	vm1 =	vgt.s32 v4, s8;
	s7 =	sadd.s32 $0x10, s7;
	s8 =	smov.u32 s17;
	vm0 =	vge.s32 v9, v8  }
0x170: {  	v9 =	vld [tilespmem:s7+$0x0];
	vm0 =	vmand vm1, vm0  }
0x171: {  	v11 =	vmpcnt.ones.xlane vm0  }
.LBB2_35:
0x172: {  	_ =	sdelay $0x2  }
0x173: {  	vm1 =	vgt.s32 v4, s8;
	vm0 =	vge.s32 v9, v8  }
0x174: {  	vm0 =	vmand vm1, vm0  }
0x175: {  	v9 =	vadd.s32 @p3 v10, v11;
	v10 =	vmpcnt.ones.xlane vm0  }
.Ltmp22:
0x176: {  	v9 =	vpsel p3, v9, v6;
	(pc) =	sbr.rel @!p2 .LBB2_36-.Ltmp22, $4  }
0x177: {  	v9 =	vadd.s32 v9, v10  }
0x178: {  	vm15 =	vlt.s32 v9, v5  }
0x179: {  	v7 =	vsel vm15, v7, v8  }
0x17a: {  	v9 =	vld [tilespmem:s30+$0x0];
	v8 =	vadd.s32 $0x200000, v7  }
0x17b: {  	_ = 	snop  }
0x17c: {  	p2 =	sne.s32 s29, $0x2  }
.Ltmp23:
0x17d: {  	_ = 	snop;
	(pc) =	sbr.rel @!p2 .LBB2_38-.Ltmp23, $4  }
0x17e: {  	_ = 	snop  }
0x17f: {  	vm1 =	vgt.s32 v4, s1;
	vm0 =	vge.s32 v9, v8  }
0x180: {  	s1 =	simm.s32 $0x10210;
	vm0 =	vmand vm1, vm0  }
0x181: {  	s5 =	simm.s32 $0x2;
	p1 =	por $0x1, $0x1;
	v10 =	vimm.s32 $0x0;
	v9 =	vld [tilespmem:s1+$0x0];
	v11 =	vmpcnt.ones.xlane vm0  }
.LBB2_39:
0x182: {  	s7 =	smov.u32 s5;
	s5 =	sadd.s32 $0x1, s5  }
0x183: {  	p2 =	sne.s32 s29, s5  }
.Ltmp24:
0x184: {  	v10 =	vadd.s32 v10, v11;
	(pc) =	sbr.rel @p2 .LBB2_39-.Ltmp24, $4  }
0x185: {  	_ = 	snop  }
0x186: {  	vm1 =	vgt.s32 v4, s0;
	s1 =	sadd.s32 $0x10, s1;
	s0 =	smov.u32 s7;
	vm0 =	vge.s32 v9, v8  }
0x187: {  	v9 =	vld [tilespmem:s1+$0x0];
	vm0 =	vmand vm1, vm0  }
0x188: {  	v11 =	vmpcnt.ones.xlane vm0  }
0x189: {  	s1 =	smov.u32 s0  }
.LBB2_41:
0x18a: {  	_ =	sdelay $0x1  }
0x18b: {  	vm1 =	vgt.s32 v4, s1;
	vm0 =	vge.s32 v9, v8  }
0x18c: {  	vm0 =	vmand vm1, vm0  }
0x18d: {  	p2 =	sne.s32 s29, $0x1;
	v9 =	vadd.s32 @p1 v10, v11;
	v10 =	vmpcnt.ones.xlane vm0  }
.Ltmp25:
0x18e: {  	v6 =	vpsel p1, v9, v6;
	(pc) =	sbr.rel @!p2 .LBB2_42-.Ltmp25, $4  }
0x18f: {  	v6 =	vadd.s32 v6, v10  }
0x190: {  	vm15 =	vlt.s32 v6, v5  }
0x191: {  	s30 =	simm.s32 $0x10200;
	v7 =	vsel vm15, v7, v8  }
0x192: {  	s1 =	simm.s32 $0x0;
	s0 =	simm.s32 $0x1;
	v9 =	vld [tilespmem:s30+$0x0];
	p1 =	por $0x0, $0x0;
	v6 =	vimm.s32 $0x0;
	v8 =	vadd.s32 $0x100000, v7  }
0x193: {  	_ = 	snop  }
0x194: {  	p4 =	sne.s32 s29, $0x2  }
.Ltmp26:
0x195: {  	_ = 	snop;
	(pc) =	sbr.rel @!p4 .LBB2_44-.Ltmp26, $4  }
0x196: {  	_ = 	snop  }
0x197: {  	vm1 =	vgt.s32 v4, s1;
	vm0 =	vge.s32 v9, v8  }
0x198: {  	s7 =	simm.s32 $0x10210;
	vm0 =	vmand vm1, vm0  }
0x199: {  	s5 =	simm.s32 $0x2;
	p3 =	por $0x1, $0x1;
	v10 =	vimm.s32 $0x0;
	s8 =	simm.s32 $0x1;
	v9 =	vld [tilespmem:s7+$0x0];
	v11 =	vmpcnt.ones.xlane vm0  }
.LBB2_45:
0x19a: {  	s17 =	smov.u32 s5;
	s5 =	sadd.s32 $0x1, s5  }
0x19b: {  	p4 =	sne.s32 s29, s5  }
.Ltmp27:
0x19c: {  	v10 =	vadd.s32 v10, v11;
	(pc) =	sbr.rel @p4 .LBB2_45-.Ltmp27, $4  }
0x19d: {  	_ = 	snop  }
0x19e: {  	vm1 =	vgt.s32 v4, s8;
	s7 =	sadd.s32 $0x10, s7;
	s8 =	smov.u32 s17;
	vm0 =	vge.s32 v9, v8  }
0x19f: {  	v9 =	vld [tilespmem:s7+$0x0];
	vm0 =	vmand vm1, vm0  }
0x1a0: {  	v11 =	vmpcnt.ones.xlane vm0  }
.LBB2_46:
0x1a1: {  	_ =	sdelay $0x2  }
0x1a2: {  	vm1 =	vgt.s32 v4, s8;
	vm0 =	vge.s32 v9, v8  }
0x1a3: {  	vm0 =	vmand vm1, vm0  }
0x1a4: {  	v9 =	vadd.s32 @p3 v10, v11;
	v10 =	vmpcnt.ones.xlane vm0  }
.Ltmp28:
0x1a5: {  	v9 =	vpsel p3, v9, v6;
	(pc) =	sbr.rel @!p2 .LBB2_47-.Ltmp28, $4  }
0x1a6: {  	v9 =	vadd.s32 v9, v10  }
0x1a7: {  	vm15 =	vlt.s32 v9, v5  }
0x1a8: {  	v7 =	vsel vm15, v7, v8  }
0x1a9: {  	v9 =	vld [tilespmem:s30+$0x0];
	v8 =	vadd.s32 $0x80000, v7  }
0x1aa: {  	_ = 	snop  }
0x1ab: {  	p2 =	sne.s32 s29, $0x2  }
.Ltmp29:
0x1ac: {  	_ = 	snop;
	(pc) =	sbr.rel @!p2 .LBB2_49-.Ltmp29, $4  }
0x1ad: {  	_ = 	snop  }
0x1ae: {  	vm1 =	vgt.s32 v4, s1;
	vm0 =	vge.s32 v9, v8  }
0x1af: {  	s1 =	simm.s32 $0x10210;
	vm0 =	vmand vm1, vm0  }
0x1b0: {  	s5 =	simm.s32 $0x2;
	p1 =	por $0x1, $0x1;
	v10 =	vimm.s32 $0x0;
	v9 =	vld [tilespmem:s1+$0x0];
	v11 =	vmpcnt.ones.xlane vm0  }
.LBB2_50:
0x1b1: {  	s7 =	smov.u32 s5;
	s5 =	sadd.s32 $0x1, s5  }
0x1b2: {  	p2 =	sne.s32 s29, s5  }
.Ltmp30:
0x1b3: {  	v10 =	vadd.s32 v10, v11;
	(pc) =	sbr.rel @p2 .LBB2_50-.Ltmp30, $4  }
0x1b4: {  	_ = 	snop  }
0x1b5: {  	vm1 =	vgt.s32 v4, s0;
	s1 =	sadd.s32 $0x10, s1;
	s0 =	smov.u32 s7;
	vm0 =	vge.s32 v9, v8  }
0x1b6: {  	v9 =	vld [tilespmem:s1+$0x0];
	vm0 =	vmand vm1, vm0  }
0x1b7: {  	v11 =	vmpcnt.ones.xlane vm0  }
0x1b8: {  	s1 =	smov.u32 s0  }
.LBB2_52:
0x1b9: {  	_ =	sdelay $0x1  }
0x1ba: {  	vm1 =	vgt.s32 v4, s1;
	vm0 =	vge.s32 v9, v8  }
0x1bb: {  	vm0 =	vmand vm1, vm0  }
0x1bc: {  	p2 =	sne.s32 s29, $0x1;
	v9 =	vadd.s32 @p1 v10, v11;
	v10 =	vmpcnt.ones.xlane vm0  }
.Ltmp31:
0x1bd: {  	v6 =	vpsel p1, v9, v6;
	(pc) =	sbr.rel @!p2 .LBB2_53-.Ltmp31, $4  }
0x1be: {  	v6 =	vadd.s32 v6, v10  }
0x1bf: {  	vm15 =	vlt.s32 v6, v5  }
0x1c0: {  	s30 =	simm.s32 $0x10200;
	v7 =	vsel vm15, v7, v8  }
0x1c1: {  	s1 =	simm.s32 $0x0;
	s0 =	simm.s32 $0x1;
	v9 =	vld [tilespmem:s30+$0x0];
	p1 =	por $0x0, $0x0;
	v6 =	vimm.s32 $0x0;
	v8 =	vadd.s32 $0x40000, v7  }
0x1c2: {  	_ = 	snop  }
0x1c3: {  	p4 =	sne.s32 s29, $0x2  }
.Ltmp32:
0x1c4: {  	_ = 	snop;
	(pc) =	sbr.rel @!p4 .LBB2_55-.Ltmp32, $4  }
0x1c5: {  	_ = 	snop  }
0x1c6: {  	vm1 =	vgt.s32 v4, s1;
	vm0 =	vge.s32 v9, v8  }
0x1c7: {  	s7 =	simm.s32 $0x10210;
	vm0 =	vmand vm1, vm0  }
0x1c8: {  	s5 =	simm.s32 $0x2;
	p3 =	por $0x1, $0x1;
	v10 =	vimm.s32 $0x0;
	s8 =	simm.s32 $0x1;
	v9 =	vld [tilespmem:s7+$0x0];
	v11 =	vmpcnt.ones.xlane vm0  }
.LBB2_56:
0x1c9: {  	s17 =	smov.u32 s5;
	s5 =	sadd.s32 $0x1, s5  }
0x1ca: {  	p4 =	sne.s32 s29, s5  }
.Ltmp33:
0x1cb: {  	v10 =	vadd.s32 v10, v11;
	(pc) =	sbr.rel @p4 .LBB2_56-.Ltmp33, $4  }
0x1cc: {  	_ = 	snop  }
0x1cd: {  	vm1 =	vgt.s32 v4, s8;
	s7 =	sadd.s32 $0x10, s7;
	s8 =	smov.u32 s17;
	vm0 =	vge.s32 v9, v8  }
0x1ce: {  	v9 =	vld [tilespmem:s7+$0x0];
	vm0 =	vmand vm1, vm0  }
0x1cf: {  	v11 =	vmpcnt.ones.xlane vm0  }
.LBB2_57:
0x1d0: {  	_ =	sdelay $0x2  }
0x1d1: {  	vm1 =	vgt.s32 v4, s8;
	vm0 =	vge.s32 v9, v8  }
0x1d2: {  	vm0 =	vmand vm1, vm0  }
0x1d3: {  	v9 =	vadd.s32 @p3 v10, v11;
	v10 =	vmpcnt.ones.xlane vm0  }
.Ltmp34:
0x1d4: {  	v9 =	vpsel p3, v9, v6;
	(pc) =	sbr.rel @!p2 .LBB2_58-.Ltmp34, $4  }
0x1d5: {  	v9 =	vadd.s32 v9, v10  }
0x1d6: {  	vm15 =	vlt.s32 v9, v5  }
0x1d7: {  	v7 =	vsel vm15, v7, v8  }
0x1d8: {  	v9 =	vld [tilespmem:s30+$0x0];
	v8 =	vadd.s32 $0x20000, v7  }
0x1d9: {  	_ = 	snop  }
0x1da: {  	p2 =	sne.s32 s29, $0x2  }
.Ltmp35:
0x1db: {  	_ = 	snop;
	(pc) =	sbr.rel @!p2 .LBB2_60-.Ltmp35, $4  }
0x1dc: {  	_ = 	snop  }
0x1dd: {  	vm1 =	vgt.s32 v4, s1;
	vm0 =	vge.s32 v9, v8  }
0x1de: {  	s1 =	simm.s32 $0x10210;
	vm0 =	vmand vm1, vm0  }
0x1df: {  	s5 =	simm.s32 $0x2;
	p1 =	por $0x1, $0x1;
	v10 =	vimm.s32 $0x0;
	v9 =	vld [tilespmem:s1+$0x0];
	v11 =	vmpcnt.ones.xlane vm0  }
.LBB2_61:
0x1e0: {  	s7 =	smov.u32 s5;
	s5 =	sadd.s32 $0x1, s5  }
0x1e1: {  	p2 =	sne.s32 s29, s5  }
.Ltmp36:
0x1e2: {  	v10 =	vadd.s32 v10, v11;
	(pc) =	sbr.rel @p2 .LBB2_61-.Ltmp36, $4  }
0x1e3: {  	_ = 	snop  }
0x1e4: {  	vm1 =	vgt.s32 v4, s0;
	s1 =	sadd.s32 $0x10, s1;
	s0 =	smov.u32 s7;
	vm0 =	vge.s32 v9, v8  }
0x1e5: {  	v9 =	vld [tilespmem:s1+$0x0];
	vm0 =	vmand vm1, vm0  }
0x1e6: {  	v11 =	vmpcnt.ones.xlane vm0  }
0x1e7: {  	s1 =	smov.u32 s0  }
.LBB2_63:
0x1e8: {  	_ =	sdelay $0x1  }
0x1e9: {  	vm1 =	vgt.s32 v4, s1;
	vm0 =	vge.s32 v9, v8  }
0x1ea: {  	vm0 =	vmand vm1, vm0  }
0x1eb: {  	p2 =	sne.s32 s29, $0x1;
	v9 =	vadd.s32 @p1 v10, v11;
	v10 =	vmpcnt.ones.xlane vm0  }
.Ltmp37:
0x1ec: {  	v6 =	vpsel p1, v9, v6;
	(pc) =	sbr.rel @!p2 .LBB2_64-.Ltmp37, $4  }
0x1ed: {  	v6 =	vadd.s32 v6, v10  }
0x1ee: {  	vm15 =	vlt.s32 v6, v5  }
0x1ef: {  	s30 =	simm.s32 $0x10200;
	v7 =	vsel vm15, v7, v8  }
0x1f0: {  	s1 =	simm.s32 $0x0;
	s0 =	simm.s32 $0x1;
	v9 =	vld [tilespmem:s30+$0x0];
	p1 =	por $0x0, $0x0;
	v6 =	vimm.s32 $0x0;
	v8 =	vadd.s32 $0x10000, v7  }
0x1f1: {  	_ = 	snop  }
0x1f2: {  	p4 =	sne.s32 s29, $0x2  }
.Ltmp38:
0x1f3: {  	_ = 	snop;
	(pc) =	sbr.rel @!p4 .LBB2_66-.Ltmp38, $4  }
0x1f4: {  	_ = 	snop  }
0x1f5: {  	vm1 =	vgt.s32 v4, s1;
	vm0 =	vge.s32 v9, v8  }
0x1f6: {  	s7 =	simm.s32 $0x10210;
	vm0 =	vmand vm1, vm0  }
0x1f7: {  	s5 =	simm.s32 $0x2;
	p3 =	por $0x1, $0x1;
	v10 =	vimm.s32 $0x0;
	s8 =	simm.s32 $0x1;
	v9 =	vld [tilespmem:s7+$0x0];
	v11 =	vmpcnt.ones.xlane vm0  }
.LBB2_67:
0x1f8: {  	s17 =	smov.u32 s5;
	s5 =	sadd.s32 $0x1, s5  }
0x1f9: {  	p4 =	sne.s32 s29, s5  }
.Ltmp39:
0x1fa: {  	v10 =	vadd.s32 v10, v11;
	(pc) =	sbr.rel @p4 .LBB2_67-.Ltmp39, $4  }
0x1fb: {  	_ = 	snop  }
0x1fc: {  	vm1 =	vgt.s32 v4, s8;
	s7 =	sadd.s32 $0x10, s7;
	s8 =	smov.u32 s17;
	vm0 =	vge.s32 v9, v8  }
0x1fd: {  	v9 =	vld [tilespmem:s7+$0x0];
	vm0 =	vmand vm1, vm0  }
0x1fe: {  	v11 =	vmpcnt.ones.xlane vm0  }
.LBB2_68:
0x1ff: {  	_ =	sdelay $0x2  }
0x200: {  	vm1 =	vgt.s32 v4, s8;
	vm0 =	vge.s32 v9, v8  }
0x201: {  	vm0 =	vmand vm1, vm0  }
0x202: {  	v9 =	vadd.s32 @p3 v10, v11;
	v10 =	vmpcnt.ones.xlane vm0  }
.Ltmp40:
0x203: {  	v9 =	vpsel p3, v9, v6;
	(pc) =	sbr.rel @!p2 .LBB2_69-.Ltmp40, $4  }
0x204: {  	v9 =	vadd.s32 v9, v10  }
0x205: {  	vm15 =	vlt.s32 v9, v5  }
0x206: {  	v7 =	vsel vm15, v7, v8  }
0x207: {  	v9 =	vld [tilespmem:s30+$0x0];
	v8 =	vadd.s32 $0x8000, v7  }
0x208: {  	_ = 	snop  }
0x209: {  	p2 =	sne.s32 s29, $0x2  }
.Ltmp41:
0x20a: {  	_ = 	snop;
	(pc) =	sbr.rel @!p2 .LBB2_71-.Ltmp41, $4  }
0x20b: {  	_ = 	snop  }
0x20c: {  	vm1 =	vgt.s32 v4, s1;
	vm0 =	vge.s32 v9, v8  }
0x20d: {  	s1 =	simm.s32 $0x10210;
	vm0 =	vmand vm1, vm0  }
0x20e: {  	s5 =	simm.s32 $0x2;
	p1 =	por $0x1, $0x1;
	v10 =	vimm.s32 $0x0;
	v9 =	vld [tilespmem:s1+$0x0];
	v11 =	vmpcnt.ones.xlane vm0  }
.LBB2_72:
0x20f: {  	s7 =	smov.u32 s5;
	s5 =	sadd.s32 $0x1, s5  }
0x210: {  	p2 =	sne.s32 s29, s5  }
.Ltmp42:
0x211: {  	v10 =	vadd.s32 v10, v11;
	(pc) =	sbr.rel @p2 .LBB2_72-.Ltmp42, $4  }
0x212: {  	_ = 	snop  }
0x213: {  	vm1 =	vgt.s32 v4, s0;
	s1 =	sadd.s32 $0x10, s1;
	s0 =	smov.u32 s7;
	vm0 =	vge.s32 v9, v8  }
0x214: {  	v9 =	vld [tilespmem:s1+$0x0];
	vm0 =	vmand vm1, vm0  }
0x215: {  	v11 =	vmpcnt.ones.xlane vm0  }
0x216: {  	s1 =	smov.u32 s0  }
.LBB2_74:
0x217: {  	_ =	sdelay $0x1  }
0x218: {  	vm1 =	vgt.s32 v4, s1;
	vm0 =	vge.s32 v9, v8  }
0x219: {  	vm0 =	vmand vm1, vm0  }
0x21a: {  	p2 =	sne.s32 s29, $0x1;
	v9 =	vadd.s32 @p1 v10, v11;
	v10 =	vmpcnt.ones.xlane vm0  }
.Ltmp43:
0x21b: {  	v6 =	vpsel p1, v9, v6;
	(pc) =	sbr.rel @!p2 .LBB2_75-.Ltmp43, $4  }
0x21c: {  	v6 =	vadd.s32 v6, v10  }
0x21d: {  	vm15 =	vlt.s32 v6, v5  }
0x21e: {  	s30 =	simm.s32 $0x10200;
	v7 =	vsel vm15, v7, v8  }
0x21f: {  	s1 =	simm.s32 $0x0;
	s0 =	simm.s32 $0x1;
	v9 =	vld [tilespmem:s30+$0x0];
	p1 =	por $0x0, $0x0;
	v6 =	vimm.s32 $0x0;
	v8 =	vadd.s32 $0x4000, v7  }
0x220: {  	_ = 	snop  }
0x221: {  	p4 =	sne.s32 s29, $0x2  }
.Ltmp44:
0x222: {  	_ = 	snop;
	(pc) =	sbr.rel @!p4 .LBB2_77-.Ltmp44, $4  }
0x223: {  	_ = 	snop  }
0x224: {  	vm1 =	vgt.s32 v4, s1;
	vm0 =	vge.s32 v9, v8  }
0x225: {  	s7 =	simm.s32 $0x10210;
	vm0 =	vmand vm1, vm0  }
0x226: {  	s5 =	simm.s32 $0x2;
	p3 =	por $0x1, $0x1;
	v10 =	vimm.s32 $0x0;
	s8 =	simm.s32 $0x1;
	v9 =	vld [tilespmem:s7+$0x0];
	v11 =	vmpcnt.ones.xlane vm0  }
.LBB2_78:
0x227: {  	s17 =	smov.u32 s5;
	s5 =	sadd.s32 $0x1, s5  }
0x228: {  	p4 =	sne.s32 s29, s5  }
.Ltmp45:
0x229: {  	v10 =	vadd.s32 v10, v11;
	(pc) =	sbr.rel @p4 .LBB2_78-.Ltmp45, $4  }
0x22a: {  	_ = 	snop  }
0x22b: {  	vm1 =	vgt.s32 v4, s8;
	s7 =	sadd.s32 $0x10, s7;
	s8 =	smov.u32 s17;
	vm0 =	vge.s32 v9, v8  }
0x22c: {  	v9 =	vld [tilespmem:s7+$0x0];
	vm0 =	vmand vm1, vm0  }
0x22d: {  	v11 =	vmpcnt.ones.xlane vm0  }
.LBB2_79:
0x22e: {  	_ =	sdelay $0x2  }
0x22f: {  	vm1 =	vgt.s32 v4, s8;
	vm0 =	vge.s32 v9, v8  }
0x230: {  	vm0 =	vmand vm1, vm0  }
0x231: {  	v9 =	vadd.s32 @p3 v10, v11;
	v10 =	vmpcnt.ones.xlane vm0  }
.Ltmp46:
0x232: {  	v9 =	vpsel p3, v9, v6;
	(pc) =	sbr.rel @!p2 .LBB2_80-.Ltmp46, $4  }
0x233: {  	v9 =	vadd.s32 v9, v10  }
0x234: {  	vm15 =	vlt.s32 v9, v5  }
0x235: {  	v7 =	vsel vm15, v7, v8  }
0x236: {  	v9 =	vld [tilespmem:s30+$0x0];
	v8 =	vadd.s32 $0x2000, v7  }
0x237: {  	_ = 	snop  }
0x238: {  	p2 =	sne.s32 s29, $0x2  }
.Ltmp47:
0x239: {  	_ = 	snop;
	(pc) =	sbr.rel @!p2 .LBB2_82-.Ltmp47, $4  }
0x23a: {  	_ = 	snop  }
0x23b: {  	vm1 =	vgt.s32 v4, s1;
	vm0 =	vge.s32 v9, v8  }
0x23c: {  	s1 =	simm.s32 $0x10210;
	vm0 =	vmand vm1, vm0  }
0x23d: {  	s5 =	simm.s32 $0x2;
	p1 =	por $0x1, $0x1;
	v10 =	vimm.s32 $0x0;
	v9 =	vld [tilespmem:s1+$0x0];
	v11 =	vmpcnt.ones.xlane vm0  }
.LBB2_83:
0x23e: {  	s7 =	smov.u32 s5;
	s5 =	sadd.s32 $0x1, s5  }
0x23f: {  	p2 =	sne.s32 s29, s5  }
.Ltmp48:
0x240: {  	v10 =	vadd.s32 v10, v11;
	(pc) =	sbr.rel @p2 .LBB2_83-.Ltmp48, $4  }
0x241: {  	_ = 	snop  }
0x242: {  	vm1 =	vgt.s32 v4, s0;
	s1 =	sadd.s32 $0x10, s1;
	s0 =	smov.u32 s7;
	vm0 =	vge.s32 v9, v8  }
0x243: {  	v9 =	vld [tilespmem:s1+$0x0];
	vm0 =	vmand vm1, vm0  }
0x244: {  	v11 =	vmpcnt.ones.xlane vm0  }
0x245: {  	s1 =	smov.u32 s0  }
.LBB2_85:
0x246: {  	_ =	sdelay $0x1  }
0x247: {  	vm1 =	vgt.s32 v4, s1;
	vm0 =	vge.s32 v9, v8  }
0x248: {  	vm0 =	vmand vm1, vm0  }
0x249: {  	p2 =	sne.s32 s29, $0x1;
	v9 =	vadd.s32 @p1 v10, v11;
	v10 =	vmpcnt.ones.xlane vm0  }
.Ltmp49:
0x24a: {  	v6 =	vpsel p1, v9, v6;
	(pc) =	sbr.rel @!p2 .LBB2_86-.Ltmp49, $4  }
0x24b: {  	v6 =	vadd.s32 v6, v10  }
0x24c: {  	vm15 =	vlt.s32 v6, v5  }
0x24d: {  	s30 =	simm.s32 $0x10200;
	v7 =	vsel vm15, v7, v8  }
0x24e: {  	s1 =	simm.s32 $0x0;
	s0 =	simm.s32 $0x1;
	v9 =	vld [tilespmem:s30+$0x0];
	p1 =	por $0x0, $0x0;
	v6 =	vimm.s32 $0x0;
	v8 =	vadd.s32 $0x1000, v7  }
0x24f: {  	_ = 	snop  }
0x250: {  	p4 =	sne.s32 s29, $0x2  }
.Ltmp50:
0x251: {  	_ = 	snop;
	(pc) =	sbr.rel @!p4 .LBB2_88-.Ltmp50, $4  }
0x252: {  	_ = 	snop  }
0x253: {  	vm1 =	vgt.s32 v4, s1;
	vm0 =	vge.s32 v9, v8  }
0x254: {  	s7 =	simm.s32 $0x10210;
	vm0 =	vmand vm1, vm0  }
0x255: {  	s5 =	simm.s32 $0x2;
	p3 =	por $0x1, $0x1;
	v10 =	vimm.s32 $0x0;
	s8 =	simm.s32 $0x1;
	v9 =	vld [tilespmem:s7+$0x0];
	v11 =	vmpcnt.ones.xlane vm0  }
.LBB2_89:
0x256: {  	s17 =	smov.u32 s5;
	s5 =	sadd.s32 $0x1, s5  }
0x257: {  	p4 =	sne.s32 s29, s5  }
.Ltmp51:
0x258: {  	v10 =	vadd.s32 v10, v11;
	(pc) =	sbr.rel @p4 .LBB2_89-.Ltmp51, $4  }
0x259: {  	_ = 	snop  }
0x25a: {  	vm1 =	vgt.s32 v4, s8;
	s7 =	sadd.s32 $0x10, s7;
	s8 =	smov.u32 s17;
	vm0 =	vge.s32 v9, v8  }
0x25b: {  	v9 =	vld [tilespmem:s7+$0x0];
	vm0 =	vmand vm1, vm0  }
0x25c: {  	v11 =	vmpcnt.ones.xlane vm0  }
.LBB2_90:
0x25d: {  	_ =	sdelay $0x2  }
0x25e: {  	vm1 =	vgt.s32 v4, s8;
	vm0 =	vge.s32 v9, v8  }
0x25f: {  	vm0 =	vmand vm1, vm0  }
0x260: {  	v9 =	vadd.s32 @p3 v10, v11;
	v10 =	vmpcnt.ones.xlane vm0  }
.Ltmp52:
0x261: {  	v9 =	vpsel p3, v9, v6;
	(pc) =	sbr.rel @!p2 .LBB2_91-.Ltmp52, $4  }
0x262: {  	v9 =	vadd.s32 v9, v10  }
0x263: {  	vm15 =	vlt.s32 v9, v5  }
0x264: {  	v7 =	vsel vm15, v7, v8  }
0x265: {  	v9 =	vld [tilespmem:s30+$0x0];
	v8 =	vadd.s32 $0x800, v7  }
0x266: {  	_ = 	snop  }
0x267: {  	p2 =	sne.s32 s29, $0x2  }
.Ltmp53:
0x268: {  	_ = 	snop;
	(pc) =	sbr.rel @!p2 .LBB2_93-.Ltmp53, $4  }
0x269: {  	_ = 	snop  }
0x26a: {  	vm1 =	vgt.s32 v4, s1;
	vm0 =	vge.s32 v9, v8  }
0x26b: {  	s1 =	simm.s32 $0x10210;
	vm0 =	vmand vm1, vm0  }
0x26c: {  	s5 =	simm.s32 $0x2;
	p1 =	por $0x1, $0x1;
	v10 =	vimm.s32 $0x0;
	v9 =	vld [tilespmem:s1+$0x0];
	v11 =	vmpcnt.ones.xlane vm0  }
.LBB2_94:
0x26d: {  	s7 =	smov.u32 s5;
	s5 =	sadd.s32 $0x1, s5  }
0x26e: {  	p2 =	sne.s32 s29, s5  }
.Ltmp54:
0x26f: {  	v10 =	vadd.s32 v10, v11;
	(pc) =	sbr.rel @p2 .LBB2_94-.Ltmp54, $4  }
0x270: {  	_ = 	snop  }
0x271: {  	vm1 =	vgt.s32 v4, s0;
	s1 =	sadd.s32 $0x10, s1;
	s0 =	smov.u32 s7;
	vm0 =	vge.s32 v9, v8  }
0x272: {  	v9 =	vld [tilespmem:s1+$0x0];
	vm0 =	vmand vm1, vm0  }
0x273: {  	v11 =	vmpcnt.ones.xlane vm0  }
0x274: {  	s1 =	smov.u32 s0  }
.LBB2_96:
0x275: {  	_ =	sdelay $0x1  }
0x276: {  	vm1 =	vgt.s32 v4, s1;
	vm0 =	vge.s32 v9, v8  }
0x277: {  	vm0 =	vmand vm1, vm0  }
0x278: {  	p2 =	sne.s32 s29, $0x1;
	v9 =	vadd.s32 @p1 v10, v11;
	v10 =	vmpcnt.ones.xlane vm0  }
.Ltmp55:
0x279: {  	v6 =	vpsel p1, v9, v6;
	(pc) =	sbr.rel @!p2 .LBB2_97-.Ltmp55, $4  }
0x27a: {  	v6 =	vadd.s32 v6, v10  }
0x27b: {  	vm15 =	vlt.s32 v6, v5  }
0x27c: {  	s30 =	simm.s32 $0x10200;
	v7 =	vsel vm15, v7, v8  }
0x27d: {  	s1 =	simm.s32 $0x0;
	s0 =	simm.s32 $0x1;
	v9 =	vld [tilespmem:s30+$0x0];
	p1 =	por $0x0, $0x0;
	v6 =	vimm.s32 $0x0;
	v8 =	vadd.s32 $0x400, v7  }
0x27e: {  	_ = 	snop  }
0x27f: {  	p4 =	sne.s32 s29, $0x2  }
.Ltmp56:
0x280: {  	_ = 	snop;
	(pc) =	sbr.rel @!p4 .LBB2_99-.Ltmp56, $4  }
0x281: {  	_ = 	snop  }
0x282: {  	vm1 =	vgt.s32 v4, s1;
	vm0 =	vge.s32 v9, v8  }
0x283: {  	s7 =	simm.s32 $0x10210;
	vm0 =	vmand vm1, vm0  }
0x284: {  	s5 =	simm.s32 $0x2;
	p3 =	por $0x1, $0x1;
	v10 =	vimm.s32 $0x0;
	s8 =	simm.s32 $0x1;
	v9 =	vld [tilespmem:s7+$0x0];
	v11 =	vmpcnt.ones.xlane vm0  }
.LBB2_100:
0x285: {  	s17 =	smov.u32 s5;
	s5 =	sadd.s32 $0x1, s5  }
0x286: {  	p4 =	sne.s32 s29, s5  }
.Ltmp57:
0x287: {  	v10 =	vadd.s32 v10, v11;
	(pc) =	sbr.rel @p4 .LBB2_100-.Ltmp57, $4  }
0x288: {  	_ = 	snop  }
0x289: {  	vm1 =	vgt.s32 v4, s8;
	s7 =	sadd.s32 $0x10, s7;
	s8 =	smov.u32 s17;
	vm0 =	vge.s32 v9, v8  }
0x28a: {  	v9 =	vld [tilespmem:s7+$0x0];
	vm0 =	vmand vm1, vm0  }
0x28b: {  	v11 =	vmpcnt.ones.xlane vm0  }
.LBB2_101:
0x28c: {  	_ =	sdelay $0x2  }
0x28d: {  	vm1 =	vgt.s32 v4, s8;
	vm0 =	vge.s32 v9, v8  }
0x28e: {  	vm0 =	vmand vm1, vm0  }
0x28f: {  	v9 =	vadd.s32 @p3 v10, v11;
	v10 =	vmpcnt.ones.xlane vm0  }
.Ltmp58:
0x290: {  	v9 =	vpsel p3, v9, v6;
	(pc) =	sbr.rel @!p2 .LBB2_102-.Ltmp58, $4  }
0x291: {  	v9 =	vadd.s32 v9, v10  }
0x292: {  	vm15 =	vlt.s32 v9, v5  }
0x293: {  	v7 =	vsel vm15, v7, v8  }
0x294: {  	v9 =	vld [tilespmem:s30+$0x0];
	v8 =	vadd.s32 $0x200, v7  }
0x295: {  	_ = 	snop  }
0x296: {  	p2 =	sne.s32 s29, $0x2  }
.Ltmp59:
0x297: {  	_ = 	snop;
	(pc) =	sbr.rel @!p2 .LBB2_104-.Ltmp59, $4  }
0x298: {  	_ = 	snop  }
0x299: {  	vm1 =	vgt.s32 v4, s1;
	vm0 =	vge.s32 v9, v8  }
0x29a: {  	s1 =	simm.s32 $0x10210;
	vm0 =	vmand vm1, vm0  }
0x29b: {  	s5 =	simm.s32 $0x2;
	p1 =	por $0x1, $0x1;
	v10 =	vimm.s32 $0x0;
	v9 =	vld [tilespmem:s1+$0x0];
	v11 =	vmpcnt.ones.xlane vm0  }
.LBB2_105:
0x29c: {  	s7 =	smov.u32 s5;
	s5 =	sadd.s32 $0x1, s5  }
0x29d: {  	p2 =	sne.s32 s29, s5  }
.Ltmp60:
0x29e: {  	v10 =	vadd.s32 v10, v11;
	(pc) =	sbr.rel @p2 .LBB2_105-.Ltmp60, $4  }
0x29f: {  	_ = 	snop  }
0x2a0: {  	vm1 =	vgt.s32 v4, s0;
	s1 =	sadd.s32 $0x10, s1;
	s0 =	smov.u32 s7;
	vm0 =	vge.s32 v9, v8  }
0x2a1: {  	v9 =	vld [tilespmem:s1+$0x0];
	vm0 =	vmand vm1, vm0  }
0x2a2: {  	v11 =	vmpcnt.ones.xlane vm0  }
0x2a3: {  	s1 =	smov.u32 s0  }
.LBB2_107:
0x2a4: {  	_ =	sdelay $0x1  }
0x2a5: {  	vm1 =	vgt.s32 v4, s1;
	vm0 =	vge.s32 v9, v8  }
0x2a6: {  	vm0 =	vmand vm1, vm0  }
0x2a7: {  	p2 =	sne.s32 s29, $0x1;
	v9 =	vadd.s32 @p1 v10, v11;
	v10 =	vmpcnt.ones.xlane vm0  }
.Ltmp61:
0x2a8: {  	v6 =	vpsel p1, v9, v6;
	(pc) =	sbr.rel @!p2 .LBB2_108-.Ltmp61, $4  }
0x2a9: {  	v6 =	vadd.s32 v6, v10  }
0x2aa: {  	vm15 =	vlt.s32 v6, v5  }
0x2ab: {  	s30 =	simm.s32 $0x10200;
	v7 =	vsel vm15, v7, v8  }
0x2ac: {  	s1 =	simm.s32 $0x0;
	s0 =	simm.s32 $0x1;
	v9 =	vld [tilespmem:s30+$0x0];
	p1 =	por $0x0, $0x0;
	v6 =	vimm.s32 $0x0;
	v8 =	vadd.s32 $0x100, v7  }
0x2ad: {  	_ = 	snop  }
0x2ae: {  	p4 =	sne.s32 s29, $0x2  }
.Ltmp62:
0x2af: {  	_ = 	snop;
	(pc) =	sbr.rel @!p4 .LBB2_110-.Ltmp62, $4  }
0x2b0: {  	_ = 	snop  }
0x2b1: {  	vm1 =	vgt.s32 v4, s1;
	vm0 =	vge.s32 v9, v8  }
0x2b2: {  	s7 =	simm.s32 $0x10210;
	vm0 =	vmand vm1, vm0  }
0x2b3: {  	s5 =	simm.s32 $0x2;
	p3 =	por $0x1, $0x1;
	v10 =	vimm.s32 $0x0;
	s8 =	simm.s32 $0x1;
	v9 =	vld [tilespmem:s7+$0x0];
	v11 =	vmpcnt.ones.xlane vm0  }
.LBB2_111:
0x2b4: {  	s17 =	smov.u32 s5;
	s5 =	sadd.s32 $0x1, s5  }
0x2b5: {  	p4 =	sne.s32 s29, s5  }
.Ltmp63:
0x2b6: {  	v10 =	vadd.s32 v10, v11;
	(pc) =	sbr.rel @p4 .LBB2_111-.Ltmp63, $4  }
0x2b7: {  	_ = 	snop  }
0x2b8: {  	vm1 =	vgt.s32 v4, s8;
	s7 =	sadd.s32 $0x10, s7;
	s8 =	smov.u32 s17;
	vm0 =	vge.s32 v9, v8  }
0x2b9: {  	v9 =	vld [tilespmem:s7+$0x0];
	vm0 =	vmand vm1, vm0  }
0x2ba: {  	v11 =	vmpcnt.ones.xlane vm0  }
.LBB2_112:
0x2bb: {  	_ =	sdelay $0x2  }
0x2bc: {  	vm1 =	vgt.s32 v4, s8;
	vm0 =	vge.s32 v9, v8  }
0x2bd: {  	vm0 =	vmand vm1, vm0  }
0x2be: {  	v9 =	vadd.s32 @p3 v10, v11;
	v10 =	vmpcnt.ones.xlane vm0  }
.Ltmp64:
0x2bf: {  	v9 =	vpsel p3, v9, v6;
	(pc) =	sbr.rel @!p2 .LBB2_113-.Ltmp64, $4  }
0x2c0: {  	v9 =	vadd.s32 v9, v10  }
0x2c1: {  	vm15 =	vlt.s32 v9, v5  }
0x2c2: {  	v7 =	vsel vm15, v7, v8  }
0x2c3: {  	v9 =	vld [tilespmem:s30+$0x0];
	v8 =	vadd.s32 $0x80, v7  }
0x2c4: {  	_ = 	snop  }
0x2c5: {  	p2 =	sne.s32 s29, $0x2  }
.Ltmp65:
0x2c6: {  	_ = 	snop;
	(pc) =	sbr.rel @!p2 .LBB2_115-.Ltmp65, $4  }
0x2c7: {  	_ = 	snop  }
0x2c8: {  	vm1 =	vgt.s32 v4, s1;
	vm0 =	vge.s32 v9, v8  }
0x2c9: {  	s1 =	simm.s32 $0x10210;
	vm0 =	vmand vm1, vm0  }
0x2ca: {  	s5 =	simm.s32 $0x2;
	p1 =	por $0x1, $0x1;
	v10 =	vimm.s32 $0x0;
	v9 =	vld [tilespmem:s1+$0x0];
	v11 =	vmpcnt.ones.xlane vm0  }
.LBB2_116:
0x2cb: {  	s7 =	smov.u32 s5;
	s5 =	sadd.s32 $0x1, s5  }
0x2cc: {  	p2 =	sne.s32 s29, s5  }
.Ltmp66:
0x2cd: {  	v10 =	vadd.s32 v10, v11;
	(pc) =	sbr.rel @p2 .LBB2_116-.Ltmp66, $4  }
0x2ce: {  	_ = 	snop  }
0x2cf: {  	vm1 =	vgt.s32 v4, s0;
	s1 =	sadd.s32 $0x10, s1;
	s0 =	smov.u32 s7;
	vm0 =	vge.s32 v9, v8  }
0x2d0: {  	v9 =	vld [tilespmem:s1+$0x0];
	vm0 =	vmand vm1, vm0  }
0x2d1: {  	v11 =	vmpcnt.ones.xlane vm0  }
0x2d2: {  	s1 =	smov.u32 s0  }
.LBB2_118:
0x2d3: {  	_ =	sdelay $0x1  }
0x2d4: {  	vm1 =	vgt.s32 v4, s1;
	vm0 =	vge.s32 v9, v8  }
0x2d5: {  	vm0 =	vmand vm1, vm0  }
0x2d6: {  	p2 =	sne.s32 s29, $0x1;
	v9 =	vadd.s32 @p1 v10, v11;
	v10 =	vmpcnt.ones.xlane vm0  }
.Ltmp67:
0x2d7: {  	v6 =	vpsel p1, v9, v6;
	(pc) =	sbr.rel @!p2 .LBB2_119-.Ltmp67, $4  }
0x2d8: {  	v6 =	vadd.s32 v6, v10  }
0x2d9: {  	vm15 =	vlt.s32 v6, v5  }
0x2da: {  	s30 =	simm.s32 $0x10200;
	v7 =	vsel vm15, v7, v8  }
0x2db: {  	s1 =	simm.s32 $0x0;
	s0 =	simm.s32 $0x1;
	v9 =	vld [tilespmem:s30+$0x0];
	p1 =	por $0x0, $0x0;
	v6 =	vimm.s32 $0x0;
	v8 =	vadd.s32 $0x40, v7  }
0x2dc: {  	_ = 	snop  }
0x2dd: {  	p4 =	sne.s32 s29, $0x2  }
.Ltmp68:
0x2de: {  	_ = 	snop;
	(pc) =	sbr.rel @!p4 .LBB2_121-.Ltmp68, $4  }
0x2df: {  	_ = 	snop  }
0x2e0: {  	vm1 =	vgt.s32 v4, s1;
	vm0 =	vge.s32 v9, v8  }
0x2e1: {  	s7 =	simm.s32 $0x10210;
	vm0 =	vmand vm1, vm0  }
0x2e2: {  	s5 =	simm.s32 $0x2;
	p3 =	por $0x1, $0x1;
	v10 =	vimm.s32 $0x0;
	s8 =	simm.s32 $0x1;
	v9 =	vld [tilespmem:s7+$0x0];
	v11 =	vmpcnt.ones.xlane vm0  }
.LBB2_122:
0x2e3: {  	s17 =	smov.u32 s5;
	s5 =	sadd.s32 $0x1, s5  }
0x2e4: {  	p4 =	sne.s32 s29, s5  }
.Ltmp69:
0x2e5: {  	v10 =	vadd.s32 v10, v11;
	(pc) =	sbr.rel @p4 .LBB2_122-.Ltmp69, $4  }
0x2e6: {  	_ = 	snop  }
0x2e7: {  	vm1 =	vgt.s32 v4, s8;
	s7 =	sadd.s32 $0x10, s7;
	s8 =	smov.u32 s17;
	vm0 =	vge.s32 v9, v8  }
0x2e8: {  	v9 =	vld [tilespmem:s7+$0x0];
	vm0 =	vmand vm1, vm0  }
0x2e9: {  	v11 =	vmpcnt.ones.xlane vm0  }
.LBB2_123:
0x2ea: {  	_ =	sdelay $0x2  }
0x2eb: {  	vm1 =	vgt.s32 v4, s8;
	vm0 =	vge.s32 v9, v8  }
0x2ec: {  	vm0 =	vmand vm1, vm0  }
0x2ed: {  	v9 =	vadd.s32 @p3 v10, v11;
	v10 =	vmpcnt.ones.xlane vm0  }
.Ltmp70:
0x2ee: {  	v9 =	vpsel p3, v9, v6;
	(pc) =	sbr.rel @!p2 .LBB2_124-.Ltmp70, $4  }
0x2ef: {  	v9 =	vadd.s32 v9, v10  }
0x2f0: {  	vm15 =	vlt.s32 v9, v5  }
0x2f1: {  	v7 =	vsel vm15, v7, v8  }
0x2f2: {  	v9 =	vld [tilespmem:s30+$0x0];
	v8 =	vadd.s32 $0x20, v7  }
0x2f3: {  	_ = 	snop  }
0x2f4: {  	p2 =	sne.s32 s29, $0x2  }
.Ltmp71:
0x2f5: {  	_ = 	snop;
	(pc) =	sbr.rel @!p2 .LBB2_126-.Ltmp71, $4  }
0x2f6: {  	_ = 	snop  }
0x2f7: {  	vm1 =	vgt.s32 v4, s1;
	vm0 =	vge.s32 v9, v8  }
0x2f8: {  	s1 =	simm.s32 $0x10210;
	vm0 =	vmand vm1, vm0  }
0x2f9: {  	s5 =	simm.s32 $0x2;
	p1 =	por $0x1, $0x1;
	v10 =	vimm.s32 $0x0;
	v9 =	vld [tilespmem:s1+$0x0];
	v11 =	vmpcnt.ones.xlane vm0  }
.LBB2_127:
0x2fa: {  	s7 =	smov.u32 s5;
	s5 =	sadd.s32 $0x1, s5  }
0x2fb: {  	p2 =	sne.s32 s29, s5  }
.Ltmp72:
0x2fc: {  	v10 =	vadd.s32 v10, v11;
	(pc) =	sbr.rel @p2 .LBB2_127-.Ltmp72, $4  }
0x2fd: {  	_ = 	snop  }
0x2fe: {  	vm1 =	vgt.s32 v4, s0;
	s1 =	sadd.s32 $0x10, s1;
	s0 =	smov.u32 s7;
	vm0 =	vge.s32 v9, v8  }
0x2ff: {  	v9 =	vld [tilespmem:s1+$0x0];
	vm0 =	vmand vm1, vm0  }
0x300: {  	v11 =	vmpcnt.ones.xlane vm0  }
0x301: {  	s1 =	smov.u32 s0  }
.LBB2_129:
0x302: {  	_ =	sdelay $0x1  }
0x303: {  	vm1 =	vgt.s32 v4, s1;
	vm0 =	vge.s32 v9, v8  }
0x304: {  	vm0 =	vmand vm1, vm0  }
0x305: {  	p2 =	sne.s32 s29, $0x1;
	v9 =	vadd.s32 @p1 v10, v11;
	v10 =	vmpcnt.ones.xlane vm0  }
.Ltmp73:
0x306: {  	v6 =	vpsel p1, v9, v6;
	(pc) =	sbr.rel @!p2 .LBB2_130-.Ltmp73, $4  }
0x307: {  	v6 =	vadd.s32 v6, v10  }
0x308: {  	vm15 =	vlt.s32 v6, v5  }
0x309: {  	s30 =	simm.s32 $0x10200;
	v7 =	vsel vm15, v7, v8  }
0x30a: {  	s1 =	simm.s32 $0x0;
	s0 =	simm.s32 $0x1;
	v9 =	vld [tilespmem:s30+$0x0];
	p1 =	por $0x0, $0x0;
	v6 =	vimm.s32 $0x0;
	v8 =	vadd.s32 $0x10, v7  }
0x30b: {  	_ = 	snop  }
0x30c: {  	p4 =	sne.s32 s29, $0x2  }
.Ltmp74:
0x30d: {  	_ = 	snop;
	(pc) =	sbr.rel @!p4 .LBB2_132-.Ltmp74, $4  }
0x30e: {  	_ = 	snop  }
0x30f: {  	vm1 =	vgt.s32 v4, s1;
	vm0 =	vge.s32 v9, v8  }
0x310: {  	s7 =	simm.s32 $0x10210;
	vm0 =	vmand vm1, vm0  }
0x311: {  	s5 =	simm.s32 $0x2;
	p3 =	por $0x1, $0x1;
	v10 =	vimm.s32 $0x0;
	s8 =	simm.s32 $0x1;
	v9 =	vld [tilespmem:s7+$0x0];
	v11 =	vmpcnt.ones.xlane vm0  }
.LBB2_133:
0x312: {  	s17 =	smov.u32 s5;
	s5 =	sadd.s32 $0x1, s5  }
0x313: {  	p4 =	sne.s32 s29, s5  }
.Ltmp75:
0x314: {  	v10 =	vadd.s32 v10, v11;
	(pc) =	sbr.rel @p4 .LBB2_133-.Ltmp75, $4  }
0x315: {  	_ = 	snop  }
0x316: {  	vm1 =	vgt.s32 v4, s8;
	s7 =	sadd.s32 $0x10, s7;
	s8 =	smov.u32 s17;
	vm0 =	vge.s32 v9, v8  }
0x317: {  	v9 =	vld [tilespmem:s7+$0x0];
	vm0 =	vmand vm1, vm0  }
0x318: {  	v11 =	vmpcnt.ones.xlane vm0  }
.LBB2_134:
0x319: {  	_ =	sdelay $0x2  }
0x31a: {  	vm1 =	vgt.s32 v4, s8;
	vm0 =	vge.s32 v9, v8  }
0x31b: {  	vm0 =	vmand vm1, vm0  }
0x31c: {  	v9 =	vadd.s32 @p3 v10, v11;
	v10 =	vmpcnt.ones.xlane vm0  }
.Ltmp76:
0x31d: {  	v9 =	vpsel p3, v9, v6;
	(pc) =	sbr.rel @!p2 .LBB2_135-.Ltmp76, $4  }
0x31e: {  	v9 =	vadd.s32 v9, v10  }
0x31f: {  	vm15 =	vlt.s32 v9, v5  }
0x320: {  	v7 =	vsel vm15, v7, v8  }
0x321: {  	v9 =	vld [tilespmem:s30+$0x0];
	v8 =	vadd.s32 $0x8, v7  }
0x322: {  	_ = 	snop  }
0x323: {  	p2 =	sne.s32 s29, $0x2  }
.Ltmp77:
0x324: {  	_ = 	snop;
	(pc) =	sbr.rel @!p2 .LBB2_137-.Ltmp77, $4  }
0x325: {  	_ = 	snop  }
0x326: {  	vm1 =	vgt.s32 v4, s1;
	vm0 =	vge.s32 v9, v8  }
0x327: {  	s1 =	simm.s32 $0x10210;
	vm0 =	vmand vm1, vm0  }
0x328: {  	s5 =	simm.s32 $0x2;
	p1 =	por $0x1, $0x1;
	v10 =	vimm.s32 $0x0;
	v9 =	vld [tilespmem:s1+$0x0];
	v11 =	vmpcnt.ones.xlane vm0  }
.LBB2_138:
0x329: {  	s7 =	smov.u32 s5;
	s5 =	sadd.s32 $0x1, s5  }
0x32a: {  	p2 =	sne.s32 s29, s5  }
.Ltmp78:
0x32b: {  	v10 =	vadd.s32 v10, v11;
	(pc) =	sbr.rel @p2 .LBB2_138-.Ltmp78, $4  }
0x32c: {  	_ = 	snop  }
0x32d: {  	vm1 =	vgt.s32 v4, s0;
	s1 =	sadd.s32 $0x10, s1;
	s0 =	smov.u32 s7;
	vm0 =	vge.s32 v9, v8  }
0x32e: {  	v9 =	vld [tilespmem:s1+$0x0];
	vm0 =	vmand vm1, vm0  }
0x32f: {  	v11 =	vmpcnt.ones.xlane vm0  }
0x330: {  	s1 =	smov.u32 s0  }
.LBB2_140:
0x331: {  	_ =	sdelay $0x1  }
0x332: {  	vm1 =	vgt.s32 v4, s1;
	vm0 =	vge.s32 v9, v8  }
0x333: {  	vm0 =	vmand vm1, vm0  }
0x334: {  	p2 =	sne.s32 s29, $0x1;
	v9 =	vadd.s32 @p1 v10, v11;
	v10 =	vmpcnt.ones.xlane vm0  }
.Ltmp79:
0x335: {  	v6 =	vpsel p1, v9, v6;
	(pc) =	sbr.rel @!p2 .LBB2_141-.Ltmp79, $4  }
0x336: {  	v6 =	vadd.s32 v6, v10  }
0x337: {  	vm15 =	vlt.s32 v6, v5  }
0x338: {  	s30 =	simm.s32 $0x10200;
	v7 =	vsel vm15, v7, v8  }
0x339: {  	s1 =	simm.s32 $0x0;
	s0 =	simm.s32 $0x1;
	v9 =	vld [tilespmem:s30+$0x0];
	p1 =	por $0x0, $0x0;
	v6 =	vimm.s32 $0x0;
	v8 =	vadd.s32 $0x4, v7  }
0x33a: {  	_ = 	snop  }
0x33b: {  	p4 =	sne.s32 s29, $0x2  }
.Ltmp80:
0x33c: {  	_ = 	snop;
	(pc) =	sbr.rel @!p4 .LBB2_143-.Ltmp80, $4  }
0x33d: {  	_ = 	snop  }
0x33e: {  	vm1 =	vgt.s32 v4, s1;
	vm0 =	vge.s32 v9, v8  }
0x33f: {  	s7 =	simm.s32 $0x10210;
	vm0 =	vmand vm1, vm0  }
0x340: {  	s5 =	simm.s32 $0x2;
	p3 =	por $0x1, $0x1;
	v10 =	vimm.s32 $0x0;
	s8 =	simm.s32 $0x1;
	v9 =	vld [tilespmem:s7+$0x0];
	v11 =	vmpcnt.ones.xlane vm0  }
.LBB2_144:
0x341: {  	s17 =	smov.u32 s5;
	s5 =	sadd.s32 $0x1, s5  }
0x342: {  	p4 =	sne.s32 s29, s5  }
.Ltmp81:
0x343: {  	v10 =	vadd.s32 v10, v11;
	(pc) =	sbr.rel @p4 .LBB2_144-.Ltmp81, $4  }
0x344: {  	_ = 	snop  }
0x345: {  	vm1 =	vgt.s32 v4, s8;
	s7 =	sadd.s32 $0x10, s7;
	s8 =	smov.u32 s17;
	vm0 =	vge.s32 v9, v8  }
0x346: {  	v9 =	vld [tilespmem:s7+$0x0];
	vm0 =	vmand vm1, vm0  }
0x347: {  	v11 =	vmpcnt.ones.xlane vm0  }
.LBB2_145:
0x348: {  	_ =	sdelay $0x2  }
0x349: {  	vm1 =	vgt.s32 v4, s8;
	vm0 =	vge.s32 v9, v8  }
0x34a: {  	vm0 =	vmand vm1, vm0  }
0x34b: {  	v9 =	vadd.s32 @p3 v10, v11;
	v10 =	vmpcnt.ones.xlane vm0  }
.Ltmp82:
0x34c: {  	v9 =	vpsel p3, v9, v6;
	(pc) =	sbr.rel @!p2 .LBB2_146-.Ltmp82, $4  }
0x34d: {  	v9 =	vadd.s32 v9, v10  }
0x34e: {  	vm15 =	vlt.s32 v9, v5  }
0x34f: {  	v7 =	vsel vm15, v7, v8  }
0x350: {  	v9 =	vld [tilespmem:s30+$0x0];
	v8 =	vadd.s32 $0x2, v7  }
0x351: {  	_ = 	snop  }
0x352: {  	p2 =	sne.s32 s29, $0x2  }
.Ltmp83:
0x353: {  	_ = 	snop;
	(pc) =	sbr.rel @!p2 .LBB2_148-.Ltmp83, $4  }
0x354: {  	_ = 	snop  }
0x355: {  	vm1 =	vgt.s32 v4, s1;
	vm0 =	vge.s32 v9, v8  }
0x356: {  	s1 =	simm.s32 $0x10210;
	vm0 =	vmand vm1, vm0  }
0x357: {  	s5 =	simm.s32 $0x2;
	p1 =	por $0x1, $0x1;
	v10 =	vimm.s32 $0x0;
	v9 =	vld [tilespmem:s1+$0x0];
	v11 =	vmpcnt.ones.xlane vm0  }
.LBB2_149:
0x358: {  	s7 =	smov.u32 s5;
	s5 =	sadd.s32 $0x1, s5  }
0x359: {  	p2 =	sne.s32 s29, s5  }
.Ltmp84:
0x35a: {  	v10 =	vadd.s32 v10, v11;
	(pc) =	sbr.rel @p2 .LBB2_149-.Ltmp84, $4  }
0x35b: {  	_ = 	snop  }
0x35c: {  	vm1 =	vgt.s32 v4, s0;
	s1 =	sadd.s32 $0x10, s1;
	s0 =	smov.u32 s7;
	vm0 =	vge.s32 v9, v8  }
0x35d: {  	v9 =	vld [tilespmem:s1+$0x0];
	vm0 =	vmand vm1, vm0  }
0x35e: {  	v11 =	vmpcnt.ones.xlane vm0  }
0x35f: {  	s1 =	smov.u32 s0  }
.LBB2_151:
0x360: {  	_ =	sdelay $0x1  }
0x361: {  	vm1 =	vgt.s32 v4, s1;
	vm0 =	vge.s32 v9, v8  }
0x362: {  	vm0 =	vmand vm1, vm0  }
0x363: {  	p2 =	sne.s32 s29, $0x1;
	v9 =	vadd.s32 @p1 v10, v11;
	v10 =	vmpcnt.ones.xlane vm0  }
.Ltmp85:
0x364: {  	v6 =	vpsel p1, v9, v6;
	(pc) =	sbr.rel @!p2 .LBB2_152-.Ltmp85, $4  }
0x365: {  	v6 =	vadd.s32 v6, v10  }
0x366: {  	vm15 =	vlt.s32 v6, v5  }
0x367: {  	s5 =	simm.s32 $0x10200;
	v6 =	vsel vm15, v7, v8  }
0x368: {  	s1 =	simm.s32 $0x0;
	s0 =	simm.s32 $0x1;
	v9 =	vld [tilespmem:s5+$0x0];
	p1 =	por $0x0, $0x0;
	v8 =	vimm.s32 $0x0;
	v7 =	vadd.s32 $0x1, v6  }
0x369: {  	_ = 	snop  }
0x36a: {  	p3 =	sne.s32 s29, $0x2  }
.Ltmp86:
0x36b: {  	_ = 	snop;
	(pc) =	sbr.rel @!p3 .LBB2_154-.Ltmp86, $4  }
0x36c: {  	_ = 	snop  }
0x36d: {  	vm1 =	vgt.s32 v4, s1;
	vm0 =	vge.s32 v9, v7  }
0x36e: {  	s1 =	simm.s32 $0x10210;
	vm0 =	vmand vm1, vm0  }
0x36f: {  	s5 =	simm.s32 $0x2;
	p2 =	por $0x1, $0x1;
	v10 =	vimm.s32 $0x0;
	v9 =	vld [tilespmem:s1+$0x0];
	v11 =	vmpcnt.ones.xlane vm0  }
.LBB2_155:
0x370: {  	s7 =	smov.u32 s5;
	s5 =	sadd.s32 $0x1, s5  }
0x371: {  	p3 =	sne.s32 s29, s5  }
.Ltmp87:
0x372: {  	v10 =	vadd.s32 v10, v11;
	(pc) =	sbr.rel @p3 .LBB2_155-.Ltmp87, $4  }
0x373: {  	_ = 	snop  }
0x374: {  	vm1 =	vgt.s32 v4, s0;
	s1 =	sadd.s32 $0x10, s1;
	s0 =	smov.u32 s7;
	vm0 =	vge.s32 v9, v7  }
0x375: {  	v9 =	vld [tilespmem:s1+$0x0];
	vm0 =	vmand vm1, vm0  }
0x376: {  	v11 =	vmpcnt.ones.xlane vm0  }
0x377: {  	s1 =	smov.u32 s0  }
.LBB2_157:
0x378: {  	_ =	sdelay $0x1  }
0x379: {  	vm1 =	vgt.s32 v4, s1;
	vm0 =	vge.s32 v9, v7;
	v9 =	vadd.s32 @p2 v10, v11  }
0x37a: {  	vm0 =	vmand vm1, vm0;
	v8 =	vpsel p2, v9, v8;
	p2 =	seq.s32 s29, $0x1  }
.Ltmp88:
0x37b: {  	v63 =	vmpcnt.ones.xlane vm0;
	(pc) =	sbr.rel @p2 .LBB2_158-.Ltmp88, $4  }
0x37c: {  	_ = 	snop  }
0x37d: {  	v8 =	vadd.s32 v8, v63  }
0x37e: {  	s31 =	simm.s32 $0x0;
	vm15 =	vlt.s32 v8, v5  }
0x37f: {  	s1 =	simm.s32 $0x10200;
	s0 =	simm.s32 $0x11280;
	s5 =	simm.s32 $0x1;
	v5 =	vmov s28;
	v6 =	vsel vm15, v6, v7  }
0x380: {  	v10 =	vld [tilespmem:s1+$0x0];
	p3 =	seq.s32 s29, $0x2  }
.Ltmp89:
0x381: {  	_ = 	snop;
	(pc) =	sbr.rel @p3 .LBB2_160-.Ltmp89, $2  }
0x382: {  	_ =	sdelay $0x2  }
0x383: {  	s30 =	simm.s32 $0x2;
	v8 =	vld [tilespmem:s0+$0x0];
	vm1 =	vgt.s32 v4, s31;
	s1 =	simm.s32 $0x10210;
	p2 =	por $0x1, $0x1;
	vm2 =	vge.s32 v10, v6;
	v7 =	vshra.s32 v10, $0x1F  }
0x384: {  	_ =	sdelay $0x1  }
0x385: {  	v12 =	vld [tilespmem:s1+$0x0];
	p3 =	seq.s32 s29, $0x3  }
.Ltmp90:
0x386: {  	vm0 =	vmand vm1, vm2;
	(pc) =	sbr.rel @p3 .LBB2_162-.Ltmp90, $4  }
0x387: {  	s28 =	simm.s32 $0x11290;
	v9 =	vadd.s32 v5, v8  }
0x388: {  	v8 =	vld [tilespmem:s28+$0x0]  }
0x389: {  	vm1 =	vgt.s32 v4, s5;
	v11 =	vand.u32 $0x7FFFFFFF, v7  }
0x38a: {  	s31 =	simm.s32 $0x3;
	s1 =	simm.s32 $0x10220;
	p1 =	por $0x1, $0x1;
	v11 =	vxor.u32 v10, v11;
	vm2 =	vge.s32 v12, v6;
	v7 =	vshra.s32 v12, $0x1F  }
.LBB2_163:
0x38b: {  	s5 =	smov.u32 s31;
	s31 =	sadd.s32 $0x1, s31  }
0x38c: {  	v10 =	vld [tilespmem:s1+$0x0];
	[tilespmem:v9+s14+$0x0] =	vst.idx.msk vm0, v11;
	vm0 =	vmand vm1, vm2;
	p3 =	seq.s32 s29, s31  }
.Ltmp91:
0x38d: {  	s28 =	sadd.s32 $0x10, s28;
	v9 =	vadd.s32 v5, v8;
	(pc) =	sbr.rel @!p3 .LBB2_163-.Ltmp91, $3  }
0x38e: {  	v8 =	vld [tilespmem:s28+$0x0];
	_ =	sdelay $0x1  }
0x38f: {  	vm1 =	vgt.s32 v4, s30;
	v11 =	vand.u32 $0x7FFFFFFF, v7;
	s30 =	smov.u32 s5  }
0x390: {  	s1 =	sadd.s32 $0x10, s1;
	v11 =	vxor.u32 v12, v11;
	vm2 =	vge.s32 v10, v6;
	v7 =	vshra.s32 v10, $0x1F;
	v12 =	vmovc v10  }
.Ltmp92:
0x391: {  	(pc) =	sbr.rel .LBB2_165-.Ltmp92, $2  }
0x392: {  	_ =	sdelay $0x2  }
0x393: {  	s31 =	smov.u32 s30;
	v10 =	vmov v12  }
.LBB2_9:
.Ltmp93:
0x394: {  	(pc) =	sbr.rel .LBB2_13-.Ltmp93, $2  }
0x395: {  	_ =	sdelay $0x2  }
0x396: {  	v9 =	vimm.s32 $0x0;
	s8 =	simm.s32 $0x0;
	p3 =	por $0x0, $0x0  }
.LBB2_14:
.Ltmp94:
0x397: {  	(pc) =	sbr.rel .LBB2_19-.Ltmp94, $2  }
0x398: {  	_ =	sdelay $0x2  }
0x399: {  	v10 =	vimm.s32 $0x0  }
.LBB2_20:
.Ltmp95:
0x39a: {  	(pc) =	sbr.rel .LBB2_24-.Ltmp95, $2  }
0x39b: {  	_ =	sdelay $0x2  }
0x39c: {  	v10 =	vimm.s32 $0x0;
	s8 =	simm.s32 $0x0;
	p3 =	por $0x0, $0x0  }
.LBB2_25:
.Ltmp96:
0x39d: {  	(pc) =	sbr.rel .LBB2_30-.Ltmp96, $2  }
0x39e: {  	_ =	sdelay $0x2  }
0x39f: {  	v10 =	vimm.s32 $0x0  }
.LBB2_31:
.Ltmp97:
0x3a0: {  	(pc) =	sbr.rel .LBB2_35-.Ltmp97, $2  }
0x3a1: {  	_ =	sdelay $0x2  }
0x3a2: {  	v10 =	vimm.s32 $0x0;
	s8 =	simm.s32 $0x0;
	p3 =	por $0x0, $0x0  }
.LBB2_36:
.Ltmp98:
0x3a3: {  	(pc) =	sbr.rel .LBB2_41-.Ltmp98, $2  }
0x3a4: {  	_ =	sdelay $0x2  }
0x3a5: {  	v10 =	vimm.s32 $0x0  }
.LBB2_42:
.Ltmp99:
0x3a6: {  	(pc) =	sbr.rel .LBB2_46-.Ltmp99, $2  }
0x3a7: {  	_ =	sdelay $0x2  }
0x3a8: {  	v10 =	vimm.s32 $0x0;
	s8 =	simm.s32 $0x0;
	p3 =	por $0x0, $0x0  }
.LBB2_47:
.Ltmp100:
0x3a9: {  	(pc) =	sbr.rel .LBB2_52-.Ltmp100, $2  }
0x3aa: {  	_ =	sdelay $0x2  }
0x3ab: {  	v10 =	vimm.s32 $0x0  }
.LBB2_53:
.Ltmp101:
0x3ac: {  	(pc) =	sbr.rel .LBB2_57-.Ltmp101, $2  }
0x3ad: {  	_ =	sdelay $0x2  }
0x3ae: {  	v10 =	vimm.s32 $0x0;
	s8 =	simm.s32 $0x0;
	p3 =	por $0x0, $0x0  }
.LBB2_58:
.Ltmp102:
0x3af: {  	(pc) =	sbr.rel .LBB2_63-.Ltmp102, $2  }
0x3b0: {  	_ =	sdelay $0x2  }
0x3b1: {  	v10 =	vimm.s32 $0x0  }
.LBB2_64:
.Ltmp103:
0x3b2: {  	(pc) =	sbr.rel .LBB2_68-.Ltmp103, $2  }
0x3b3: {  	_ =	sdelay $0x2  }
0x3b4: {  	v10 =	vimm.s32 $0x0;
	s8 =	simm.s32 $0x0;
	p3 =	por $0x0, $0x0  }
.LBB2_69:
.Ltmp104:
0x3b5: {  	(pc) =	sbr.rel .LBB2_74-.Ltmp104, $2  }
0x3b6: {  	_ =	sdelay $0x2  }
0x3b7: {  	v10 =	vimm.s32 $0x0  }
.LBB2_75:
.Ltmp105:
0x3b8: {  	(pc) =	sbr.rel .LBB2_79-.Ltmp105, $2  }
0x3b9: {  	_ =	sdelay $0x2  }
0x3ba: {  	v10 =	vimm.s32 $0x0;
	s8 =	simm.s32 $0x0;
	p3 =	por $0x0, $0x0  }
.LBB2_80:
.Ltmp106:
0x3bb: {  	(pc) =	sbr.rel .LBB2_85-.Ltmp106, $2  }
0x3bc: {  	_ =	sdelay $0x2  }
0x3bd: {  	v10 =	vimm.s32 $0x0  }
.LBB2_86:
.Ltmp107:
0x3be: {  	(pc) =	sbr.rel .LBB2_90-.Ltmp107, $2  }
0x3bf: {  	_ =	sdelay $0x2  }
0x3c0: {  	v10 =	vimm.s32 $0x0;
	s8 =	simm.s32 $0x0;
	p3 =	por $0x0, $0x0  }
.LBB2_91:
.Ltmp108:
0x3c1: {  	(pc) =	sbr.rel .LBB2_96-.Ltmp108, $2  }
0x3c2: {  	_ =	sdelay $0x2  }
0x3c3: {  	v10 =	vimm.s32 $0x0  }
.LBB2_97:
.Ltmp109:
0x3c4: {  	(pc) =	sbr.rel .LBB2_101-.Ltmp109, $2  }
0x3c5: {  	_ =	sdelay $0x2  }
0x3c6: {  	v10 =	vimm.s32 $0x0;
	s8 =	simm.s32 $0x0;
	p3 =	por $0x0, $0x0  }
.LBB2_102:
.Ltmp110:
0x3c7: {  	(pc) =	sbr.rel .LBB2_107-.Ltmp110, $2  }
0x3c8: {  	_ =	sdelay $0x2  }
0x3c9: {  	v10 =	vimm.s32 $0x0  }
.LBB2_108:
.Ltmp111:
0x3ca: {  	(pc) =	sbr.rel .LBB2_112-.Ltmp111, $2  }
0x3cb: {  	_ =	sdelay $0x2  }
0x3cc: {  	v10 =	vimm.s32 $0x0;
	s8 =	simm.s32 $0x0;
	p3 =	por $0x0, $0x0  }
.LBB2_113:
.Ltmp112:
0x3cd: {  	(pc) =	sbr.rel .LBB2_118-.Ltmp112, $2  }
0x3ce: {  	_ =	sdelay $0x2  }
0x3cf: {  	v10 =	vimm.s32 $0x0  }
.LBB2_119:
.Ltmp113:
0x3d0: {  	(pc) =	sbr.rel .LBB2_123-.Ltmp113, $2  }
0x3d1: {  	_ =	sdelay $0x2  }
0x3d2: {  	v10 =	vimm.s32 $0x0;
	s8 =	simm.s32 $0x0;
	p3 =	por $0x0, $0x0  }
.LBB2_124:
.Ltmp114:
0x3d3: {  	(pc) =	sbr.rel .LBB2_129-.Ltmp114, $2  }
0x3d4: {  	_ =	sdelay $0x2  }
0x3d5: {  	v10 =	vimm.s32 $0x0  }
.LBB2_130:
.Ltmp115:
0x3d6: {  	(pc) =	sbr.rel .LBB2_134-.Ltmp115, $2  }
0x3d7: {  	_ =	sdelay $0x2  }
0x3d8: {  	v10 =	vimm.s32 $0x0;
	s8 =	simm.s32 $0x0;
	p3 =	por $0x0, $0x0  }
.LBB2_135:
.Ltmp116:
0x3d9: {  	(pc) =	sbr.rel .LBB2_140-.Ltmp116, $2  }
0x3da: {  	_ =	sdelay $0x2  }
0x3db: {  	v10 =	vimm.s32 $0x0  }
.LBB2_141:
.Ltmp117:
0x3dc: {  	(pc) =	sbr.rel .LBB2_145-.Ltmp117, $2  }
0x3dd: {  	_ =	sdelay $0x2  }
0x3de: {  	v10 =	vimm.s32 $0x0;
	s8 =	simm.s32 $0x0;
	p3 =	por $0x0, $0x0  }
.LBB2_146:
.Ltmp118:
0x3df: {  	(pc) =	sbr.rel .LBB2_151-.Ltmp118, $2  }
0x3e0: {  	_ =	sdelay $0x2  }
0x3e1: {  	v10 =	vimm.s32 $0x0  }
.LBB2_152:
.Ltmp119:
0x3e2: {  	(pc) =	sbr.rel .LBB2_157-.Ltmp119, $2  }
0x3e3: {  	_ =	sdelay $0x2  }
0x3e4: {  	v10 =	vimm.s32 $0x0;
	p2 =	por $0x0, $0x0  }
.LBB2_11:
.Ltmp120:
0x3e5: {  	(pc) =	sbr.rel .LBB2_13-.Ltmp120, $2  }
0x3e6: {  	_ =	sdelay $0x2  }
0x3e7: {  	v9 =	vimm.s32 $0x0;
	s8 =	simm.s32 $0x1  }
.LBB2_16:
.Ltmp121:
0x3e8: {  	(pc) =	sbr.rel .LBB2_19-.Ltmp121, $2  }
0x3e9: {  	_ =	sdelay $0x2  }
0x3ea: {  	v10 =	vimm.s32 $0x0;
	s1 =	simm.s32 $0x1  }
.LBB2_22:
.Ltmp122:
0x3eb: {  	(pc) =	sbr.rel .LBB2_24-.Ltmp122, $2  }
0x3ec: {  	_ =	sdelay $0x2  }
0x3ed: {  	v10 =	vimm.s32 $0x0;
	s8 =	simm.s32 $0x1  }
.LBB2_27:
.Ltmp123:
0x3ee: {  	(pc) =	sbr.rel .LBB2_30-.Ltmp123, $2  }
0x3ef: {  	_ =	sdelay $0x2  }
0x3f0: {  	v10 =	vimm.s32 $0x0;
	s1 =	simm.s32 $0x1  }
.LBB2_33:
.Ltmp124:
0x3f1: {  	(pc) =	sbr.rel .LBB2_35-.Ltmp124, $2  }
0x3f2: {  	_ =	sdelay $0x2  }
0x3f3: {  	v10 =	vimm.s32 $0x0;
	s8 =	simm.s32 $0x1  }
.LBB2_38:
.Ltmp125:
0x3f4: {  	(pc) =	sbr.rel .LBB2_41-.Ltmp125, $2  }
0x3f5: {  	_ =	sdelay $0x2  }
0x3f6: {  	v10 =	vimm.s32 $0x0;
	s1 =	simm.s32 $0x1  }
.LBB2_44:
.Ltmp126:
0x3f7: {  	(pc) =	sbr.rel .LBB2_46-.Ltmp126, $2  }
0x3f8: {  	_ =	sdelay $0x2  }
0x3f9: {  	v10 =	vimm.s32 $0x0;
	s8 =	simm.s32 $0x1  }
.LBB2_49:
.Ltmp127:
0x3fa: {  	(pc) =	sbr.rel .LBB2_52-.Ltmp127, $2  }
0x3fb: {  	_ =	sdelay $0x2  }
0x3fc: {  	v10 =	vimm.s32 $0x0;
	s1 =	simm.s32 $0x1  }
.LBB2_55:
.Ltmp128:
0x3fd: {  	(pc) =	sbr.rel .LBB2_57-.Ltmp128, $2  }
0x3fe: {  	_ =	sdelay $0x2  }
0x3ff: {  	v10 =	vimm.s32 $0x0;
	s8 =	simm.s32 $0x1  }
.LBB2_60:
.Ltmp129:
0x400: {  	(pc) =	sbr.rel .LBB2_63-.Ltmp129, $2  }
0x401: {  	_ =	sdelay $0x2  }
0x402: {  	v10 =	vimm.s32 $0x0;
	s1 =	simm.s32 $0x1  }
.LBB2_66:
.Ltmp130:
0x403: {  	(pc) =	sbr.rel .LBB2_68-.Ltmp130, $2  }
0x404: {  	_ =	sdelay $0x2  }
0x405: {  	v10 =	vimm.s32 $0x0;
	s8 =	simm.s32 $0x1  }
.LBB2_71:
.Ltmp131:
0x406: {  	(pc) =	sbr.rel .LBB2_74-.Ltmp131, $2  }
0x407: {  	_ =	sdelay $0x2  }
0x408: {  	v10 =	vimm.s32 $0x0;
	s1 =	simm.s32 $0x1  }
.LBB2_77:
.Ltmp132:
0x409: {  	(pc) =	sbr.rel .LBB2_79-.Ltmp132, $2  }
0x40a: {  	_ =	sdelay $0x2  }
0x40b: {  	v10 =	vimm.s32 $0x0;
	s8 =	simm.s32 $0x1  }
.LBB2_82:
.Ltmp133:
0x40c: {  	(pc) =	sbr.rel .LBB2_85-.Ltmp133, $2  }
0x40d: {  	_ =	sdelay $0x2  }
0x40e: {  	v10 =	vimm.s32 $0x0;
	s1 =	simm.s32 $0x1  }
.LBB2_88:
.Ltmp134:
0x40f: {  	(pc) =	sbr.rel .LBB2_90-.Ltmp134, $2  }
0x410: {  	_ =	sdelay $0x2  }
0x411: {  	v10 =	vimm.s32 $0x0;
	s8 =	simm.s32 $0x1  }
.LBB2_93:
.Ltmp135:
0x412: {  	(pc) =	sbr.rel .LBB2_96-.Ltmp135, $2  }
0x413: {  	_ =	sdelay $0x2  }
0x414: {  	v10 =	vimm.s32 $0x0;
	s1 =	simm.s32 $0x1  }
.LBB2_99:
.Ltmp136:
0x415: {  	(pc) =	sbr.rel .LBB2_101-.Ltmp136, $2  }
0x416: {  	_ =	sdelay $0x2  }
0x417: {  	v10 =	vimm.s32 $0x0;
	s8 =	simm.s32 $0x1  }
.LBB2_104:
.Ltmp137:
0x418: {  	(pc) =	sbr.rel .LBB2_107-.Ltmp137, $2  }
0x419: {  	_ =	sdelay $0x2  }
0x41a: {  	v10 =	vimm.s32 $0x0;
	s1 =	simm.s32 $0x1  }
.LBB2_110:
.Ltmp138:
0x41b: {  	(pc) =	sbr.rel .LBB2_112-.Ltmp138, $2  }
0x41c: {  	_ =	sdelay $0x2  }
0x41d: {  	v10 =	vimm.s32 $0x0;
	s8 =	simm.s32 $0x1  }
.LBB2_115:
.Ltmp139:
0x41e: {  	(pc) =	sbr.rel .LBB2_118-.Ltmp139, $2  }
0x41f: {  	_ =	sdelay $0x2  }
0x420: {  	v10 =	vimm.s32 $0x0;
	s1 =	simm.s32 $0x1  }
.LBB2_121:
.Ltmp140:
0x421: {  	(pc) =	sbr.rel .LBB2_123-.Ltmp140, $2  }
0x422: {  	_ =	sdelay $0x2  }
0x423: {  	v10 =	vimm.s32 $0x0;
	s8 =	simm.s32 $0x1  }
.LBB2_126:
.Ltmp141:
0x424: {  	(pc) =	sbr.rel .LBB2_129-.Ltmp141, $2  }
0x425: {  	_ =	sdelay $0x2  }
0x426: {  	v10 =	vimm.s32 $0x0;
	s1 =	simm.s32 $0x1  }
.LBB2_132:
.Ltmp142:
0x427: {  	(pc) =	sbr.rel .LBB2_134-.Ltmp142, $2  }
0x428: {  	_ =	sdelay $0x2  }
0x429: {  	v10 =	vimm.s32 $0x0;
	s8 =	simm.s32 $0x1  }
.LBB2_137:
.Ltmp143:
0x42a: {  	(pc) =	sbr.rel .LBB2_140-.Ltmp143, $2  }
0x42b: {  	_ =	sdelay $0x2  }
0x42c: {  	v10 =	vimm.s32 $0x0;
	s1 =	simm.s32 $0x1  }
.LBB2_143:
.Ltmp144:
0x42d: {  	(pc) =	sbr.rel .LBB2_145-.Ltmp144, $2  }
0x42e: {  	_ =	sdelay $0x2  }
0x42f: {  	v10 =	vimm.s32 $0x0;
	s8 =	simm.s32 $0x1  }
.LBB2_148:
.Ltmp145:
0x430: {  	(pc) =	sbr.rel .LBB2_151-.Ltmp145, $2  }
0x431: {  	_ =	sdelay $0x2  }
0x432: {  	v10 =	vimm.s32 $0x0;
	s1 =	simm.s32 $0x1  }
.LBB2_154:
.Ltmp146:
0x433: {  	(pc) =	sbr.rel .LBB2_157-.Ltmp146, $2  }
0x434: {  	_ =	sdelay $0x2  }
0x435: {  	v10 =	vimm.s32 $0x0;
	s1 =	simm.s32 $0x1  }
.LBB2_160:
.Ltmp147:
0x436: {  	(pc) =	sbr.rel .LBB2_165-.Ltmp147, $2  }
0x437: {  	_ =	sdelay $0x2  }
0x438: {  	s28 =	simm.s32 $0x11280;
	s31 =	simm.s32 $0x1  }
.LBB2_162:
.Ltmp148:
0x439: {  	(pc) =	sbr.rel .LBB2_165-.Ltmp148, $2  }
0x43a: {  	_ =	sdelay $0x2  }
0x43b: {  	s31 =	simm.s32 $0x2;
	v10 =	vmov v12  }
.LBB2_167:
0x43c: {  	s0 =	sshrl.u32 s22, $0x3  }
0x43d: {  	p1 =	seq.s32 s20, $0x9;
	s0 =	sadd.s32 s6, s0  }
0x43e: {  	[hbm4b:s0+s2] =	stream.linear.scatter [tilespmem:s14], [sflag:$0x3], $0x4000, $0x38;
	[tilespmem:$0x12300] =	vst v63  }
0x43f: {  	s0 =	sshrl.u32 @!p1 s22, $0x3  }
0x440: {  	s0 =	sadd.s32 @!p1 s4, s0  }
0x441: {  	s1 =	simm.s32 @!p1 $0x0;
	s0 =	sadd.s32 @!p1 $0x1000, s0  }
0x442: {  	[tilespmem:s1], [sflag:$0x1] =	stream.linear.gather @!p1 [hbm4b:s0+s1], $0x4000, $0x38;
	[tilespmem:$0x12300] =	vst v63  }
0x443: {  	_ =	swait.ge [sflag:s15], $0x4000  }
.Ltmp149:
0x444: {  	[sflag:s15] =	ssyncset.done $0x0;
	(pc) =	sbr.rel .LBB2_168-.Ltmp149, $4  }
0x445: {  	s0 =	simm.s32 @!p0 $0x4;
	[sflag:s15] =	ssyncadd.s32 $0xFFFFC000  }
0x446: {  	s31 =	sadd.s32 s21, s3;
	s23 =	simm.s32 $0x4040;
	_ =	swait.ge @!p0 [sflag:s0], $0x4000  }
0x447: {  	s24 =	simm.s32 $0xC020;
	s25 =	simm.s32 $0x4020;
	[sflag:s0] =	ssyncset.done @!p0 $0x0  }
0x448: {  	s21 =	sadd.s32 $0x4000, s31;
	s22 =	simm.s32 $0x0;
	[sflag:s0] =	ssyncadd.s32 @!p0 $0xFFFFC000  }
.LBB2_323:
0x449: {  	s26 =	simm.s32 $0x11280;
	p2 =	por $0x0, $0x0  }
.LBB2_330:
0x44a: {  	v12 =	vld [tilespmem:s1+$0x0];
	s1 =	sadd.s32 @p2 $0x10, s26  }
0x44b: {  	s0 =	smov.u32 @p2 s1  }
0x44c: {  	v13 =	vld [tilespmem:s0+$0x0];
	_ =	sdelay $0x1  }
0x44d: {  	vm3 =	vgt.s32 v4, s30;
	vm1 =	vmand @p2 vm1, vm2  }
0x44e: {  	v4 =	vadd.s32 @p2 v5, v8;
	vm1 =	vmmov @p2 vm1;
	vm15 =	vge.s32 v12, v6  }
0x44f: {  	v4 =	vpsel p2, v4, v0;
	vm2 =	vmand vm3, vm15  }
0x450: {  	v5 =	vadd.s32 v5, v13  }
0x451: {  	v6 =	vand.u32 @p2 $0x7FFFFFFF, v7  }
0x452: {  	v63 =	vshra.s32 v12, $0x1F;
	v6 =	vxor.u32 @p2 v10, v6  }
0x453: {  	[tilespmem:v9+s16+$0x0] =	vst.idx.msk @p0 vm0, v11;
	v7 =	vand.u32 $0x7FFFFFFF, v63;
	v6 =	vpsel p2, v6, v0  }
0x454: {  	[tilespmem:v4+s16+$0x0] =	vst.idx.msk @p2 vm1, v6;
	v4 =	vxor.u32 v12, v7  }
0x455: {  	[tilespmem:v5+s16+$0x0] =	vst.idx.msk vm2, v4  }
.LBB2_331:
0x456: {  	s22 =	sadd.s32 $0x1, s22  }
0x457: {  	p0 =	seq.s32 s22, $0x4  }
.Ltmp150:
0x458: {  	_ = 	snop;
	(pc) =	sbr.rel @p0 .LBB2_332-.Ltmp150, $2  }
0x459: {  	_ =	sdelay $0x2  }
0x45a: {  	s23 =	sadd.s32 $0x1000, s23;
	s24 =	sadd.s32 $0x1000, s24;
	s25 =	sadd.s32 $0x1000, s25  }
.LBB2_168:
0x45b: {  	[tilespmem:$0x10000] =	vst v1  }
0x45c: {  	[tilespmem:$0x10010] =	vst v1  }
0x45d: {  	[tilespmem:$0x10020] =	vst v1  }
0x45e: {  	[tilespmem:$0x10030] =	vst v1  }
0x45f: {  	[tilespmem:$0x10040] =	vst v1  }
0x460: {  	[tilespmem:$0x10050] =	vst v1  }
0x461: {  	[tilespmem:$0x10060] =	vst v1  }
0x462: {  	[tilespmem:$0x10070] =	vst v1  }
0x463: {  	[tilespmem:$0x10080] =	vst v1  }
0x464: {  	[tilespmem:$0x10090] =	vst v1  }
0x465: {  	[tilespmem:$0x100A0] =	vst v1  }
0x466: {  	[tilespmem:$0x100B0] =	vst v1  }
0x467: {  	[tilespmem:$0x100C0] =	vst v1  }
0x468: {  	[tilespmem:$0x100D0] =	vst v1  }
0x469: {  	[tilespmem:$0x100E0] =	vst v1  }
0x46a: {  	[tilespmem:$0x100F0] =	vst v1  }
0x46b: {  	[tilespmem:$0x10100] =	vst v1  }
0x46c: {  	[tilespmem:$0x10110] =	vst v1  }
0x46d: {  	[tilespmem:$0x10120] =	vst v1  }
0x46e: {  	[tilespmem:$0x10130] =	vst v1  }
0x46f: {  	[tilespmem:$0x10140] =	vst v1  }
0x470: {  	[tilespmem:$0x10150] =	vst v1  }
0x471: {  	[tilespmem:$0x10160] =	vst v1  }
0x472: {  	[tilespmem:$0x10170] =	vst v1  }
0x473: {  	[tilespmem:$0x10180] =	vst v1  }
0x474: {  	[tilespmem:$0x10190] =	vst v1  }
0x475: {  	[tilespmem:$0x101A0] =	vst v1  }
0x476: {  	[tilespmem:$0x101B0] =	vst v1  }
0x477: {  	[tilespmem:$0x101C0] =	vst v1  }
0x478: {  	[tilespmem:$0x101D0] =	vst v1  }
0x479: {  	[tilespmem:$0x101E0] =	vst v1  }
0x47a: {  	[tilespmem:$0x101F0] =	vst v1  }
0x47b: {  	v4 =	vld [tilespmem:s23+$0x30]  }
0x47c: {  	v5 =	vld [tilespmem:s23+$0xFFFFFFD0]  }
0x47d: {  	v6 =	vld [tilespmem:s23+$0xFFFFFFE0]  }
0x47e: {  	v7 =	vld [tilespmem:s23+$0xFFFFFFF0]  }
0x47f: {  	v8 =	vld [tilespmem:s23+$0x0];
	_ =	sdelay $0x1  }
0x480: {  	v9 =	vld [tilespmem:s23+$0x10]  }
0x481: {  	v12 =	vld [tilespmem:s23+$0x20]  }
0x482: {  	v13 =	vld [tilespmem:s23+$0xFFFFFFC0];
	v10 =	vshra.s32 v4, $0x1F;
	v11 =	vshra.s32 v5, $0x1F;
	v14 =	vshra.s32 v6, $0x1F  }
0x483: {  	v62 =	vshra.s32 v7, $0x1F;
	v15 =	vshra.s32 v8, $0x1F;
	v10 =	vor.u32 $0x80000000, v10  }
0x484: {  	v11 =	vor.u32 $0x80000000, v11;
	v4 =	vxor.u32 v4, v10;
	v10 =	vor.u32 $0x80000000, v14  }
0x485: {  	v14 =	vor.u32 $0x80000000, v62;
	v11 =	vxor.u32 v5, v11;
	v4 =	vshrl.u32 v4, $0x1B  }
0x486: {  	v5 =	vshra.s32 v9, $0x1F;
	v63 =	vxor.u32 v6, v10;
	v16 =	vor.u32 v2, v4  }
0x487: {  	v6 =	vor.u32 $0x80000000, v5;
	v5 =	vshra.s32 v12, $0x1F;
	v10 =	vshra.s32 v13, $0x1F  }
0x488: {  	v14 =	vxor.u32 v7, v14;
	v4 =	vor.u32 $0x80000000, v15;
	v7 =	vor.u32 $0x80000000, v5  }
0x489: {  	v10 =	vor.u32 $0x80000000, v10;
	v5 =	vxor.u32 v8, v4;
	v4 =	vxor.u32 v9, v6  }
0x48a: {  	v8 =	vxor.u32 v13, v10;
	v6 =	vshrl.u32 v11, $0x1B;
	v7 =	vxor.u32 v12, v7  }
0x48b: {  	s26 =	sshll.u32 s22, $0xC;
	s0 =	simm.s32 $0x0;
	s1 =	sadd.s32 $0x80, s23;
	v9 =	vshrl.u32 v63, $0x1B;
	v10 =	vshrl.u32 v8, $0x1B;
	v8 =	vshrl.u32 v14, $0x1B;
	[tilespmem:v16+s11+$0x0] =	vst.idx.add.s32.msk $0xffff, v3  }
.LBB2_169:
0x48c: {  	v11 =	vld [tilespmem:s1+$0x30];
	s0 =	sadd.s32 $0x8, s0;
	v5 =	vshrl.u32 v5, $0x1B;
	v4 =	vshrl.u32 v4, $0x1B;
	v7 =	vshrl.u32 v7, $0x1B  }
0x48d: {  	v10 =	vor.u32 v2, v10;
	v6 =	vor.u32 v2, v6;
	v9 =	vor.u32 v2, v9;
	v12 =	vld [tilespmem:s1+$0xFFFFFFD0];
	p0 =	slt.u32 s0, $0xF8  }
0x48e: {  	v8 =	vor.u32 v2, v8;
	v5 =	vor.u32 v2, v5;
	v14 =	vor.u32 v2, v4;
	v13 =	vld [tilespmem:s1+$0xFFFFFFE0]  }
0x48f: {  	v15 =	vor.u32 v2, v7;
	v4 =	vld [tilespmem:s1+$0xFFFFFFF0]  }
0x490: {  	v7 =	vld [tilespmem:s1+$0x0]  }
0x491: {  	v16 =	vld [tilespmem:s1+$0x10];
	v17 =	vshra.s32 v11, $0x1F  }
0x492: {  	v18 =	vshra.s32 v12, $0x1F;
	v19 =	vld [tilespmem:s1+$0x20];
	v17 =	vor.u32 $0x80000000, v17  }
0x493: {  	v20 =	vld [tilespmem:s1+$0xFFFFFFC0];
	v18 =	vor.u32 $0x80000000, v18;
	v21 =	vshra.s32 v13, $0x1F;
	v11 =	vxor.u32 v11, v17  }
0x494: {  	v17 =	vor.u32 $0x80000000, v21;
	v21 =	vshra.s32 v4, $0x1F;
	v11 =	vshrl.u32 v11, $0x1B;
	[tilespmem:v10+s11+$0x0] =	vst.idx.add.s32.msk $0xffff, v3  }
0x495: {  	v10 =	vor.u32 $0x80000000, v21;
	v21 =	vshra.s32 v7, $0x1F;
	v11 =	vor.u32 v2, v11;
	[tilespmem:v6+s11+$0x0] =	vst.idx.add.s32.msk $0xffff, v3  }
0x496: {  	v6 =	vxor.u32 v12, v18;
	v12 =	vor.u32 $0x80000000, v21;
	v18 =	vshra.s32 v16, $0x1F;
	[tilespmem:v9+s11+$0x0] =	vst.idx.add.s32.msk $0xffff, v3  }
.Ltmp151:
0x497: {  	v9 =	vxor.u32 v13, v17;
	v13 =	vor.u32 $0x80000000, v18;
	v17 =	vshra.s32 v19, $0x1F;
	[tilespmem:v8+s11+$0x0] =	vst.idx.add.s32.msk $0xffff, v3;
	(pc) =	sbr.rel @p0 .LBB2_169-.Ltmp151, $4  }
0x498: {  	v18 =	vxor.u32 v4, v10;
	v8 =	vshra.s32 v20, $0x1F;
	v10 =	vor.u32 $0x80000000, v17;
	[tilespmem:v5+s11+$0x0] =	vst.idx.add.s32.msk $0xffff, v3  }
0x499: {  	v5 =	vxor.u32 v7, v12;
	v4 =	vxor.u32 v16, v13;
	v8 =	vor.u32 $0x80000000, v8;
	[tilespmem:v14+s11+$0x0] =	vst.idx.add.s32.msk $0xffff, v3  }
0x49a: {  	v6 =	vshrl.u32 v6, $0x1B;
	v7 =	vxor.u32 v19, v10;
	v8 =	vxor.u32 v20, v8;
	[tilespmem:v11+s11+$0x0] =	vst.idx.add.s32.msk $0xffff, v3  }
0x49b: {  	s1 =	sadd.s32 $0x80, s1;
	v9 =	vshrl.u32 v9, $0x1B;
	v10 =	vshrl.u32 v8, $0x1B;
	v8 =	vshrl.u32 v18, $0x1B;
	[tilespmem:v15+s11+$0x0] =	vst.idx.add.s32.msk $0xffff, v3  }
0x49c: {  	v10 =	vor.u32 v2, v10  }
0x49d: {  	v6 =	vor.u32 v2, v6  }
0x49e: {  	v9 =	vor.u32 v2, v9  }
0x49f: {  	v5 =	vshrl.u32 v5, $0x1B;
	v8 =	vor.u32 v2, v8  }
0x4a0: {  	v4 =	vshrl.u32 v4, $0x1B;
	v5 =	vor.u32 v2, v5  }
0x4a1: {  	v7 =	vshrl.u32 v7, $0x1B;
	v4 =	vor.u32 v2, v4;
	[tilespmem:v10+s11+$0x0] =	vst.idx.add.s32.msk $0xffff, v3  }
0x4a2: {  	v7 =	vor.u32 v2, v7;
	[tilespmem:v6+s11+$0x0] =	vst.idx.add.s32.msk $0xffff, v3  }
0x4a3: {  	[tilespmem:v9+s11+$0x0] =	vst.idx.add.s32.msk $0xffff, v3  }
0x4a4: {  	[tilespmem:v8+s11+$0x0] =	vst.idx.add.s32.msk $0xffff, v3  }
0x4a5: {  	[tilespmem:v5+s11+$0x0] =	vst.idx.add.s32.msk $0xffff, v3  }
0x4a6: {  	[tilespmem:v4+s11+$0x0] =	vst.idx.add.s32.msk $0xffff, v3  }
0x4a7: {  	[tilespmem:v7+s11+$0x0] =	vst.idx.add.s32.msk $0xffff, v3  }
0x4a8: {  	v4 =	vld [tilespmem:$0x10000]  }
0x4a9: {  	v5 =	vld [tilespmem:$0x10010]  }
0x4aa: {  	v6 =	vld [tilespmem:$0x10020]  }
0x4ab: {  	v7 =	vld [tilespmem:$0x10030]  }
0x4ac: {  	v8 =	vld [tilespmem:$0x10040]  }
0x4ad: {  	v9 =	vld [tilespmem:$0x10050]  }
0x4ae: {  	v10 =	vld [tilespmem:$0x10060]  }
0x4af: {  	v11 =	vld [tilespmem:$0x10070]  }
0x4b0: {  	v12 =	vld [tilespmem:$0x10080]  }
0x4b1: {  	v13 =	vld [tilespmem:$0x10090]  }
0x4b2: {  	v14 =	vld [tilespmem:$0x100A0]  }
0x4b3: {  	v15 =	vld [tilespmem:$0x100B0]  }
0x4b4: {  	v16 =	vld [tilespmem:$0x100C0]  }
0x4b5: {  	v17 =	vld [tilespmem:$0x100D0]  }
0x4b6: {  	v18 =	vld [tilespmem:$0x100E0]  }
0x4b7: {  	v19 =	vld [tilespmem:$0x100F0]  }
0x4b8: {  	v20 =	vld [tilespmem:$0x10100]  }
0x4b9: {  	v21 =	vld [tilespmem:$0x10110]  }
0x4ba: {  	v22 =	vld [tilespmem:$0x10120]  }
0x4bb: {  	v23 =	vld [tilespmem:$0x10130]  }
0x4bc: {  	v4 =	vadd.s32 v4, v6;
	v6 =	vld [tilespmem:$0x10140]  }
0x4bd: {  	v5 =	vadd.s32 v5, v7;
	v7 =	vld [tilespmem:$0x10160];
	v4 =	vadd.s32 v8, v4  }
0x4be: {  	v8 =	vld [tilespmem:$0x10150];
	v4 =	vadd.s32 v10, v4  }
0x4bf: {  	v5 =	vadd.s32 v9, v5;
	v9 =	vld [tilespmem:$0x10170];
	v4 =	vadd.s32 v12, v4  }
0x4c0: {  	v5 =	vadd.s32 v11, v5;
	v10 =	vld [tilespmem:$0x10180];
	v4 =	vadd.s32 v14, v4  }
0x4c1: {  	v11 =	vld [tilespmem:$0x10190];
	v5 =	vadd.s32 v13, v5;
	v4 =	vadd.s32 v16, v4  }
0x4c2: {  	v12 =	vld [tilespmem:$0x101A0];
	v5 =	vadd.s32 v15, v5;
	v4 =	vadd.s32 v18, v4  }
0x4c3: {  	v13 =	vld [tilespmem:$0x101B0];
	v5 =	vadd.s32 v17, v5;
	v4 =	vadd.s32 v20, v4  }
0x4c4: {  	v14 =	vld [tilespmem:$0x101C0];
	v5 =	vadd.s32 v19, v5;
	v4 =	vadd.s32 v22, v4  }
0x4c5: {  	v5 =	vadd.s32 v21, v5;
	v4 =	vadd.s32 v6, v4;
	v6 =	vld [tilespmem:$0x101E0]  }
0x4c6: {  	v5 =	vadd.s32 v23, v5;
	v4 =	vadd.s32 v7, v4;
	v7 =	vld [tilespmem:$0x101D0]  }
0x4c7: {  	v5 =	vadd.s32 v8, v5;
	v8 =	vld [tilespmem:$0x101F0];
	v4 =	vadd.s32 v10, v4  }
0x4c8: {  	v5 =	vadd.s32 v9, v5;
	v4 =	vadd.s32 v12, v4  }
0x4c9: {  	v5 =	vadd.s32 v11, v5;
	v4 =	vadd.s32 v14, v4  }
0x4ca: {  	v5 =	vadd.s32 v13, v5;
	v6 =	vadd.s32 v6, v4  }
0x4cb: {  	v4 =	vadd.s32 v7, v5;
	(xrf0) =	vadd.scan.msk.s32 $0xffff, v6  }
0x4cc: {  	v7 =	vadd.s32 v8, v4  }
0x4cd: {  	(xrf0) =	vadd.scan.msk.s32 $0xffff, v7;
	_ =	sdelay $0x3  }
0x4ce: {  	v9, _, _ =	vpop (xrf0)  }
0x4cf: {  	v4 =	vbroadcast v9, $0xF  }
0x4d0: {  	v5, _, _ =	vpop (xrf0)  }
0x4d1: {  	vm1 =	vlt.s32 v9, $0xFB0;
	v8 =	vadd.s32 v4, v5  }
0x4d2: {  	v4 =	vmpcnt.ones.xlane vm1;
	vm0 =	vlt.s32 v8, $0xFB0  }
0x4d3: {  	v5 =	vmpcnt.ones.xlane vm0  }
0x4d4: {  	(v2sf) =	vpush v4, $0x0  }
0x4d5: {  	(v2sf) =	vpush v5, $0x0;
	_ =	sdelay $0x4  }
0x4d6: {  	v11 =	vld [tilespmem:s25+$0xFFFFFFE0]  }
0x4d7: {  	v4 =	vld [tilespmem:s25+$0x0]  }
0x4d8: {  	v12 =	vld [tilespmem:s25+$0x10];
	_ =	sdelay $0x1  }
0x4d9: {  	s28 =	simm.s32 $0x0;
	s31 =	simm.s32 $0x20  }
0x4da: {  	s5 =	simm.s32 $0x30;
	v27 =	vor.u32 s28, v0;
	v29 =	vor.u32 s31, v0;
	v10 =	vld [tilespmem:s25+$0xFFFFFFF0]  }
0x4db: {  	v30 =	vor.u32 s5, v0;
	v14 =	vimm.s32 $0x0;
	v13 =	vshra.s32 v4, $0x1F  }
0x4dc: {  	v16 =	vshra.s32 v11, $0x1F;
	v15 =	vshra.s32 v12, $0x1F;
	v13 =	vor.u32 $0x80000000, v13  }
0x4dd: {  	v17 =	vxor.u32 v4, v13;
	v13 =	vor.u32 $0x80000000, v15;
	v15 =	vor.u32 $0x80000000, v16  }
0x4de: {  	v16 =	vshrl.u32 v17, $0x1B;
	v18 =	vxor.u32 v12, v13;
	v15 =	vxor.u32 v11, v15;
	s0 =	spop (v2sf)  }
0x4df: {  	v13 =	vshra.s32 v10, $0x1F;
	v19 =	vshrl.u32 v18, $0x1B;
	v20 =	vshrl.u32 v15, $0x1B;
	s1 =	spop (v2sf)  }
0x4e0: {  	s17 =	simm.s32 $0x10;
	v13 =	vor.u32 $0x80000000, v13;
	v60 =	vxor.u32 $0x80000000, v15;
	v15 =	vxor.u32 $0x80000000, v17;
	s29 =	sadd.s32 s0, s1  }
0x4e1: {  	v17 =	vor.u32 s17, v0;
	v21 =	vxor.u32 v10, v13;
	v5 =	vmov s29  }
0x4e2: {  	v61 =	vxor.u32 $0x80000000, v18;
	v22 =	vshrl.u32 v21, $0x1B;
	vm5 =	veq.s32 v19, v5  }
0x4e3: {  	vm4 =	veq.s32 v20, v5;
	vm2 =	veq.s32 v16, v5;
	vm6 =	vgt.s32 v22, v5  }
0x4e4: {  	vm3 =	veq.s32 v22, v5;
	vm7 =	vgt.s32 v19, v5;
	v13 =	vsel vm4, $0x1, v1  }
0x4e5: {  	v24 =	vsel vm3, $0x1, v1;
	v26 =	vnsel vm6, $0x0, v10;
	vm6 =	vgt.s32 v20, v5  }
0x4e6: {  	s8 =	sadd.s32 $0x40, s25;
	v13 =	vadd.s32 v13, v14;
	v59 =	vnsel vm6, $0x0, v11;
	vm6 =	vgt.s32 v16, v5  }
0x4e7: {  	v11 =	vld [tilespmem:s8+$0x10];
	v16 =	vxor.u32 $0x80000000, v21;
	v22 =	vshll.u32 v13, $0x4;
	v10 =	vadd.s32 v24, v13  }
0x4e8: {  	v21 =	vnsel vm7, $0x0, v12;
	v12 =	vld [tilespmem:s8+$0xFFFFFFE0];
	v22 =	vor.u32 v0, v22;
	v13 =	vshll.u32 v10, $0x4  }
0x4e9: {  	v23 =	vsel vm2, $0x1, v1;
	v25 =	vsel vm5, $0x1, v1;
	v20 =	vor.u32 v0, v13;
	v13 =	vld [tilespmem:s8+$0x0]  }
0x4ea: {  	v28 =	vld [tilespmem:s8+$0xFFFFFFF0];
	vm7 =	vmmov vm4;
	[tilespmem:s24+$0xFFFFFFF0] =	vst v26;
	v14 =	vshll.u32 v14, $0x4;
	v10 =	vadd.s32 v23, v10  }
0x4eb: {  	v4 =	vnsel vm6, $0x0, v4;
	vm6 =	vmmov vm5;
	[tilespmem:s24+$0x10] =	vst v21;
	v23 =	vshll.u32 v10, $0x4  }
0x4ec: {  	v31 =	vor.u32 v0, v14;
	[tilespmem:s24+$0x0] =	vst v4;
	v23 =	vor.u32 v0, v23;
	v18 =	vshra.s32 v11, $0x1F  }
0x4ed: {  	v10 =	vadd.s32 v25, v10;
	v4 =	vshra.s32 v12, $0x1F;
	v14 =	vor.u32 $0x80000000, v18;
	[tilespmem:v22+s12+$0x0] =	vst.idx.msk vm3, v16  }
0x4ee: {  	v4 =	vor.u32 $0x80000000, v4;
	v14 =	vxor.u32 v11, v14;
	v19 =	vshra.s32 v13, $0x1F;
	[tilespmem:v20+s12+$0x0] =	vst.idx.msk vm2, v15  }
0x4ef: {  	v15 =	vxor.u32 v12, v4;
	v4 =	vshra.s32 v28, $0x1F;
	v18 =	vshrl.u32 v14, $0x1B;
	[tilespmem:v22+s13+$0x0] =	vst.idx.msk vm3, v17  }
0x4f0: {  	v16 =	vor.u32 $0x80000000, v19;
	[tilespmem:v20+s13+$0x0] =	vst.idx.msk vm2, v29;
	v22 =	vshrl.u32 v15, $0x1B;
	vm5 =	veq.s32 v18, v5  }
0x4f1: {  	v4 =	vor.u32 $0x80000000, v4;
	[tilespmem:v23+s12+$0x0] =	vst.idx.msk vm6, v61;
	v16 =	vxor.u32 v13, v16;
	vm4 =	veq.s32 v22, v5  }
0x4f2: {  	v20 =	vxor.u32 v28, v4;
	v63 =	vsel vm5, $0x1, v1;
	[tilespmem:v23+s13+$0x0] =	vst.idx.msk vm6, v30;
	vm6 =	vgt.s32 v22, v5  }
0x4f3: {  	v19 =	vshrl.u32 v16, $0x1B;
	v4 =	vsel vm4, $0x1, v1;
	v17 =	vshrl.u32 v20, $0x1B  }
0x4f4: {  	vm2 =	veq.s32 v19, v5;
	v4 =	vadd.s32 v4, v10;
	vm3 =	veq.s32 v17, v5  }
0x4f5: {  	vm8 =	vgt.s32 v17, v5;
	v17 =	vshll.u32 v4, $0x4;
	v62 =	vsel vm3, $0x1, v1  }
0x4f6: {  	[tilespmem:s24+$0xFFFFFFE0] =	vst v59;
	v21 =	vsel vm2, $0x1, v1;
	v17 =	vor.u32 v0, v17;
	v4 =	vadd.s32 v62, v4  }
0x4f7: {  	[tilespmem:v31+s12+$0x0] =	vst.idx.msk vm7, v60;
	v23 =	vnsel vm8, $0x0, v28;
	v22 =	vshll.u32 v4, $0x4;
	v4 =	vadd.s32 v21, v4  }
0x4f8: {  	s30 =	smov.u32 s24;
	s1 =	simm.s32 $0x4;
	s0 =	sadd.s32 $0x40, s8;
	[tilespmem:v31+s13+$0x0] =	vst.idx.msk vm7, v27;
	v21 =	vor.u32 v0, v22;
	v22 =	vshll.u32 v4, $0x4;
	v4 =	vadd.s32 v63, v4  }
.LBB2_171:
0x4f9: {  	v24 =	vld [tilespmem:s0+$0x0];
	s1 =	sadd.s32 $0x4, s1;
	v25 =	vnsel vm6, $0x0, v12;
	vm6 =	vgt.s32 v19, v5;
	vm7 =	vgt.s32 v18, v5;
	s28 =	sadd.s32 $0x40, s28;
	s30 =	sadd.s32 $0x40, s30  }
0x4fa: {  	v18 =	vxor.u32 $0x80000000, v20;
	p0 =	slt.u32 s1, $0xFC;
	[tilespmem:s30+$0xFFFFFFF0] =	vst v23;
	v13 =	vnsel vm6, $0x0, v13;
	v23 =	vnsel vm7, $0x0, v11;
	v11 =	vld [tilespmem:s0+$0x10]  }
0x4fb: {  	v26 =	vxor.u32 $0x80000000, v15;
	v15 =	vxor.u32 $0x80000000, v16;
	s5 =	sadd.s32 $0x10, s28;
	vm6 =	vmmov vm5;
	v12 =	vld [tilespmem:s0+$0xFFFFFFE0];
	[tilespmem:v17+s12+$0x0] =	vst.idx.msk vm3, v18  }
0x4fc: {  	v28 =	vor.u32 s28, v0;
	s7 =	sadd.s32 $0x30, s28;
	vm7 =	vmmov vm4;
	v16 =	vor.u32 s5, v0;
	s5 =	sadd.s32 $0x20, s28;
	v27 =	vld [tilespmem:s0+$0xFFFFFFF0];
	[tilespmem:s30+$0x0] =	vst v13  }
0x4fd: {  	v22 =	vor.u32 v0, v22;
	v29 =	vor.u32 s7, v0;
	v19 =	vor.u32 s5, v0;
	[tilespmem:v21+s12+$0x0] =	vst.idx.msk vm2, v15  }
0x4fe: {  	v18 =	vshll.u32 v10, $0x4;
	v10 =	vmovc v4;
	v15 =	vshra.s32 v24, $0x1F;
	[tilespmem:v21+s13+$0x0] =	vst.idx.msk vm2, v19;
	v21 =	vxor.u32 $0x80000000, v14;
	v13 =	vmovc v24  }
0x4ff: {  	v24 =	vor.u32 v0, v18;
	v14 =	vor.u32 $0x80000000, v15;
	v15 =	vshra.s32 v11, $0x1F;
	[tilespmem:v17+s13+$0x0] =	vst.idx.msk vm3, v16  }
0x500: {  	v17 =	vshra.s32 v12, $0x1F;
	v16 =	vxor.u32 v13, v14;
	v14 =	vor.u32 $0x80000000, v15  }
0x501: {  	v15 =	vor.u32 $0x80000000, v17;
	v19 =	vshrl.u32 v16, $0x1B;
	v14 =	vxor.u32 v11, v14  }
0x502: {  	v17 =	vshra.s32 v27, $0x1F;
	v15 =	vxor.u32 v12, v15;
	v18 =	vshrl.u32 v14, $0x1B  }
0x503: {  	v17 =	vor.u32 $0x80000000, v17;
	v30 =	vshrl.u32 v15, $0x1B;
	vm5 =	veq.s32 v18, v5  }
0x504: {  	vm2 =	veq.s32 v19, v5;
	v20 =	vxor.u32 v27, v17;
	vm4 =	veq.s32 v30, v5;
	[tilespmem:s30+$0x10] =	vst v23  }
0x505: {  	v31 =	vsel vm2, $0x1, v1;
	v23 =	vshrl.u32 v20, $0x1B;
	v17 =	vsel vm4, $0x1, v1;
	[tilespmem:v22+s12+$0x0] =	vst.idx.msk vm6, v21  }
.Ltmp152:
0x506: {  	vm8 =	vgt.s32 v23, v5;
	vm3 =	veq.s32 v23, v5;
	v4 =	vadd.s32 v17, v4;
	[tilespmem:s30+$0xFFFFFFE0] =	vst v25;
	(pc) =	sbr.rel @p0 .LBB2_171-.Ltmp152, $4  }
0x507: {  	v21 =	vsel vm3, $0x1, v1;
	v25 =	vsel vm5, $0x1, v1;
	v17 =	vshll.u32 v4, $0x4;
	[tilespmem:v22+s13+$0x0] =	vst.idx.msk vm6, v29  }
0x508: {  	v23 =	vnsel vm8, $0x0, v27;
	v4 =	vadd.s32 v21, v4;
	v17 =	vor.u32 v0, v17;
	[tilespmem:v24+s12+$0x0] =	vst.idx.msk vm7, v26  }
0x509: {  	vm6 =	vgt.s32 v30, v5;
	v21 =	vshll.u32 v4, $0x4;
	v4 =	vadd.s32 v31, v4;
	[tilespmem:v24+s13+$0x0] =	vst.idx.msk vm7, v28  }
0x50a: {  	s0 =	sadd.s32 $0x40, s0;
	v21 =	vor.u32 v0, v21;
	v22 =	vshll.u32 v4, $0x4;
	v4 =	vadd.s32 v25, v4  }
0x50b: {  	v24 =	vsub.s32 v9, v6;
	vm7 =	vgt.s32 v9, $0xFAF;
	v60 =	vnsel vm1, $0x0, v6  }
0x50c: {  	v61 =	vsub.s32 v8, v7;
	vm11 =	vgt.s32 v8, $0xFAF;
	vm8 =	vlt.s32 v24, $0xFB0  }
0x50d: {  	v62 =	vnsel vm0, $0x0, v7;
	(xrf0) =	vadd.scan.msk.s32 $0xffff, v60;
	vm12 =	vlt.s32 v61, $0xFB0;
	vm10 =	vmand vm7, vm8  }
0x50e: {  	(xrf0) =	vadd.scan.msk.s32 $0xffff, v62;
	vm0 =	vmand vm11, vm12;
	v6 =	vnsel vm10, $0x0, v6  }
0x50f: {  	(xrf0) =	vadd.scan.msk.s32 $0xffff, v6;
	v6 =	vnsel vm0, $0x0, v7  }
0x510: {  	(xrf0) =	vadd.scan.msk.s32 $0xffff, v6;
	v6 =	vxor.u32 $0x80000000, v4  }
0x511: {  	(xrf0) =	vmax.scan.msk.u32 $0xffff, v6;
	_ =	sdelay $0x1  }
0x512: {  	v6, _, _ =	vpop (xrf0)  }
0x513: {  	v7, _, _ =	vpop (xrf0);
	(v2sf) =	vpush v6, $0xF  }
0x514: {  	v6, _, _ =	vpop (xrf0);
	(v2sf) =	vpush v7, $0xF  }
0x515: {  	v7, _, _ =	vpop (xrf0);
	(v2sf) =	vpush v6, $0xF  }
0x516: {  	(v2sf) =	vpush v7, $0xF;
	v6, _, _ =	vpop (xrf0)  }
0x517: {  	(v2sf) =	vpush v6, $0xF;
	_ =	sdelay $0x7  }
0x518: {  	s8 =	sadd.s32 $0x40, s30;
	vm13 =	vgt.s32 v19, v5  }
0x519: {  	s17 =	sadd.s32 $0x40, s28;
	[tilespmem:s8+$0xFFFFFFF0] =	vst v23;
	v7 =	vnsel vm13, $0x0, v13  }
0x51a: {  	vm15 =	vgt.s32 v18, v5;
	s0 =	sadd.s32 $0x20, s17;
	v6 =	vxor.u32 $0x80000000, v20;
	[tilespmem:s8+$0x0] =	vst v7  }
0x51b: {  	s1 =	sadd.s32 $0x10, s17;
	v5 =	vor.u32 s0, v0;
	v7 =	vor.u32 v0, v22;
	[tilespmem:v17+s12+$0x0] =	vst.idx.msk vm3, v6;
	v6 =	vxor.u32 $0x80000000, v16;
	s0 =	spop (v2sf)  }
0x51c: {  	[tilespmem:v21+s12+$0x0] =	vst.idx.msk vm2, v6;
	v6 =	vor.u32 s1, v0;
	s1 =	spop (v2sf)  }
0x51d: {  	[tilespmem:v21+s13+$0x0] =	vst.idx.msk vm2, v5;
	s5 =	spop (v2sf)  }
0x51e: {  	v5 =	vnsel vm15, $0x0, v11;
	[tilespmem:v17+s13+$0x0] =	vst.idx.msk vm3, v6;
	s7 =	spop (v2sf)  }
0x51f: {  	vm4 =	vmmov vm4;
	v63 =	vshll.u32 v10, $0x4;
	s28 =	sadd.s32 $0x30, s17;
	v6 =	vxor.u32 $0x80000000, v14;
	[tilespmem:s8+$0x10] =	vst v5;
	s31 =	spop (v2sf)  }
0x520: {  	v8 =	vor.u32 v0, v63;
	[tilespmem:v7+s12+$0x0] =	vst.idx.msk vm5, v6;
	v6 =	vor.u32 s28, v0;
	s28 =	sxor.u32 $0x80000000, s31  }
0x521: {  	p0 =	slt.s32 s28, $0x1  }
.Ltmp153:
0x522: {  	v5 =	vnsel vm6, $0x0, v12;
	(pc) =	sbr.rel @p0 .LBB2_331-.Ltmp153, $4  }
0x523: {  	[tilespmem:s8+$0xFFFFFFE0] =	vst v5  }
0x524: {  	v5 =	vxor.u32 $0x80000000, v15;
	[tilespmem:v7+s13+$0x0] =	vst.idx.msk vm5, v6  }
0x525: {  	v6 =	vor.u32 s17, v0;
	[tilespmem:v8+s12+$0x0] =	vst.idx.msk vm4, v5  }
0x526: {  	vm14 =	vmmov vm5;
	[tilespmem:v8+s13+$0x0] =	vst.idx.msk vm4, v6  }
0x527: {  	p2 =	sne.s32 s28, $0x1  }
.Ltmp154:
0x528: {  	_ = 	snop;
	(pc) =	sbr.rel @!p2 .LBB2_174-.Ltmp154, $4  }
0x529: {  	s0 =	sadd.s32 s1, s0;
	s31 =	sshll.u32 s29, $0x1B  }
0x52a: {  	s0 =	sadd.s32 s5, s0;
	s1 =	sxor.u32 $0x80000000, s31  }
0x52b: {  	s30 =	simm.s32 $0x10200;
	p0 =	por $0x0, $0x0;
	s0 =	sadd.s32 s7, s0;
	v5 =	vmov s1  }
0x52c: {  	v6 =	vimm.s32 $0x0;
	v8 =	vld [tilespmem:s30+$0x0];
	s1 =	simm.s32 $0x0;
	s29 =	sadd.s32 $0xFFFFF051, s0;
	v7 =	vor.u32 $0x4000000, v5;
	s0 =	simm.s32 $0x1  }
0x52d: {  	_ = 	snop  }
0x52e: {  	p4 =	sne.s32 s28, $0x2  }
.Ltmp155:
0x52f: {  	_ = 	snop;
	(pc) =	sbr.rel @!p4 .LBB2_176-.Ltmp155, $4  }
0x530: {  	_ = 	snop  }
0x531: {  	vm1 =	vgt.s32 v4, s1;
	vm0 =	vge.s32 v8, v7  }
0x532: {  	s7 =	simm.s32 $0x10210;
	vm0 =	vmand vm1, vm0  }
0x533: {  	s5 =	simm.s32 $0x2;
	p3 =	por $0x1, $0x1;
	v9 =	vimm.s32 $0x0;
	s8 =	simm.s32 $0x1;
	v8 =	vld [tilespmem:s7+$0x0];
	v10 =	vmpcnt.ones.xlane vm0  }
.LBB2_177:
0x534: {  	s17 =	smov.u32 s5;
	s5 =	sadd.s32 $0x1, s5  }
0x535: {  	p4 =	sne.s32 s28, s5  }
.Ltmp156:
0x536: {  	v9 =	vadd.s32 v9, v10;
	(pc) =	sbr.rel @p4 .LBB2_177-.Ltmp156, $4  }
0x537: {  	_ = 	snop  }
0x538: {  	vm1 =	vgt.s32 v4, s8;
	s7 =	sadd.s32 $0x10, s7;
	s8 =	smov.u32 s17;
	vm0 =	vge.s32 v8, v7  }
0x539: {  	v8 =	vld [tilespmem:s7+$0x0];
	vm0 =	vmand vm1, vm0  }
0x53a: {  	v10 =	vmpcnt.ones.xlane vm0  }
.LBB2_178:
0x53b: {  	_ =	sdelay $0x2  }
0x53c: {  	vm1 =	vgt.s32 v4, s8;
	vm0 =	vge.s32 v8, v7  }
0x53d: {  	vm0 =	vmand vm1, vm0  }
0x53e: {  	v8 =	vadd.s32 @p3 v9, v10;
	v9 =	vmpcnt.ones.xlane vm0  }
.Ltmp157:
0x53f: {  	v8 =	vpsel p3, v8, v6;
	(pc) =	sbr.rel @!p2 .LBB2_179-.Ltmp157, $4  }
0x540: {  	v8 =	vadd.s32 v8, v9  }
0x541: {  	vm15 =	vlt.s32 v8, s29  }
0x542: {  	v7 =	vsel vm15, v5, v7  }
0x543: {  	v9 =	vld [tilespmem:s30+$0x0];
	v5 =	vmov s29;
	v8 =	vor.u32 $0x2000000, v7  }
0x544: {  	_ = 	snop  }
0x545: {  	p2 =	sne.s32 s28, $0x2  }
.Ltmp158:
0x546: {  	_ = 	snop;
	(pc) =	sbr.rel @!p2 .LBB2_181-.Ltmp158, $4  }
0x547: {  	_ = 	snop  }
0x548: {  	vm1 =	vgt.s32 v4, s1;
	vm0 =	vge.s32 v9, v8  }
0x549: {  	s1 =	simm.s32 $0x10210;
	vm0 =	vmand vm1, vm0  }
0x54a: {  	s5 =	simm.s32 $0x2;
	p0 =	por $0x1, $0x1;
	v10 =	vimm.s32 $0x0;
	v9 =	vld [tilespmem:s1+$0x0];
	v11 =	vmpcnt.ones.xlane vm0  }
.LBB2_182:
0x54b: {  	s7 =	smov.u32 s5;
	s5 =	sadd.s32 $0x1, s5  }
0x54c: {  	p2 =	sne.s32 s28, s5  }
.Ltmp159:
0x54d: {  	v10 =	vadd.s32 v10, v11;
	(pc) =	sbr.rel @p2 .LBB2_182-.Ltmp159, $4  }
0x54e: {  	_ = 	snop  }
0x54f: {  	vm1 =	vgt.s32 v4, s0;
	s1 =	sadd.s32 $0x10, s1;
	s0 =	smov.u32 s7;
	vm0 =	vge.s32 v9, v8  }
0x550: {  	v9 =	vld [tilespmem:s1+$0x0];
	vm0 =	vmand vm1, vm0  }
0x551: {  	v11 =	vmpcnt.ones.xlane vm0  }
0x552: {  	s1 =	smov.u32 s0  }
.LBB2_184:
0x553: {  	_ =	sdelay $0x1  }
0x554: {  	vm1 =	vgt.s32 v4, s1;
	vm0 =	vge.s32 v9, v8  }
0x555: {  	vm0 =	vmand vm1, vm0  }
0x556: {  	p2 =	sne.s32 s28, $0x1;
	v9 =	vadd.s32 @p0 v10, v11;
	v10 =	vmpcnt.ones.xlane vm0  }
.Ltmp160:
0x557: {  	v6 =	vpsel p0, v9, v6;
	(pc) =	sbr.rel @!p2 .LBB2_185-.Ltmp160, $4  }
0x558: {  	v6 =	vadd.s32 v6, v10  }
0x559: {  	vm15 =	vlt.s32 v6, v5  }
0x55a: {  	s29 =	simm.s32 $0x10200;
	v7 =	vsel vm15, v7, v8  }
0x55b: {  	s1 =	simm.s32 $0x0;
	s0 =	simm.s32 $0x1;
	v9 =	vld [tilespmem:s29+$0x0];
	p0 =	por $0x0, $0x0;
	v6 =	vimm.s32 $0x0;
	v8 =	vadd.s32 $0x1000000, v7  }
0x55c: {  	_ = 	snop  }
0x55d: {  	p4 =	sne.s32 s28, $0x2  }
.Ltmp161:
0x55e: {  	_ = 	snop;
	(pc) =	sbr.rel @!p4 .LBB2_187-.Ltmp161, $4  }
0x55f: {  	_ = 	snop  }
0x560: {  	vm1 =	vgt.s32 v4, s1;
	vm0 =	vge.s32 v9, v8  }
0x561: {  	s7 =	simm.s32 $0x10210;
	vm0 =	vmand vm1, vm0  }
0x562: {  	s5 =	simm.s32 $0x2;
	p3 =	por $0x1, $0x1;
	v10 =	vimm.s32 $0x0;
	s8 =	simm.s32 $0x1;
	v9 =	vld [tilespmem:s7+$0x0];
	v11 =	vmpcnt.ones.xlane vm0  }
.LBB2_188:
0x563: {  	s17 =	smov.u32 s5;
	s5 =	sadd.s32 $0x1, s5  }
0x564: {  	p4 =	sne.s32 s28, s5  }
.Ltmp162:
0x565: {  	v10 =	vadd.s32 v10, v11;
	(pc) =	sbr.rel @p4 .LBB2_188-.Ltmp162, $4  }
0x566: {  	_ = 	snop  }
0x567: {  	vm1 =	vgt.s32 v4, s8;
	s7 =	sadd.s32 $0x10, s7;
	s8 =	smov.u32 s17;
	vm0 =	vge.s32 v9, v8  }
0x568: {  	v9 =	vld [tilespmem:s7+$0x0];
	vm0 =	vmand vm1, vm0  }
0x569: {  	v11 =	vmpcnt.ones.xlane vm0  }
.LBB2_189:
0x56a: {  	_ =	sdelay $0x2  }
0x56b: {  	vm1 =	vgt.s32 v4, s8;
	vm0 =	vge.s32 v9, v8  }
0x56c: {  	vm0 =	vmand vm1, vm0  }
0x56d: {  	v9 =	vadd.s32 @p3 v10, v11;
	v10 =	vmpcnt.ones.xlane vm0  }
.Ltmp163:
0x56e: {  	v9 =	vpsel p3, v9, v6;
	(pc) =	sbr.rel @!p2 .LBB2_190-.Ltmp163, $4  }
0x56f: {  	v9 =	vadd.s32 v9, v10  }
0x570: {  	vm15 =	vlt.s32 v9, v5  }
0x571: {  	v7 =	vsel vm15, v7, v8  }
0x572: {  	v9 =	vld [tilespmem:s29+$0x0];
	v8 =	vadd.s32 $0x800000, v7  }
0x573: {  	_ = 	snop  }
0x574: {  	p2 =	sne.s32 s28, $0x2  }
.Ltmp164:
0x575: {  	_ = 	snop;
	(pc) =	sbr.rel @!p2 .LBB2_192-.Ltmp164, $4  }
0x576: {  	_ = 	snop  }
0x577: {  	vm1 =	vgt.s32 v4, s1;
	vm0 =	vge.s32 v9, v8  }
0x578: {  	s1 =	simm.s32 $0x10210;
	vm0 =	vmand vm1, vm0  }
0x579: {  	s5 =	simm.s32 $0x2;
	p0 =	por $0x1, $0x1;
	v10 =	vimm.s32 $0x0;
	v9 =	vld [tilespmem:s1+$0x0];
	v11 =	vmpcnt.ones.xlane vm0  }
.LBB2_193:
0x57a: {  	s7 =	smov.u32 s5;
	s5 =	sadd.s32 $0x1, s5  }
0x57b: {  	p2 =	sne.s32 s28, s5  }
.Ltmp165:
0x57c: {  	v10 =	vadd.s32 v10, v11;
	(pc) =	sbr.rel @p2 .LBB2_193-.Ltmp165, $4  }
0x57d: {  	_ = 	snop  }
0x57e: {  	vm1 =	vgt.s32 v4, s0;
	s1 =	sadd.s32 $0x10, s1;
	s0 =	smov.u32 s7;
	vm0 =	vge.s32 v9, v8  }
0x57f: {  	v9 =	vld [tilespmem:s1+$0x0];
	vm0 =	vmand vm1, vm0  }
0x580: {  	v11 =	vmpcnt.ones.xlane vm0  }
0x581: {  	s1 =	smov.u32 s0  }
.LBB2_195:
0x582: {  	_ =	sdelay $0x1  }
0x583: {  	vm1 =	vgt.s32 v4, s1;
	vm0 =	vge.s32 v9, v8  }
0x584: {  	vm0 =	vmand vm1, vm0  }
0x585: {  	p2 =	sne.s32 s28, $0x1;
	v9 =	vadd.s32 @p0 v10, v11;
	v10 =	vmpcnt.ones.xlane vm0  }
.Ltmp166:
0x586: {  	v6 =	vpsel p0, v9, v6;
	(pc) =	sbr.rel @!p2 .LBB2_196-.Ltmp166, $4  }
0x587: {  	v6 =	vadd.s32 v6, v10  }
0x588: {  	vm15 =	vlt.s32 v6, v5  }
0x589: {  	s29 =	simm.s32 $0x10200;
	v7 =	vsel vm15, v7, v8  }
0x58a: {  	s1 =	simm.s32 $0x0;
	s0 =	simm.s32 $0x1;
	v9 =	vld [tilespmem:s29+$0x0];
	p0 =	por $0x0, $0x0;
	v6 =	vimm.s32 $0x0;
	v8 =	vadd.s32 $0x400000, v7  }
0x58b: {  	_ = 	snop  }
0x58c: {  	p4 =	sne.s32 s28, $0x2  }
.Ltmp167:
0x58d: {  	_ = 	snop;
	(pc) =	sbr.rel @!p4 .LBB2_198-.Ltmp167, $4  }
0x58e: {  	_ = 	snop  }
0x58f: {  	vm1 =	vgt.s32 v4, s1;
	vm0 =	vge.s32 v9, v8  }
0x590: {  	s7 =	simm.s32 $0x10210;
	vm0 =	vmand vm1, vm0  }
0x591: {  	s5 =	simm.s32 $0x2;
	p3 =	por $0x1, $0x1;
	v10 =	vimm.s32 $0x0;
	s8 =	simm.s32 $0x1;
	v9 =	vld [tilespmem:s7+$0x0];
	v11 =	vmpcnt.ones.xlane vm0  }
.LBB2_199:
0x592: {  	s17 =	smov.u32 s5;
	s5 =	sadd.s32 $0x1, s5  }
0x593: {  	p4 =	sne.s32 s28, s5  }
.Ltmp168:
0x594: {  	v10 =	vadd.s32 v10, v11;
	(pc) =	sbr.rel @p4 .LBB2_199-.Ltmp168, $4  }
0x595: {  	_ = 	snop  }
0x596: {  	vm1 =	vgt.s32 v4, s8;
	s7 =	sadd.s32 $0x10, s7;
	s8 =	smov.u32 s17;
	vm0 =	vge.s32 v9, v8  }
0x597: {  	v9 =	vld [tilespmem:s7+$0x0];
	vm0 =	vmand vm1, vm0  }
0x598: {  	v11 =	vmpcnt.ones.xlane vm0  }
.LBB2_200:
0x599: {  	_ =	sdelay $0x2  }
0x59a: {  	vm1 =	vgt.s32 v4, s8;
	vm0 =	vge.s32 v9, v8  }
0x59b: {  	vm0 =	vmand vm1, vm0  }
0x59c: {  	v9 =	vadd.s32 @p3 v10, v11;
	v10 =	vmpcnt.ones.xlane vm0  }
.Ltmp169:
0x59d: {  	v9 =	vpsel p3, v9, v6;
	(pc) =	sbr.rel @!p2 .LBB2_201-.Ltmp169, $4  }
0x59e: {  	v9 =	vadd.s32 v9, v10  }
0x59f: {  	vm15 =	vlt.s32 v9, v5  }
0x5a0: {  	v7 =	vsel vm15, v7, v8  }
0x5a1: {  	v9 =	vld [tilespmem:s29+$0x0];
	v8 =	vadd.s32 $0x200000, v7  }
0x5a2: {  	_ = 	snop  }
0x5a3: {  	p2 =	sne.s32 s28, $0x2  }
.Ltmp170:
0x5a4: {  	_ = 	snop;
	(pc) =	sbr.rel @!p2 .LBB2_203-.Ltmp170, $4  }
0x5a5: {  	_ = 	snop  }
0x5a6: {  	vm1 =	vgt.s32 v4, s1;
	vm0 =	vge.s32 v9, v8  }
0x5a7: {  	s1 =	simm.s32 $0x10210;
	vm0 =	vmand vm1, vm0  }
0x5a8: {  	s5 =	simm.s32 $0x2;
	p0 =	por $0x1, $0x1;
	v10 =	vimm.s32 $0x0;
	v9 =	vld [tilespmem:s1+$0x0];
	v11 =	vmpcnt.ones.xlane vm0  }
.LBB2_204:
0x5a9: {  	s7 =	smov.u32 s5;
	s5 =	sadd.s32 $0x1, s5  }
0x5aa: {  	p2 =	sne.s32 s28, s5  }
.Ltmp171:
0x5ab: {  	v10 =	vadd.s32 v10, v11;
	(pc) =	sbr.rel @p2 .LBB2_204-.Ltmp171, $4  }
0x5ac: {  	_ = 	snop  }
0x5ad: {  	vm1 =	vgt.s32 v4, s0;
	s1 =	sadd.s32 $0x10, s1;
	s0 =	smov.u32 s7;
	vm0 =	vge.s32 v9, v8  }
0x5ae: {  	v9 =	vld [tilespmem:s1+$0x0];
	vm0 =	vmand vm1, vm0  }
0x5af: {  	v11 =	vmpcnt.ones.xlane vm0  }
0x5b0: {  	s1 =	smov.u32 s0  }
.LBB2_206:
0x5b1: {  	_ =	sdelay $0x1  }
0x5b2: {  	vm1 =	vgt.s32 v4, s1;
	vm0 =	vge.s32 v9, v8  }
0x5b3: {  	vm0 =	vmand vm1, vm0  }
0x5b4: {  	p2 =	sne.s32 s28, $0x1;
	v9 =	vadd.s32 @p0 v10, v11;
	v10 =	vmpcnt.ones.xlane vm0  }
.Ltmp172:
0x5b5: {  	v6 =	vpsel p0, v9, v6;
	(pc) =	sbr.rel @!p2 .LBB2_207-.Ltmp172, $4  }
0x5b6: {  	v6 =	vadd.s32 v6, v10  }
0x5b7: {  	vm15 =	vlt.s32 v6, v5  }
0x5b8: {  	s29 =	simm.s32 $0x10200;
	v7 =	vsel vm15, v7, v8  }
0x5b9: {  	s1 =	simm.s32 $0x0;
	s0 =	simm.s32 $0x1;
	v9 =	vld [tilespmem:s29+$0x0];
	p0 =	por $0x0, $0x0;
	v6 =	vimm.s32 $0x0;
	v8 =	vadd.s32 $0x100000, v7  }
0x5ba: {  	_ = 	snop  }
0x5bb: {  	p4 =	sne.s32 s28, $0x2  }
.Ltmp173:
0x5bc: {  	_ = 	snop;
	(pc) =	sbr.rel @!p4 .LBB2_209-.Ltmp173, $4  }
0x5bd: {  	_ = 	snop  }
0x5be: {  	vm1 =	vgt.s32 v4, s1;
	vm0 =	vge.s32 v9, v8  }
0x5bf: {  	s7 =	simm.s32 $0x10210;
	vm0 =	vmand vm1, vm0  }
0x5c0: {  	s5 =	simm.s32 $0x2;
	p3 =	por $0x1, $0x1;
	v10 =	vimm.s32 $0x0;
	s8 =	simm.s32 $0x1;
	v9 =	vld [tilespmem:s7+$0x0];
	v11 =	vmpcnt.ones.xlane vm0  }
.LBB2_210:
0x5c1: {  	s17 =	smov.u32 s5;
	s5 =	sadd.s32 $0x1, s5  }
0x5c2: {  	p4 =	sne.s32 s28, s5  }
.Ltmp174:
0x5c3: {  	v10 =	vadd.s32 v10, v11;
	(pc) =	sbr.rel @p4 .LBB2_210-.Ltmp174, $4  }
0x5c4: {  	_ = 	snop  }
0x5c5: {  	vm1 =	vgt.s32 v4, s8;
	s7 =	sadd.s32 $0x10, s7;
	s8 =	smov.u32 s17;
	vm0 =	vge.s32 v9, v8  }
0x5c6: {  	v9 =	vld [tilespmem:s7+$0x0];
	vm0 =	vmand vm1, vm0  }
0x5c7: {  	v11 =	vmpcnt.ones.xlane vm0  }
.LBB2_211:
0x5c8: {  	_ =	sdelay $0x2  }
0x5c9: {  	vm1 =	vgt.s32 v4, s8;
	vm0 =	vge.s32 v9, v8  }
0x5ca: {  	vm0 =	vmand vm1, vm0  }
0x5cb: {  	v9 =	vadd.s32 @p3 v10, v11;
	v10 =	vmpcnt.ones.xlane vm0  }
.Ltmp175:
0x5cc: {  	v9 =	vpsel p3, v9, v6;
	(pc) =	sbr.rel @!p2 .LBB2_212-.Ltmp175, $4  }
0x5cd: {  	v9 =	vadd.s32 v9, v10  }
0x5ce: {  	vm15 =	vlt.s32 v9, v5  }
0x5cf: {  	v7 =	vsel vm15, v7, v8  }
0x5d0: {  	v9 =	vld [tilespmem:s29+$0x0];
	v8 =	vadd.s32 $0x80000, v7  }
0x5d1: {  	_ = 	snop  }
0x5d2: {  	p2 =	sne.s32 s28, $0x2  }
.Ltmp176:
0x5d3: {  	_ = 	snop;
	(pc) =	sbr.rel @!p2 .LBB2_214-.Ltmp176, $4  }
0x5d4: {  	_ = 	snop  }
0x5d5: {  	vm1 =	vgt.s32 v4, s1;
	vm0 =	vge.s32 v9, v8  }
0x5d6: {  	s1 =	simm.s32 $0x10210;
	vm0 =	vmand vm1, vm0  }
0x5d7: {  	s5 =	simm.s32 $0x2;
	p0 =	por $0x1, $0x1;
	v10 =	vimm.s32 $0x0;
	v9 =	vld [tilespmem:s1+$0x0];
	v11 =	vmpcnt.ones.xlane vm0  }
.LBB2_215:
0x5d8: {  	s7 =	smov.u32 s5;
	s5 =	sadd.s32 $0x1, s5  }
0x5d9: {  	p2 =	sne.s32 s28, s5  }
.Ltmp177:
0x5da: {  	v10 =	vadd.s32 v10, v11;
	(pc) =	sbr.rel @p2 .LBB2_215-.Ltmp177, $4  }
0x5db: {  	_ = 	snop  }
0x5dc: {  	vm1 =	vgt.s32 v4, s0;
	s1 =	sadd.s32 $0x10, s1;
	s0 =	smov.u32 s7;
	vm0 =	vge.s32 v9, v8  }
0x5dd: {  	v9 =	vld [tilespmem:s1+$0x0];
	vm0 =	vmand vm1, vm0  }
0x5de: {  	v11 =	vmpcnt.ones.xlane vm0  }
0x5df: {  	s1 =	smov.u32 s0  }
.LBB2_217:
0x5e0: {  	_ =	sdelay $0x1  }
0x5e1: {  	vm1 =	vgt.s32 v4, s1;
	vm0 =	vge.s32 v9, v8  }
0x5e2: {  	vm0 =	vmand vm1, vm0  }
0x5e3: {  	p2 =	sne.s32 s28, $0x1;
	v9 =	vadd.s32 @p0 v10, v11;
	v10 =	vmpcnt.ones.xlane vm0  }
.Ltmp178:
0x5e4: {  	v6 =	vpsel p0, v9, v6;
	(pc) =	sbr.rel @!p2 .LBB2_218-.Ltmp178, $4  }
0x5e5: {  	v6 =	vadd.s32 v6, v10  }
0x5e6: {  	vm15 =	vlt.s32 v6, v5  }
0x5e7: {  	s29 =	simm.s32 $0x10200;
	v7 =	vsel vm15, v7, v8  }
0x5e8: {  	s1 =	simm.s32 $0x0;
	s0 =	simm.s32 $0x1;
	v9 =	vld [tilespmem:s29+$0x0];
	p0 =	por $0x0, $0x0;
	v6 =	vimm.s32 $0x0;
	v8 =	vadd.s32 $0x40000, v7  }
0x5e9: {  	_ = 	snop  }
0x5ea: {  	p4 =	sne.s32 s28, $0x2  }
.Ltmp179:
0x5eb: {  	_ = 	snop;
	(pc) =	sbr.rel @!p4 .LBB2_220-.Ltmp179, $4  }
0x5ec: {  	_ = 	snop  }
0x5ed: {  	vm1 =	vgt.s32 v4, s1;
	vm0 =	vge.s32 v9, v8  }
0x5ee: {  	s7 =	simm.s32 $0x10210;
	vm0 =	vmand vm1, vm0  }
0x5ef: {  	s5 =	simm.s32 $0x2;
	p3 =	por $0x1, $0x1;
	v10 =	vimm.s32 $0x0;
	s8 =	simm.s32 $0x1;
	v9 =	vld [tilespmem:s7+$0x0];
	v11 =	vmpcnt.ones.xlane vm0  }
.LBB2_221:
0x5f0: {  	s17 =	smov.u32 s5;
	s5 =	sadd.s32 $0x1, s5  }
0x5f1: {  	p4 =	sne.s32 s28, s5  }
.Ltmp180:
0x5f2: {  	v10 =	vadd.s32 v10, v11;
	(pc) =	sbr.rel @p4 .LBB2_221-.Ltmp180, $4  }
0x5f3: {  	_ = 	snop  }
0x5f4: {  	vm1 =	vgt.s32 v4, s8;
	s7 =	sadd.s32 $0x10, s7;
	s8 =	smov.u32 s17;
	vm0 =	vge.s32 v9, v8  }
0x5f5: {  	v9 =	vld [tilespmem:s7+$0x0];
	vm0 =	vmand vm1, vm0  }
0x5f6: {  	v11 =	vmpcnt.ones.xlane vm0  }
.LBB2_222:
0x5f7: {  	_ =	sdelay $0x2  }
0x5f8: {  	vm1 =	vgt.s32 v4, s8;
	vm0 =	vge.s32 v9, v8  }
0x5f9: {  	vm0 =	vmand vm1, vm0  }
0x5fa: {  	v9 =	vadd.s32 @p3 v10, v11;
	v10 =	vmpcnt.ones.xlane vm0  }
.Ltmp181:
0x5fb: {  	v9 =	vpsel p3, v9, v6;
	(pc) =	sbr.rel @!p2 .LBB2_223-.Ltmp181, $4  }
0x5fc: {  	v9 =	vadd.s32 v9, v10  }
0x5fd: {  	vm15 =	vlt.s32 v9, v5  }
0x5fe: {  	v7 =	vsel vm15, v7, v8  }
0x5ff: {  	v9 =	vld [tilespmem:s29+$0x0];
	v8 =	vadd.s32 $0x20000, v7  }
0x600: {  	_ = 	snop  }
0x601: {  	p2 =	sne.s32 s28, $0x2  }
.Ltmp182:
0x602: {  	_ = 	snop;
	(pc) =	sbr.rel @!p2 .LBB2_225-.Ltmp182, $4  }
0x603: {  	_ = 	snop  }
0x604: {  	vm1 =	vgt.s32 v4, s1;
	vm0 =	vge.s32 v9, v8  }
0x605: {  	s1 =	simm.s32 $0x10210;
	vm0 =	vmand vm1, vm0  }
0x606: {  	s5 =	simm.s32 $0x2;
	p0 =	por $0x1, $0x1;
	v10 =	vimm.s32 $0x0;
	v9 =	vld [tilespmem:s1+$0x0];
	v11 =	vmpcnt.ones.xlane vm0  }
.LBB2_226:
0x607: {  	s7 =	smov.u32 s5;
	s5 =	sadd.s32 $0x1, s5  }
0x608: {  	p2 =	sne.s32 s28, s5  }
.Ltmp183:
0x609: {  	v10 =	vadd.s32 v10, v11;
	(pc) =	sbr.rel @p2 .LBB2_226-.Ltmp183, $4  }
0x60a: {  	_ = 	snop  }
0x60b: {  	vm1 =	vgt.s32 v4, s0;
	s1 =	sadd.s32 $0x10, s1;
	s0 =	smov.u32 s7;
	vm0 =	vge.s32 v9, v8  }
0x60c: {  	v9 =	vld [tilespmem:s1+$0x0];
	vm0 =	vmand vm1, vm0  }
0x60d: {  	v11 =	vmpcnt.ones.xlane vm0  }
0x60e: {  	s1 =	smov.u32 s0  }
.LBB2_228:
0x60f: {  	_ =	sdelay $0x1  }
0x610: {  	vm1 =	vgt.s32 v4, s1;
	vm0 =	vge.s32 v9, v8  }
0x611: {  	vm0 =	vmand vm1, vm0  }
0x612: {  	p2 =	sne.s32 s28, $0x1;
	v9 =	vadd.s32 @p0 v10, v11;
	v10 =	vmpcnt.ones.xlane vm0  }
.Ltmp184:
0x613: {  	v6 =	vpsel p0, v9, v6;
	(pc) =	sbr.rel @!p2 .LBB2_229-.Ltmp184, $4  }
0x614: {  	v6 =	vadd.s32 v6, v10  }
0x615: {  	vm15 =	vlt.s32 v6, v5  }
0x616: {  	s29 =	simm.s32 $0x10200;
	v7 =	vsel vm15, v7, v8  }
0x617: {  	s1 =	simm.s32 $0x0;
	s0 =	simm.s32 $0x1;
	v9 =	vld [tilespmem:s29+$0x0];
	p0 =	por $0x0, $0x0;
	v6 =	vimm.s32 $0x0;
	v8 =	vadd.s32 $0x10000, v7  }
0x618: {  	_ = 	snop  }
0x619: {  	p4 =	sne.s32 s28, $0x2  }
.Ltmp185:
0x61a: {  	_ = 	snop;
	(pc) =	sbr.rel @!p4 .LBB2_231-.Ltmp185, $4  }
0x61b: {  	_ = 	snop  }
0x61c: {  	vm1 =	vgt.s32 v4, s1;
	vm0 =	vge.s32 v9, v8  }
0x61d: {  	s7 =	simm.s32 $0x10210;
	vm0 =	vmand vm1, vm0  }
0x61e: {  	s5 =	simm.s32 $0x2;
	p3 =	por $0x1, $0x1;
	v10 =	vimm.s32 $0x0;
	s8 =	simm.s32 $0x1;
	v9 =	vld [tilespmem:s7+$0x0];
	v11 =	vmpcnt.ones.xlane vm0  }
.LBB2_232:
0x61f: {  	s17 =	smov.u32 s5;
	s5 =	sadd.s32 $0x1, s5  }
0x620: {  	p4 =	sne.s32 s28, s5  }
.Ltmp186:
0x621: {  	v10 =	vadd.s32 v10, v11;
	(pc) =	sbr.rel @p4 .LBB2_232-.Ltmp186, $4  }
0x622: {  	_ = 	snop  }
0x623: {  	vm1 =	vgt.s32 v4, s8;
	s7 =	sadd.s32 $0x10, s7;
	s8 =	smov.u32 s17;
	vm0 =	vge.s32 v9, v8  }
0x624: {  	v9 =	vld [tilespmem:s7+$0x0];
	vm0 =	vmand vm1, vm0  }
0x625: {  	v11 =	vmpcnt.ones.xlane vm0  }
.LBB2_233:
0x626: {  	_ =	sdelay $0x2  }
0x627: {  	vm1 =	vgt.s32 v4, s8;
	vm0 =	vge.s32 v9, v8  }
0x628: {  	vm0 =	vmand vm1, vm0  }
0x629: {  	v9 =	vadd.s32 @p3 v10, v11;
	v10 =	vmpcnt.ones.xlane vm0  }
.Ltmp187:
0x62a: {  	v9 =	vpsel p3, v9, v6;
	(pc) =	sbr.rel @!p2 .LBB2_234-.Ltmp187, $4  }
0x62b: {  	v9 =	vadd.s32 v9, v10  }
0x62c: {  	vm15 =	vlt.s32 v9, v5  }
0x62d: {  	v7 =	vsel vm15, v7, v8  }
0x62e: {  	v9 =	vld [tilespmem:s29+$0x0];
	v8 =	vadd.s32 $0x8000, v7  }
0x62f: {  	_ = 	snop  }
0x630: {  	p2 =	sne.s32 s28, $0x2  }
.Ltmp188:
0x631: {  	_ = 	snop;
	(pc) =	sbr.rel @!p2 .LBB2_236-.Ltmp188, $4  }
0x632: {  	_ = 	snop  }
0x633: {  	vm1 =	vgt.s32 v4, s1;
	vm0 =	vge.s32 v9, v8  }
0x634: {  	s1 =	simm.s32 $0x10210;
	vm0 =	vmand vm1, vm0  }
0x635: {  	s5 =	simm.s32 $0x2;
	p0 =	por $0x1, $0x1;
	v10 =	vimm.s32 $0x0;
	v9 =	vld [tilespmem:s1+$0x0];
	v11 =	vmpcnt.ones.xlane vm0  }
.LBB2_237:
0x636: {  	s7 =	smov.u32 s5;
	s5 =	sadd.s32 $0x1, s5  }
0x637: {  	p2 =	sne.s32 s28, s5  }
.Ltmp189:
0x638: {  	v10 =	vadd.s32 v10, v11;
	(pc) =	sbr.rel @p2 .LBB2_237-.Ltmp189, $4  }
0x639: {  	_ = 	snop  }
0x63a: {  	vm1 =	vgt.s32 v4, s0;
	s1 =	sadd.s32 $0x10, s1;
	s0 =	smov.u32 s7;
	vm0 =	vge.s32 v9, v8  }
0x63b: {  	v9 =	vld [tilespmem:s1+$0x0];
	vm0 =	vmand vm1, vm0  }
0x63c: {  	v11 =	vmpcnt.ones.xlane vm0  }
0x63d: {  	s1 =	smov.u32 s0  }
.LBB2_239:
0x63e: {  	_ =	sdelay $0x1  }
0x63f: {  	vm1 =	vgt.s32 v4, s1;
	vm0 =	vge.s32 v9, v8  }
0x640: {  	vm0 =	vmand vm1, vm0  }
0x641: {  	p2 =	sne.s32 s28, $0x1;
	v9 =	vadd.s32 @p0 v10, v11;
	v10 =	vmpcnt.ones.xlane vm0  }
.Ltmp190:
0x642: {  	v6 =	vpsel p0, v9, v6;
	(pc) =	sbr.rel @!p2 .LBB2_240-.Ltmp190, $4  }
0x643: {  	v6 =	vadd.s32 v6, v10  }
0x644: {  	vm15 =	vlt.s32 v6, v5  }
0x645: {  	s29 =	simm.s32 $0x10200;
	v7 =	vsel vm15, v7, v8  }
0x646: {  	s1 =	simm.s32 $0x0;
	s0 =	simm.s32 $0x1;
	v9 =	vld [tilespmem:s29+$0x0];
	p0 =	por $0x0, $0x0;
	v6 =	vimm.s32 $0x0;
	v8 =	vadd.s32 $0x4000, v7  }
0x647: {  	_ = 	snop  }
0x648: {  	p4 =	sne.s32 s28, $0x2  }
.Ltmp191:
0x649: {  	_ = 	snop;
	(pc) =	sbr.rel @!p4 .LBB2_242-.Ltmp191, $4  }
0x64a: {  	_ = 	snop  }
0x64b: {  	vm1 =	vgt.s32 v4, s1;
	vm0 =	vge.s32 v9, v8  }
0x64c: {  	s7 =	simm.s32 $0x10210;
	vm0 =	vmand vm1, vm0  }
0x64d: {  	s5 =	simm.s32 $0x2;
	p3 =	por $0x1, $0x1;
	v10 =	vimm.s32 $0x0;
	s8 =	simm.s32 $0x1;
	v9 =	vld [tilespmem:s7+$0x0];
	v11 =	vmpcnt.ones.xlane vm0  }
.LBB2_243:
0x64e: {  	s17 =	smov.u32 s5;
	s5 =	sadd.s32 $0x1, s5  }
0x64f: {  	p4 =	sne.s32 s28, s5  }
.Ltmp192:
0x650: {  	v10 =	vadd.s32 v10, v11;
	(pc) =	sbr.rel @p4 .LBB2_243-.Ltmp192, $4  }
0x651: {  	_ = 	snop  }
0x652: {  	vm1 =	vgt.s32 v4, s8;
	s7 =	sadd.s32 $0x10, s7;
	s8 =	smov.u32 s17;
	vm0 =	vge.s32 v9, v8  }
0x653: {  	v9 =	vld [tilespmem:s7+$0x0];
	vm0 =	vmand vm1, vm0  }
0x654: {  	v11 =	vmpcnt.ones.xlane vm0  }
.LBB2_244:
0x655: {  	_ =	sdelay $0x2  }
0x656: {  	vm1 =	vgt.s32 v4, s8;
	vm0 =	vge.s32 v9, v8  }
0x657: {  	vm0 =	vmand vm1, vm0  }
0x658: {  	v9 =	vadd.s32 @p3 v10, v11;
	v10 =	vmpcnt.ones.xlane vm0  }
.Ltmp193:
0x659: {  	v9 =	vpsel p3, v9, v6;
	(pc) =	sbr.rel @!p2 .LBB2_245-.Ltmp193, $4  }
0x65a: {  	v9 =	vadd.s32 v9, v10  }
0x65b: {  	vm15 =	vlt.s32 v9, v5  }
0x65c: {  	v7 =	vsel vm15, v7, v8  }
0x65d: {  	v9 =	vld [tilespmem:s29+$0x0];
	v8 =	vadd.s32 $0x2000, v7  }
0x65e: {  	_ = 	snop  }
0x65f: {  	p2 =	sne.s32 s28, $0x2  }
.Ltmp194:
0x660: {  	_ = 	snop;
	(pc) =	sbr.rel @!p2 .LBB2_247-.Ltmp194, $4  }
0x661: {  	_ = 	snop  }
0x662: {  	vm1 =	vgt.s32 v4, s1;
	vm0 =	vge.s32 v9, v8  }
0x663: {  	s1 =	simm.s32 $0x10210;
	vm0 =	vmand vm1, vm0  }
0x664: {  	s5 =	simm.s32 $0x2;
	p0 =	por $0x1, $0x1;
	v10 =	vimm.s32 $0x0;
	v9 =	vld [tilespmem:s1+$0x0];
	v11 =	vmpcnt.ones.xlane vm0  }
.LBB2_248:
0x665: {  	s7 =	smov.u32 s5;
	s5 =	sadd.s32 $0x1, s5  }
0x666: {  	p2 =	sne.s32 s28, s5  }
.Ltmp195:
0x667: {  	v10 =	vadd.s32 v10, v11;
	(pc) =	sbr.rel @p2 .LBB2_248-.Ltmp195, $4  }
0x668: {  	_ = 	snop  }
0x669: {  	vm1 =	vgt.s32 v4, s0;
	s1 =	sadd.s32 $0x10, s1;
	s0 =	smov.u32 s7;
	vm0 =	vge.s32 v9, v8  }
0x66a: {  	v9 =	vld [tilespmem:s1+$0x0];
	vm0 =	vmand vm1, vm0  }
0x66b: {  	v11 =	vmpcnt.ones.xlane vm0  }
0x66c: {  	s1 =	smov.u32 s0  }
.LBB2_250:
0x66d: {  	_ =	sdelay $0x1  }
0x66e: {  	vm1 =	vgt.s32 v4, s1;
	vm0 =	vge.s32 v9, v8  }
0x66f: {  	vm0 =	vmand vm1, vm0  }
0x670: {  	p2 =	sne.s32 s28, $0x1;
	v9 =	vadd.s32 @p0 v10, v11;
	v10 =	vmpcnt.ones.xlane vm0  }
.Ltmp196:
0x671: {  	v6 =	vpsel p0, v9, v6;
	(pc) =	sbr.rel @!p2 .LBB2_251-.Ltmp196, $4  }
0x672: {  	v6 =	vadd.s32 v6, v10  }
0x673: {  	vm15 =	vlt.s32 v6, v5  }
0x674: {  	s29 =	simm.s32 $0x10200;
	v7 =	vsel vm15, v7, v8  }
0x675: {  	s1 =	simm.s32 $0x0;
	s0 =	simm.s32 $0x1;
	v9 =	vld [tilespmem:s29+$0x0];
	p0 =	por $0x0, $0x0;
	v6 =	vimm.s32 $0x0;
	v8 =	vadd.s32 $0x1000, v7  }
0x676: {  	_ = 	snop  }
0x677: {  	p4 =	sne.s32 s28, $0x2  }
.Ltmp197:
0x678: {  	_ = 	snop;
	(pc) =	sbr.rel @!p4 .LBB2_253-.Ltmp197, $4  }
0x679: {  	_ = 	snop  }
0x67a: {  	vm1 =	vgt.s32 v4, s1;
	vm0 =	vge.s32 v9, v8  }
0x67b: {  	s7 =	simm.s32 $0x10210;
	vm0 =	vmand vm1, vm0  }
0x67c: {  	s5 =	simm.s32 $0x2;
	p3 =	por $0x1, $0x1;
	v10 =	vimm.s32 $0x0;
	s8 =	simm.s32 $0x1;
	v9 =	vld [tilespmem:s7+$0x0];
	v11 =	vmpcnt.ones.xlane vm0  }
.LBB2_254:
0x67d: {  	s17 =	smov.u32 s5;
	s5 =	sadd.s32 $0x1, s5  }
0x67e: {  	p4 =	sne.s32 s28, s5  }
.Ltmp198:
0x67f: {  	v10 =	vadd.s32 v10, v11;
	(pc) =	sbr.rel @p4 .LBB2_254-.Ltmp198, $4  }
0x680: {  	_ = 	snop  }
0x681: {  	vm1 =	vgt.s32 v4, s8;
	s7 =	sadd.s32 $0x10, s7;
	s8 =	smov.u32 s17;
	vm0 =	vge.s32 v9, v8  }
0x682: {  	v9 =	vld [tilespmem:s7+$0x0];
	vm0 =	vmand vm1, vm0  }
0x683: {  	v11 =	vmpcnt.ones.xlane vm0  }
.LBB2_255:
0x684: {  	_ =	sdelay $0x2  }
0x685: {  	vm1 =	vgt.s32 v4, s8;
	vm0 =	vge.s32 v9, v8  }
0x686: {  	vm0 =	vmand vm1, vm0  }
0x687: {  	v9 =	vadd.s32 @p3 v10, v11;
	v10 =	vmpcnt.ones.xlane vm0  }
.Ltmp199:
0x688: {  	v9 =	vpsel p3, v9, v6;
	(pc) =	sbr.rel @!p2 .LBB2_256-.Ltmp199, $4  }
0x689: {  	v9 =	vadd.s32 v9, v10  }
0x68a: {  	vm15 =	vlt.s32 v9, v5  }
0x68b: {  	v7 =	vsel vm15, v7, v8  }
0x68c: {  	v9 =	vld [tilespmem:s29+$0x0];
	v8 =	vadd.s32 $0x800, v7  }
0x68d: {  	_ = 	snop  }
0x68e: {  	p2 =	sne.s32 s28, $0x2  }
.Ltmp200:
0x68f: {  	_ = 	snop;
	(pc) =	sbr.rel @!p2 .LBB2_258-.Ltmp200, $4  }
0x690: {  	_ = 	snop  }
0x691: {  	vm1 =	vgt.s32 v4, s1;
	vm0 =	vge.s32 v9, v8  }
0x692: {  	s1 =	simm.s32 $0x10210;
	vm0 =	vmand vm1, vm0  }
0x693: {  	s5 =	simm.s32 $0x2;
	p0 =	por $0x1, $0x1;
	v10 =	vimm.s32 $0x0;
	v9 =	vld [tilespmem:s1+$0x0];
	v11 =	vmpcnt.ones.xlane vm0  }
.LBB2_259:
0x694: {  	s7 =	smov.u32 s5;
	s5 =	sadd.s32 $0x1, s5  }
0x695: {  	p2 =	sne.s32 s28, s5  }
.Ltmp201:
0x696: {  	v10 =	vadd.s32 v10, v11;
	(pc) =	sbr.rel @p2 .LBB2_259-.Ltmp201, $4  }
0x697: {  	_ = 	snop  }
0x698: {  	vm1 =	vgt.s32 v4, s0;
	s1 =	sadd.s32 $0x10, s1;
	s0 =	smov.u32 s7;
	vm0 =	vge.s32 v9, v8  }
0x699: {  	v9 =	vld [tilespmem:s1+$0x0];
	vm0 =	vmand vm1, vm0  }
0x69a: {  	v11 =	vmpcnt.ones.xlane vm0  }
0x69b: {  	s1 =	smov.u32 s0  }
.LBB2_261:
0x69c: {  	_ =	sdelay $0x1  }
0x69d: {  	vm1 =	vgt.s32 v4, s1;
	vm0 =	vge.s32 v9, v8  }
0x69e: {  	vm0 =	vmand vm1, vm0  }
0x69f: {  	p2 =	sne.s32 s28, $0x1;
	v9 =	vadd.s32 @p0 v10, v11;
	v10 =	vmpcnt.ones.xlane vm0  }
.Ltmp202:
0x6a0: {  	v6 =	vpsel p0, v9, v6;
	(pc) =	sbr.rel @!p2 .LBB2_262-.Ltmp202, $4  }
0x6a1: {  	v6 =	vadd.s32 v6, v10  }
0x6a2: {  	vm15 =	vlt.s32 v6, v5  }
0x6a3: {  	s29 =	simm.s32 $0x10200;
	v7 =	vsel vm15, v7, v8  }
0x6a4: {  	s1 =	simm.s32 $0x0;
	s0 =	simm.s32 $0x1;
	v9 =	vld [tilespmem:s29+$0x0];
	p0 =	por $0x0, $0x0;
	v6 =	vimm.s32 $0x0;
	v8 =	vadd.s32 $0x400, v7  }
0x6a5: {  	_ = 	snop  }
0x6a6: {  	p4 =	sne.s32 s28, $0x2  }
.Ltmp203:
0x6a7: {  	_ = 	snop;
	(pc) =	sbr.rel @!p4 .LBB2_264-.Ltmp203, $4  }
0x6a8: {  	_ = 	snop  }
0x6a9: {  	vm1 =	vgt.s32 v4, s1;
	vm0 =	vge.s32 v9, v8  }
0x6aa: {  	s7 =	simm.s32 $0x10210;
	vm0 =	vmand vm1, vm0  }
0x6ab: {  	s5 =	simm.s32 $0x2;
	p3 =	por $0x1, $0x1;
	v10 =	vimm.s32 $0x0;
	s8 =	simm.s32 $0x1;
	v9 =	vld [tilespmem:s7+$0x0];
	v11 =	vmpcnt.ones.xlane vm0  }
.LBB2_265:
0x6ac: {  	s17 =	smov.u32 s5;
	s5 =	sadd.s32 $0x1, s5  }
0x6ad: {  	p4 =	sne.s32 s28, s5  }
.Ltmp204:
0x6ae: {  	v10 =	vadd.s32 v10, v11;
	(pc) =	sbr.rel @p4 .LBB2_265-.Ltmp204, $4  }
0x6af: {  	_ = 	snop  }
0x6b0: {  	vm1 =	vgt.s32 v4, s8;
	s7 =	sadd.s32 $0x10, s7;
	s8 =	smov.u32 s17;
	vm0 =	vge.s32 v9, v8  }
0x6b1: {  	v9 =	vld [tilespmem:s7+$0x0];
	vm0 =	vmand vm1, vm0  }
0x6b2: {  	v11 =	vmpcnt.ones.xlane vm0  }
.LBB2_266:
0x6b3: {  	_ =	sdelay $0x2  }
0x6b4: {  	vm1 =	vgt.s32 v4, s8;
	vm0 =	vge.s32 v9, v8  }
0x6b5: {  	vm0 =	vmand vm1, vm0  }
0x6b6: {  	v9 =	vadd.s32 @p3 v10, v11;
	v10 =	vmpcnt.ones.xlane vm0  }
.Ltmp205:
0x6b7: {  	v9 =	vpsel p3, v9, v6;
	(pc) =	sbr.rel @!p2 .LBB2_267-.Ltmp205, $4  }
0x6b8: {  	v9 =	vadd.s32 v9, v10  }
0x6b9: {  	vm15 =	vlt.s32 v9, v5  }
0x6ba: {  	v7 =	vsel vm15, v7, v8  }
0x6bb: {  	v9 =	vld [tilespmem:s29+$0x0];
	v8 =	vadd.s32 $0x200, v7  }
0x6bc: {  	_ = 	snop  }
0x6bd: {  	p2 =	sne.s32 s28, $0x2  }
.Ltmp206:
0x6be: {  	_ = 	snop;
	(pc) =	sbr.rel @!p2 .LBB2_269-.Ltmp206, $4  }
0x6bf: {  	_ = 	snop  }
0x6c0: {  	vm1 =	vgt.s32 v4, s1;
	vm0 =	vge.s32 v9, v8  }
0x6c1: {  	s1 =	simm.s32 $0x10210;
	vm0 =	vmand vm1, vm0  }
0x6c2: {  	s5 =	simm.s32 $0x2;
	p0 =	por $0x1, $0x1;
	v10 =	vimm.s32 $0x0;
	v9 =	vld [tilespmem:s1+$0x0];
	v11 =	vmpcnt.ones.xlane vm0  }
.LBB2_270:
0x6c3: {  	s7 =	smov.u32 s5;
	s5 =	sadd.s32 $0x1, s5  }
0x6c4: {  	p2 =	sne.s32 s28, s5  }
.Ltmp207:
0x6c5: {  	v10 =	vadd.s32 v10, v11;
	(pc) =	sbr.rel @p2 .LBB2_270-.Ltmp207, $4  }
0x6c6: {  	_ = 	snop  }
0x6c7: {  	vm1 =	vgt.s32 v4, s0;
	s1 =	sadd.s32 $0x10, s1;
	s0 =	smov.u32 s7;
	vm0 =	vge.s32 v9, v8  }
0x6c8: {  	v9 =	vld [tilespmem:s1+$0x0];
	vm0 =	vmand vm1, vm0  }
0x6c9: {  	v11 =	vmpcnt.ones.xlane vm0  }
0x6ca: {  	s1 =	smov.u32 s0  }
.LBB2_272:
0x6cb: {  	_ =	sdelay $0x1  }
0x6cc: {  	vm1 =	vgt.s32 v4, s1;
	vm0 =	vge.s32 v9, v8  }
0x6cd: {  	vm0 =	vmand vm1, vm0  }
0x6ce: {  	p2 =	sne.s32 s28, $0x1;
	v9 =	vadd.s32 @p0 v10, v11;
	v10 =	vmpcnt.ones.xlane vm0  }
.Ltmp208:
0x6cf: {  	v6 =	vpsel p0, v9, v6;
	(pc) =	sbr.rel @!p2 .LBB2_273-.Ltmp208, $4  }
0x6d0: {  	v6 =	vadd.s32 v6, v10  }
0x6d1: {  	vm15 =	vlt.s32 v6, v5  }
0x6d2: {  	s29 =	simm.s32 $0x10200;
	v7 =	vsel vm15, v7, v8  }
0x6d3: {  	s1 =	simm.s32 $0x0;
	s0 =	simm.s32 $0x1;
	v9 =	vld [tilespmem:s29+$0x0];
	p0 =	por $0x0, $0x0;
	v6 =	vimm.s32 $0x0;
	v8 =	vadd.s32 $0x100, v7  }
0x6d4: {  	_ = 	snop  }
0x6d5: {  	p4 =	sne.s32 s28, $0x2  }
.Ltmp209:
0x6d6: {  	_ = 	snop;
	(pc) =	sbr.rel @!p4 .LBB2_275-.Ltmp209, $4  }
0x6d7: {  	_ = 	snop  }
0x6d8: {  	vm1 =	vgt.s32 v4, s1;
	vm0 =	vge.s32 v9, v8  }
0x6d9: {  	s7 =	simm.s32 $0x10210;
	vm0 =	vmand vm1, vm0  }
0x6da: {  	s5 =	simm.s32 $0x2;
	p3 =	por $0x1, $0x1;
	v10 =	vimm.s32 $0x0;
	s8 =	simm.s32 $0x1;
	v9 =	vld [tilespmem:s7+$0x0];
	v11 =	vmpcnt.ones.xlane vm0  }
.LBB2_276:
0x6db: {  	s17 =	smov.u32 s5;
	s5 =	sadd.s32 $0x1, s5  }
0x6dc: {  	p4 =	sne.s32 s28, s5  }
.Ltmp210:
0x6dd: {  	v10 =	vadd.s32 v10, v11;
	(pc) =	sbr.rel @p4 .LBB2_276-.Ltmp210, $4  }
0x6de: {  	_ = 	snop  }
0x6df: {  	vm1 =	vgt.s32 v4, s8;
	s7 =	sadd.s32 $0x10, s7;
	s8 =	smov.u32 s17;
	vm0 =	vge.s32 v9, v8  }
0x6e0: {  	v9 =	vld [tilespmem:s7+$0x0];
	vm0 =	vmand vm1, vm0  }
0x6e1: {  	v11 =	vmpcnt.ones.xlane vm0  }
.LBB2_277:
0x6e2: {  	_ =	sdelay $0x2  }
0x6e3: {  	vm1 =	vgt.s32 v4, s8;
	vm0 =	vge.s32 v9, v8  }
0x6e4: {  	vm0 =	vmand vm1, vm0  }
0x6e5: {  	v9 =	vadd.s32 @p3 v10, v11;
	v10 =	vmpcnt.ones.xlane vm0  }
.Ltmp211:
0x6e6: {  	v9 =	vpsel p3, v9, v6;
	(pc) =	sbr.rel @!p2 .LBB2_278-.Ltmp211, $4  }
0x6e7: {  	v9 =	vadd.s32 v9, v10  }
0x6e8: {  	vm15 =	vlt.s32 v9, v5  }
0x6e9: {  	v7 =	vsel vm15, v7, v8  }
0x6ea: {  	v9 =	vld [tilespmem:s29+$0x0];
	v8 =	vadd.s32 $0x80, v7  }
0x6eb: {  	_ = 	snop  }
0x6ec: {  	p2 =	sne.s32 s28, $0x2  }
.Ltmp212:
0x6ed: {  	_ = 	snop;
	(pc) =	sbr.rel @!p2 .LBB2_280-.Ltmp212, $4  }
0x6ee: {  	_ = 	snop  }
0x6ef: {  	vm1 =	vgt.s32 v4, s1;
	vm0 =	vge.s32 v9, v8  }
0x6f0: {  	s1 =	simm.s32 $0x10210;
	vm0 =	vmand vm1, vm0  }
0x6f1: {  	s5 =	simm.s32 $0x2;
	p0 =	por $0x1, $0x1;
	v10 =	vimm.s32 $0x0;
	v9 =	vld [tilespmem:s1+$0x0];
	v11 =	vmpcnt.ones.xlane vm0  }
.LBB2_281:
0x6f2: {  	s7 =	smov.u32 s5;
	s5 =	sadd.s32 $0x1, s5  }
0x6f3: {  	p2 =	sne.s32 s28, s5  }
.Ltmp213:
0x6f4: {  	v10 =	vadd.s32 v10, v11;
	(pc) =	sbr.rel @p2 .LBB2_281-.Ltmp213, $4  }
0x6f5: {  	_ = 	snop  }
0x6f6: {  	vm1 =	vgt.s32 v4, s0;
	s1 =	sadd.s32 $0x10, s1;
	s0 =	smov.u32 s7;
	vm0 =	vge.s32 v9, v8  }
0x6f7: {  	v9 =	vld [tilespmem:s1+$0x0];
	vm0 =	vmand vm1, vm0  }
0x6f8: {  	v11 =	vmpcnt.ones.xlane vm0  }
0x6f9: {  	s1 =	smov.u32 s0  }
.LBB2_283:
0x6fa: {  	_ =	sdelay $0x1  }
0x6fb: {  	vm1 =	vgt.s32 v4, s1;
	vm0 =	vge.s32 v9, v8  }
0x6fc: {  	vm0 =	vmand vm1, vm0  }
0x6fd: {  	p2 =	sne.s32 s28, $0x1;
	v9 =	vadd.s32 @p0 v10, v11;
	v10 =	vmpcnt.ones.xlane vm0  }
.Ltmp214:
0x6fe: {  	v6 =	vpsel p0, v9, v6;
	(pc) =	sbr.rel @!p2 .LBB2_284-.Ltmp214, $4  }
0x6ff: {  	v6 =	vadd.s32 v6, v10  }
0x700: {  	vm15 =	vlt.s32 v6, v5  }
0x701: {  	s29 =	simm.s32 $0x10200;
	v7 =	vsel vm15, v7, v8  }
0x702: {  	s1 =	simm.s32 $0x0;
	s0 =	simm.s32 $0x1;
	v9 =	vld [tilespmem:s29+$0x0];
	p0 =	por $0x0, $0x0;
	v6 =	vimm.s32 $0x0;
	v8 =	vadd.s32 $0x40, v7  }
0x703: {  	_ = 	snop  }
0x704: {  	p4 =	sne.s32 s28, $0x2  }
.Ltmp215:
0x705: {  	_ = 	snop;
	(pc) =	sbr.rel @!p4 .LBB2_286-.Ltmp215, $4  }
0x706: {  	_ = 	snop  }
0x707: {  	vm1 =	vgt.s32 v4, s1;
	vm0 =	vge.s32 v9, v8  }
0x708: {  	s7 =	simm.s32 $0x10210;
	vm0 =	vmand vm1, vm0  }
0x709: {  	s5 =	simm.s32 $0x2;
	p3 =	por $0x1, $0x1;
	v10 =	vimm.s32 $0x0;
	s8 =	simm.s32 $0x1;
	v9 =	vld [tilespmem:s7+$0x0];
	v11 =	vmpcnt.ones.xlane vm0  }
.LBB2_287:
0x70a: {  	s17 =	smov.u32 s5;
	s5 =	sadd.s32 $0x1, s5  }
0x70b: {  	p4 =	sne.s32 s28, s5  }
.Ltmp216:
0x70c: {  	v10 =	vadd.s32 v10, v11;
	(pc) =	sbr.rel @p4 .LBB2_287-.Ltmp216, $4  }
0x70d: {  	_ = 	snop  }
0x70e: {  	vm1 =	vgt.s32 v4, s8;
	s7 =	sadd.s32 $0x10, s7;
	s8 =	smov.u32 s17;
	vm0 =	vge.s32 v9, v8  }
0x70f: {  	v9 =	vld [tilespmem:s7+$0x0];
	vm0 =	vmand vm1, vm0  }
0x710: {  	v11 =	vmpcnt.ones.xlane vm0  }
.LBB2_288:
0x711: {  	_ =	sdelay $0x2  }
0x712: {  	vm1 =	vgt.s32 v4, s8;
	vm0 =	vge.s32 v9, v8  }
0x713: {  	vm0 =	vmand vm1, vm0  }
0x714: {  	v9 =	vadd.s32 @p3 v10, v11;
	v10 =	vmpcnt.ones.xlane vm0  }
.Ltmp217:
0x715: {  	v9 =	vpsel p3, v9, v6;
	(pc) =	sbr.rel @!p2 .LBB2_289-.Ltmp217, $4  }
0x716: {  	v9 =	vadd.s32 v9, v10  }
0x717: {  	vm15 =	vlt.s32 v9, v5  }
0x718: {  	v7 =	vsel vm15, v7, v8  }
0x719: {  	v9 =	vld [tilespmem:s29+$0x0];
	v8 =	vadd.s32 $0x20, v7  }
0x71a: {  	_ = 	snop  }
0x71b: {  	p2 =	sne.s32 s28, $0x2  }
.Ltmp218:
0x71c: {  	_ = 	snop;
	(pc) =	sbr.rel @!p2 .LBB2_291-.Ltmp218, $4  }
0x71d: {  	_ = 	snop  }
0x71e: {  	vm1 =	vgt.s32 v4, s1;
	vm0 =	vge.s32 v9, v8  }
0x71f: {  	s1 =	simm.s32 $0x10210;
	vm0 =	vmand vm1, vm0  }
0x720: {  	s5 =	simm.s32 $0x2;
	p0 =	por $0x1, $0x1;
	v10 =	vimm.s32 $0x0;
	v9 =	vld [tilespmem:s1+$0x0];
	v11 =	vmpcnt.ones.xlane vm0  }
.LBB2_292:
0x721: {  	s7 =	smov.u32 s5;
	s5 =	sadd.s32 $0x1, s5  }
0x722: {  	p2 =	sne.s32 s28, s5  }
.Ltmp219:
0x723: {  	v10 =	vadd.s32 v10, v11;
	(pc) =	sbr.rel @p2 .LBB2_292-.Ltmp219, $4  }
0x724: {  	_ = 	snop  }
0x725: {  	vm1 =	vgt.s32 v4, s0;
	s1 =	sadd.s32 $0x10, s1;
	s0 =	smov.u32 s7;
	vm0 =	vge.s32 v9, v8  }
0x726: {  	v9 =	vld [tilespmem:s1+$0x0];
	vm0 =	vmand vm1, vm0  }
0x727: {  	v11 =	vmpcnt.ones.xlane vm0  }
0x728: {  	s1 =	smov.u32 s0  }
.LBB2_294:
0x729: {  	_ =	sdelay $0x1  }
0x72a: {  	vm1 =	vgt.s32 v4, s1;
	vm0 =	vge.s32 v9, v8  }
0x72b: {  	vm0 =	vmand vm1, vm0  }
0x72c: {  	p2 =	sne.s32 s28, $0x1;
	v9 =	vadd.s32 @p0 v10, v11;
	v10 =	vmpcnt.ones.xlane vm0  }
.Ltmp220:
0x72d: {  	v6 =	vpsel p0, v9, v6;
	(pc) =	sbr.rel @!p2 .LBB2_295-.Ltmp220, $4  }
0x72e: {  	v6 =	vadd.s32 v6, v10  }
0x72f: {  	vm15 =	vlt.s32 v6, v5  }
0x730: {  	s29 =	simm.s32 $0x10200;
	v7 =	vsel vm15, v7, v8  }
0x731: {  	s1 =	simm.s32 $0x0;
	s0 =	simm.s32 $0x1;
	v9 =	vld [tilespmem:s29+$0x0];
	p0 =	por $0x0, $0x0;
	v6 =	vimm.s32 $0x0;
	v8 =	vadd.s32 $0x10, v7  }
0x732: {  	_ = 	snop  }
0x733: {  	p4 =	sne.s32 s28, $0x2  }
.Ltmp221:
0x734: {  	_ = 	snop;
	(pc) =	sbr.rel @!p4 .LBB2_297-.Ltmp221, $4  }
0x735: {  	_ = 	snop  }
0x736: {  	vm1 =	vgt.s32 v4, s1;
	vm0 =	vge.s32 v9, v8  }
0x737: {  	s7 =	simm.s32 $0x10210;
	vm0 =	vmand vm1, vm0  }
0x738: {  	s5 =	simm.s32 $0x2;
	p3 =	por $0x1, $0x1;
	v10 =	vimm.s32 $0x0;
	s8 =	simm.s32 $0x1;
	v9 =	vld [tilespmem:s7+$0x0];
	v11 =	vmpcnt.ones.xlane vm0  }
.LBB2_298:
0x739: {  	s17 =	smov.u32 s5;
	s5 =	sadd.s32 $0x1, s5  }
0x73a: {  	p4 =	sne.s32 s28, s5  }
.Ltmp222:
0x73b: {  	v10 =	vadd.s32 v10, v11;
	(pc) =	sbr.rel @p4 .LBB2_298-.Ltmp222, $4  }
0x73c: {  	_ = 	snop  }
0x73d: {  	vm1 =	vgt.s32 v4, s8;
	s7 =	sadd.s32 $0x10, s7;
	s8 =	smov.u32 s17;
	vm0 =	vge.s32 v9, v8  }
0x73e: {  	v9 =	vld [tilespmem:s7+$0x0];
	vm0 =	vmand vm1, vm0  }
0x73f: {  	v11 =	vmpcnt.ones.xlane vm0  }
.LBB2_299:
0x740: {  	_ =	sdelay $0x2  }
0x741: {  	vm1 =	vgt.s32 v4, s8;
	vm0 =	vge.s32 v9, v8  }
0x742: {  	vm0 =	vmand vm1, vm0  }
0x743: {  	v9 =	vadd.s32 @p3 v10, v11;
	v10 =	vmpcnt.ones.xlane vm0  }
.Ltmp223:
0x744: {  	v9 =	vpsel p3, v9, v6;
	(pc) =	sbr.rel @!p2 .LBB2_300-.Ltmp223, $4  }
0x745: {  	v9 =	vadd.s32 v9, v10  }
0x746: {  	vm15 =	vlt.s32 v9, v5  }
0x747: {  	v7 =	vsel vm15, v7, v8  }
0x748: {  	v9 =	vld [tilespmem:s29+$0x0];
	v8 =	vadd.s32 $0x8, v7  }
0x749: {  	_ = 	snop  }
0x74a: {  	p2 =	sne.s32 s28, $0x2  }
.Ltmp224:
0x74b: {  	_ = 	snop;
	(pc) =	sbr.rel @!p2 .LBB2_302-.Ltmp224, $4  }
0x74c: {  	_ = 	snop  }
0x74d: {  	vm1 =	vgt.s32 v4, s1;
	vm0 =	vge.s32 v9, v8  }
0x74e: {  	s1 =	simm.s32 $0x10210;
	vm0 =	vmand vm1, vm0  }
0x74f: {  	s5 =	simm.s32 $0x2;
	p0 =	por $0x1, $0x1;
	v10 =	vimm.s32 $0x0;
	v9 =	vld [tilespmem:s1+$0x0];
	v11 =	vmpcnt.ones.xlane vm0  }
.LBB2_303:
0x750: {  	s7 =	smov.u32 s5;
	s5 =	sadd.s32 $0x1, s5  }
0x751: {  	p2 =	sne.s32 s28, s5  }
.Ltmp225:
0x752: {  	v10 =	vadd.s32 v10, v11;
	(pc) =	sbr.rel @p2 .LBB2_303-.Ltmp225, $4  }
0x753: {  	_ = 	snop  }
0x754: {  	vm1 =	vgt.s32 v4, s0;
	s1 =	sadd.s32 $0x10, s1;
	s0 =	smov.u32 s7;
	vm0 =	vge.s32 v9, v8  }
0x755: {  	v9 =	vld [tilespmem:s1+$0x0];
	vm0 =	vmand vm1, vm0  }
0x756: {  	v11 =	vmpcnt.ones.xlane vm0  }
0x757: {  	s1 =	smov.u32 s0  }
.LBB2_305:
0x758: {  	_ =	sdelay $0x1  }
0x759: {  	vm1 =	vgt.s32 v4, s1;
	vm0 =	vge.s32 v9, v8  }
0x75a: {  	vm0 =	vmand vm1, vm0  }
0x75b: {  	p2 =	sne.s32 s28, $0x1;
	v9 =	vadd.s32 @p0 v10, v11;
	v10 =	vmpcnt.ones.xlane vm0  }
.Ltmp226:
0x75c: {  	v6 =	vpsel p0, v9, v6;
	(pc) =	sbr.rel @!p2 .LBB2_306-.Ltmp226, $4  }
0x75d: {  	v6 =	vadd.s32 v6, v10  }
0x75e: {  	vm15 =	vlt.s32 v6, v5  }
0x75f: {  	s29 =	simm.s32 $0x10200;
	v7 =	vsel vm15, v7, v8  }
0x760: {  	s1 =	simm.s32 $0x0;
	s0 =	simm.s32 $0x1;
	v9 =	vld [tilespmem:s29+$0x0];
	p0 =	por $0x0, $0x0;
	v6 =	vimm.s32 $0x0;
	v8 =	vadd.s32 $0x4, v7  }
0x761: {  	_ = 	snop  }
0x762: {  	p4 =	sne.s32 s28, $0x2  }
.Ltmp227:
0x763: {  	_ = 	snop;
	(pc) =	sbr.rel @!p4 .LBB2_308-.Ltmp227, $4  }
0x764: {  	_ = 	snop  }
0x765: {  	vm1 =	vgt.s32 v4, s1;
	vm0 =	vge.s32 v9, v8  }
0x766: {  	s7 =	simm.s32 $0x10210;
	vm0 =	vmand vm1, vm0  }
0x767: {  	s5 =	simm.s32 $0x2;
	p3 =	por $0x1, $0x1;
	v10 =	vimm.s32 $0x0;
	s8 =	simm.s32 $0x1;
	v9 =	vld [tilespmem:s7+$0x0];
	v11 =	vmpcnt.ones.xlane vm0  }
.LBB2_309:
0x768: {  	s17 =	smov.u32 s5;
	s5 =	sadd.s32 $0x1, s5  }
0x769: {  	p4 =	sne.s32 s28, s5  }
.Ltmp228:
0x76a: {  	v10 =	vadd.s32 v10, v11;
	(pc) =	sbr.rel @p4 .LBB2_309-.Ltmp228, $4  }
0x76b: {  	_ = 	snop  }
0x76c: {  	vm1 =	vgt.s32 v4, s8;
	s7 =	sadd.s32 $0x10, s7;
	s8 =	smov.u32 s17;
	vm0 =	vge.s32 v9, v8  }
0x76d: {  	v9 =	vld [tilespmem:s7+$0x0];
	vm0 =	vmand vm1, vm0  }
0x76e: {  	v11 =	vmpcnt.ones.xlane vm0  }
.LBB2_310:
0x76f: {  	_ =	sdelay $0x2  }
0x770: {  	vm1 =	vgt.s32 v4, s8;
	vm0 =	vge.s32 v9, v8  }
0x771: {  	vm0 =	vmand vm1, vm0  }
0x772: {  	v9 =	vadd.s32 @p3 v10, v11;
	v10 =	vmpcnt.ones.xlane vm0  }
.Ltmp229:
0x773: {  	v9 =	vpsel p3, v9, v6;
	(pc) =	sbr.rel @!p2 .LBB2_311-.Ltmp229, $4  }
0x774: {  	v9 =	vadd.s32 v9, v10  }
0x775: {  	vm15 =	vlt.s32 v9, v5  }
0x776: {  	v7 =	vsel vm15, v7, v8  }
0x777: {  	v9 =	vld [tilespmem:s29+$0x0];
	v8 =	vadd.s32 $0x2, v7  }
0x778: {  	_ = 	snop  }
0x779: {  	p2 =	sne.s32 s28, $0x2  }
.Ltmp230:
0x77a: {  	_ = 	snop;
	(pc) =	sbr.rel @!p2 .LBB2_313-.Ltmp230, $4  }
0x77b: {  	_ = 	snop  }
0x77c: {  	vm1 =	vgt.s32 v4, s1;
	vm0 =	vge.s32 v9, v8  }
0x77d: {  	s1 =	simm.s32 $0x10210;
	vm0 =	vmand vm1, vm0  }
0x77e: {  	s5 =	simm.s32 $0x2;
	p0 =	por $0x1, $0x1;
	v10 =	vimm.s32 $0x0;
	v9 =	vld [tilespmem:s1+$0x0];
	v11 =	vmpcnt.ones.xlane vm0  }
.LBB2_314:
0x77f: {  	s7 =	smov.u32 s5;
	s5 =	sadd.s32 $0x1, s5  }
0x780: {  	p2 =	sne.s32 s28, s5  }
.Ltmp231:
0x781: {  	v10 =	vadd.s32 v10, v11;
	(pc) =	sbr.rel @p2 .LBB2_314-.Ltmp231, $4  }
0x782: {  	_ = 	snop  }
0x783: {  	vm1 =	vgt.s32 v4, s0;
	s1 =	sadd.s32 $0x10, s1;
	s0 =	smov.u32 s7;
	vm0 =	vge.s32 v9, v8  }
0x784: {  	v9 =	vld [tilespmem:s1+$0x0];
	vm0 =	vmand vm1, vm0  }
0x785: {  	v11 =	vmpcnt.ones.xlane vm0  }
0x786: {  	s1 =	smov.u32 s0  }
.LBB2_316:
0x787: {  	_ =	sdelay $0x1  }
0x788: {  	vm1 =	vgt.s32 v4, s1;
	vm0 =	vge.s32 v9, v8  }
0x789: {  	vm0 =	vmand vm1, vm0  }
0x78a: {  	p2 =	sne.s32 s28, $0x1;
	v9 =	vadd.s32 @p0 v10, v11;
	v10 =	vmpcnt.ones.xlane vm0  }
.Ltmp232:
0x78b: {  	v6 =	vpsel p0, v9, v6;
	(pc) =	sbr.rel @!p2 .LBB2_317-.Ltmp232, $4  }
0x78c: {  	v6 =	vadd.s32 v6, v10  }
0x78d: {  	vm15 =	vlt.s32 v6, v5  }
0x78e: {  	s5 =	simm.s32 $0x10200;
	v6 =	vsel vm15, v7, v8  }
0x78f: {  	s1 =	simm.s32 $0x0;
	s0 =	simm.s32 $0x1;
	v9 =	vld [tilespmem:s5+$0x0];
	p0 =	por $0x0, $0x0;
	v8 =	vimm.s32 $0x0;
	v7 =	vadd.s32 $0x1, v6  }
0x790: {  	_ = 	snop  }
0x791: {  	p3 =	sne.s32 s28, $0x2  }
.Ltmp233:
0x792: {  	_ = 	snop;
	(pc) =	sbr.rel @!p3 .LBB2_319-.Ltmp233, $4  }
0x793: {  	_ = 	snop  }
0x794: {  	vm1 =	vgt.s32 v4, s1;
	vm0 =	vge.s32 v9, v7  }
0x795: {  	s1 =	simm.s32 $0x10210;
	vm0 =	vmand vm1, vm0  }
0x796: {  	s5 =	simm.s32 $0x2;
	p2 =	por $0x1, $0x1;
	v10 =	vimm.s32 $0x0;
	v9 =	vld [tilespmem:s1+$0x0];
	v11 =	vmpcnt.ones.xlane vm0  }
.LBB2_320:
0x797: {  	s7 =	smov.u32 s5;
	s5 =	sadd.s32 $0x1, s5  }
0x798: {  	p3 =	sne.s32 s28, s5  }
.Ltmp234:
0x799: {  	v10 =	vadd.s32 v10, v11;
	(pc) =	sbr.rel @p3 .LBB2_320-.Ltmp234, $4  }
0x79a: {  	_ = 	snop  }
0x79b: {  	vm1 =	vgt.s32 v4, s0;
	s1 =	sadd.s32 $0x10, s1;
	s0 =	smov.u32 s7;
	vm0 =	vge.s32 v9, v7  }
0x79c: {  	v9 =	vld [tilespmem:s1+$0x0];
	vm0 =	vmand vm1, vm0  }
0x79d: {  	v11 =	vmpcnt.ones.xlane vm0  }
0x79e: {  	s1 =	smov.u32 s0  }
.LBB2_322:
0x79f: {  	_ =	sdelay $0x1  }
0x7a0: {  	vm1 =	vgt.s32 v4, s1;
	vm0 =	vge.s32 v9, v7;
	v9 =	vadd.s32 @p2 v10, v11  }
0x7a1: {  	vm0 =	vmand vm1, vm0;
	v8 =	vpsel p2, v9, v8;
	p2 =	seq.s32 s28, $0x1  }
.Ltmp235:
0x7a2: {  	v63 =	vmpcnt.ones.xlane vm0;
	(pc) =	sbr.rel @p2 .LBB2_323-.Ltmp235, $4  }
0x7a3: {  	_ = 	snop  }
0x7a4: {  	v8 =	vadd.s32 v8, v63  }
0x7a5: {  	s30 =	simm.s32 $0x0;
	vm15 =	vlt.s32 v8, v5  }
0x7a6: {  	s1 =	simm.s32 $0x10200;
	s0 =	simm.s32 $0x11280;
	s5 =	simm.s32 $0x1;
	v5 =	vmov s26;
	v6 =	vsel vm15, v6, v7  }
0x7a7: {  	v10 =	vld [tilespmem:s1+$0x0];
	p3 =	seq.s32 s28, $0x2  }
.Ltmp236:
0x7a8: {  	_ = 	snop;
	(pc) =	sbr.rel @p3 .LBB2_325-.Ltmp236, $2  }
0x7a9: {  	_ =	sdelay $0x2  }
0x7aa: {  	s29 =	simm.s32 $0x2;
	v8 =	vld [tilespmem:s0+$0x0];
	vm1 =	vgt.s32 v4, s30;
	s1 =	simm.s32 $0x10210;
	p2 =	por $0x1, $0x1;
	vm2 =	vge.s32 v10, v6;
	v7 =	vshra.s32 v10, $0x1F  }
0x7ab: {  	_ =	sdelay $0x1  }
0x7ac: {  	v12 =	vld [tilespmem:s1+$0x0];
	p3 =	seq.s32 s28, $0x3  }
.Ltmp237:
0x7ad: {  	vm0 =	vmand vm1, vm2;
	(pc) =	sbr.rel @p3 .LBB2_327-.Ltmp237, $4  }
0x7ae: {  	s26 =	simm.s32 $0x11290;
	v9 =	vadd.s32 v5, v8  }
0x7af: {  	v8 =	vld [tilespmem:s26+$0x0]  }
0x7b0: {  	vm1 =	vgt.s32 v4, s5;
	v11 =	vand.u32 $0x7FFFFFFF, v7  }
0x7b1: {  	s30 =	simm.s32 $0x3;
	s1 =	simm.s32 $0x10220;
	p0 =	por $0x1, $0x1;
	v11 =	vxor.u32 v10, v11;
	vm2 =	vge.s32 v12, v6;
	v7 =	vshra.s32 v12, $0x1F  }
.LBB2_328:
0x7b2: {  	s5 =	smov.u32 s30;
	s30 =	sadd.s32 $0x1, s30  }
0x7b3: {  	v10 =	vld [tilespmem:s1+$0x0];
	[tilespmem:v9+s16+$0x0] =	vst.idx.msk vm0, v11;
	vm0 =	vmand vm1, vm2;
	p3 =	seq.s32 s28, s30  }
.Ltmp238:
0x7b4: {  	s26 =	sadd.s32 $0x10, s26;
	v9 =	vadd.s32 v5, v8;
	(pc) =	sbr.rel @!p3 .LBB2_328-.Ltmp238, $3  }
0x7b5: {  	v8 =	vld [tilespmem:s26+$0x0];
	_ =	sdelay $0x1  }
0x7b6: {  	vm1 =	vgt.s32 v4, s29;
	v11 =	vand.u32 $0x7FFFFFFF, v7;
	s29 =	smov.u32 s5  }
0x7b7: {  	s1 =	sadd.s32 $0x10, s1;
	v11 =	vxor.u32 v12, v11;
	vm2 =	vge.s32 v10, v6;
	v7 =	vshra.s32 v10, $0x1F;
	v12 =	vmovc v10  }
.Ltmp239:
0x7b8: {  	(pc) =	sbr.rel .LBB2_330-.Ltmp239, $2  }
0x7b9: {  	_ =	sdelay $0x2  }
0x7ba: {  	s30 =	smov.u32 s29;
	v10 =	vmov v12  }
.LBB2_174:
.Ltmp240:
0x7bb: {  	(pc) =	sbr.rel .LBB2_178-.Ltmp240, $2  }
0x7bc: {  	_ =	sdelay $0x2  }
0x7bd: {  	v9 =	vimm.s32 $0x0;
	s8 =	simm.s32 $0x0;
	p3 =	por $0x0, $0x0  }
.LBB2_179:
.Ltmp241:
0x7be: {  	(pc) =	sbr.rel .LBB2_184-.Ltmp241, $2  }
0x7bf: {  	_ =	sdelay $0x2  }
0x7c0: {  	v10 =	vimm.s32 $0x0  }
.LBB2_185:
.Ltmp242:
0x7c1: {  	(pc) =	sbr.rel .LBB2_189-.Ltmp242, $2  }
0x7c2: {  	_ =	sdelay $0x2  }
0x7c3: {  	v10 =	vimm.s32 $0x0;
	s8 =	simm.s32 $0x0;
	p3 =	por $0x0, $0x0  }
.LBB2_190:
.Ltmp243:
0x7c4: {  	(pc) =	sbr.rel .LBB2_195-.Ltmp243, $2  }
0x7c5: {  	_ =	sdelay $0x2  }
0x7c6: {  	v10 =	vimm.s32 $0x0  }
.LBB2_196:
.Ltmp244:
0x7c7: {  	(pc) =	sbr.rel .LBB2_200-.Ltmp244, $2  }
0x7c8: {  	_ =	sdelay $0x2  }
0x7c9: {  	v10 =	vimm.s32 $0x0;
	s8 =	simm.s32 $0x0;
	p3 =	por $0x0, $0x0  }
.LBB2_201:
.Ltmp245:
0x7ca: {  	(pc) =	sbr.rel .LBB2_206-.Ltmp245, $2  }
0x7cb: {  	_ =	sdelay $0x2  }
0x7cc: {  	v10 =	vimm.s32 $0x0  }
.LBB2_207:
.Ltmp246:
0x7cd: {  	(pc) =	sbr.rel .LBB2_211-.Ltmp246, $2  }
0x7ce: {  	_ =	sdelay $0x2  }
0x7cf: {  	v10 =	vimm.s32 $0x0;
	s8 =	simm.s32 $0x0;
	p3 =	por $0x0, $0x0  }
.LBB2_212:
.Ltmp247:
0x7d0: {  	(pc) =	sbr.rel .LBB2_217-.Ltmp247, $2  }
0x7d1: {  	_ =	sdelay $0x2  }
0x7d2: {  	v10 =	vimm.s32 $0x0  }
.LBB2_218:
.Ltmp248:
0x7d3: {  	(pc) =	sbr.rel .LBB2_222-.Ltmp248, $2  }
0x7d4: {  	_ =	sdelay $0x2  }
0x7d5: {  	v10 =	vimm.s32 $0x0;
	s8 =	simm.s32 $0x0;
	p3 =	por $0x0, $0x0  }
.LBB2_223:
.Ltmp249:
0x7d6: {  	(pc) =	sbr.rel .LBB2_228-.Ltmp249, $2  }
0x7d7: {  	_ =	sdelay $0x2  }
0x7d8: {  	v10 =	vimm.s32 $0x0  }
.LBB2_229:
.Ltmp250:
0x7d9: {  	(pc) =	sbr.rel .LBB2_233-.Ltmp250, $2  }
0x7da: {  	_ =	sdelay $0x2  }
0x7db: {  	v10 =	vimm.s32 $0x0;
	s8 =	simm.s32 $0x0;
	p3 =	por $0x0, $0x0  }
.LBB2_234:
.Ltmp251:
0x7dc: {  	(pc) =	sbr.rel .LBB2_239-.Ltmp251, $2  }
0x7dd: {  	_ =	sdelay $0x2  }
0x7de: {  	v10 =	vimm.s32 $0x0  }
.LBB2_240:
.Ltmp252:
0x7df: {  	(pc) =	sbr.rel .LBB2_244-.Ltmp252, $2  }
0x7e0: {  	_ =	sdelay $0x2  }
0x7e1: {  	v10 =	vimm.s32 $0x0;
	s8 =	simm.s32 $0x0;
	p3 =	por $0x0, $0x0  }
.LBB2_245:
.Ltmp253:
0x7e2: {  	(pc) =	sbr.rel .LBB2_250-.Ltmp253, $2  }
0x7e3: {  	_ =	sdelay $0x2  }
0x7e4: {  	v10 =	vimm.s32 $0x0  }
.LBB2_251:
.Ltmp254:
0x7e5: {  	(pc) =	sbr.rel .LBB2_255-.Ltmp254, $2  }
0x7e6: {  	_ =	sdelay $0x2  }
0x7e7: {  	v10 =	vimm.s32 $0x0;
	s8 =	simm.s32 $0x0;
	p3 =	por $0x0, $0x0  }
.LBB2_256:
.Ltmp255:
0x7e8: {  	(pc) =	sbr.rel .LBB2_261-.Ltmp255, $2  }
0x7e9: {  	_ =	sdelay $0x2  }
0x7ea: {  	v10 =	vimm.s32 $0x0  }
.LBB2_262:
.Ltmp256:
0x7eb: {  	(pc) =	sbr.rel .LBB2_266-.Ltmp256, $2  }
0x7ec: {  	_ =	sdelay $0x2  }
0x7ed: {  	v10 =	vimm.s32 $0x0;
	s8 =	simm.s32 $0x0;
	p3 =	por $0x0, $0x0  }
.LBB2_267:
.Ltmp257:
0x7ee: {  	(pc) =	sbr.rel .LBB2_272-.Ltmp257, $2  }
0x7ef: {  	_ =	sdelay $0x2  }
0x7f0: {  	v10 =	vimm.s32 $0x0  }
.LBB2_273:
.Ltmp258:
0x7f1: {  	(pc) =	sbr.rel .LBB2_277-.Ltmp258, $2  }
0x7f2: {  	_ =	sdelay $0x2  }
0x7f3: {  	v10 =	vimm.s32 $0x0;
	s8 =	simm.s32 $0x0;
	p3 =	por $0x0, $0x0  }
.LBB2_278:
.Ltmp259:
0x7f4: {  	(pc) =	sbr.rel .LBB2_283-.Ltmp259, $2  }
0x7f5: {  	_ =	sdelay $0x2  }
0x7f6: {  	v10 =	vimm.s32 $0x0  }
.LBB2_284:
.Ltmp260:
0x7f7: {  	(pc) =	sbr.rel .LBB2_288-.Ltmp260, $2  }
0x7f8: {  	_ =	sdelay $0x2  }
0x7f9: {  	v10 =	vimm.s32 $0x0;
	s8 =	simm.s32 $0x0;
	p3 =	por $0x0, $0x0  }
.LBB2_289:
.Ltmp261:
0x7fa: {  	(pc) =	sbr.rel .LBB2_294-.Ltmp261, $2  }
0x7fb: {  	_ =	sdelay $0x2  }
0x7fc: {  	v10 =	vimm.s32 $0x0  }
.LBB2_295:
.Ltmp262:
0x7fd: {  	(pc) =	sbr.rel .LBB2_299-.Ltmp262, $2  }
0x7fe: {  	_ =	sdelay $0x2  }
0x7ff: {  	v10 =	vimm.s32 $0x0;
	s8 =	simm.s32 $0x0;
	p3 =	por $0x0, $0x0  }
.LBB2_300:
.Ltmp263:
0x800: {  	(pc) =	sbr.rel .LBB2_305-.Ltmp263, $2  }
0x801: {  	_ =	sdelay $0x2  }
0x802: {  	v10 =	vimm.s32 $0x0  }
.LBB2_306:
.Ltmp264:
0x803: {  	(pc) =	sbr.rel .LBB2_310-.Ltmp264, $2  }
0x804: {  	_ =	sdelay $0x2  }
0x805: {  	v10 =	vimm.s32 $0x0;
	s8 =	simm.s32 $0x0;
	p3 =	por $0x0, $0x0  }
.LBB2_311:
.Ltmp265:
0x806: {  	(pc) =	sbr.rel .LBB2_316-.Ltmp265, $2  }
0x807: {  	_ =	sdelay $0x2  }
0x808: {  	v10 =	vimm.s32 $0x0  }
.LBB2_317:
.Ltmp266:
0x809: {  	(pc) =	sbr.rel .LBB2_322-.Ltmp266, $2  }
0x80a: {  	_ =	sdelay $0x2  }
0x80b: {  	v10 =	vimm.s32 $0x0;
	p2 =	por $0x0, $0x0  }
.LBB2_176:
.Ltmp267:
0x80c: {  	(pc) =	sbr.rel .LBB2_178-.Ltmp267, $2  }
0x80d: {  	_ =	sdelay $0x2  }
0x80e: {  	v9 =	vimm.s32 $0x0;
	s8 =	simm.s32 $0x1  }
.LBB2_181:
.Ltmp268:
0x80f: {  	(pc) =	sbr.rel .LBB2_184-.Ltmp268, $2  }
0x810: {  	_ =	sdelay $0x2  }
0x811: {  	v10 =	vimm.s32 $0x0;
	s1 =	simm.s32 $0x1  }
.LBB2_187:
.Ltmp269:
0x812: {  	(pc) =	sbr.rel .LBB2_189-.Ltmp269, $2  }
0x813: {  	_ =	sdelay $0x2  }
0x814: {  	v10 =	vimm.s32 $0x0;
	s8 =	simm.s32 $0x1  }
.LBB2_192:
.Ltmp270:
0x815: {  	(pc) =	sbr.rel .LBB2_195-.Ltmp270, $2  }
0x816: {  	_ =	sdelay $0x2  }
0x817: {  	v10 =	vimm.s32 $0x0;
	s1 =	simm.s32 $0x1  }
.LBB2_198:
.Ltmp271:
0x818: {  	(pc) =	sbr.rel .LBB2_200-.Ltmp271, $2  }
0x819: {  	_ =	sdelay $0x2  }
0x81a: {  	v10 =	vimm.s32 $0x0;
	s8 =	simm.s32 $0x1  }
.LBB2_203:
.Ltmp272:
0x81b: {  	(pc) =	sbr.rel .LBB2_206-.Ltmp272, $2  }
0x81c: {  	_ =	sdelay $0x2  }
0x81d: {  	v10 =	vimm.s32 $0x0;
	s1 =	simm.s32 $0x1  }
.LBB2_209:
.Ltmp273:
0x81e: {  	(pc) =	sbr.rel .LBB2_211-.Ltmp273, $2  }
0x81f: {  	_ =	sdelay $0x2  }
0x820: {  	v10 =	vimm.s32 $0x0;
	s8 =	simm.s32 $0x1  }
.LBB2_214:
.Ltmp274:
0x821: {  	(pc) =	sbr.rel .LBB2_217-.Ltmp274, $2  }
0x822: {  	_ =	sdelay $0x2  }
0x823: {  	v10 =	vimm.s32 $0x0;
	s1 =	simm.s32 $0x1  }
.LBB2_220:
.Ltmp275:
0x824: {  	(pc) =	sbr.rel .LBB2_222-.Ltmp275, $2  }
0x825: {  	_ =	sdelay $0x2  }
0x826: {  	v10 =	vimm.s32 $0x0;
	s8 =	simm.s32 $0x1  }
.LBB2_225:
.Ltmp276:
0x827: {  	(pc) =	sbr.rel .LBB2_228-.Ltmp276, $2  }
0x828: {  	_ =	sdelay $0x2  }
0x829: {  	v10 =	vimm.s32 $0x0;
	s1 =	simm.s32 $0x1  }
.LBB2_231:
.Ltmp277:
0x82a: {  	(pc) =	sbr.rel .LBB2_233-.Ltmp277, $2  }
0x82b: {  	_ =	sdelay $0x2  }
0x82c: {  	v10 =	vimm.s32 $0x0;
	s8 =	simm.s32 $0x1  }
.LBB2_236:
.Ltmp278:
0x82d: {  	(pc) =	sbr.rel .LBB2_239-.Ltmp278, $2  }
0x82e: {  	_ =	sdelay $0x2  }
0x82f: {  	v10 =	vimm.s32 $0x0;
	s1 =	simm.s32 $0x1  }
.LBB2_242:
.Ltmp279:
0x830: {  	(pc) =	sbr.rel .LBB2_244-.Ltmp279, $2  }
0x831: {  	_ =	sdelay $0x2  }
0x832: {  	v10 =	vimm.s32 $0x0;
	s8 =	simm.s32 $0x1  }
.LBB2_247:
.Ltmp280:
0x833: {  	(pc) =	sbr.rel .LBB2_250-.Ltmp280, $2  }
0x834: {  	_ =	sdelay $0x2  }
0x835: {  	v10 =	vimm.s32 $0x0;
	s1 =	simm.s32 $0x1  }
.LBB2_253:
.Ltmp281:
0x836: {  	(pc) =	sbr.rel .LBB2_255-.Ltmp281, $2  }
0x837: {  	_ =	sdelay $0x2  }
0x838: {  	v10 =	vimm.s32 $0x0;
	s8 =	simm.s32 $0x1  }
.LBB2_258:
.Ltmp282:
0x839: {  	(pc) =	sbr.rel .LBB2_261-.Ltmp282, $2  }
0x83a: {  	_ =	sdelay $0x2  }
0x83b: {  	v10 =	vimm.s32 $0x0;
	s1 =	simm.s32 $0x1  }
.LBB2_264:
.Ltmp283:
0x83c: {  	(pc) =	sbr.rel .LBB2_266-.Ltmp283, $2  }
0x83d: {  	_ =	sdelay $0x2  }
0x83e: {  	v10 =	vimm.s32 $0x0;
	s8 =	simm.s32 $0x1  }
.LBB2_269:
.Ltmp284:
0x83f: {  	(pc) =	sbr.rel .LBB2_272-.Ltmp284, $2  }
0x840: {  	_ =	sdelay $0x2  }
0x841: {  	v10 =	vimm.s32 $0x0;
	s1 =	simm.s32 $0x1  }
.LBB2_275:
.Ltmp285:
0x842: {  	(pc) =	sbr.rel .LBB2_277-.Ltmp285, $2  }
0x843: {  	_ =	sdelay $0x2  }
0x844: {  	v10 =	vimm.s32 $0x0;
	s8 =	simm.s32 $0x1  }
.LBB2_280:
.Ltmp286:
0x845: {  	(pc) =	sbr.rel .LBB2_283-.Ltmp286, $2  }
0x846: {  	_ =	sdelay $0x2  }
0x847: {  	v10 =	vimm.s32 $0x0;
	s1 =	simm.s32 $0x1  }
.LBB2_286:
.Ltmp287:
0x848: {  	(pc) =	sbr.rel .LBB2_288-.Ltmp287, $2  }
0x849: {  	_ =	sdelay $0x2  }
0x84a: {  	v10 =	vimm.s32 $0x0;
	s8 =	simm.s32 $0x1  }
.LBB2_291:
.Ltmp288:
0x84b: {  	(pc) =	sbr.rel .LBB2_294-.Ltmp288, $2  }
0x84c: {  	_ =	sdelay $0x2  }
0x84d: {  	v10 =	vimm.s32 $0x0;
	s1 =	simm.s32 $0x1  }
.LBB2_297:
.Ltmp289:
0x84e: {  	(pc) =	sbr.rel .LBB2_299-.Ltmp289, $2  }
0x84f: {  	_ =	sdelay $0x2  }
0x850: {  	v10 =	vimm.s32 $0x0;
	s8 =	simm.s32 $0x1  }
.LBB2_302:
.Ltmp290:
0x851: {  	(pc) =	sbr.rel .LBB2_305-.Ltmp290, $2  }
0x852: {  	_ =	sdelay $0x2  }
0x853: {  	v10 =	vimm.s32 $0x0;
	s1 =	simm.s32 $0x1  }
.LBB2_308:
.Ltmp291:
0x854: {  	(pc) =	sbr.rel .LBB2_310-.Ltmp291, $2  }
0x855: {  	_ =	sdelay $0x2  }
0x856: {  	v10 =	vimm.s32 $0x0;
	s8 =	simm.s32 $0x1  }
.LBB2_313:
.Ltmp292:
0x857: {  	(pc) =	sbr.rel .LBB2_316-.Ltmp292, $2  }
0x858: {  	_ =	sdelay $0x2  }
0x859: {  	v10 =	vimm.s32 $0x0;
	s1 =	simm.s32 $0x1  }
.LBB2_319:
.Ltmp293:
0x85a: {  	(pc) =	sbr.rel .LBB2_322-.Ltmp293, $2  }
0x85b: {  	_ =	sdelay $0x2  }
0x85c: {  	v10 =	vimm.s32 $0x0;
	s1 =	simm.s32 $0x1  }
.LBB2_325:
.Ltmp294:
0x85d: {  	(pc) =	sbr.rel .LBB2_330-.Ltmp294, $2  }
0x85e: {  	_ =	sdelay $0x2  }
0x85f: {  	s26 =	simm.s32 $0x11280;
	s30 =	simm.s32 $0x1  }
.LBB2_327:
.Ltmp295:
0x860: {  	(pc) =	sbr.rel .LBB2_330-.Ltmp295, $2  }
0x861: {  	_ =	sdelay $0x2  }
0x862: {  	s30 =	simm.s32 $0x2;
	v10 =	vmov v12  }
.LBB2_332:
.Ltmp296:
0x863: {  	(pc) =	sbr.rel @p1 .LBB2_334-.Ltmp296, $4  }
0x864: {  	_ = 	snop  }
0x865: {  	s0 =	sshrl.u32 s21, $0x3  }
0x866: {  	s1 =	sadd.s32 s6, s0  }
0x867: {  	[hbm4b:s1+s2] =	stream.linear.scatter [tilespmem:s16], [sflag:$0x4], $0x4000, $0x38;
	[tilespmem:$0x12300] =	vst v63  }
.Ltmp297:
0x868: {  	(pc) =	sbr.rel .LBB2_2-.Ltmp297, $4  }
0x869: {  	_ = 	snop  }
0x86a: {  	s0 =	sadd.s32 s4, s0  }
0x86b: {  	s20 =	sadd.s32 $0x1, s20;
	s0 =	sadd.s32 $0x1000, s0  }
0x86c: {  	[tilespmem:s9], [sflag:$0x2] =	stream.linear.gather [hbm4b:s0+s2], $0x4000, $0x38;
	[tilespmem:$0x12300] =	vst v63  }
.LBB2_335:
0x86d: {  	_ =	sfence.sel $0x180000  }
0x86e: {  	[bflag:$0x0] =	sbarrier.arrive $0xFFFF  }
0x86f: {  	_ =	strace $0x9000004A  }
0x870: {  	s0 =	stileid.u32;
	[bflag:$0x2] =	sbarrier.arrive $0xFFFF  }
0x871: {  	p0 =	sne.s32 s0, $0x0;
	s0 =	rddreg [dreg:$0x1]  }
0x872: {  	s0 =	sadd.s32 @!p0 $0x100000, s0  }
0x873: {  	[sflag:s0] =	ssyncadd.tile.s32 @!p0 $0x1;
	_ =	shalt  }
.Lfunc_end2:
_tile_overlayer_lowered:
.L_overlay_start_2:
0x874: {  	(tag) =	ssettag $0x2  }
0x875: {  	s0 =	rddreg [dreg:$0x0];
	s2 =	stileid.u32  }
0x876: {  	s1 =	rddreg [dreg:$0x1];
	p0 =	sne.s32 s2, $0x0  }
0x877: {  	s3 =	rddreg [dreg:$0x2];
	[bflag:$0x3] =	sbarrier.arrive $0xFFFF;
	s2 =	simm.s32 @!p0 $0x1C05  }
0x878: {  	[timem:s3], [sflag:s2] =	dma.local @!p0 [hbm:s0], s1  }
0x879: {  	s0 =	simm.s32 @!p0 $0x5  }
0x87a: {  	_ =	swait.ge @!p0 [sflag:s0], s1  }
0x87b: {  	s1 =	ssub.s32 @!p0 $0x0, s1;
	[sflag:s0] =	ssyncset.done @!p0 $0x0  }
0x87c: {  	[sflag:s0] =	ssyncadd.s32 @!p0 s1  }
0x87d: {  	[bflag:$0x3] =	sbarrier.arrive $0xFFFF  }
0x87e: {  	_ =	shalt  }

// kernel: sparse-core-data-format-call.cloned.1.call-start
scs
called_computation_lowered:
.L_overlay_start_0:
0x0: {  	s2 =	sld [smem:$0x3FD9]  }
0x1: {  	s3 =	sld [smem:$0x3FFE];
	_ =	sdelay $0x1  }
0x2: {  	s1 =	srdreg.scid  }
0x3: {  	s0 =	sand.u32 $0x1, s1  }
0x4: {  	s18 =	sshll.u32 s0, $0xA;
	s2 =	sadd.s32 s3, s2  }
0x5: {  	s2 =	sadd.s32 s2, s18  }
0x6: {  	[smem:$0x3FC7] =	sst s2  }
0x7: {  	_ = 	snop  }
0x8: {  	s2 =	sld [smem:$0x3FD0];
	(tm) =	ssettm $0x1  }
0x9: {  	s19 =	sld [smem:$0x3FFB];
	_ =	sdelay $0x3  }
0xa: {  	_ =	strace s19  }
0xb: {  	s3 =	sld [smem:$0x3FFC];
	_ =	sdelay $0x3  }
0xc: {  	_ =	strace s3  }
0xd: {  	s3 =	sld [smem:$0x3FFD];
	_ =	sdelay $0x3  }
0xe: {  	_ =	strace s3  }
0xf: {  	_ =	strace $0x8FFFFFFF  }
0x10: {  	s20 =	sld [smem:$0x3FDB];
	_ =	sdelay $0x1  }
0x11: {  	s4 =	simm.s32 $_scs_section_size  }
0x12: {  	s5 =	simm.s32 $_size__tile_overlayer_lowered;
	s6 =	simm.s32 $_tile_overlayer_lowered  }
0x13: {  	s23 =	simm.s32 $0x1BFF;
	s22 =	sshll.u32 s6, $0x1;
	s3 =	sadd.s32 s4, s20  }
0x14: {  	s7 =	simm.s32 $0x0;
	s21 =	sshll.u32 s5, $0x1;
	s5 =	sadd.s32 s22, s3  }
0x15: {  	[timem:s7], [sflag:s23] =	dma.local [hbm:s5], s21  }
0x16: {  	_ =	swait.ge [sflag:s23], s21  }
0x17: {  	s4 =	ssub.s32 $0x0, s21;
	[sflag:s23] =	ssyncset.done $0x0  }
0x18: {  	[sflag:s23] =	ssyncadd.s32 s4;
	_ =	sdelay $0x1  }
0x19: {  	s24 =	simm.s32 $0x1B8B  }
0x1a: {  	_ =	swait.ge [sflag:s24], $0x1  }
0x1b: {  	[sflag:s24] =	ssyncset.done $0x0  }
0x1c: {  	s26 =	simm.s32 $0x1B8E;
	s25 =	sld [smem:$0x3FFE];
	[sflag:s24] =	ssyncadd.s32 $0xFFFFFFFF  }
0x1d: {  	s27 =	simm.s32 $execute0_lowered;
	[smem:$0x3FD2] =	sst s26  }
0x1e: {  	s5 =	sshll.u32 s27, $0x1;
	_ =	strace $0x80000046;
	[dreg:$0x1] =	wrdreg $0xFFFFFFFF  }
0x1f: {  	s28 =	simm.s32 $_size_execute0_lowered;
	s3 =	sadd.s32 s3, s5;
	[dreg:$0x0] =	wrdreg $0x0  }
0x20: {  	s5 =	sshll.u32 s28, $0x1;
	[dreg:$0x2] =	wrdreg s3  }
0x21: {  	[dreg:$0x3] =	wrdreg s5  }
0x22: {  	[dreg:$0x4] =	wrdreg $0xC0  }
0x23: {  	_ =	task [dreg:s7], $0x5FFFF  }
0x24: {  	[dreg:$0x1] =	wrdreg $0xFFFFFFFF  }
0x25: {  	[dreg:$0x0] =	wrdreg $0x60  }
0x26: {  	[dreg:$0x2] =	wrdreg s2  }
0x27: {  	[dreg:$0x3] =	wrdreg s25  }
0x28: {  	[dreg:$0x4] =	wrdreg $0x9  }
0x29: {  	_ =	task.clear_ibuf [dreg:s7], $0x5FFFF;
	_ =	strace $0x90000046  }
0x2a: {  	s29 =	simm.s32 $0x9;
	_ =	strace $0x80000048  }
0x2b: {  	_ =	swait.ge [sflag:s29], $0x1  }
0x2c: {  	[sflag:s29] =	ssyncadd.s32 $0xFFFFFFFF  }
0x2d: {  	_ =	strace $0x90000048  }
0x2e: {  	_ =	sfence  }
0x2f: {  	s30 =	sld [smem:$0x0];
	_ =	sdelay $0x2  }
0x30: {  	s31 =	sshll.u32 s1, $0xD;
	s1 =	sshrl.u32 s1, $0x2  }
0x31: {  	s3 =	sand.u32 $0x4000, s31;
	s1 =	sadd.s32 s1, s30  }
0x32: {  	s0 =	sor.u32 s3, s0;
	s1 =	sshll.u32 s1, $0x11  }
0x33: {  	s0 =	sor.u32 s1, s0  }
0x34: {  	s0 =	sadd.s32 $0x8F2B, s0  }
0x35: {  	[sflag:s0] =	ssyncadd.remote.s32 $0x1  }
0x36: {  	_ =	sfence.sel $0xFFFF  }
0x37: {  	[dreg:$0x0] =	wrdreg $0xFFFFFFFF;
	(pc) =	sbr.abs _section_cstart, $3  }
0x38: {  	[dreg:$0x1] =	wrdreg $0xFFFFFFFF  }
0x39: {  	_ =	task.clear_ibuf [dreg:s7], $0x2FFFF;
	_ =	strace $0x9FFFFFFF  }
0x3a: {  	(tm) =	ssettm $0x7FFFFFFF  }
0x3b: {  	_ =	shalt  }
tec
execute0_lowered:
.L_overlay_start_1:
0x0: {  	(tag) =	ssettag $0x1  }
0x1: {  	s2 =	rddreg [dreg:$0x0]  }
0x2: {  	s1 =	rddreg [dreg:$0x1]  }
0x3: {  	s0 =	rddreg [dreg:$0x2];
	_ =	strace $0x80000047;
	s4 =	srdreg.scid  }
0x4: {  	s6 =	simm.s32 $0x2;
	s11 =	simm.s32 $0x0;
	p0 =	por $0x0, $0x0  }
.Ltmp0:
0x5: {  	s7 =	simm.s32 $0x1000;
	s12 =	simm.s32 $0x0;
	(pc) =	sbr.rel .LBB1_1-.Ltmp0, $4  }
0x6: {  	s9 =	simm.s32 $0x0;
	s3 =	sadd.s32 $0x800, s1;
	s5 =	sshll.u32 s4, $0x4  }
0x7: {  	s1 =	stileid.u32;
	s4 =	simm.s32 $0x1;
	s5 =	sand.u32 $0x10, s5  }
0x8: {  	s8 =	simm.s32 $0x0;
	[sflag:s4] =	ssyncpa.u1 $0x0;
	s5 =	sor.u32 s1, s5  }
0x9: {  	[sflag:s6] =	ssyncpa.u1 $0x0;
	s6 =	simm.s32 $0x800;
	s10 =	smov.u32 s5  }
.LBB1_7:
0xa: {  	s13 =	sadd.s32 $0x10, s9  }
0xb: {  	s11 =	sadd.s32 $0x20, s10;
	s15 =	smov.u32 s10;
	p2 =	sgt.s32 s13, $0x1F  }
0xc: {  	p1 =	slt.u32 s8, $0x2;
	s15 =	smov.u32 @p2 s11  }
0xd: {  	s8 =	sadd.s32 $0x1, s8;
	s13 =	simm.s32 @p2 $0x0;
	p2 =	sgt.s32 s15, $0x13F  }
0xe: {  	s15 =	smov.u32 @p2 s5;
	p2 =	sne.s32 s8, $0x16  }
.Ltmp1:
0xf: {  	_ = 	snop;
	(pc) =	sbr.rel @!p2 .LBB1_8-.Ltmp1, $4  }
0x10: {  	s14 =	simm.s32 @!p1 $0x2  }
0x11: {  	s12 =	smov.u32 s10;
	_ =	swait.ge @!p1 [sflag:s14], $0x4000  }
0x12: {  	p0 =	por !p0, !p0;
	s11 =	smov.u32 s9;
	[sflag:s14] =	ssyncset.done @!p1 $0x0  }
0x13: {  	s9 =	smov.u32 s13;
	[sflag:s14] =	ssyncadd.s32 @!p1 $0xFFFFC000;
	s10 =	smov.u32 s15  }
.LBB1_1:
0x14: {  	p1 =	sgt.u32 s8, $0x13  }
0x15: {  	s13 =	sxor.u32 @!p1 $0xFFFFFFFF, s8;
	s14 =	sshll.u32 @!p1 s10, $0xC  }
0x16: {  	s15 =	sshll.u32 @!p1 s9, $0x7;
	s13 =	sshll.u32 @!p1 s13, $0xE;
	s14 =	sadd.s32 @!p1 s2, s14  }
0x17: {  	s13 =	sand.u32 @!p1 $0x4000, s13;
	s14 =	sadd.s32 @!p1 s15, s14;
	s15 =	simm.s32 @!p1 $0x0  }
0x18: {  	[tilespmem:s13], [sflag:$0x1] =	stream.linear.gather @!p1 [hbm4b:s14+s15], $0x4000, $0x38;
	[tilespmem:$0x10000] =	vst v63  }
0x19: {  	p1 =	seq.s32 s8, $0x0  }
0x1a: {  	p2 =	seq.s32 @!p1 s8, $0x15  }
0x1b: {  	p1 =	por p1, p2  }
.Ltmp2:
0x1c: {  	_ = 	snop;
	(pc) =	sbr.rel @p1 .LBB1_7-.Ltmp2, $1  }
0x1d: {  	_ =	sdelay $0x3  }
0x1e: {  	s13 =	simm.s32 $0x1;
	_ =	swait.ge [sflag:s4], $0x4000;
	s16 =	sshll.u32 s8, $0xE  }
0x1f: {  	s13 =	simm.s32 @!p0 $0x0;
	[sflag:s4] =	ssyncset.done $0x0;
	s31 =	sand.u32 $0x4000, s16  }
0x20: {  	s16 =	simm.s32 $0x0;
	s14 =	sshll.u32 s13, $0xE;
	[sflag:s4] =	ssyncadd.s32 $0xFFFFC000  }
0x21: {  	s13 =	sor.u32 $0x8040, s14;
	s15 =	sor.u32 $0x40, s14;
	s14 =	sor.u32 $0x8000, s31  }
.LBB1_3:
0x22: {  	v0 =	vmov s15;
	_ =	sdelay $0x3  }
0x23: {  	s18 =	simm.s32 $0x0  }
0x24: {  	v6 =	vld.idx.msk [tilespmem:v0+s18+$0x30 ss:$0x1], $0xffff  }
0x25: {  	v7 =	vld.idx.msk [tilespmem:v0+s18+$0xFFFFFFC0 ss:$0x1], $0xffff  }
0x26: {  	v5 =	vld.idx.msk [tilespmem:v0+s18+$0xFFFFFFD0 ss:$0x1], $0xffff  }
0x27: {  	v4 =	vld.idx.msk [tilespmem:v0+s18+$0xFFFFFFE0 ss:$0x1], $0xffff  }
0x28: {  	v3 =	vld.idx.msk [tilespmem:v0+s18+$0xFFFFFFF0 ss:$0x1], $0xffff  }
0x29: {  	v1 =	vld.idx.msk [tilespmem:v0+s18+$0x0 ss:$0x1], $0xffff  }
0x2a: {  	v2 =	vld.idx.msk [tilespmem:v0+s18+$0x10 ss:$0x1], $0xffff;
	[tilespmem:s13+$0x30] =	vst v6  }
0x2b: {  	s17 =	simm.s32 $0x80;
	s19 =	simm.s32 $0x400;
	[tilespmem:s13+$0xFFFFFFC0] =	vst v7;
	v6 =	vld.idx.msk [tilespmem:v0+s18+$0x20 ss:$0x1], $0xffff;
	s18 =	smov.u32 s13  }
.LBB1_4:
0x2c: {  	p1 =	sne.s32 s19, $0xE00;
	v7 =	vld.idx.msk [tilespmem:v0+s17+$0x30 ss:$0x1], $0xffff;
	[tilespmem:s18+$0xFFFFFFD0] =	vst v5  }
0x2d: {  	v8 =	vld.idx.msk [tilespmem:v0+s17+$0xFFFFFFC0 ss:$0x1], $0xffff;
	[tilespmem:s18+$0xFFFFFFE0] =	vst v4  }
0x2e: {  	v5 =	vld.idx.msk [tilespmem:v0+s17+$0xFFFFFFD0 ss:$0x1], $0xffff;
	[tilespmem:s18+$0xFFFFFFF0] =	vst v3  }
.Ltmp3:
0x2f: {  	v4 =	vld.idx.msk [tilespmem:v0+s17+$0xFFFFFFE0 ss:$0x1], $0xffff;
	[tilespmem:s18+$0x0] =	vst v1;
	(pc) =	sbr.rel @p1 .LBB1_4-.Ltmp3, $4  }
0x30: {  	v3 =	vld.idx.msk [tilespmem:v0+s17+$0xFFFFFFF0 ss:$0x1], $0xffff;
	[tilespmem:s18+$0x10] =	vst v2  }
0x31: {  	v1 =	vld.idx.msk [tilespmem:v0+s17+$0x0 ss:$0x1], $0xffff;
	[tilespmem:s18+$0x20] =	vst v6;
	s18 =	sadd.s32 $0x800, s18  }
0x32: {  	v2 =	vld.idx.msk [tilespmem:v0+s17+$0x10 ss:$0x1], $0xffff;
	[tilespmem:s18+$0x30] =	vst v7  }
0x33: {  	[tilespmem:s18+$0xFFFFFFC0] =	vst v8;
	v6 =	vld.idx.msk [tilespmem:v0+s17+$0x20 ss:$0x1], $0xffff;
	s17 =	sshra.s32 s19, $0x2;
	s19 =	sadd.s32 $0x200, s19  }
0x34: {  	_ =	sdelay $0x2  }
0x35: {  	[tilespmem:s18+$0xFFFFFFD0] =	vst v5  }
0x36: {  	v56 =	vld.idx.msk [tilespmem:v0+s17+$0x30 ss:$0x1], $0xffff;
	[tilespmem:s18+$0xFFFFFFE0] =	vst v4  }
0x37: {  	v57 =	vld.idx.msk [tilespmem:v0+s17+$0xFFFFFFC0 ss:$0x1], $0xffff;
	[tilespmem:s18+$0xFFFFFFF0] =	vst v3  }
0x38: {  	v58 =	vld.idx.msk [tilespmem:v0+s17+$0xFFFFFFD0 ss:$0x1], $0xffff;
	[tilespmem:s18+$0x0] =	vst v1  }
0x39: {  	v59 =	vld.idx.msk [tilespmem:v0+s17+$0xFFFFFFE0 ss:$0x1], $0xffff;
	[tilespmem:s18+$0x10] =	vst v2  }
0x3a: {  	v60 =	vld.idx.msk [tilespmem:v0+s17+$0xFFFFFFF0 ss:$0x1], $0xffff;
	s31 =	sadd.s32 $0x800, s18;
	[tilespmem:s18+$0x20] =	vst v6  }
0x3b: {  	v61 =	vld.idx.msk [tilespmem:v0+s17+$0x0 ss:$0x1], $0xffff;
	[tilespmem:s31+$0x30] =	vst v56  }
0x3c: {  	v62 =	vld.idx.msk [tilespmem:v0+s17+$0x10 ss:$0x1], $0xffff;
	s16 =	sadd.s32 $0x1, s16;
	[tilespmem:s31+$0xFFFFFFC0] =	vst v57  }
0x3d: {  	v63 =	vld.idx.msk [tilespmem:v0+s17+$0x20 ss:$0x1], $0xffff;
	p1 =	sne.s32 s16, $0x10;
	[tilespmem:s31+$0xFFFFFFD0] =	vst v58  }
.Ltmp4:
0x3e: {  	[tilespmem:s31+$0xFFFFFFE0] =	vst v59;
	(pc) =	sbr.rel @p1 .LBB1_3-.Ltmp4, $4  }
0x3f: {  	[tilespmem:s31+$0xFFFFFFF0] =	vst v60  }
0x40: {  	[tilespmem:s31+$0x0] =	vst v61  }
0x41: {  	[tilespmem:s31+$0x10] =	vst v62  }
0x42: {  	s13 =	sadd.s32 $0x80, s13;
	s15 =	sadd.s32 $0x400, s15;
	[tilespmem:s31+$0x20] =	vst v63  }
.Ltmp5:
0x43: {  	(pc) =	sbr.rel .LBB1_7-.Ltmp5, $4  }
0x44: {  	s12 =	sshll.u32 s12, $0xC;
	s11 =	sshll.u32 s11, $0x4  }
0x45: {  	s11 =	sand.u32 $0x1F0, s11;
	s12 =	sadd.s32 s3, s12  }
0x46: {  	s11 =	sadd.s32 s11, s12  }
0x47: {  	[hbm4b:s11+s6] =	stream.strided.scatter [tilespmem:s14], [sflag:$0x2], $0x4000, s7, s6, $0x38;
	[tilespmem:$0x10000] =	vst v63  }
.LBB1_8:
0x48: {  	_ =	sfence.sel $0x180000  }
0x49: {  	s2 =	simm.s32 $0x1;
	[bflag:$0x0] =	sbarrier.arrive $0xFFFF  }
0x4a: {  	s31 =	simm.s32 $0x2;
	[sflag:s2] =	ssyncpa.u1 $0x1  }
0x4b: {  	[sflag:s31] =	ssyncpa.u1 $0x1  }
0x4c: {  	p0 =	sne.s32 s1, $0x0;
	_ =	strace $0x90000047  }
0x4d: {  	s0 =	sadd.s32 @!p0 $0x100000, s0;
	[bflag:$0x2] =	sbarrier.arrive $0xFFFF  }
0x4e: {  	[sflag:s0] =	ssyncadd.tile.s32 @!p0 $0x1;
	_ =	shalt  }
.Lfunc_end1:
_tile_overlayer_lowered:
.L_overlay_start_2:
0x4f: {  	(tag) =	ssettag $0x2  }
0x50: {  	s0 =	rddreg [dreg:$0x0];
	s2 =	stileid.u32  }
0x51: {  	s1 =	rddreg [dreg:$0x1];
	p0 =	sne.s32 s2, $0x0  }
0x52: {  	s3 =	rddreg [dreg:$0x2];
	[bflag:$0x3] =	sbarrier.arrive $0xFFFF;
	s2 =	simm.s32 @!p0 $0x1C01  }
0x53: {  	[timem:s3], [sflag:s2] =	dma.local @!p0 [hbm:s0], s1  }
0x54: {  	s0 =	simm.s32 @!p0 $0x1  }
0x55: {  	_ =	swait.ge @!p0 [sflag:s0], s1  }
0x56: {  	s1 =	ssub.s32 @!p0 $0x0, s1;
	[sflag:s0] =	ssyncset.done @!p0 $0x0  }
0x57: {  	[sflag:s0] =	ssyncadd.s32 @!p0 s1  }
0x58: {  	[bflag:$0x3] =	sbarrier.arrive $0xFFFF  }
0x59: {  	_ =	shalt  }

</sc_bundles>
